<compile_context>
chip_gen: v7x
topology: tpu7x:2x2x1
jax: 0.10.2.dev20260603
libtpu: 0.0.44.dev20260713+nightly
codegen_flags: <defaults>
</compile_context>

<pallas_src>
import functools

import jax
import jax.numpy as jnp
from jax import lax
from jax.experimental import pallas as pl
from jax.experimental.pallas import tpu as pltpu
from jax.experimental.pallas import tpu_sc as plsc

N = 10000
E = 320000
D_IN = 128
D_HID = 256
D_OUT = 128
EPS = 1e-5

DH = 64
NPAD = 10240
EPAD = 327680
CH = 512
NPW = NPAD // 16
EPW_A = EPAD // 16
EPW_D = EPAD // 32

_mesh = plsc.VectorSubcoreMesh(core_axis_name="c", subcore_axis_name="s")


NCHD = EPW_D // CH


@functools.partial(
    pl.kernel,
    out_type=jax.ShapeDtypeStruct((2, NPAD), jnp.float32),
    mesh=_mesh,
    scratch_types=[
        pltpu.VMEM((2, 4, 128), jnp.int32),
        pltpu.VMEM((128,), jnp.float32),
        pltpu.VMEM((NPW,), jnp.float32),
        pltpu.VMEM_SHARED((NPAD,), jnp.float32),
        pltpu.SemaphoreType.DMA,
        pltpu.SemaphoreType.DMA,
    ],
)
def _deg_sc(dst2d, out, dring, ones_v, zer_v, acc, ssem, isem):
    cid = lax.axis_index("c")
    sid = lax.axis_index("s")
    wid = cid * 16 + sid
    for i in range(8):
        ones_v[pl.ds(i * 16, 16)] = jnp.ones((16,), jnp.float32)

    def zero_body(i, c):
        zer_v[pl.ds(i * 16, 16)] = jnp.zeros((16,), jnp.float32)
        return c

    lax.fori_loop(0, NPW // 16, zero_body, 0)
    pltpu.sync_copy(zer_v, acc.at[pl.ds(sid * NPW, NPW)])
    plsc.subcore_barrier()

    base = wid * (EPW_D // 128)

    def fire_i(ci):
        pltpu.async_copy(dst2d.at[pl.ds(base + ci * 4, 4)],
                         dring.at[ci % 2], isem)

    def drain_i(ci):
        pltpu.make_async_copy(dst2d.at[pl.ds(base, 4)], dring.at[ci % 2],
                              isem).wait()

    def fire_s(ci):
        for j in range(4):
            pltpu.async_copy(ones_v, acc.at[dring.at[ci % 2, j]], ssem,
                             add=True)

    def drain_s(ci):
        for j in range(4):
            pltpu.make_async_copy(ones_v, acc.at[dring.at[0, 0]],
                                  ssem).wait()

    fire_i(0)
    fire_i(1)
    drain_i(0)
    fire_s(0)

    def body(ci, c):
        drain_s(ci - 1)
        fire_i(ci + 1)
        drain_i(ci)
        fire_s(ci)
        return c

    lax.fori_loop(1, NCHD - 1, body, 0)
    drain_s(NCHD - 2)
    drain_i(NCHD - 1)
    fire_s(NCHD - 1)
    drain_s(NCHD - 1)
    plsc.subcore_barrier()

    sl = pl.ds(sid * NPW, NPW)
    pltpu.sync_copy(acc.at[sl], out.at[cid, sl])


NB = EPW_A // 128
GS = 2
NGG = NB // GS
IRD = 4


@functools.partial(
    pl.kernel,
    out_type=jax.ShapeDtypeStruct((2, NPAD, DH), jnp.float32),
    mesh=_mesh,
    scratch_types=[
        pltpu.VMEM((IRD, GS, 128), jnp.int32),
        pltpu.VMEM((IRD, GS, 128), jnp.int32),
        pltpu.VMEM((2 * GS, 128, DH), jnp.float32),
        pltpu.VMEM_SHARED((NPAD, DH), jnp.float32),
        pltpu.VMEM_SHARED((NPAD, DH), jnp.float32),
        pltpu.SemaphoreType.DMA,
        pltpu.SemaphoreType.DMA,
        pltpu.SemaphoreType.DMA,
    ],
    compiler_params=pltpu.CompilerParams(use_tc_tiling_on_sc=False),
)
def _agg_sc(feat, src2d, dst2d, out, sring, dring, rows, acc, feat_s,
            gsem, ssem, isem):
    cid = lax.axis_index("c")
    sid = lax.axis_index("s")

    def zero_body(i, c):
        for j in range(DH // 16):
            rows[0, i, pl.ds(j * 16, 16)] = jnp.zeros((16,), jnp.float32)
        return c

    lax.fori_loop(0, 128, zero_body, 0)
    for t in range(NPW // 128):
        pltpu.sync_copy(rows.at[0], acc.at[pl.ds(sid * NPW + t * 128, 128)])
    pltpu.sync_copy(feat.at[pl.ds(cid * NPAD + sid * NPW, NPW)],
                    feat_s.at[pl.ds(sid * NPW, NPW)])
    plsc.subcore_barrier()

    base = sid * NB

    def fire_i(g):
        r = g % IRD
        pltpu.async_copy(src2d.at[pl.ds(base + g * GS, GS)], sring.at[r],
                         isem)
        pltpu.async_copy(dst2d.at[pl.ds(base + g * GS, GS)], dring.at[r],
                         isem)

    def drain_i(g):
        r = g % IRD
        pltpu.make_async_copy(src2d.at[pl.ds(base, GS)], sring.at[r],
                              isem).wait()
        pltpu.make_async_copy(dst2d.at[pl.ds(base, GS)], dring.at[r],
                              isem).wait()

    def fire_g(g):
        r = g % IRD
        sb = (g % 2) * GS
        for j in range(GS):
            pltpu.async_copy(feat_s.at[sring.at[r, j]], rows.at[sb + j],
                             gsem)

    def fire_s(g):
        r = g % IRD
        sb = (g % 2) * GS
        for j in range(GS):
            pltpu.async_copy(rows.at[sb + j], acc.at[dring.at[r, j]],
                             ssem, add=True)

    def drain_g(g):
        sb = (g % 2) * GS
        for j in range(GS):
            pltpu.make_async_copy(feat_s.at[sring.at[0, 0]], rows.at[sb + j],
                                  gsem).wait()

    def drain_s(g):
        sb = (g % 2) * GS
        for j in range(GS):
            pltpu.make_async_copy(rows.at[sb + j], acc.at[dring.at[0, 0]],
                                  ssem).wait()

    fire_i(0)
    fire_i(1)
    fire_i(2)
    drain_i(0)
    fire_g(0)
    drain_i(1)
    drain_g(0)
    fire_g(1)
    fire_s(0)
    fire_i(3)
    drain_i(2)

    def body(g, c):
        drain_g(g)
        drain_s(g - 1)
        drain_i(g + 2)
        fire_g(g + 1)
        fire_s(g)
        fire_i(g + 3)
        return c

    lax.fori_loop(1, NGG - 3, body, 0)

    g = NGG - 3
    drain_g(g)
    drain_s(g - 1)
    drain_i(g + 2)
    fire_g(g + 1)
    fire_s(g)
    g = NGG - 2
    drain_g(g)
    drain_s(g - 1)
    fire_g(g + 1)
    fire_s(g)
    g = NGG - 1
    drain_g(g)
    drain_s(g - 1)
    fire_s(g)
    drain_s(g)

    plsc.subcore_barrier()

    for t in range(NPW // 128):
        sl = pl.ds(sid * NPW + t * 128, 128)
        pltpu.sync_copy(acc.at[sl], out.at[cid, sl])


BR = 1000
GRID = N // BR


def _prep_body(d0_ref, d1_ref, x_ref, xs_ref, dinv_ref):
    dinv = lax.rsqrt(d0_ref[0] + d1_ref[0] + 1.0)
    dinv_ref[...] = dinv
    xs = x_ref[...] * dinv
    xs_ref[0] = xs[:, :DH]
    xs_ref[1] = xs[:, DH:]


_prep = pl.pallas_call(
    _prep_body,
    grid=(GRID,),
    in_specs=[pl.BlockSpec((1, BR, 1), lambda i: (0, i, 0)),
              pl.BlockSpec((1, BR, 1), lambda i: (1, i, 0)),
              pl.BlockSpec((BR, D_IN), lambda i: (i, 0))],
    out_specs=[pl.BlockSpec((2, BR, DH), lambda i: (0, i, 0)),
               pl.BlockSpec((BR, 1), lambda i: (i, 0))],
    out_shape=[jax.ShapeDtypeStruct((2, NPAD, DH), jnp.float32),
               jax.ShapeDtypeStruct((NPAD, 1), jnp.float32)],
)


def _l1_body(dinv_ref, p0_ref, p1_ref, xs0_ref, xs1_ref, w1_ref, b1_ref,
             gw_ref, gb_ref, gms_ref, w2_ref, z_ref, hscr, acc1, acc2):
    p = pl.program_id(0)
    i = pl.program_id(1)

    @pl.when(p == 0)
    def _():
        a = jnp.concatenate([p0_ref[0] + xs0_ref[0], p1_ref[0] + xs1_ref[0]],
                            axis=1) * dinv_ref[...]
        h = (jnp.dot(a, w1_ref[...], preferred_element_type=jnp.float32)
             + b1_ref[...])
        hscr[pl.ds(i * BR, BR), :] = h

        @pl.when(i == 0)
        def _():
            acc1[...] = jnp.zeros_like(acc1)
            acc2[...] = jnp.zeros_like(acc2)

        acc1[...] += jnp.sum(h, axis=0, keepdims=True)
        acc2[...] += jnp.sum(h * h, axis=0, keepdims=True)

    @pl.when(p == 1)
    def _():
        s1 = acc1[...] * (1.0 / N)
        mms = s1 * gms_ref[...]
        var = acc2[...] * (1.0 / N) - 2.0 * mms * s1 + mms * mms
        scale = gw_ref[...] * lax.rsqrt(var + EPS)
        h = hscr[pl.ds(i * BR, BR), :]
        g = jnp.maximum(scale * (h - mms) + gb_ref[...], 0.0)
        z = jnp.dot(g, w2_ref[...], preferred_element_type=jnp.float32)
        z = z * dinv_ref[...]
        z_ref[0] = z[:, :DH]
        z_ref[1] = z[:, DH:]


_layer12 = pl.pallas_call(
    _l1_body,
    grid=(2, GRID),
    in_specs=[pl.BlockSpec((BR, 1), lambda p, i: (i, 0)),
              pl.BlockSpec((1, BR, DH), lambda p, i: (0, i, 0)),
              pl.BlockSpec((1, BR, DH), lambda p, i: (1, i, 0)),
              pl.BlockSpec((1, BR, DH), lambda p, i: (0, i, 0)),
              pl.BlockSpec((1, BR, DH), lambda p, i: (1, i, 0)),
              pl.BlockSpec((D_IN, D_HID), lambda p, i: (0, 0)),
              pl.BlockSpec((1, D_HID), lambda p, i: (0, 0)),
              pl.BlockSpec((1, D_HID), lambda p, i: (0, 0)),
              pl.BlockSpec((1, D_HID), lambda p, i: (0, 0)),
              pl.BlockSpec((1, D_HID), lambda p, i: (0, 0)),
              pl.BlockSpec((D_HID, D_OUT), lambda p, i: (0, 0))],
    out_specs=pl.BlockSpec((2, BR, DH), lambda p, i: (0, i, 0)),
    out_shape=jax.ShapeDtypeStruct((2, NPAD, DH), jnp.float32),
    scratch_shapes=[pltpu.VMEM((N, D_HID), jnp.float32),
                    pltpu.VMEM((1, D_HID), jnp.float32),
                    pltpu.VMEM((1, D_HID), jnp.float32)],
)


def _fin_body(dinv_ref, q0_ref, q1_ref, zs0_ref, zs1_ref, b2_ref,
              gw_ref, gb_ref, gms_ref, o_ref, hscr, acc1, acc2):
    p = pl.program_id(0)
    i = pl.program_id(1)

    @pl.when(p == 0)
    def _():
        h = (jnp.concatenate([q0_ref[0] + zs0_ref[0], q1_ref[0] + zs1_ref[0]],
                             axis=1) * dinv_ref[...] + b2_ref[...])
        hscr[pl.ds(i * BR, BR), :] = h

        @pl.when(i == 0)
        def _():
            acc1[...] = jnp.zeros_like(acc1)
            acc2[...] = jnp.zeros_like(acc2)

        acc1[...] += jnp.sum(h, axis=0, keepdims=True)
        acc2[...] += jnp.sum(h * h, axis=0, keepdims=True)

    @pl.when(p == 1)
    def _():
        s1 = acc1[...] * (1.0 / N)
        mms = s1 * gms_ref[...]
        var = acc2[...] * (1.0 / N) - 2.0 * mms * s1 + mms * mms
        scale = gw_ref[...] * lax.rsqrt(var + EPS)
        h = hscr[pl.ds(i * BR, BR), :]
        o_ref[...] = jnp.maximum(scale * (h - mms) + gb_ref[...], 0.0)


_final = pl.pallas_call(
    _fin_body,
    grid=(2, GRID),
    in_specs=[pl.BlockSpec((BR, 1), lambda p, i: (i, 0)),
              pl.BlockSpec((1, BR, DH), lambda p, i: (0, i, 0)),
              pl.BlockSpec((1, BR, DH), lambda p, i: (1, i, 0)),
              pl.BlockSpec((1, BR, DH), lambda p, i: (0, i, 0)),
              pl.BlockSpec((1, BR, DH), lambda p, i: (1, i, 0)),
              pl.BlockSpec((1, D_OUT), lambda p, i: (0, 0)),
              pl.BlockSpec((1, D_OUT), lambda p, i: (0, 0)),
              pl.BlockSpec((1, D_OUT), lambda p, i: (0, 0)),
              pl.BlockSpec((1, D_OUT), lambda p, i: (0, 0))],
    out_specs=pl.BlockSpec((BR, D_OUT), lambda p, i: (i, 0)),
    out_shape=jax.ShapeDtypeStruct((N, D_OUT), jnp.float32),
    scratch_shapes=[pltpu.VMEM((N, D_OUT), jnp.float32),
                    pltpu.VMEM((1, D_OUT), jnp.float32),
                    pltpu.VMEM((1, D_OUT), jnp.float32)],
)


def kernel(x, edge_index, W1, b1, gn1_w, gn1_b, gn1_ms, W2, b2,
           gn2_w, gn2_b, gn2_ms):
    pad = EPAD - E
    src2d = jnp.concatenate(
        [edge_index[0], jnp.zeros((pad,), jnp.int32)]).reshape(-1, 128)
    dst2d = jnp.concatenate(
        [edge_index[1], jnp.full((pad,), NPAD - 1, jnp.int32)]).reshape(-1, 128)

    deg = _deg_sc(dst2d).reshape(2, NPAD, 1)
    xs3, dinv = _prep(deg, deg, x)
    p = _agg_sc(xs3.reshape(2 * NPAD, DH), src2d, dst2d)
    zs3 = _layer12(dinv, p, p, xs3, xs3, W1, b1.reshape(1, D_HID),
                   gn1_w.reshape(1, D_HID), gn1_b.reshape(1, D_HID),
                   gn1_ms.reshape(1, D_HID), W2)
    q = _agg_sc(zs3.reshape(2 * NPAD, DH), src2d, dst2d)
    return _final(dinv, q, q, zs3, zs3, b2.reshape(1, D_OUT),
                  gn2_w.reshape(1, D_OUT), gn2_b.reshape(1, D_OUT),
                  gn2_ms.reshape(1, D_OUT))

# --- scband reference (transcript-rebuilt; emitter-appended) ---
"""Pipeline reference for scband-gnn-53163105190428 (READ-ONLY COPY).

The authoritative reference and input builder live on the scoring server;
editing this copy changes nothing except your own understanding.
"""

import jax, jax.numpy as jnp
import numpy as np

N = 10000
E = 320000
D_IN = 128
D_HID = 256
D_OUT = 128
EPS = 1e-5


def setup_inputs(seed: int = 0):
    key = jax.random.key(seed)
    ks = jax.random.split(key, 12)
    x = jax.random.normal(ks[0], (N, D_IN), dtype=jnp.float32)
    edge_index = jax.random.randint(ks[1], (2, E), 0, N, dtype=jnp.int32)
    s1 = 1.0 / np.sqrt(D_IN)
    s2 = 1.0 / np.sqrt(D_HID)
    W1 = jax.random.uniform(ks[2], (D_IN, D_HID), jnp.float32, -s1, s1)
    b1 = jax.random.uniform(ks[3], (D_HID,), jnp.float32, -s1, s1)
    gn1_w = jnp.ones((D_HID,), jnp.float32)
    gn1_b = jnp.zeros((D_HID,), jnp.float32)
    gn1_ms = jnp.ones((D_HID,), jnp.float32)
    W2 = jax.random.uniform(ks[4], (D_HID, D_OUT), jnp.float32, -s2, s2)
    b2 = jax.random.uniform(ks[5], (D_OUT,), jnp.float32, -s2, s2)
    gn2_w = jnp.ones((D_OUT,), jnp.float32)
    gn2_b = jnp.zeros((D_OUT,), jnp.float32)
    gn2_ms = jnp.ones((D_OUT,), jnp.float32)
    return {"x": x, "edge_index": edge_index, "W1": W1, "b1": b1,
            "gn1_w": gn1_w, "gn1_b": gn1_b, "gn1_ms": gn1_ms,
            "W2": W2, "b2": b2, "gn2_w": gn2_w, "gn2_b": gn2_b, "gn2_ms": gn2_ms}


def gcn_conv(x, edge_index, W, b):
    h = x @ W
    loops = jnp.arange(N, dtype=edge_index.dtype)
    src = jnp.concatenate([edge_index[0], loops])
    dst = jnp.concatenate([edge_index[1], loops])
    deg = jax.ops.segment_sum(jnp.ones_like(dst, dtype=h.dtype), dst, num_segments=N)
    dinv = jnp.where(deg > 0, 1.0 / jnp.sqrt(deg), 0.0)
    norm = dinv[src] * dinv[dst]
    msg = h[src] * norm[:, None]
    out = jax.ops.segment_sum(msg, dst, num_segments=N)
    return out + b


def graph_norm(x, weight, bias, mean_scale):
    # PyG GraphNorm with batch=None (single graph)
    mean = jnp.mean(x, axis=0, keepdims=True)
    out = x - mean * mean_scale
    var = jnp.mean(out * out, axis=0, keepdims=True)
    return weight * out / jnp.sqrt(var + EPS) + bias


def reference(x, edge_index, W1, b1, gn1_w, gn1_b, gn1_ms, W2, b2, gn2_w, gn2_b, gn2_ms):
    h = gcn_conv(x, edge_index, W1, b1)
    h = graph_norm(h, gn1_w, gn1_b, gn1_ms)
    h = jax.nn.relu(h)
    # dropout p=0.0 / eval mode -> identity
    h = gcn_conv(h, edge_index, W2, b2)
    h = graph_norm(h, gn2_w, gn2_b, gn2_ms)
    h = jax.nn.relu(h)
    return h

if __name__ == "__main__":
    import jax
    _d = setup_inputs()
    print(jax.jit(kernel)(*tuple(_d.values())))

</pallas_src>

<mosaic_0001>
#map = affine_map<(d0, d1) -> (0, 0)>
module attributes {stable_mosaic.version = 14 : i64} {
  func.func @_deg_sc(%arg0: i32, %arg1: i32, %arg2: memref<2560x128xi32, #tpu.memory_space<hbm>>, %arg3: memref<2x10240xf32, #tpu.memory_space<hbm>>, %arg4: memref<2x4x128xi32, #tpu.memory_space<vmem>>, %arg5: memref<128xf32, #tpu.memory_space<vmem>>, %arg6: memref<640xf32, #tpu.memory_space<vmem>>, %arg7: memref<10240xf32, #tpu.memory_space<vmem_shared>>, %arg8: memref<!tpu.dma_semaphore, #tpu.memory_space<semaphore_mem>>, %arg9: memref<!tpu.dma_semaphore, #tpu.memory_space<semaphore_mem>>) attributes {dimension_semantics = [#tpu.dimension_semantics<core_parallel>, #tpu.dimension_semantics<subcore_parallel>], iteration_bounds = array<i64: 2, 16>, scalar_prefetch = 0 : i64, scratch_operands = 6 : i64, tpu.core_type = #tpu.core_type<sc_vector_subcore>, window_params = [{transform_indices = #map}, {transform_indices = #map}]} {
    %mul3A = arith.constant 16 : i32
    %mul3A_0 = arith.muli %arg0, %mul3A : i32
    %add3A = arith.addi %mul3A_0, %arg1 : i32
    %broadcast_in_dim3A = arith.constant 1.000000e+00 : f32
    %broadcast_in_dim3A_1 = vector.broadcast %broadcast_in_dim3A : f32 to vector<16xf32>
    %swap3A = arith.constant 0 : index
    %swap3A_2 = tpu.vector_load %arg5[%swap3A] {strides = array<i32>} : memref<128xf32, #tpu.memory_space<vmem>>, vector<16xf32>,
    %swap3A_3 = vector.shape_cast %swap3A_2 : vector<16xf32> to vector<16xf32>
    %swap3A_4 = vector.shape_cast %broadcast_in_dim3A_1 : vector<16xf32> to vector<16xf32>
    tpu.vector_store %arg5[%swap3A], %swap3A_4 {strides = array<i32>} : memref<128xf32, #tpu.memory_space<vmem>>, vector<16xf32>,
    %broadcast_in_dim3A_5 = arith.constant 1.000000e+00 : f32
    %broadcast_in_dim3A_6 = vector.broadcast %broadcast_in_dim3A_5 : f32 to vector<16xf32>
    %swap3A_7 = arith.constant 16 : index
    %swap3A_8 = tpu.vector_load %arg5[%swap3A_7] {strides = array<i32>} : memref<128xf32, #tpu.memory_space<vmem>>, vector<16xf32>,
    %swap3A_9 = vector.shape_cast %swap3A_8 : vector<16xf32> to vector<16xf32>
    %swap3A_10 = vector.shape_cast %broadcast_in_dim3A_6 : vector<16xf32> to vector<16xf32>
    tpu.vector_store %arg5[%swap3A_7], %swap3A_10 {strides = array<i32>} : memref<128xf32, #tpu.memory_space<vmem>>, vector<16xf32>,
    %broadcast_in_dim3A_11 = arith.constant 1.000000e+00 : f32
    %broadcast_in_dim3A_12 = vector.broadcast %broadcast_in_dim3A_11 : f32 to vector<16xf32>
    %swap3A_13 = arith.constant 32 : index
    %swap3A_14 = tpu.vector_load %arg5[%swap3A_13] {strides = array<i32>} : memref<128xf32, #tpu.memory_space<vmem>>, vector<16xf32>,
    %swap3A_15 = vector.shape_cast %swap3A_14 : vector<16xf32> to vector<16xf32>
    %swap3A_16 = vector.shape_cast %broadcast_in_dim3A_12 : vector<16xf32> to vector<16xf32>
    tpu.vector_store %arg5[%swap3A_13], %swap3A_16 {strides = array<i32>} : memref<128xf32, #tpu.memory_space<vmem>>, vector<16xf32>,
    %broadcast_in_dim3A_17 = arith.constant 1.000000e+00 : f32
    %broadcast_in_dim3A_18 = vector.broadcast %broadcast_in_dim3A_17 : f32 to vector<16xf32>
    %swap3A_19 = arith.constant 48 : index
    %swap3A_20 = tpu.vector_load %arg5[%swap3A_19] {strides = array<i32>} : memref<128xf32, #tpu.memory_space<vmem>>, vector<16xf32>,
    %swap3A_21 = vector.shape_cast %swap3A_20 : vector<16xf32> to vector<16xf32>
    %swap3A_22 = vector.shape_cast %broadcast_in_dim3A_18 : vector<16xf32> to vector<16xf32>
    tpu.vector_store %arg5[%swap3A_19], %swap3A_22 {strides = array<i32>} : memref<128xf32, #tpu.memory_space<vmem>>, vector<16xf32>,
    %broadcast_in_dim3A_23 = arith.constant 1.000000e+00 : f32
    %broadcast_in_dim3A_24 = vector.broadcast %broadcast_in_dim3A_23 : f32 to vector<16xf32>
    %swap3A_25 = arith.constant 64 : index
    %swap3A_26 = tpu.vector_load %arg5[%swap3A_25] {strides = array<i32>} : memref<128xf32, #tpu.memory_space<vmem>>, vector<16xf32>,
    %swap3A_27 = vector.shape_cast %swap3A_26 : vector<16xf32> to vector<16xf32>
    %swap3A_28 = vector.shape_cast %broadcast_in_dim3A_24 : vector<16xf32> to vector<16xf32>
    tpu.vector_store %arg5[%swap3A_25], %swap3A_28 {strides = array<i32>} : memref<128xf32, #tpu.memory_space<vmem>>, vector<16xf32>,
    %broadcast_in_dim3A_29 = arith.constant 1.000000e+00 : f32
    %broadcast_in_dim3A_30 = vector.broadcast %broadcast_in_dim3A_29 : f32 to vector<16xf32>
    %swap3A_31 = arith.constant 80 : index
    %swap3A_32 = tpu.vector_load %arg5[%swap3A_31] {strides = array<i32>} : memref<128xf32, #tpu.memory_space<vmem>>, vector<16xf32>,
    %swap3A_33 = vector.shape_cast %swap3A_32 : vector<16xf32> to vector<16xf32>
    %swap3A_34 = vector.shape_cast %broadcast_in_dim3A_30 : vector<16xf32> to vector<16xf32>
    tpu.vector_store %arg5[%swap3A_31], %swap3A_34 {strides = array<i32>} : memref<128xf32, #tpu.memory_space<vmem>>, vector<16xf32>,
    %broadcast_in_dim3A_35 = arith.constant 1.000000e+00 : f32
    %broadcast_in_dim3A_36 = vector.broadcast %broadcast_in_dim3A_35 : f32 to vector<16xf32>
    %swap3A_37 = arith.constant 96 : index
    %swap3A_38 = tpu.vector_load %arg5[%swap3A_37] {strides = array<i32>} : memref<128xf32, #tpu.memory_space<vmem>>, vector<16xf32>,
    %swap3A_39 = vector.shape_cast %swap3A_38 : vector<16xf32> to vector<16xf32>
    %swap3A_40 = vector.shape_cast %broadcast_in_dim3A_36 : vector<16xf32> to vector<16xf32>
    tpu.vector_store %arg5[%swap3A_37], %swap3A_40 {strides = array<i32>} : memref<128xf32, #tpu.memory_space<vmem>>, vector<16xf32>,
    %broadcast_in_dim3A_41 = arith.constant 1.000000e+00 : f32
    %broadcast_in_dim3A_42 = vector.broadcast %broadcast_in_dim3A_41 : f32 to vector<16xf32>
    %swap3A_43 = arith.constant 112 : index
    %swap3A_44 = tpu.vector_load %arg5[%swap3A_43] {strides = array<i32>} : memref<128xf32, #tpu.memory_space<vmem>>, vector<16xf32>,
    %swap3A_45 = vector.shape_cast %swap3A_44 : vector<16xf32> to vector<16xf32>
    %swap3A_46 = vector.shape_cast %broadcast_in_dim3A_42 : vector<16xf32> to vector<16xf32>
    tpu.vector_store %arg5[%swap3A_43], %swap3A_46 {strides = array<i32>} : memref<128xf32, #tpu.memory_space<vmem>>, vector<16xf32>,
    %scan3A = arith.constant 0 : i32
    %scan3A_47 = arith.constant 0 : i32
    %scan3A_48 = arith.constant 40 : i32
    %scan3A_49 = arith.addi %scan3A_47, %scan3A_48 : i32
    %scan3A_50 = arith.constant 1 : i32
    scf.for %scan3A_231 = %scan3A_47 to %scan3A_49 step %scan3A_50  : i32 {
      %broadcast_in_dim3A_232 = arith.constant 0.000000e+00 : f32
      %broadcast_in_dim3A_233 = vector.broadcast %broadcast_in_dim3A_232 : f32 to vector<16xf32>
      %mul3A_234 = arith.constant 16 : i32
      %mul3A_235 = arith.muli %scan3A_231, %mul3A_234 : i32
      %swap3A_236 = arith.index_cast %mul3A_235 : i32 to index
      %swap3A_237 = tpu.vector_load %arg6[%swap3A_236] {strides = array<i32>} : memref<640xf32, #tpu.memory_space<vmem>>, vector<16xf32>,
      %swap3A_238 = vector.shape_cast %swap3A_237 : vector<16xf32> to vector<16xf32>
      %swap3A_239 = vector.shape_cast %broadcast_in_dim3A_233 : vector<16xf32> to vector<16xf32>
      tpu.vector_store %arg6[%swap3A_236], %swap3A_239 {strides = array<i32>} : memref<640xf32, #tpu.memory_space<vmem>>, vector<16xf32>,
    }
    %scan3A_51 = arith.constant 40 : i32
    %mul3A_52 = arith.constant 640 : i32
    %mul3A_53 = arith.muli %arg1, %mul3A_52 : i32
    "tpu.region"() ({
      %run_scoped3A = tpu.sem_alloc : memref<!tpu.dma_semaphore, #tpu.memory_space<semaphore_mem>>
      %dma_start3A_231 = tpu.memref_slice %arg7[%mul3A_53] : memref<10240xf32, #tpu.memory_space<vmem_shared>> -> memref<640xf32, #tpu.memory_space<vmem_shared>>
      %dma_start3A_232 = tpu.memref_slice %arg7[%mul3A_53] : memref<10240xf32, #tpu.memory_space<vmem_shared>> -> memref<640xf32, #tpu.memory_space<vmem_shared>>
      tpu.enqueue_dma source(%arg6 : memref<640xf32, #tpu.memory_space<vmem>>) target(%dma_start3A_232 : memref<640xf32, #tpu.memory_space<vmem_shared>>) target_semaphore(%run_scoped3A : memref<!tpu.dma_semaphore, #tpu.memory_space<semaphore_mem>>)
      %dma_wait3A_233 = tpu.memref_slice %arg7[%mul3A_53] : memref<10240xf32, #tpu.memory_space<vmem_shared>> -> memref<640xf32, #tpu.memory_space<vmem_shared>>
      %dma_wait3A_234 = tpu.memref_slice %arg7[%mul3A_53] : memref<10240xf32, #tpu.memory_space<vmem_shared>> -> memref<640xf32, #tpu.memory_space<vmem_shared>>
      tpu.wait_dma2 semaphore(%run_scoped3A : memref<!tpu.dma_semaphore, #tpu.memory_space<semaphore_mem>>) src(%arg6 : memref<640xf32, #tpu.memory_space<vmem>>) dst(%dma_wait3A_234 : memref<640xf32, #tpu.memory_space<vmem_shared>>)
      tpu.yield
    }) : () -> ()
    %barrier3A = arith.constant 0 : index
    tpu.barrier barrier_id(%barrier3A)
    %mul3A_54 = arith.constant 80 : i32
    %mul3A_55 = arith.muli %add3A, %mul3A_54 : i32
    %add3A_56 = arith.constant 0 : i32
    %add3A_57 = arith.addi %mul3A_55, %add3A_56 : i32
    %dma_start3A = arith.constant 0 : i32
    %dma_start3A_58 = arith.constant 0 : i32
    %dma_start3A_59 = arith.constant 0 : i32
    %dma_start3A_60 = tpu.memref_slice %arg4[%dma_start3A, %dma_start3A_58, %dma_start3A_59] : memref<2x4x128xi32, #tpu.memory_space<vmem>> -> memref<1x4x128xi32, #tpu.memory_space<vmem>>
    %dma_start3A_61 = tpu.memref_squeeze %dma_start3A_60 : memref<1x4x128xi32, #tpu.memory_space<vmem>> -> memref<4x128xi32, #tpu.memory_space<vmem>>
    %dma_start3A_62 = arith.constant 0 : i32
    %dma_start3A_63 = tpu.memref_slice %arg2[%add3A_57, %dma_start3A_62] : memref<2560x128xi32, #tpu.memory_space<hbm>> -> memref<4x128xi32, #tpu.memory_space<hbm>>
    %dma_start3A_64 = arith.constant 0 : i32
    %dma_start3A_65 = arith.constant 0 : i32
    %dma_start3A_66 = tpu.memref_slice %arg4[%dma_start3A, %dma_start3A_64, %dma_start3A_65] : memref<2x4x128xi32, #tpu.memory_space<vmem>> -> memref<1x4x128xi32, #tpu.memory_space<vmem>>
    %dma_start3A_67 = tpu.memref_squeeze %dma_start3A_66 : memref<1x4x128xi32, #tpu.memory_space<vmem>> -> memref<4x128xi32, #tpu.memory_space<vmem>>
    %dma_start3A_68 = arith.constant 0 : i32
    %dma_start3A_69 = tpu.memref_slice %arg2[%add3A_57, %dma_start3A_68] : memref<2560x128xi32, #tpu.memory_space<hbm>> -> memref<4x128xi32, #tpu.memory_space<hbm>>
    tpu.enqueue_dma source(%dma_start3A_69 : memref<4x128xi32, #tpu.memory_space<hbm>>) target(%dma_start3A_67 : memref<4x128xi32, #tpu.memory_space<vmem>>) target_semaphore(%arg9 : memref<!tpu.dma_semaphore, #tpu.memory_space<semaphore_mem>>)
    %add3A_70 = arith.constant 4 : i32
    %add3A_71 = arith.addi %mul3A_55, %add3A_70 : i32
    %dma_start3A_72 = arith.constant 1 : i32
    %dma_start3A_73 = arith.constant 0 : i32
    %dma_start3A_74 = arith.constant 0 : i32
    %dma_start3A_75 = tpu.memref_slice %arg4[%dma_start3A_72, %dma_start3A_73, %dma_start3A_74] : memref<2x4x128xi32, #tpu.memory_space<vmem>> -> memref<1x4x128xi32, #tpu.memory_space<vmem>>
    %dma_start3A_76 = tpu.memref_squeeze %dma_start3A_75 : memref<1x4x128xi32, #tpu.memory_space<vmem>> -> memref<4x128xi32, #tpu.memory_space<vmem>>
    %dma_start3A_77 = arith.constant 0 : i32
    %dma_start3A_78 = tpu.memref_slice %arg2[%add3A_71, %dma_start3A_77] : memref<2560x128xi32, #tpu.memory_space<hbm>> -> memref<4x128xi32, #tpu.memory_space<hbm>>
    %dma_start3A_79 = arith.constant 0 : i32
    %dma_start3A_80 = arith.constant 0 : i32
    %dma_start3A_81 = tpu.memref_slice %arg4[%dma_start3A_72, %dma_start3A_79, %dma_start3A_80] : memref<2x4x128xi32, #tpu.memory_space<vmem>> -> memref<1x4x128xi32, #tpu.memory_space<vmem>>
    %dma_start3A_82 = tpu.memref_squeeze %dma_start3A_81 : memref<1x4x128xi32, #tpu.memory_space<vmem>> -> memref<4x128xi32, #tpu.memory_space<vmem>>
    %dma_start3A_83 = arith.constant 0 : i32
    %dma_start3A_84 = tpu.memref_slice %arg2[%add3A_71, %dma_start3A_83] : memref<2560x128xi32, #tpu.memory_space<hbm>> -> memref<4x128xi32, #tpu.memory_space<hbm>>
    tpu.enqueue_dma source(%dma_start3A_84 : memref<4x128xi32, #tpu.memory_space<hbm>>) target(%dma_start3A_82 : memref<4x128xi32, #tpu.memory_space<vmem>>) target_semaphore(%arg9 : memref<!tpu.dma_semaphore, #tpu.memory_space<semaphore_mem>>)
    %dma_wait3A = arith.constant 0 : i32
    %dma_wait3A_85 = arith.constant 0 : i32
    %dma_wait3A_86 = arith.constant 0 : i32
    %dma_wait3A_87 = tpu.memref_slice %arg4[%dma_wait3A, %dma_wait3A_85, %dma_wait3A_86] : memref<2x4x128xi32, #tpu.memory_space<vmem>> -> memref<1x4x128xi32, #tpu.memory_space<vmem>>
    %dma_wait3A_88 = tpu.memref_squeeze %dma_wait3A_87 : memref<1x4x128xi32, #tpu.memory_space<vmem>> -> memref<4x128xi32, #tpu.memory_space<vmem>>
    %dma_wait3A_89 = arith.constant 0 : i32
    %dma_wait3A_90 = tpu.memref_slice %arg2[%mul3A_55, %dma_wait3A_89] : memref<2560x128xi32, #tpu.memory_space<hbm>> -> memref<4x128xi32, #tpu.memory_space<hbm>>
    %dma_wait3A_91 = arith.constant 0 : i32
    %dma_wait3A_92 = arith.constant 0 : i32
    %dma_wait3A_93 = tpu.memref_slice %arg4[%dma_wait3A, %dma_wait3A_91, %dma_wait3A_92] : memref<2x4x128xi32, #tpu.memory_space<vmem>> -> memref<1x4x128xi32, #tpu.memory_space<vmem>>
    %dma_wait3A_94 = tpu.memref_squeeze %dma_wait3A_93 : memref<1x4x128xi32, #tpu.memory_space<vmem>> -> memref<4x128xi32, #tpu.memory_space<vmem>>
    %dma_wait3A_95 = arith.constant 0 : i32
    %dma_wait3A_96 = tpu.memref_slice %arg2[%mul3A_55, %dma_wait3A_95] : memref<2560x128xi32, #tpu.memory_space<hbm>> -> memref<4x128xi32, #tpu.memory_space<hbm>>
    tpu.wait_dma2 semaphore(%arg9 : memref<!tpu.dma_semaphore, #tpu.memory_space<semaphore_mem>>) src(%dma_wait3A_96 : memref<4x128xi32, #tpu.memory_space<hbm>>) dst(%dma_wait3A_94 : memref<4x128xi32, #tpu.memory_space<vmem>>)
    %dma_start3A_97 = arith.constant 0 : i32
    %dma_start3A_98 = arith.constant 0 : i32
    %dma_start3A_99 = arith.constant 0 : i32
    %dma_start3A_100 = tpu.memref_slice %arg4[%dma_start3A_97, %dma_start3A_98, %dma_start3A_99] : memref<2x4x128xi32, #tpu.memory_space<vmem>> -> memref<1x1x128xi32, #tpu.memory_space<vmem>>
    %dma_start3A_101 = tpu.memref_squeeze %dma_start3A_100 : memref<1x1x128xi32, #tpu.memory_space<vmem>> -> memref<128xi32, #tpu.memory_space<vmem>>
    %dma_start3A_102 = arith.constant 0 : i32
    %dma_start3A_103 = tpu.memref_slice %arg7[%dma_start3A_102] : memref<10240xf32, #tpu.memory_space<vmem_shared>> -> memref<10240xf32, #tpu.memory_space<vmem_shared>>
    tpu.enqueue_indirect_dma source(%arg5 : memref<128xf32, #tpu.memory_space<vmem>>) target(%dma_start3A_103 : memref<10240xf32, #tpu.memory_space<vmem_shared>>) offsets(%dma_start3A_101 : memref<128xi32, #tpu.memory_space<vmem>>) semaphore(%arg8 : memref<!tpu.dma_semaphore, #tpu.memory_space<semaphore_mem>>) {add = true}
    %dma_start3A_104 = arith.constant 0 : i32
    %dma_start3A_105 = arith.constant 1 : i32
    %dma_start3A_106 = arith.constant 0 : i32
    %dma_start3A_107 = tpu.memref_slice %arg4[%dma_start3A_104, %dma_start3A_105, %dma_start3A_106] : memref<2x4x128xi32, #tpu.memory_space<vmem>> -> memref<1x1x128xi32, #tpu.memory_space<vmem>>
    %dma_start3A_108 = tpu.memref_squeeze %dma_start3A_107 : memref<1x1x128xi32, #tpu.memory_space<vmem>> -> memref<128xi32, #tpu.memory_space<vmem>>
    %dma_start3A_109 = arith.constant 0 : i32
    %dma_start3A_110 = tpu.memref_slice %arg7[%dma_start3A_109] : memref<10240xf32, #tpu.memory_space<vmem_shared>> -> memref<10240xf32, #tpu.memory_space<vmem_shared>>
    tpu.enqueue_indirect_dma source(%arg5 : memref<128xf32, #tpu.memory_space<vmem>>) target(%dma_start3A_110 : memref<10240xf32, #tpu.memory_space<vmem_shared>>) offsets(%dma_start3A_108 : memref<128xi32, #tpu.memory_space<vmem>>) semaphore(%arg8 : memref<!tpu.dma_semaphore, #tpu.memory_space<semaphore_mem>>) {add = true}
    %dma_start3A_111 = arith.constant 0 : i32
    %dma_start3A_112 = arith.constant 2 : i32
    %dma_start3A_113 = arith.constant 0 : i32
    %dma_start3A_114 = tpu.memref_slice %arg4[%dma_start3A_111, %dma_start3A_112, %dma_start3A_113] : memref<2x4x128xi32, #tpu.memory_space<vmem>> -> memref<1x1x128xi32, #tpu.memory_space<vmem>>
    %dma_start3A_115 = tpu.memref_squeeze %dma_start3A_114 : memref<1x1x128xi32, #tpu.memory_space<vmem>> -> memref<128xi32, #tpu.memory_space<vmem>>
    %dma_start3A_116 = arith.constant 0 : i32
    %dma_start3A_117 = tpu.memref_slice %arg7[%dma_start3A_116] : memref<10240xf32, #tpu.memory_space<vmem_shared>> -> memref<10240xf32, #tpu.memory_space<vmem_shared>>
    tpu.enqueue_indirect_dma source(%arg5 : memref<128xf32, #tpu.memory_space<vmem>>) target(%dma_start3A_117 : memref<10240xf32, #tpu.memory_space<vmem_shared>>) offsets(%dma_start3A_115 : memref<128xi32, #tpu.memory_space<vmem>>) semaphore(%arg8 : memref<!tpu.dma_semaphore, #tpu.memory_space<semaphore_mem>>) {add = true}
    %dma_start3A_118 = arith.constant 0 : i32
    %dma_start3A_119 = arith.constant 3 : i32
    %dma_start3A_120 = arith.constant 0 : i32
    %dma_start3A_121 = tpu.memref_slice %arg4[%dma_start3A_118, %dma_start3A_119, %dma_start3A_120] : memref<2x4x128xi32, #tpu.memory_space<vmem>> -> memref<1x1x128xi32, #tpu.memory_space<vmem>>
    %dma_start3A_122 = tpu.memref_squeeze %dma_start3A_121 : memref<1x1x128xi32, #tpu.memory_space<vmem>> -> memref<128xi32, #tpu.memory_space<vmem>>
    %dma_start3A_123 = arith.constant 0 : i32
    %dma_start3A_124 = tpu.memref_slice %arg7[%dma_start3A_123] : memref<10240xf32, #tpu.memory_space<vmem_shared>> -> memref<10240xf32, #tpu.memory_space<vmem_shared>>
    tpu.enqueue_indirect_dma source(%arg5 : memref<128xf32, #tpu.memory_space<vmem>>) target(%dma_start3A_124 : memref<10240xf32, #tpu.memory_space<vmem_shared>>) offsets(%dma_start3A_122 : memref<128xi32, #tpu.memory_space<vmem>>) semaphore(%arg8 : memref<!tpu.dma_semaphore, #tpu.memory_space<semaphore_mem>>) {add = true}
    %scan3A_125 = arith.constant 0 : i32
    %scan3A_126 = arith.constant 1 : i32
    %scan3A_127 = arith.constant 18 : i32
    %scan3A_128 = arith.addi %scan3A_126, %scan3A_127 : i32
    %scan3A_129 = arith.constant 1 : i32
    scf.for %scan3A_231 = %scan3A_126 to %scan3A_128 step %scan3A_129  : i32 {
      %sub3A = arith.constant 1 : i32
      %sub3A_232 = arith.subi %scan3A_231, %sub3A : i32
      %dma_wait3A_233 = arith.constant 0 : i32
      %dma_wait3A_234 = arith.constant 0 : i32
      %dma_wait3A_235 = arith.constant 0 : i32
      %dma_wait3A_236 = tpu.memref_slice %arg4[%dma_wait3A_233, %dma_wait3A_234, %dma_wait3A_235] : memref<2x4x128xi32, #tpu.memory_space<vmem>> -> memref<1x1x128xi32, #tpu.memory_space<vmem>>
      %dma_wait3A_237 = tpu.memref_squeeze %dma_wait3A_236 : memref<1x1x128xi32, #tpu.memory_space<vmem>> -> memref<128xi32, #tpu.memory_space<vmem>>
      %dma_wait3A_238 = arith.constant 0 : i32
      %dma_wait3A_239 = tpu.memref_slice %arg7[%dma_wait3A_238] : memref<10240xf32, #tpu.memory_space<vmem_shared>> -> memref<10240xf32, #tpu.memory_space<vmem_shared>>
      tpu.wait_indirect_dma semaphore(%arg8 : memref<!tpu.dma_semaphore, #tpu.memory_space<semaphore_mem>>) src(%arg5 : memref<128xf32, #tpu.memory_space<vmem>>) dst(%dma_wait3A_239 : memref<10240xf32, #tpu.memory_space<vmem_shared>>)
      %dma_wait3A_240 = arith.constant 0 : i32
      %dma_wait3A_241 = arith.constant 0 : i32
      %dma_wait3A_242 = arith.constant 0 : i32
      %dma_wait3A_243 = tpu.memref_slice %arg4[%dma_wait3A_240, %dma_wait3A_241, %dma_wait3A_242] : memref<2x4x128xi32, #tpu.memory_space<vmem>> -> memref<1x1x128xi32, #tpu.memory_space<vmem>>
      %dma_wait3A_244 = tpu.memref_squeeze %dma_wait3A_243 : memref<1x1x128xi32, #tpu.memory_space<vmem>> -> memref<128xi32, #tpu.memory_space<vmem>>
      %dma_wait3A_245 = arith.constant 0 : i32
      %dma_wait3A_246 = tpu.memref_slice %arg7[%dma_wait3A_245] : memref<10240xf32, #tpu.memory_space<vmem_shared>> -> memref<10240xf32, #tpu.memory_space<vmem_shared>>
      tpu.wait_indirect_dma semaphore(%arg8 : memref<!tpu.dma_semaphore, #tpu.memory_space<semaphore_mem>>) src(%arg5 : memref<128xf32, #tpu.memory_space<vmem>>) dst(%dma_wait3A_246 : memref<10240xf32, #tpu.memory_space<vmem_shared>>)
      %dma_wait3A_247 = arith.constant 0 : i32
      %dma_wait3A_248 = arith.constant 0 : i32
      %dma_wait3A_249 = arith.constant 0 : i32
      %dma_wait3A_250 = tpu.memref_slice %arg4[%dma_wait3A_247, %dma_wait3A_248, %dma_wait3A_249] : memref<2x4x128xi32, #tpu.memory_space<vmem>> -> memref<1x1x128xi32, #tpu.memory_space<vmem>>
      %dma_wait3A_251 = tpu.memref_squeeze %dma_wait3A_250 : memref<1x1x128xi32, #tpu.memory_space<vmem>> -> memref<128xi32, #tpu.memory_space<vmem>>
      %dma_wait3A_252 = arith.constant 0 : i32
      %dma_wait3A_253 = tpu.memref_slice %arg7[%dma_wait3A_252] : memref<10240xf32, #tpu.memory_space<vmem_shared>> -> memref<10240xf32, #tpu.memory_space<vmem_shared>>
      tpu.wait_indirect_dma semaphore(%arg8 : memref<!tpu.dma_semaphore, #tpu.memory_space<semaphore_mem>>) src(%arg5 : memref<128xf32, #tpu.memory_space<vmem>>) dst(%dma_wait3A_253 : memref<10240xf32, #tpu.memory_space<vmem_shared>>)
      %dma_wait3A_254 = arith.constant 0 : i32
      %dma_wait3A_255 = arith.constant 0 : i32
      %dma_wait3A_256 = arith.constant 0 : i32
      %dma_wait3A_257 = tpu.memref_slice %arg4[%dma_wait3A_254, %dma_wait3A_255, %dma_wait3A_256] : memref<2x4x128xi32, #tpu.memory_space<vmem>> -> memref<1x1x128xi32, #tpu.memory_space<vmem>>
      %dma_wait3A_258 = tpu.memref_squeeze %dma_wait3A_257 : memref<1x1x128xi32, #tpu.memory_space<vmem>> -> memref<128xi32, #tpu.memory_space<vmem>>
      %dma_wait3A_259 = arith.constant 0 : i32
      %dma_wait3A_260 = tpu.memref_slice %arg7[%dma_wait3A_259] : memref<10240xf32, #tpu.memory_space<vmem_shared>> -> memref<10240xf32, #tpu.memory_space<vmem_shared>>
      tpu.wait_indirect_dma semaphore(%arg8 : memref<!tpu.dma_semaphore, #tpu.memory_space<semaphore_mem>>) src(%arg5 : memref<128xf32, #tpu.memory_space<vmem>>) dst(%dma_wait3A_260 : memref<10240xf32, #tpu.memory_space<vmem_shared>>)
      %add3A_261 = arith.constant 1 : i32
      %add3A_262 = arith.addi %scan3A_231, %add3A_261 : i32
      %mul3A_263 = arith.constant 4 : i32
      %mul3A_264 = arith.muli %add3A_262, %mul3A_263 : i32
      %add3A_265 = arith.addi %mul3A_55, %mul3A_264 : i32
      %jit3A = arith.constant 2 : i32
      %eq3A = arith.constant 0 : i32
      %eq3A_266 = arith.cmpi eq, %jit3A, %eq3A : i32
      %jit3A_267 = arith.constant 1 : i32
      %select_n3A = arith.select %eq3A_266, %jit3A_267, %jit3A : i32
      %rem3A = arith.remsi %add3A_262, %select_n3A : i32
      %ne3A = arith.constant 0 : i32
      %ne3A_268 = arith.cmpi ne, %rem3A, %ne3A : i32
      %lt3A = arith.constant 0 : i32
      %lt3A_269 = arith.cmpi slt, %rem3A, %lt3A : i32
      %lt3A_270 = arith.constant 0 : i32
      %lt3A_271 = arith.cmpi slt, %select_n3A, %lt3A_270 : i32
      %ne3A_272 = arith.xori %lt3A_269, %lt3A_271 : i1
      %and3A = arith.andi %ne3A_272, %ne3A_268 : i1
      %add3A_273 = arith.addi %rem3A, %select_n3A : i32
      %select_n3A_274 = arith.select %and3A, %add3A_273, %rem3A : i32
      %dma_start3A_275 = arith.constant 0 : i32
      %dma_start3A_276 = arith.constant 0 : i32
      %dma_start3A_277 = tpu.memref_slice %arg4[%select_n3A_274, %dma_start3A_275, %dma_start3A_276] : memref<2x4x128xi32, #tpu.memory_space<vmem>> -> memref<1x4x128xi32, #tpu.memory_space<vmem>>
      %dma_start3A_278 = tpu.memref_squeeze %dma_start3A_277 : memref<1x4x128xi32, #tpu.memory_space<vmem>> -> memref<4x128xi32, #tpu.memory_space<vmem>>
      %dma_start3A_279 = arith.constant 0 : i32
      %dma_start3A_280 = tpu.memref_slice %arg2[%add3A_265, %dma_start3A_279] : memref<2560x128xi32, #tpu.memory_space<hbm>> -> memref<4x128xi32, #tpu.memory_space<hbm>>
      %dma_start3A_281 = arith.constant 0 : i32
      %dma_start3A_282 = arith.constant 0 : i32
      %dma_start3A_283 = tpu.memref_slice %arg4[%select_n3A_274, %dma_start3A_281, %dma_start3A_282] : memref<2x4x128xi32, #tpu.memory_space<vmem>> -> memref<1x4x128xi32, #tpu.memory_space<vmem>>
      %dma_start3A_284 = tpu.memref_squeeze %dma_start3A_283 : memref<1x4x128xi32, #tpu.memory_space<vmem>> -> memref<4x128xi32, #tpu.memory_space<vmem>>
      %dma_start3A_285 = arith.constant 0 : i32
      %dma_start3A_286 = tpu.memref_slice %arg2[%add3A_265, %dma_start3A_285] : memref<2560x128xi32, #tpu.memory_space<hbm>> -> memref<4x128xi32, #tpu.memory_space<hbm>>
      tpu.enqueue_dma source(%dma_start3A_286 : memref<4x128xi32, #tpu.memory_space<hbm>>) target(%dma_start3A_284 : memref<4x128xi32, #tpu.memory_space<vmem>>) target_semaphore(%arg9 : memref<!tpu.dma_semaphore, #tpu.memory_space<semaphore_mem>>)
      %jit3A_287 = arith.constant 2 : i32
      %eq3A_288 = arith.constant 0 : i32
      %eq3A_289 = arith.cmpi eq, %jit3A_287, %eq3A_288 : i32
      %jit3A_290 = arith.constant 1 : i32
      %select_n3A_291 = arith.select %eq3A_289, %jit3A_290, %jit3A_287 : i32
      %rem3A_292 = arith.remsi %scan3A_231, %select_n3A_291 : i32
      %ne3A_293 = arith.constant 0 : i32
      %ne3A_294 = arith.cmpi ne, %rem3A_292, %ne3A_293 : i32
      %lt3A_295 = arith.constant 0 : i32
      %lt3A_296 = arith.cmpi slt, %rem3A_292, %lt3A_295 : i32
      %lt3A_297 = arith.constant 0 : i32
      %lt3A_298 = arith.cmpi slt, %select_n3A_291, %lt3A_297 : i32
      %ne3A_299 = arith.xori %lt3A_296, %lt3A_298 : i1
      %and3A_300 = arith.andi %ne3A_299, %ne3A_294 : i1
      %add3A_301 = arith.addi %rem3A_292, %select_n3A_291 : i32
      %select_n3A_302 = arith.select %and3A_300, %add3A_301, %rem3A_292 : i32
      %dma_wait3A_303 = arith.constant 0 : i32
      %dma_wait3A_304 = arith.constant 0 : i32
      %dma_wait3A_305 = tpu.memref_slice %arg4[%select_n3A_302, %dma_wait3A_303, %dma_wait3A_304] : memref<2x4x128xi32, #tpu.memory_space<vmem>> -> memref<1x4x128xi32, #tpu.memory_space<vmem>>
      %dma_wait3A_306 = tpu.memref_squeeze %dma_wait3A_305 : memref<1x4x128xi32, #tpu.memory_space<vmem>> -> memref<4x128xi32, #tpu.memory_space<vmem>>
      %dma_wait3A_307 = arith.constant 0 : i32
      %dma_wait3A_308 = tpu.memref_slice %arg2[%mul3A_55, %dma_wait3A_307] : memref<2560x128xi32, #tpu.memory_space<hbm>> -> memref<4x128xi32, #tpu.memory_space<hbm>>
      %dma_wait3A_309 = arith.constant 0 : i32
      %dma_wait3A_310 = arith.constant 0 : i32
      %dma_wait3A_311 = tpu.memref_slice %arg4[%select_n3A_302, %dma_wait3A_309, %dma_wait3A_310] : memref<2x4x128xi32, #tpu.memory_space<vmem>> -> memref<1x4x128xi32, #tpu.memory_space<vmem>>
      %dma_wait3A_312 = tpu.memref_squeeze %dma_wait3A_311 : memref<1x4x128xi32, #tpu.memory_space<vmem>> -> memref<4x128xi32, #tpu.memory_space<vmem>>
      %dma_wait3A_313 = arith.constant 0 : i32
      %dma_wait3A_314 = tpu.memref_slice %arg2[%mul3A_55, %dma_wait3A_313] : memref<2560x128xi32, #tpu.memory_space<hbm>> -> memref<4x128xi32, #tpu.memory_space<hbm>>
      tpu.wait_dma2 semaphore(%arg9 : memref<!tpu.dma_semaphore, #tpu.memory_space<semaphore_mem>>) src(%dma_wait3A_314 : memref<4x128xi32, #tpu.memory_space<hbm>>) dst(%dma_wait3A_312 : memref<4x128xi32, #tpu.memory_space<vmem>>)
      %jit3A_315 = arith.constant 2 : i32
      %eq3A_316 = arith.constant 0 : i32
      %eq3A_317 = arith.cmpi eq, %jit3A_315, %eq3A_316 : i32
      %jit3A_318 = arith.constant 1 : i32
      %select_n3A_319 = arith.select %eq3A_317, %jit3A_318, %jit3A_315 : i32
      %rem3A_320 = arith.remsi %scan3A_231, %select_n3A_319 : i32
      %ne3A_321 = arith.constant 0 : i32
      %ne3A_322 = arith.cmpi ne, %rem3A_320, %ne3A_321 : i32
      %lt3A_323 = arith.constant 0 : i32
      %lt3A_324 = arith.cmpi slt, %rem3A_320, %lt3A_323 : i32
      %lt3A_325 = arith.constant 0 : i32
      %lt3A_326 = arith.cmpi slt, %select_n3A_319, %lt3A_325 : i32
      %ne3A_327 = arith.xori %lt3A_324, %lt3A_326 : i1
      %and3A_328 = arith.andi %ne3A_327, %ne3A_322 : i1
      %add3A_329 = arith.addi %rem3A_320, %select_n3A_319 : i32
      %select_n3A_330 = arith.select %and3A_328, %add3A_329, %rem3A_320 : i32
      %dma_start3A_331 = arith.constant 0 : i32
      %dma_start3A_332 = arith.constant 0 : i32
      %dma_start3A_333 = tpu.memref_slice %arg4[%select_n3A_330, %dma_start3A_331, %dma_start3A_332] : memref<2x4x128xi32, #tpu.memory_space<vmem>> -> memref<1x1x128xi32, #tpu.memory_space<vmem>>
      %dma_start3A_334 = tpu.memref_squeeze %dma_start3A_333 : memref<1x1x128xi32, #tpu.memory_space<vmem>> -> memref<128xi32, #tpu.memory_space<vmem>>
      %dma_start3A_335 = arith.constant 0 : i32
      %dma_start3A_336 = tpu.memref_slice %arg7[%dma_start3A_335] : memref<10240xf32, #tpu.memory_space<vmem_shared>> -> memref<10240xf32, #tpu.memory_space<vmem_shared>>
      tpu.enqueue_indirect_dma source(%arg5 : memref<128xf32, #tpu.memory_space<vmem>>) target(%dma_start3A_336 : memref<10240xf32, #tpu.memory_space<vmem_shared>>) offsets(%dma_start3A_334 : memref<128xi32, #tpu.memory_space<vmem>>) semaphore(%arg8 : memref<!tpu.dma_semaphore, #tpu.memory_space<semaphore_mem>>) {add = true}
      %jit3A_337 = arith.constant 2 : i32
      %eq3A_338 = arith.constant 0 : i32
      %eq3A_339 = arith.cmpi eq, %jit3A_337, %eq3A_338 : i32
      %jit3A_340 = arith.constant 1 : i32
      %select_n3A_341 = arith.select %eq3A_339, %jit3A_340, %jit3A_337 : i32
      %rem3A_342 = arith.remsi %scan3A_231, %select_n3A_341 : i32
      %ne3A_343 = arith.constant 0 : i32
      %ne3A_344 = arith.cmpi ne, %rem3A_342, %ne3A_343 : i32
      %lt3A_345 = arith.constant 0 : i32
      %lt3A_346 = arith.cmpi slt, %rem3A_342, %lt3A_345 : i32
      %lt3A_347 = arith.constant 0 : i32
      %lt3A_348 = arith.cmpi slt, %select_n3A_341, %lt3A_347 : i32
      %ne3A_349 = arith.xori %lt3A_346, %lt3A_348 : i1
      %and3A_350 = arith.andi %ne3A_349, %ne3A_344 : i1
      %add3A_351 = arith.addi %rem3A_342, %select_n3A_341 : i32
      %select_n3A_352 = arith.select %and3A_350, %add3A_351, %rem3A_342 : i32
      %dma_start3A_353 = arith.constant 1 : i32
      %dma_start3A_354 = arith.constant 0 : i32
      %dma_start3A_355 = tpu.memref_slice %arg4[%select_n3A_352, %dma_start3A_353, %dma_start3A_354] : memref<2x4x128xi32, #tpu.memory_space<vmem>> -> memref<1x1x128xi32, #tpu.memory_space<vmem>>
      %dma_start3A_356 = tpu.memref_squeeze %dma_start3A_355 : memref<1x1x128xi32, #tpu.memory_space<vmem>> -> memref<128xi32, #tpu.memory_space<vmem>>
      %dma_start3A_357 = arith.constant 0 : i32
      %dma_start3A_358 = tpu.memref_slice %arg7[%dma_start3A_357] : memref<10240xf32, #tpu.memory_space<vmem_shared>> -> memref<10240xf32, #tpu.memory_space<vmem_shared>>
      tpu.enqueue_indirect_dma source(%arg5 : memref<128xf32, #tpu.memory_space<vmem>>) target(%dma_start3A_358 : memref<10240xf32, #tpu.memory_space<vmem_shared>>) offsets(%dma_start3A_356 : memref<128xi32, #tpu.memory_space<vmem>>) semaphore(%arg8 : memref<!tpu.dma_semaphore, #tpu.memory_space<semaphore_mem>>) {add = true}
      %jit3A_359 = arith.constant 2 : i32
      %eq3A_360 = arith.constant 0 : i32
      %eq3A_361 = arith.cmpi eq, %jit3A_359, %eq3A_360 : i32
      %jit3A_362 = arith.constant 1 : i32
      %select_n3A_363 = arith.select %eq3A_361, %jit3A_362, %jit3A_359 : i32
      %rem3A_364 = arith.remsi %scan3A_231, %select_n3A_363 : i32
      %ne3A_365 = arith.constant 0 : i32
      %ne3A_366 = arith.cmpi ne, %rem3A_364, %ne3A_365 : i32
      %lt3A_367 = arith.constant 0 : i32
      %lt3A_368 = arith.cmpi slt, %rem3A_364, %lt3A_367 : i32
      %lt3A_369 = arith.constant 0 : i32
      %lt3A_370 = arith.cmpi slt, %select_n3A_363, %lt3A_369 : i32
      %ne3A_371 = arith.xori %lt3A_368, %lt3A_370 : i1
      %and3A_372 = arith.andi %ne3A_371, %ne3A_366 : i1
      %add3A_373 = arith.addi %rem3A_364, %select_n3A_363 : i32
      %select_n3A_374 = arith.select %and3A_372, %add3A_373, %rem3A_364 : i32
      %dma_start3A_375 = arith.constant 2 : i32
      %dma_start3A_376 = arith.constant 0 : i32
      %dma_start3A_377 = tpu.memref_slice %arg4[%select_n3A_374, %dma_start3A_375, %dma_start3A_376] : memref<2x4x128xi32, #tpu.memory_space<vmem>> -> memref<1x1x128xi32, #tpu.memory_space<vmem>>
      %dma_start3A_378 = tpu.memref_squeeze %dma_start3A_377 : memref<1x1x128xi32, #tpu.memory_space<vmem>> -> memref<128xi32, #tpu.memory_space<vmem>>
      %dma_start3A_379 = arith.constant 0 : i32
      %dma_start3A_380 = tpu.memref_slice %arg7[%dma_start3A_379] : memref<10240xf32, #tpu.memory_space<vmem_shared>> -> memref<10240xf32, #tpu.memory_space<vmem_shared>>
      tpu.enqueue_indirect_dma source(%arg5 : memref<128xf32, #tpu.memory_space<vmem>>) target(%dma_start3A_380 : memref<10240xf32, #tpu.memory_space<vmem_shared>>) offsets(%dma_start3A_378 : memref<128xi32, #tpu.memory_space<vmem>>) semaphore(%arg8 : memref<!tpu.dma_semaphore, #tpu.memory_space<semaphore_mem>>) {add = true}
      %jit3A_381 = arith.constant 2 : i32
      %eq3A_382 = arith.constant 0 : i32
      %eq3A_383 = arith.cmpi eq, %jit3A_381, %eq3A_382 : i32
      %jit3A_384 = arith.constant 1 : i32
      %select_n3A_385 = arith.select %eq3A_383, %jit3A_384, %jit3A_381 : i32
      %rem3A_386 = arith.remsi %scan3A_231, %select_n3A_385 : i32
      %ne3A_387 = arith.constant 0 : i32
      %ne3A_388 = arith.cmpi ne, %rem3A_386, %ne3A_387 : i32
      %lt3A_389 = arith.constant 0 : i32
      %lt3A_390 = arith.cmpi slt, %rem3A_386, %lt3A_389 : i32
      %lt3A_391 = arith.constant 0 : i32
      %lt3A_392 = arith.cmpi slt, %select_n3A_385, %lt3A_391 : i32
      %ne3A_393 = arith.xori %lt3A_390, %lt3A_392 : i1
      %and3A_394 = arith.andi %ne3A_393, %ne3A_388 : i1
      %add3A_395 = arith.addi %rem3A_386, %select_n3A_385 : i32
      %select_n3A_396 = arith.select %and3A_394, %add3A_395, %rem3A_386 : i32
      %dma_start3A_397 = arith.constant 3 : i32
      %dma_start3A_398 = arith.constant 0 : i32
      %dma_start3A_399 = tpu.memref_slice %arg4[%select_n3A_396, %dma_start3A_397, %dma_start3A_398] : memref<2x4x128xi32, #tpu.memory_space<vmem>> -> memref<1x1x128xi32, #tpu.memory_space<vmem>>
      %dma_start3A_400 = tpu.memref_squeeze %dma_start3A_399 : memref<1x1x128xi32, #tpu.memory_space<vmem>> -> memref<128xi32, #tpu.memory_space<vmem>>
      %dma_start3A_401 = arith.constant 0 : i32
      %dma_start3A_402 = tpu.memref_slice %arg7[%dma_start3A_401] : memref<10240xf32, #tpu.memory_space<vmem_shared>> -> memref<10240xf32, #tpu.memory_space<vmem_shared>>
      tpu.enqueue_indirect_dma source(%arg5 : memref<128xf32, #tpu.memory_space<vmem>>) target(%dma_start3A_402 : memref<10240xf32, #tpu.memory_space<vmem_shared>>) offsets(%dma_start3A_400 : memref<128xi32, #tpu.memory_space<vmem>>) semaphore(%arg8 : memref<!tpu.dma_semaphore, #tpu.memory_space<semaphore_mem>>) {add = true}
    }
    %scan3A_130 = arith.constant 18 : i32
    %dma_wait3A_131 = arith.constant 0 : i32
    %dma_wait3A_132 = arith.constant 0 : i32
    %dma_wait3A_133 = arith.constant 0 : i32
    %dma_wait3A_134 = tpu.memref_slice %arg4[%dma_wait3A_131, %dma_wait3A_132, %dma_wait3A_133] : memref<2x4x128xi32, #tpu.memory_space<vmem>> -> memref<1x1x128xi32, #tpu.memory_space<vmem>>
    %dma_wait3A_135 = tpu.memref_squeeze %dma_wait3A_134 : memref<1x1x128xi32, #tpu.memory_space<vmem>> -> memref<128xi32, #tpu.memory_space<vmem>>
    %dma_wait3A_136 = arith.constant 0 : i32
    %dma_wait3A_137 = tpu.memref_slice %arg7[%dma_wait3A_136] : memref<10240xf32, #tpu.memory_space<vmem_shared>> -> memref<10240xf32, #tpu.memory_space<vmem_shared>>
    tpu.wait_indirect_dma semaphore(%arg8 : memref<!tpu.dma_semaphore, #tpu.memory_space<semaphore_mem>>) src(%arg5 : memref<128xf32, #tpu.memory_space<vmem>>) dst(%dma_wait3A_137 : memref<10240xf32, #tpu.memory_space<vmem_shared>>)
    %dma_wait3A_138 = arith.constant 0 : i32
    %dma_wait3A_139 = arith.constant 0 : i32
    %dma_wait3A_140 = arith.constant 0 : i32
    %dma_wait3A_141 = tpu.memref_slice %arg4[%dma_wait3A_138, %dma_wait3A_139, %dma_wait3A_140] : memref<2x4x128xi32, #tpu.memory_space<vmem>> -> memref<1x1x128xi32, #tpu.memory_space<vmem>>
    %dma_wait3A_142 = tpu.memref_squeeze %dma_wait3A_141 : memref<1x1x128xi32, #tpu.memory_space<vmem>> -> memref<128xi32, #tpu.memory_space<vmem>>
    %dma_wait3A_143 = arith.constant 0 : i32
    %dma_wait3A_144 = tpu.memref_slice %arg7[%dma_wait3A_143] : memref<10240xf32, #tpu.memory_space<vmem_shared>> -> memref<10240xf32, #tpu.memory_space<vmem_shared>>
    tpu.wait_indirect_dma semaphore(%arg8 : memref<!tpu.dma_semaphore, #tpu.memory_space<semaphore_mem>>) src(%arg5 : memref<128xf32, #tpu.memory_space<vmem>>) dst(%dma_wait3A_144 : memref<10240xf32, #tpu.memory_space<vmem_shared>>)
    %dma_wait3A_145 = arith.constant 0 : i32
    %dma_wait3A_146 = arith.constant 0 : i32
    %dma_wait3A_147 = arith.constant 0 : i32
    %dma_wait3A_148 = tpu.memref_slice %arg4[%dma_wait3A_145, %dma_wait3A_146, %dma_wait3A_147] : memref<2x4x128xi32, #tpu.memory_space<vmem>> -> memref<1x1x128xi32, #tpu.memory_space<vmem>>
    %dma_wait3A_149 = tpu.memref_squeeze %dma_wait3A_148 : memref<1x1x128xi32, #tpu.memory_space<vmem>> -> memref<128xi32, #tpu.memory_space<vmem>>
    %dma_wait3A_150 = arith.constant 0 : i32
    %dma_wait3A_151 = tpu.memref_slice %arg7[%dma_wait3A_150] : memref<10240xf32, #tpu.memory_space<vmem_shared>> -> memref<10240xf32, #tpu.memory_space<vmem_shared>>
    tpu.wait_indirect_dma semaphore(%arg8 : memref<!tpu.dma_semaphore, #tpu.memory_space<semaphore_mem>>) src(%arg5 : memref<128xf32, #tpu.memory_space<vmem>>) dst(%dma_wait3A_151 : memref<10240xf32, #tpu.memory_space<vmem_shared>>)
    %dma_wait3A_152 = arith.constant 0 : i32
    %dma_wait3A_153 = arith.constant 0 : i32
    %dma_wait3A_154 = arith.constant 0 : i32
    %dma_wait3A_155 = tpu.memref_slice %arg4[%dma_wait3A_152, %dma_wait3A_153, %dma_wait3A_154] : memref<2x4x128xi32, #tpu.memory_space<vmem>> -> memref<1x1x128xi32, #tpu.memory_space<vmem>>
    %dma_wait3A_156 = tpu.memref_squeeze %dma_wait3A_155 : memref<1x1x128xi32, #tpu.memory_space<vmem>> -> memref<128xi32, #tpu.memory_space<vmem>>
    %dma_wait3A_157 = arith.constant 0 : i32
    %dma_wait3A_158 = tpu.memref_slice %arg7[%dma_wait3A_157] : memref<10240xf32, #tpu.memory_space<vmem_shared>> -> memref<10240xf32, #tpu.memory_space<vmem_shared>>
    tpu.wait_indirect_dma semaphore(%arg8 : memref<!tpu.dma_semaphore, #tpu.memory_space<semaphore_mem>>) src(%arg5 : memref<128xf32, #tpu.memory_space<vmem>>) dst(%dma_wait3A_158 : memref<10240xf32, #tpu.memory_space<vmem_shared>>)
    %dma_wait3A_159 = arith.constant 1 : i32
    %dma_wait3A_160 = arith.constant 0 : i32
    %dma_wait3A_161 = arith.constant 0 : i32
    %dma_wait3A_162 = tpu.memref_slice %arg4[%dma_wait3A_159, %dma_wait3A_160, %dma_wait3A_161] : memref<2x4x128xi32, #tpu.memory_space<vmem>> -> memref<1x4x128xi32, #tpu.memory_space<vmem>>
    %dma_wait3A_163 = tpu.memref_squeeze %dma_wait3A_162 : memref<1x4x128xi32, #tpu.memory_space<vmem>> -> memref<4x128xi32, #tpu.memory_space<vmem>>
    %dma_wait3A_164 = arith.constant 0 : i32
    %dma_wait3A_165 = tpu.memref_slice %arg2[%mul3A_55, %dma_wait3A_164] : memref<2560x128xi32, #tpu.memory_space<hbm>> -> memref<4x128xi32, #tpu.memory_space<hbm>>
    %dma_wait3A_166 = arith.constant 0 : i32
    %dma_wait3A_167 = arith.constant 0 : i32
    %dma_wait3A_168 = tpu.memref_slice %arg4[%dma_wait3A_159, %dma_wait3A_166, %dma_wait3A_167] : memref<2x4x128xi32, #tpu.memory_space<vmem>> -> memref<1x4x128xi32, #tpu.memory_space<vmem>>
    %dma_wait3A_169 = tpu.memref_squeeze %dma_wait3A_168 : memref<1x4x128xi32, #tpu.memory_space<vmem>> -> memref<4x128xi32, #tpu.memory_space<vmem>>
    %dma_wait3A_170 = arith.constant 0 : i32
    %dma_wait3A_171 = tpu.memref_slice %arg2[%mul3A_55, %dma_wait3A_170] : memref<2560x128xi32, #tpu.memory_space<hbm>> -> memref<4x128xi32, #tpu.memory_space<hbm>>
    tpu.wait_dma2 semaphore(%arg9 : memref<!tpu.dma_semaphore, #tpu.memory_space<semaphore_mem>>) src(%dma_wait3A_171 : memref<4x128xi32, #tpu.memory_space<hbm>>) dst(%dma_wait3A_169 : memref<4x128xi32, #tpu.memory_space<vmem>>)
    %dma_start3A_172 = arith.constant 1 : i32
    %dma_start3A_173 = arith.constant 0 : i32
    %dma_start3A_174 = arith.constant 0 : i32
    %dma_start3A_175 = tpu.memref_slice %arg4[%dma_start3A_172, %dma_start3A_173, %dma_start3A_174] : memref<2x4x128xi32, #tpu.memory_space<vmem>> -> memref<1x1x128xi32, #tpu.memory_space<vmem>>
    %dma_start3A_176 = tpu.memref_squeeze %dma_start3A_175 : memref<1x1x128xi32, #tpu.memory_space<vmem>> -> memref<128xi32, #tpu.memory_space<vmem>>
    %dma_start3A_177 = arith.constant 0 : i32
    %dma_start3A_178 = tpu.memref_slice %arg7[%dma_start3A_177] : memref<10240xf32, #tpu.memory_space<vmem_shared>> -> memref<10240xf32, #tpu.memory_space<vmem_shared>>
    tpu.enqueue_indirect_dma source(%arg5 : memref<128xf32, #tpu.memory_space<vmem>>) target(%dma_start3A_178 : memref<10240xf32, #tpu.memory_space<vmem_shared>>) offsets(%dma_start3A_176 : memref<128xi32, #tpu.memory_space<vmem>>) semaphore(%arg8 : memref<!tpu.dma_semaphore, #tpu.memory_space<semaphore_mem>>) {add = true}
    %dma_start3A_179 = arith.constant 1 : i32
    %dma_start3A_180 = arith.constant 1 : i32
    %dma_start3A_181 = arith.constant 0 : i32
    %dma_start3A_182 = tpu.memref_slice %arg4[%dma_start3A_179, %dma_start3A_180, %dma_start3A_181] : memref<2x4x128xi32, #tpu.memory_space<vmem>> -> memref<1x1x128xi32, #tpu.memory_space<vmem>>
    %dma_start3A_183 = tpu.memref_squeeze %dma_start3A_182 : memref<1x1x128xi32, #tpu.memory_space<vmem>> -> memref<128xi32, #tpu.memory_space<vmem>>
    %dma_start3A_184 = arith.constant 0 : i32
    %dma_start3A_185 = tpu.memref_slice %arg7[%dma_start3A_184] : memref<10240xf32, #tpu.memory_space<vmem_shared>> -> memref<10240xf32, #tpu.memory_space<vmem_shared>>
    tpu.enqueue_indirect_dma source(%arg5 : memref<128xf32, #tpu.memory_space<vmem>>) target(%dma_start3A_185 : memref<10240xf32, #tpu.memory_space<vmem_shared>>) offsets(%dma_start3A_183 : memref<128xi32, #tpu.memory_space<vmem>>) semaphore(%arg8 : memref<!tpu.dma_semaphore, #tpu.memory_space<semaphore_mem>>) {add = true}
    %dma_start3A_186 = arith.constant 1 : i32
    %dma_start3A_187 = arith.constant 2 : i32
    %dma_start3A_188 = arith.constant 0 : i32
    %dma_start3A_189 = tpu.memref_slice %arg4[%dma_start3A_186, %dma_start3A_187, %dma_start3A_188] : memref<2x4x128xi32, #tpu.memory_space<vmem>> -> memref<1x1x128xi32, #tpu.memory_space<vmem>>
    %dma_start3A_190 = tpu.memref_squeeze %dma_start3A_189 : memref<1x1x128xi32, #tpu.memory_space<vmem>> -> memref<128xi32, #tpu.memory_space<vmem>>
    %dma_start3A_191 = arith.constant 0 : i32
    %dma_start3A_192 = tpu.memref_slice %arg7[%dma_start3A_191] : memref<10240xf32, #tpu.memory_space<vmem_shared>> -> memref<10240xf32, #tpu.memory_space<vmem_shared>>
    tpu.enqueue_indirect_dma source(%arg5 : memref<128xf32, #tpu.memory_space<vmem>>) target(%dma_start3A_192 : memref<10240xf32, #tpu.memory_space<vmem_shared>>) offsets(%dma_start3A_190 : memref<128xi32, #tpu.memory_space<vmem>>) semaphore(%arg8 : memref<!tpu.dma_semaphore, #tpu.memory_space<semaphore_mem>>) {add = true}
    %dma_start3A_193 = arith.constant 1 : i32
    %dma_start3A_194 = arith.constant 3 : i32
    %dma_start3A_195 = arith.constant 0 : i32
    %dma_start3A_196 = tpu.memref_slice %arg4[%dma_start3A_193, %dma_start3A_194, %dma_start3A_195] : memref<2x4x128xi32, #tpu.memory_space<vmem>> -> memref<1x1x128xi32, #tpu.memory_space<vmem>>
    %dma_start3A_197 = tpu.memref_squeeze %dma_start3A_196 : memref<1x1x128xi32, #tpu.memory_space<vmem>> -> memref<128xi32, #tpu.memory_space<vmem>>
    %dma_start3A_198 = arith.constant 0 : i32
    %dma_start3A_199 = tpu.memref_slice %arg7[%dma_start3A_198] : memref<10240xf32, #tpu.memory_space<vmem_shared>> -> memref<10240xf32, #tpu.memory_space<vmem_shared>>
    tpu.enqueue_indirect_dma source(%arg5 : memref<128xf32, #tpu.memory_space<vmem>>) target(%dma_start3A_199 : memref<10240xf32, #tpu.memory_space<vmem_shared>>) offsets(%dma_start3A_197 : memref<128xi32, #tpu.memory_space<vmem>>) semaphore(%arg8 : memref<!tpu.dma_semaphore, #tpu.memory_space<semaphore_mem>>) {add = true}
    %dma_wait3A_200 = arith.constant 0 : i32
    %dma_wait3A_201 = arith.constant 0 : i32
    %dma_wait3A_202 = arith.constant 0 : i32
    %dma_wait3A_203 = tpu.memref_slice %arg4[%dma_wait3A_200, %dma_wait3A_201, %dma_wait3A_202] : memref<2x4x128xi32, #tpu.memory_space<vmem>> -> memref<1x1x128xi32, #tpu.memory_space<vmem>>
    %dma_wait3A_204 = tpu.memref_squeeze %dma_wait3A_203 : memref<1x1x128xi32, #tpu.memory_space<vmem>> -> memref<128xi32, #tpu.memory_space<vmem>>
    %dma_wait3A_205 = arith.constant 0 : i32
    %dma_wait3A_206 = tpu.memref_slice %arg7[%dma_wait3A_205] : memref<10240xf32, #tpu.memory_space<vmem_shared>> -> memref<10240xf32, #tpu.memory_space<vmem_shared>>
    tpu.wait_indirect_dma semaphore(%arg8 : memref<!tpu.dma_semaphore, #tpu.memory_space<semaphore_mem>>) src(%arg5 : memref<128xf32, #tpu.memory_space<vmem>>) dst(%dma_wait3A_206 : memref<10240xf32, #tpu.memory_space<vmem_shared>>)
    %dma_wait3A_207 = arith.constant 0 : i32
    %dma_wait3A_208 = arith.constant 0 : i32
    %dma_wait3A_209 = arith.constant 0 : i32
    %dma_wait3A_210 = tpu.memref_slice %arg4[%dma_wait3A_207, %dma_wait3A_208, %dma_wait3A_209] : memref<2x4x128xi32, #tpu.memory_space<vmem>> -> memref<1x1x128xi32, #tpu.memory_space<vmem>>
    %dma_wait3A_211 = tpu.memref_squeeze %dma_wait3A_210 : memref<1x1x128xi32, #tpu.memory_space<vmem>> -> memref<128xi32, #tpu.memory_space<vmem>>
    %dma_wait3A_212 = arith.constant 0 : i32
    %dma_wait3A_213 = tpu.memref_slice %arg7[%dma_wait3A_212] : memref<10240xf32, #tpu.memory_space<vmem_shared>> -> memref<10240xf32, #tpu.memory_space<vmem_shared>>
    tpu.wait_indirect_dma semaphore(%arg8 : memref<!tpu.dma_semaphore, #tpu.memory_space<semaphore_mem>>) src(%arg5 : memref<128xf32, #tpu.memory_space<vmem>>) dst(%dma_wait3A_213 : memref<10240xf32, #tpu.memory_space<vmem_shared>>)
    %dma_wait3A_214 = arith.constant 0 : i32
    %dma_wait3A_215 = arith.constant 0 : i32
    %dma_wait3A_216 = arith.constant 0 : i32
    %dma_wait3A_217 = tpu.memref_slice %arg4[%dma_wait3A_214, %dma_wait3A_215, %dma_wait3A_216] : memref<2x4x128xi32, #tpu.memory_space<vmem>> -> memref<1x1x128xi32, #tpu.memory_space<vmem>>
    %dma_wait3A_218 = tpu.memref_squeeze %dma_wait3A_217 : memref<1x1x128xi32, #tpu.memory_space<vmem>> -> memref<128xi32, #tpu.memory_space<vmem>>
    %dma_wait3A_219 = arith.constant 0 : i32
    %dma_wait3A_220 = tpu.memref_slice %arg7[%dma_wait3A_219] : memref<10240xf32, #tpu.memory_space<vmem_shared>> -> memref<10240xf32, #tpu.memory_space<vmem_shared>>
    tpu.wait_indirect_dma semaphore(%arg8 : memref<!tpu.dma_semaphore, #tpu.memory_space<semaphore_mem>>) src(%arg5 : memref<128xf32, #tpu.memory_space<vmem>>) dst(%dma_wait3A_220 : memref<10240xf32, #tpu.memory_space<vmem_shared>>)
    %dma_wait3A_221 = arith.constant 0 : i32
    %dma_wait3A_222 = arith.constant 0 : i32
    %dma_wait3A_223 = arith.constant 0 : i32
    %dma_wait3A_224 = tpu.memref_slice %arg4[%dma_wait3A_221, %dma_wait3A_222, %dma_wait3A_223] : memref<2x4x128xi32, #tpu.memory_space<vmem>> -> memref<1x1x128xi32, #tpu.memory_space<vmem>>
    %dma_wait3A_225 = tpu.memref_squeeze %dma_wait3A_224 : memref<1x1x128xi32, #tpu.memory_space<vmem>> -> memref<128xi32, #tpu.memory_space<vmem>>
    %dma_wait3A_226 = arith.constant 0 : i32
    %dma_wait3A_227 = tpu.memref_slice %arg7[%dma_wait3A_226] : memref<10240xf32, #tpu.memory_space<vmem_shared>> -> memref<10240xf32, #tpu.memory_space<vmem_shared>>
    tpu.wait_indirect_dma semaphore(%arg8 : memref<!tpu.dma_semaphore, #tpu.memory_space<semaphore_mem>>) src(%arg5 : memref<128xf32, #tpu.memory_space<vmem>>) dst(%dma_wait3A_227 : memref<10240xf32, #tpu.memory_space<vmem_shared>>)
    %barrier3A_228 = arith.constant 0 : index
    tpu.barrier barrier_id(%barrier3A_228)
    %mul3A_229 = arith.constant 640 : i32
    %mul3A_230 = arith.muli %arg1, %mul3A_229 : i32
    "tpu.region"() ({
      %run_scoped3A = tpu.sem_alloc : memref<!tpu.dma_semaphore, #tpu.memory_space<semaphore_mem>>
      %dma_start3A_231 = tpu.memref_slice %arg3[%arg0, %mul3A_230] : memref<2x10240xf32, #tpu.memory_space<hbm>> -> memref<1x640xf32, #tpu.memory_space<hbm>>
      %dma_start3A_232 = tpu.memref_squeeze %dma_start3A_231 : memref<1x640xf32, #tpu.memory_space<hbm>> -> memref<640xf32, #tpu.memory_space<hbm>>
      %dma_start3A_233 = tpu.memref_slice %arg7[%mul3A_230] : memref<10240xf32, #tpu.memory_space<vmem_shared>> -> memref<640xf32, #tpu.memory_space<vmem_shared>>
      tpu.enqueue_dma source(%dma_start3A_233 : memref<640xf32, #tpu.memory_space<vmem_shared>>) target(%dma_start3A_232 : memref<640xf32, #tpu.memory_space<hbm>>) target_semaphore(%run_scoped3A : memref<!tpu.dma_semaphore, #tpu.memory_space<semaphore_mem>>)
      %dma_wait3A_234 = tpu.memref_slice %arg3[%arg0, %mul3A_230] : memref<2x10240xf32, #tpu.memory_space<hbm>> -> memref<1x640xf32, #tpu.memory_space<hbm>>
      %dma_wait3A_235 = tpu.memref_squeeze %dma_wait3A_234 : memref<1x640xf32, #tpu.memory_space<hbm>> -> memref<640xf32, #tpu.memory_space<hbm>>
      %dma_wait3A_236 = tpu.memref_slice %arg7[%mul3A_230] : memref<10240xf32, #tpu.memory_space<vmem_shared>> -> memref<640xf32, #tpu.memory_space<vmem_shared>>
      tpu.wait_dma2 semaphore(%run_scoped3A : memref<!tpu.dma_semaphore, #tpu.memory_space<semaphore_mem>>) src(%dma_wait3A_236 : memref<640xf32, #tpu.memory_space<vmem_shared>>) dst(%dma_wait3A_235 : memref<640xf32, #tpu.memory_space<hbm>>)
      tpu.yield
    }) : () -> ()
    return
  }
}

#map = affine_map<(d0, d1) -> (0, 0)>
#map1 = affine_map<(d0, d1) -> (0, 0, 0)>
module attributes {stable_mosaic.version = 14 : i64} {
  func.func @_agg_sc(%arg0: i32, %arg1: i32, %arg2: memref<20480x64xf32, #tpu.memory_space<hbm>>, %arg3: memref<2560x128xi32, #tpu.memory_space<hbm>>, %arg4: memref<2560x128xi32, #tpu.memory_space<hbm>>, %arg5: memref<2x10240x64xf32, #tpu.memory_space<hbm>>, %arg6: memref<4x2x128xi32, #tpu.memory_space<vmem>>, %arg7: memref<4x2x128xi32, #tpu.memory_space<vmem>>, %arg8: memref<4x128x64xf32, #tpu.memory_space<vmem>>, %arg9: memref<10240x64xf32, #tpu.memory_space<vmem_shared>>, %arg10: memref<10240x64xf32, #tpu.memory_space<vmem_shared>>, %arg11: memref<!tpu.dma_semaphore, #tpu.memory_space<semaphore_mem>>, %arg12: memref<!tpu.dma_semaphore, #tpu.memory_space<semaphore_mem>>, %arg13: memref<!tpu.dma_semaphore, #tpu.memory_space<semaphore_mem>>) attributes {dimension_semantics = [#tpu.dimension_semantics<core_parallel>, #tpu.dimension_semantics<subcore_parallel>], iteration_bounds = array<i64: 2, 16>, scalar_prefetch = 0 : i64, scratch_operands = 8 : i64, tpu.core_type = #tpu.core_type<sc_vector_subcore>, window_params = [{transform_indices = #map}, {transform_indices = #map}, {transform_indices = #map}, {transform_indices = #map1}]} {
    %scan3A = arith.constant 0 : i32
    %scan3A_0 = arith.constant 0 : i32
    %scan3A_1 = arith.constant 128 : i32
    %scan3A_2 = arith.addi %scan3A_0, %scan3A_1 : i32
    %scan3A_3 = arith.constant 1 : i32
    scf.for %scan3A_701 = %scan3A_0 to %scan3A_2 step %scan3A_3  : i32 {
      %broadcast_in_dim3A = arith.constant 0.000000e+00 : f32
      %broadcast_in_dim3A_702 = vector.broadcast %broadcast_in_dim3A : f32 to vector<16xf32>
      %swap3A = arith.constant 0 : i32
      %swap3A_703 = arith.index_cast %swap3A : i32 to index
      %swap3A_704 = arith.index_cast %scan3A_701 : i32 to index
      %swap3A_705 = arith.constant 0 : index
      %swap3A_706 = tpu.vector_load %arg8[%swap3A_703, %swap3A_704, %swap3A_705] {strides = array<i32>} : memref<4x128x64xf32, #tpu.memory_space<vmem>>, vector<1x1x16xf32>,
      %swap3A_707 = vector.shape_cast %swap3A_706 : vector<1x1x16xf32> to vector<16xf32>
      %swap3A_708 = vector.shape_cast %broadcast_in_dim3A_702 : vector<16xf32> to vector<1x1x16xf32>
      tpu.vector_store %arg8[%swap3A_703, %swap3A_704, %swap3A_705], %swap3A_708 {strides = array<i32>} : memref<4x128x64xf32, #tpu.memory_space<vmem>>, vector<1x1x16xf32>,
      %broadcast_in_dim3A_709 = arith.constant 0.000000e+00 : f32
      %broadcast_in_dim3A_710 = vector.broadcast %broadcast_in_dim3A_709 : f32 to vector<16xf32>
      %swap3A_711 = arith.constant 0 : i32
      %swap3A_712 = arith.index_cast %swap3A_711 : i32 to index
      %swap3A_713 = arith.index_cast %scan3A_701 : i32 to index
      %swap3A_714 = arith.constant 16 : index
      %swap3A_715 = tpu.vector_load %arg8[%swap3A_712, %swap3A_713, %swap3A_714] {strides = array<i32>} : memref<4x128x64xf32, #tpu.memory_space<vmem>>, vector<1x1x16xf32>,
      %swap3A_716 = vector.shape_cast %swap3A_715 : vector<1x1x16xf32> to vector<16xf32>
      %swap3A_717 = vector.shape_cast %broadcast_in_dim3A_710 : vector<16xf32> to vector<1x1x16xf32>
      tpu.vector_store %arg8[%swap3A_712, %swap3A_713, %swap3A_714], %swap3A_717 {strides = array<i32>} : memref<4x128x64xf32, #tpu.memory_space<vmem>>, vector<1x1x16xf32>,
      %broadcast_in_dim3A_718 = arith.constant 0.000000e+00 : f32
      %broadcast_in_dim3A_719 = vector.broadcast %broadcast_in_dim3A_718 : f32 to vector<16xf32>
      %swap3A_720 = arith.constant 0 : i32
      %swap3A_721 = arith.index_cast %swap3A_720 : i32 to index
      %swap3A_722 = arith.index_cast %scan3A_701 : i32 to index
      %swap3A_723 = arith.constant 32 : index
      %swap3A_724 = tpu.vector_load %arg8[%swap3A_721, %swap3A_722, %swap3A_723] {strides = array<i32>} : memref<4x128x64xf32, #tpu.memory_space<vmem>>, vector<1x1x16xf32>,
      %swap3A_725 = vector.shape_cast %swap3A_724 : vector<1x1x16xf32> to vector<16xf32>
      %swap3A_726 = vector.shape_cast %broadcast_in_dim3A_719 : vector<16xf32> to vector<1x1x16xf32>
      tpu.vector_store %arg8[%swap3A_721, %swap3A_722, %swap3A_723], %swap3A_726 {strides = array<i32>} : memref<4x128x64xf32, #tpu.memory_space<vmem>>, vector<1x1x16xf32>,
      %broadcast_in_dim3A_727 = arith.constant 0.000000e+00 : f32
      %broadcast_in_dim3A_728 = vector.broadcast %broadcast_in_dim3A_727 : f32 to vector<16xf32>
      %swap3A_729 = arith.constant 0 : i32
      %swap3A_730 = arith.index_cast %swap3A_729 : i32 to index
      %swap3A_731 = arith.index_cast %scan3A_701 : i32 to index
      %swap3A_732 = arith.constant 48 : index
      %swap3A_733 = tpu.vector_load %arg8[%swap3A_730, %swap3A_731, %swap3A_732] {strides = array<i32>} : memref<4x128x64xf32, #tpu.memory_space<vmem>>, vector<1x1x16xf32>,
      %swap3A_734 = vector.shape_cast %swap3A_733 : vector<1x1x16xf32> to vector<16xf32>
      %swap3A_735 = vector.shape_cast %broadcast_in_dim3A_728 : vector<16xf32> to vector<1x1x16xf32>
      tpu.vector_store %arg8[%swap3A_730, %swap3A_731, %swap3A_732], %swap3A_735 {strides = array<i32>} : memref<4x128x64xf32, #tpu.memory_space<vmem>>, vector<1x1x16xf32>,
    }
    %scan3A_4 = arith.constant 128 : i32
    %mul3A = arith.constant 640 : i32
    %mul3A_5 = arith.muli %arg1, %mul3A : i32
    %add3A = arith.constant 0 : i32
    %add3A_6 = arith.addi %mul3A_5, %add3A : i32
    %run_scoped3A = arith.constant 0 : i32
    "tpu.region"() ({
      %run_scoped3A_701 = tpu.sem_alloc : memref<!tpu.dma_semaphore, #tpu.memory_space<semaphore_mem>>
      %dma_start3A_702 = arith.constant 0 : i32
      %dma_start3A_703 = arith.constant 0 : i32
      %dma_start3A_704 = tpu.memref_slice %arg8[%run_scoped3A, %dma_start3A_702, %dma_start3A_703] : memref<4x128x64xf32, #tpu.memory_space<vmem>> -> memref<1x128x64xf32, #tpu.memory_space<vmem>>
      %dma_start3A_705 = tpu.memref_squeeze %dma_start3A_704 : memref<1x128x64xf32, #tpu.memory_space<vmem>> -> memref<128x64xf32, #tpu.memory_space<vmem>>
      %dma_start3A_706 = arith.constant 0 : i32
      %dma_start3A_707 = tpu.memref_slice %arg9[%add3A_6, %dma_start3A_706] : memref<10240x64xf32, #tpu.memory_space<vmem_shared>> -> memref<128x64xf32, #tpu.memory_space<vmem_shared>>
      %dma_start3A_708 = arith.constant 0 : i32
      %dma_start3A_709 = tpu.memref_slice %arg9[%add3A_6, %dma_start3A_708] : memref<10240x64xf32, #tpu.memory_space<vmem_shared>> -> memref<128x64xf32, #tpu.memory_space<vmem_shared>>
      %dma_start3A_710 = arith.constant 0 : i32
      %dma_start3A_711 = arith.constant 0 : i32
      %dma_start3A_712 = tpu.memref_slice %arg8[%run_scoped3A, %dma_start3A_710, %dma_start3A_711] : memref<4x128x64xf32, #tpu.memory_space<vmem>> -> memref<1x128x64xf32, #tpu.memory_space<vmem>>
      %dma_start3A_713 = tpu.memref_squeeze %dma_start3A_712 : memref<1x128x64xf32, #tpu.memory_space<vmem>> -> memref<128x64xf32, #tpu.memory_space<vmem>>
      tpu.enqueue_dma source(%dma_start3A_713 : memref<128x64xf32, #tpu.memory_space<vmem>>) target(%dma_start3A_709 : memref<128x64xf32, #tpu.memory_space<vmem_shared>>) target_semaphore(%run_scoped3A_701 : memref<!tpu.dma_semaphore, #tpu.memory_space<semaphore_mem>>)
      %dma_wait3A_714 = arith.constant 0 : i32
      %dma_wait3A_715 = arith.constant 0 : i32
      %dma_wait3A_716 = tpu.memref_slice %arg8[%run_scoped3A, %dma_wait3A_714, %dma_wait3A_715] : memref<4x128x64xf32, #tpu.memory_space<vmem>> -> memref<1x128x64xf32, #tpu.memory_space<vmem>>
      %dma_wait3A_717 = tpu.memref_squeeze %dma_wait3A_716 : memref<1x128x64xf32, #tpu.memory_space<vmem>> -> memref<128x64xf32, #tpu.memory_space<vmem>>
      %dma_wait3A_718 = arith.constant 0 : i32
      %dma_wait3A_719 = tpu.memref_slice %arg9[%add3A_6, %dma_wait3A_718] : memref<10240x64xf32, #tpu.memory_space<vmem_shared>> -> memref<128x64xf32, #tpu.memory_space<vmem_shared>>
      %dma_wait3A_720 = arith.constant 0 : i32
      %dma_wait3A_721 = tpu.memref_slice %arg9[%add3A_6, %dma_wait3A_720] : memref<10240x64xf32, #tpu.memory_space<vmem_shared>> -> memref<128x64xf32, #tpu.memory_space<vmem_shared>>
      %dma_wait3A_722 = arith.constant 0 : i32
      %dma_wait3A_723 = arith.constant 0 : i32
      %dma_wait3A_724 = tpu.memref_slice %arg8[%run_scoped3A, %dma_wait3A_722, %dma_wait3A_723] : memref<4x128x64xf32, #tpu.memory_space<vmem>> -> memref<1x128x64xf32, #tpu.memory_space<vmem>>
      %dma_wait3A_725 = tpu.memref_squeeze %dma_wait3A_724 : memref<1x128x64xf32, #tpu.memory_space<vmem>> -> memref<128x64xf32, #tpu.memory_space<vmem>>
      tpu.wait_dma2 semaphore(%run_scoped3A_701 : memref<!tpu.dma_semaphore, #tpu.memory_space<semaphore_mem>>) src(%dma_wait3A_725 : memref<128x64xf32, #tpu.memory_space<vmem>>) dst(%dma_wait3A_721 : memref<128x64xf32, #tpu.memory_space<vmem_shared>>)
      tpu.yield
    }) : () -> ()
    %mul3A_7 = arith.constant 640 : i32
    %mul3A_8 = arith.muli %arg1, %mul3A_7 : i32
    %add3A_9 = arith.constant 128 : i32
    %add3A_10 = arith.addi %mul3A_8, %add3A_9 : i32
    %run_scoped3A_11 = arith.constant 0 : i32
    "tpu.region"() ({
      %run_scoped3A_701 = tpu.sem_alloc : memref<!tpu.dma_semaphore, #tpu.memory_space<semaphore_mem>>
      %dma_start3A_702 = arith.constant 0 : i32
      %dma_start3A_703 = arith.constant 0 : i32
      %dma_start3A_704 = tpu.memref_slice %arg8[%run_scoped3A_11, %dma_start3A_702, %dma_start3A_703] : memref<4x128x64xf32, #tpu.memory_space<vmem>> -> memref<1x128x64xf32, #tpu.memory_space<vmem>>
      %dma_start3A_705 = tpu.memref_squeeze %dma_start3A_704 : memref<1x128x64xf32, #tpu.memory_space<vmem>> -> memref<128x64xf32, #tpu.memory_space<vmem>>
      %dma_start3A_706 = arith.constant 0 : i32
      %dma_start3A_707 = tpu.memref_slice %arg9[%add3A_10, %dma_start3A_706] : memref<10240x64xf32, #tpu.memory_space<vmem_shared>> -> memref<128x64xf32, #tpu.memory_space<vmem_shared>>
      %dma_start3A_708 = arith.constant 0 : i32
      %dma_start3A_709 = tpu.memref_slice %arg9[%add3A_10, %dma_start3A_708] : memref<10240x64xf32, #tpu.memory_space<vmem_shared>> -> memref<128x64xf32, #tpu.memory_space<vmem_shared>>
      %dma_start3A_710 = arith.constant 0 : i32
      %dma_start3A_711 = arith.constant 0 : i32
      %dma_start3A_712 = tpu.memref_slice %arg8[%run_scoped3A_11, %dma_start3A_710, %dma_start3A_711] : memref<4x128x64xf32, #tpu.memory_space<vmem>> -> memref<1x128x64xf32, #tpu.memory_space<vmem>>
      %dma_start3A_713 = tpu.memref_squeeze %dma_start3A_712 : memref<1x128x64xf32, #tpu.memory_space<vmem>> -> memref<128x64xf32, #tpu.memory_space<vmem>>
      tpu.enqueue_dma source(%dma_start3A_713 : memref<128x64xf32, #tpu.memory_space<vmem>>) target(%dma_start3A_709 : memref<128x64xf32, #tpu.memory_space<vmem_shared>>) target_semaphore(%run_scoped3A_701 : memref<!tpu.dma_semaphore, #tpu.memory_space<semaphore_mem>>)
      %dma_wait3A_714 = arith.constant 0 : i32
      %dma_wait3A_715 = arith.constant 0 : i32
      %dma_wait3A_716 = tpu.memref_slice %arg8[%run_scoped3A_11, %dma_wait3A_714, %dma_wait3A_715] : memref<4x128x64xf32, #tpu.memory_space<vmem>> -> memref<1x128x64xf32, #tpu.memory_space<vmem>>
      %dma_wait3A_717 = tpu.memref_squeeze %dma_wait3A_716 : memref<1x128x64xf32, #tpu.memory_space<vmem>> -> memref<128x64xf32, #tpu.memory_space<vmem>>
      %dma_wait3A_718 = arith.constant 0 : i32
      %dma_wait3A_719 = tpu.memref_slice %arg9[%add3A_10, %dma_wait3A_718] : memref<10240x64xf32, #tpu.memory_space<vmem_shared>> -> memref<128x64xf32, #tpu.memory_space<vmem_shared>>
      %dma_wait3A_720 = arith.constant 0 : i32
      %dma_wait3A_721 = tpu.memref_slice %arg9[%add3A_10, %dma_wait3A_720] : memref<10240x64xf32, #tpu.memory_space<vmem_shared>> -> memref<128x64xf32, #tpu.memory_space<vmem_shared>>
      %dma_wait3A_722 = arith.constant 0 : i32
      %dma_wait3A_723 = arith.constant 0 : i32
      %dma_wait3A_724 = tpu.memref_slice %arg8[%run_scoped3A_11, %dma_wait3A_722, %dma_wait3A_723] : memref<4x128x64xf32, #tpu.memory_space<vmem>> -> memref<1x128x64xf32, #tpu.memory_space<vmem>>
      %dma_wait3A_725 = tpu.memref_squeeze %dma_wait3A_724 : memref<1x128x64xf32, #tpu.memory_space<vmem>> -> memref<128x64xf32, #tpu.memory_space<vmem>>
      tpu.wait_dma2 semaphore(%run_scoped3A_701 : memref<!tpu.dma_semaphore, #tpu.memory_space<semaphore_mem>>) src(%dma_wait3A_725 : memref<128x64xf32, #tpu.memory_space<vmem>>) dst(%dma_wait3A_721 : memref<128x64xf32, #tpu.memory_space<vmem_shared>>)
      tpu.yield
    }) : () -> ()
    %mul3A_12 = arith.constant 640 : i32
    %mul3A_13 = arith.muli %arg1, %mul3A_12 : i32
    %add3A_14 = arith.constant 256 : i32
    %add3A_15 = arith.addi %mul3A_13, %add3A_14 : i32
    %run_scoped3A_16 = arith.constant 0 : i32
    "tpu.region"() ({
      %run_scoped3A_701 = tpu.sem_alloc : memref<!tpu.dma_semaphore, #tpu.memory_space<semaphore_mem>>
      %dma_start3A_702 = arith.constant 0 : i32
      %dma_start3A_703 = arith.constant 0 : i32
      %dma_start3A_704 = tpu.memref_slice %arg8[%run_scoped3A_16, %dma_start3A_702, %dma_start3A_703] : memref<4x128x64xf32, #tpu.memory_space<vmem>> -> memref<1x128x64xf32, #tpu.memory_space<vmem>>
      %dma_start3A_705 = tpu.memref_squeeze %dma_start3A_704 : memref<1x128x64xf32, #tpu.memory_space<vmem>> -> memref<128x64xf32, #tpu.memory_space<vmem>>
      %dma_start3A_706 = arith.constant 0 : i32
      %dma_start3A_707 = tpu.memref_slice %arg9[%add3A_15, %dma_start3A_706] : memref<10240x64xf32, #tpu.memory_space<vmem_shared>> -> memref<128x64xf32, #tpu.memory_space<vmem_shared>>
      %dma_start3A_708 = arith.constant 0 : i32
      %dma_start3A_709 = tpu.memref_slice %arg9[%add3A_15, %dma_start3A_708] : memref<10240x64xf32, #tpu.memory_space<vmem_shared>> -> memref<128x64xf32, #tpu.memory_space<vmem_shared>>
      %dma_start3A_710 = arith.constant 0 : i32
      %dma_start3A_711 = arith.constant 0 : i32
      %dma_start3A_712 = tpu.memref_slice %arg8[%run_scoped3A_16, %dma_start3A_710, %dma_start3A_711] : memref<4x128x64xf32, #tpu.memory_space<vmem>> -> memref<1x128x64xf32, #tpu.memory_space<vmem>>
      %dma_start3A_713 = tpu.memref_squeeze %dma_start3A_712 : memref<1x128x64xf32, #tpu.memory_space<vmem>> -> memref<128x64xf32, #tpu.memory_space<vmem>>
      tpu.enqueue_dma source(%dma_start3A_713 : memref<128x64xf32, #tpu.memory_space<vmem>>) target(%dma_start3A_709 : memref<128x64xf32, #tpu.memory_space<vmem_shared>>) target_semaphore(%run_scoped3A_701 : memref<!tpu.dma_semaphore, #tpu.memory_space<semaphore_mem>>)
      %dma_wait3A_714 = arith.constant 0 : i32
      %dma_wait3A_715 = arith.constant 0 : i32
      %dma_wait3A_716 = tpu.memref_slice %arg8[%run_scoped3A_16, %dma_wait3A_714, %dma_wait3A_715] : memref<4x128x64xf32, #tpu.memory_space<vmem>> -> memref<1x128x64xf32, #tpu.memory_space<vmem>>
      %dma_wait3A_717 = tpu.memref_squeeze %dma_wait3A_716 : memref<1x128x64xf32, #tpu.memory_space<vmem>> -> memref<128x64xf32, #tpu.memory_space<vmem>>
      %dma_wait3A_718 = arith.constant 0 : i32
      %dma_wait3A_719 = tpu.memref_slice %arg9[%add3A_15, %dma_wait3A_718] : memref<10240x64xf32, #tpu.memory_space<vmem_shared>> -> memref<128x64xf32, #tpu.memory_space<vmem_shared>>
      %dma_wait3A_720 = arith.constant 0 : i32
      %dma_wait3A_721 = tpu.memref_slice %arg9[%add3A_15, %dma_wait3A_720] : memref<10240x64xf32, #tpu.memory_space<vmem_shared>> -> memref<128x64xf32, #tpu.memory_space<vmem_shared>>
      %dma_wait3A_722 = arith.constant 0 : i32
      %dma_wait3A_723 = arith.constant 0 : i32
      %dma_wait3A_724 = tpu.memref_slice %arg8[%run_scoped3A_16, %dma_wait3A_722, %dma_wait3A_723] : memref<4x128x64xf32, #tpu.memory_space<vmem>> -> memref<1x128x64xf32, #tpu.memory_space<vmem>>
      %dma_wait3A_725 = tpu.memref_squeeze %dma_wait3A_724 : memref<1x128x64xf32, #tpu.memory_space<vmem>> -> memref<128x64xf32, #tpu.memory_space<vmem>>
      tpu.wait_dma2 semaphore(%run_scoped3A_701 : memref<!tpu.dma_semaphore, #tpu.memory_space<semaphore_mem>>) src(%dma_wait3A_725 : memref<128x64xf32, #tpu.memory_space<vmem>>) dst(%dma_wait3A_721 : memref<128x64xf32, #tpu.memory_space<vmem_shared>>)
      tpu.yield
    }) : () -> ()
    %mul3A_17 = arith.constant 640 : i32
    %mul3A_18 = arith.muli %arg1, %mul3A_17 : i32
    %add3A_19 = arith.constant 384 : i32
    %add3A_20 = arith.addi %mul3A_18, %add3A_19 : i32
    %run_scoped3A_21 = arith.constant 0 : i32
    "tpu.region"() ({
      %run_scoped3A_701 = tpu.sem_alloc : memref<!tpu.dma_semaphore, #tpu.memory_space<semaphore_mem>>
      %dma_start3A_702 = arith.constant 0 : i32
      %dma_start3A_703 = arith.constant 0 : i32
      %dma_start3A_704 = tpu.memref_slice %arg8[%run_scoped3A_21, %dma_start3A_702, %dma_start3A_703] : memref<4x128x64xf32, #tpu.memory_space<vmem>> -> memref<1x128x64xf32, #tpu.memory_space<vmem>>
      %dma_start3A_705 = tpu.memref_squeeze %dma_start3A_704 : memref<1x128x64xf32, #tpu.memory_space<vmem>> -> memref<128x64xf32, #tpu.memory_space<vmem>>
      %dma_start3A_706 = arith.constant 0 : i32
      %dma_start3A_707 = tpu.memref_slice %arg9[%add3A_20, %dma_start3A_706] : memref<10240x64xf32, #tpu.memory_space<vmem_shared>> -> memref<128x64xf32, #tpu.memory_space<vmem_shared>>
      %dma_start3A_708 = arith.constant 0 : i32
      %dma_start3A_709 = tpu.memref_slice %arg9[%add3A_20, %dma_start3A_708] : memref<10240x64xf32, #tpu.memory_space<vmem_shared>> -> memref<128x64xf32, #tpu.memory_space<vmem_shared>>
      %dma_start3A_710 = arith.constant 0 : i32
      %dma_start3A_711 = arith.constant 0 : i32
      %dma_start3A_712 = tpu.memref_slice %arg8[%run_scoped3A_21, %dma_start3A_710, %dma_start3A_711] : memref<4x128x64xf32, #tpu.memory_space<vmem>> -> memref<1x128x64xf32, #tpu.memory_space<vmem>>
      %dma_start3A_713 = tpu.memref_squeeze %dma_start3A_712 : memref<1x128x64xf32, #tpu.memory_space<vmem>> -> memref<128x64xf32, #tpu.memory_space<vmem>>
      tpu.enqueue_dma source(%dma_start3A_713 : memref<128x64xf32, #tpu.memory_space<vmem>>) target(%dma_start3A_709 : memref<128x64xf32, #tpu.memory_space<vmem_shared>>) target_semaphore(%run_scoped3A_701 : memref<!tpu.dma_semaphore, #tpu.memory_space<semaphore_mem>>)
      %dma_wait3A_714 = arith.constant 0 : i32
      %dma_wait3A_715 = arith.constant 0 : i32
      %dma_wait3A_716 = tpu.memref_slice %arg8[%run_scoped3A_21, %dma_wait3A_714, %dma_wait3A_715] : memref<4x128x64xf32, #tpu.memory_space<vmem>> -> memref<1x128x64xf32, #tpu.memory_space<vmem>>
      %dma_wait3A_717 = tpu.memref_squeeze %dma_wait3A_716 : memref<1x128x64xf32, #tpu.memory_space<vmem>> -> memref<128x64xf32, #tpu.memory_space<vmem>>
      %dma_wait3A_718 = arith.constant 0 : i32
      %dma_wait3A_719 = tpu.memref_slice %arg9[%add3A_20, %dma_wait3A_718] : memref<10240x64xf32, #tpu.memory_space<vmem_shared>> -> memref<128x64xf32, #tpu.memory_space<vmem_shared>>
      %dma_wait3A_720 = arith.constant 0 : i32
      %dma_wait3A_721 = tpu.memref_slice %arg9[%add3A_20, %dma_wait3A_720] : memref<10240x64xf32, #tpu.memory_space<vmem_shared>> -> memref<128x64xf32, #tpu.memory_space<vmem_shared>>
      %dma_wait3A_722 = arith.constant 0 : i32
      %dma_wait3A_723 = arith.constant 0 : i32
      %dma_wait3A_724 = tpu.memref_slice %arg8[%run_scoped3A_21, %dma_wait3A_722, %dma_wait3A_723] : memref<4x128x64xf32, #tpu.memory_space<vmem>> -> memref<1x128x64xf32, #tpu.memory_space<vmem>>
      %dma_wait3A_725 = tpu.memref_squeeze %dma_wait3A_724 : memref<1x128x64xf32, #tpu.memory_space<vmem>> -> memref<128x64xf32, #tpu.memory_space<vmem>>
      tpu.wait_dma2 semaphore(%run_scoped3A_701 : memref<!tpu.dma_semaphore, #tpu.memory_space<semaphore_mem>>) src(%dma_wait3A_725 : memref<128x64xf32, #tpu.memory_space<vmem>>) dst(%dma_wait3A_721 : memref<128x64xf32, #tpu.memory_space<vmem_shared>>)
      tpu.yield
    }) : () -> ()
    %mul3A_22 = arith.constant 640 : i32
    %mul3A_23 = arith.muli %arg1, %mul3A_22 : i32
    %add3A_24 = arith.constant 512 : i32
    %add3A_25 = arith.addi %mul3A_23, %add3A_24 : i32
    %run_scoped3A_26 = arith.constant 0 : i32
    "tpu.region"() ({
      %run_scoped3A_701 = tpu.sem_alloc : memref<!tpu.dma_semaphore, #tpu.memory_space<semaphore_mem>>
      %dma_start3A_702 = arith.constant 0 : i32
      %dma_start3A_703 = arith.constant 0 : i32
      %dma_start3A_704 = tpu.memref_slice %arg8[%run_scoped3A_26, %dma_start3A_702, %dma_start3A_703] : memref<4x128x64xf32, #tpu.memory_space<vmem>> -> memref<1x128x64xf32, #tpu.memory_space<vmem>>
      %dma_start3A_705 = tpu.memref_squeeze %dma_start3A_704 : memref<1x128x64xf32, #tpu.memory_space<vmem>> -> memref<128x64xf32, #tpu.memory_space<vmem>>
      %dma_start3A_706 = arith.constant 0 : i32
      %dma_start3A_707 = tpu.memref_slice %arg9[%add3A_25, %dma_start3A_706] : memref<10240x64xf32, #tpu.memory_space<vmem_shared>> -> memref<128x64xf32, #tpu.memory_space<vmem_shared>>
      %dma_start3A_708 = arith.constant 0 : i32
      %dma_start3A_709 = tpu.memref_slice %arg9[%add3A_25, %dma_start3A_708] : memref<10240x64xf32, #tpu.memory_space<vmem_shared>> -> memref<128x64xf32, #tpu.memory_space<vmem_shared>>
      %dma_start3A_710 = arith.constant 0 : i32
      %dma_start3A_711 = arith.constant 0 : i32
      %dma_start3A_712 = tpu.memref_slice %arg8[%run_scoped3A_26, %dma_start3A_710, %dma_start3A_711] : memref<4x128x64xf32, #tpu.memory_space<vmem>> -> memref<1x128x64xf32, #tpu.memory_space<vmem>>
      %dma_start3A_713 = tpu.memref_squeeze %dma_start3A_712 : memref<1x128x64xf32, #tpu.memory_space<vmem>> -> memref<128x64xf32, #tpu.memory_space<vmem>>
      tpu.enqueue_dma source(%dma_start3A_713 : memref<128x64xf32, #tpu.memory_space<vmem>>) target(%dma_start3A_709 : memref<128x64xf32, #tpu.memory_space<vmem_shared>>) target_semaphore(%run_scoped3A_701 : memref<!tpu.dma_semaphore, #tpu.memory_space<semaphore_mem>>)
      %dma_wait3A_714 = arith.constant 0 : i32
      %dma_wait3A_715 = arith.constant 0 : i32
      %dma_wait3A_716 = tpu.memref_slice %arg8[%run_scoped3A_26, %dma_wait3A_714, %dma_wait3A_715] : memref<4x128x64xf32, #tpu.memory_space<vmem>> -> memref<1x128x64xf32, #tpu.memory_space<vmem>>
      %dma_wait3A_717 = tpu.memref_squeeze %dma_wait3A_716 : memref<1x128x64xf32, #tpu.memory_space<vmem>> -> memref<128x64xf32, #tpu.memory_space<vmem>>
      %dma_wait3A_718 = arith.constant 0 : i32
      %dma_wait3A_719 = tpu.memref_slice %arg9[%add3A_25, %dma_wait3A_718] : memref<10240x64xf32, #tpu.memory_space<vmem_shared>> -> memref<128x64xf32, #tpu.memory_space<vmem_shared>>
      %dma_wait3A_720 = arith.constant 0 : i32
      %dma_wait3A_721 = tpu.memref_slice %arg9[%add3A_25, %dma_wait3A_720] : memref<10240x64xf32, #tpu.memory_space<vmem_shared>> -> memref<128x64xf32, #tpu.memory_space<vmem_shared>>
      %dma_wait3A_722 = arith.constant 0 : i32
      %dma_wait3A_723 = arith.constant 0 : i32
      %dma_wait3A_724 = tpu.memref_slice %arg8[%run_scoped3A_26, %dma_wait3A_722, %dma_wait3A_723] : memref<4x128x64xf32, #tpu.memory_space<vmem>> -> memref<1x128x64xf32, #tpu.memory_space<vmem>>
      %dma_wait3A_725 = tpu.memref_squeeze %dma_wait3A_724 : memref<1x128x64xf32, #tpu.memory_space<vmem>> -> memref<128x64xf32, #tpu.memory_space<vmem>>
      tpu.wait_dma2 semaphore(%run_scoped3A_701 : memref<!tpu.dma_semaphore, #tpu.memory_space<semaphore_mem>>) src(%dma_wait3A_725 : memref<128x64xf32, #tpu.memory_space<vmem>>) dst(%dma_wait3A_721 : memref<128x64xf32, #tpu.memory_space<vmem_shared>>)
      tpu.yield
    }) : () -> ()
    %mul3A_27 = arith.constant 10240 : i32
    %mul3A_28 = arith.muli %arg0, %mul3A_27 : i32
    %mul3A_29 = arith.constant 640 : i32
    %mul3A_30 = arith.muli %arg1, %mul3A_29 : i32
    %add3A_31 = arith.addi %mul3A_28, %mul3A_30 : i32
    %mul3A_32 = arith.constant 640 : i32
    %mul3A_33 = arith.muli %arg1, %mul3A_32 : i32
    "tpu.region"() ({
      %run_scoped3A_701 = tpu.sem_alloc : memref<!tpu.dma_semaphore, #tpu.memory_space<semaphore_mem>>
      %dma_start3A_702 = arith.constant 0 : i32
      %dma_start3A_703 = tpu.memref_slice %arg10[%mul3A_33, %dma_start3A_702] : memref<10240x64xf32, #tpu.memory_space<vmem_shared>> -> memref<640x64xf32, #tpu.memory_space<vmem_shared>>
      %dma_start3A_704 = arith.constant 0 : i32
      %dma_start3A_705 = tpu.memref_slice %arg2[%add3A_31, %dma_start3A_704] : memref<20480x64xf32, #tpu.memory_space<hbm>> -> memref<640x64xf32, #tpu.memory_space<hbm>>
      tpu.enqueue_dma source(%dma_start3A_705 : memref<640x64xf32, #tpu.memory_space<hbm>>) target(%dma_start3A_703 : memref<640x64xf32, #tpu.memory_space<vmem_shared>>) target_semaphore(%run_scoped3A_701 : memref<!tpu.dma_semaphore, #tpu.memory_space<semaphore_mem>>)
      %dma_wait3A_706 = arith.constant 0 : i32
      %dma_wait3A_707 = tpu.memref_slice %arg10[%mul3A_33, %dma_wait3A_706] : memref<10240x64xf32, #tpu.memory_space<vmem_shared>> -> memref<640x64xf32, #tpu.memory_space<vmem_shared>>
      %dma_wait3A_708 = arith.constant 0 : i32
      %dma_wait3A_709 = tpu.memref_slice %arg2[%add3A_31, %dma_wait3A_708] : memref<20480x64xf32, #tpu.memory_space<hbm>> -> memref<640x64xf32, #tpu.memory_space<hbm>>
      tpu.wait_dma2 semaphore(%run_scoped3A_701 : memref<!tpu.dma_semaphore, #tpu.memory_space<semaphore_mem>>) src(%dma_wait3A_709 : memref<640x64xf32, #tpu.memory_space<hbm>>) dst(%dma_wait3A_707 : memref<640x64xf32, #tpu.memory_space<vmem_shared>>)
      tpu.yield
    }) : () -> ()
    %barrier3A = arith.constant 0 : index
    tpu.barrier barrier_id(%barrier3A)
    %mul3A_34 = arith.constant 160 : i32
    %mul3A_35 = arith.muli %arg1, %mul3A_34 : i32
    %add3A_36 = arith.constant 0 : i32
    %add3A_37 = arith.addi %mul3A_35, %add3A_36 : i32
    %dma_start3A = arith.constant 0 : i32
    %dma_start3A_38 = arith.constant 0 : i32
    %dma_start3A_39 = arith.constant 0 : i32
    %dma_start3A_40 = tpu.memref_slice %arg6[%dma_start3A, %dma_start3A_38, %dma_start3A_39] : memref<4x2x128xi32, #tpu.memory_space<vmem>> -> memref<1x2x128xi32, #tpu.memory_space<vmem>>
    %dma_start3A_41 = tpu.memref_squeeze %dma_start3A_40 : memref<1x2x128xi32, #tpu.memory_space<vmem>> -> memref<2x128xi32, #tpu.memory_space<vmem>>
    %dma_start3A_42 = arith.constant 0 : i32
    %dma_start3A_43 = tpu.memref_slice %arg3[%add3A_37, %dma_start3A_42] : memref<2560x128xi32, #tpu.memory_space<hbm>> -> memref<2x128xi32, #tpu.memory_space<hbm>>
    %dma_start3A_44 = arith.constant 0 : i32
    %dma_start3A_45 = arith.constant 0 : i32
    %dma_start3A_46 = tpu.memref_slice %arg6[%dma_start3A, %dma_start3A_44, %dma_start3A_45] : memref<4x2x128xi32, #tpu.memory_space<vmem>> -> memref<1x2x128xi32, #tpu.memory_space<vmem>>
    %dma_start3A_47 = tpu.memref_squeeze %dma_start3A_46 : memref<1x2x128xi32, #tpu.memory_space<vmem>> -> memref<2x128xi32, #tpu.memory_space<vmem>>
    %dma_start3A_48 = arith.constant 0 : i32
    %dma_start3A_49 = tpu.memref_slice %arg3[%add3A_37, %dma_start3A_48] : memref<2560x128xi32, #tpu.memory_space<hbm>> -> memref<2x128xi32, #tpu.memory_space<hbm>>
    tpu.enqueue_dma source(%dma_start3A_49 : memref<2x128xi32, #tpu.memory_space<hbm>>) target(%dma_start3A_47 : memref<2x128xi32, #tpu.memory_space<vmem>>) target_semaphore(%arg13 : memref<!tpu.dma_semaphore, #tpu.memory_space<semaphore_mem>>)
    %add3A_50 = arith.constant 0 : i32
    %add3A_51 = arith.addi %mul3A_35, %add3A_50 : i32
    %dma_start3A_52 = arith.constant 0 : i32
    %dma_start3A_53 = arith.constant 0 : i32
    %dma_start3A_54 = arith.constant 0 : i32
    %dma_start3A_55 = tpu.memref_slice %arg7[%dma_start3A_52, %dma_start3A_53, %dma_start3A_54] : memref<4x2x128xi32, #tpu.memory_space<vmem>> -> memref<1x2x128xi32, #tpu.memory_space<vmem>>
    %dma_start3A_56 = tpu.memref_squeeze %dma_start3A_55 : memref<1x2x128xi32, #tpu.memory_space<vmem>> -> memref<2x128xi32, #tpu.memory_space<vmem>>
    %dma_start3A_57 = arith.constant 0 : i32
    %dma_start3A_58 = tpu.memref_slice %arg4[%add3A_51, %dma_start3A_57] : memref<2560x128xi32, #tpu.memory_space<hbm>> -> memref<2x128xi32, #tpu.memory_space<hbm>>
    %dma_start3A_59 = arith.constant 0 : i32
    %dma_start3A_60 = arith.constant 0 : i32
    %dma_start3A_61 = tpu.memref_slice %arg7[%dma_start3A_52, %dma_start3A_59, %dma_start3A_60] : memref<4x2x128xi32, #tpu.memory_space<vmem>> -> memref<1x2x128xi32, #tpu.memory_space<vmem>>
    %dma_start3A_62 = tpu.memref_squeeze %dma_start3A_61 : memref<1x2x128xi32, #tpu.memory_space<vmem>> -> memref<2x128xi32, #tpu.memory_space<vmem>>
    %dma_start3A_63 = arith.constant 0 : i32
    %dma_start3A_64 = tpu.memref_slice %arg4[%add3A_51, %dma_start3A_63] : memref<2560x128xi32, #tpu.memory_space<hbm>> -> memref<2x128xi32, #tpu.memory_space<hbm>>
    tpu.enqueue_dma source(%dma_start3A_64 : memref<2x128xi32, #tpu.memory_space<hbm>>) target(%dma_start3A_62 : memref<2x128xi32, #tpu.memory_space<vmem>>) target_semaphore(%arg13 : memref<!tpu.dma_semaphore, #tpu.memory_space<semaphore_mem>>)
    %add3A_65 = arith.constant 2 : i32
    %add3A_66 = arith.addi %mul3A_35, %add3A_65 : i32
    %dma_start3A_67 = arith.constant 1 : i32
    %dma_start3A_68 = arith.constant 0 : i32
    %dma_start3A_69 = arith.constant 0 : i32
    %dma_start3A_70 = tpu.memref_slice %arg6[%dma_start3A_67, %dma_start3A_68, %dma_start3A_69] : memref<4x2x128xi32, #tpu.memory_space<vmem>> -> memref<1x2x128xi32, #tpu.memory_space<vmem>>
    %dma_start3A_71 = tpu.memref_squeeze %dma_start3A_70 : memref<1x2x128xi32, #tpu.memory_space<vmem>> -> memref<2x128xi32, #tpu.memory_space<vmem>>
    %dma_start3A_72 = arith.constant 0 : i32
    %dma_start3A_73 = tpu.memref_slice %arg3[%add3A_66, %dma_start3A_72] : memref<2560x128xi32, #tpu.memory_space<hbm>> -> memref<2x128xi32, #tpu.memory_space<hbm>>
    %dma_start3A_74 = arith.constant 0 : i32
    %dma_start3A_75 = arith.constant 0 : i32
    %dma_start3A_76 = tpu.memref_slice %arg6[%dma_start3A_67, %dma_start3A_74, %dma_start3A_75] : memref<4x2x128xi32, #tpu.memory_space<vmem>> -> memref<1x2x128xi32, #tpu.memory_space<vmem>>
    %dma_start3A_77 = tpu.memref_squeeze %dma_start3A_76 : memref<1x2x128xi32, #tpu.memory_space<vmem>> -> memref<2x128xi32, #tpu.memory_space<vmem>>
    %dma_start3A_78 = arith.constant 0 : i32
    %dma_start3A_79 = tpu.memref_slice %arg3[%add3A_66, %dma_start3A_78] : memref<2560x128xi32, #tpu.memory_space<hbm>> -> memref<2x128xi32, #tpu.memory_space<hbm>>
    tpu.enqueue_dma source(%dma_start3A_79 : memref<2x128xi32, #tpu.memory_space<hbm>>) target(%dma_start3A_77 : memref<2x128xi32, #tpu.memory_space<vmem>>) target_semaphore(%arg13 : memref<!tpu.dma_semaphore, #tpu.memory_space<semaphore_mem>>)
    %add3A_80 = arith.constant 2 : i32
    %add3A_81 = arith.addi %mul3A_35, %add3A_80 : i32
    %dma_start3A_82 = arith.constant 1 : i32
    %dma_start3A_83 = arith.constant 0 : i32
    %dma_start3A_84 = arith.constant 0 : i32
    %dma_start3A_85 = tpu.memref_slice %arg7[%dma_start3A_82, %dma_start3A_83, %dma_start3A_84] : memref<4x2x128xi32, #tpu.memory_space<vmem>> -> memref<1x2x128xi32, #tpu.memory_space<vmem>>
    %dma_start3A_86 = tpu.memref_squeeze %dma_start3A_85 : memref<1x2x128xi32, #tpu.memory_space<vmem>> -> memref<2x128xi32, #tpu.memory_space<vmem>>
    %dma_start3A_87 = arith.constant 0 : i32
    %dma_start3A_88 = tpu.memref_slice %arg4[%add3A_81, %dma_start3A_87] : memref<2560x128xi32, #tpu.memory_space<hbm>> -> memref<2x128xi32, #tpu.memory_space<hbm>>
    %dma_start3A_89 = arith.constant 0 : i32
    %dma_start3A_90 = arith.constant 0 : i32
    %dma_start3A_91 = tpu.memref_slice %arg7[%dma_start3A_82, %dma_start3A_89, %dma_start3A_90] : memref<4x2x128xi32, #tpu.memory_space<vmem>> -> memref<1x2x128xi32, #tpu.memory_space<vmem>>
    %dma_start3A_92 = tpu.memref_squeeze %dma_start3A_91 : memref<1x2x128xi32, #tpu.memory_space<vmem>> -> memref<2x128xi32, #tpu.memory_space<vmem>>
    %dma_start3A_93 = arith.constant 0 : i32
    %dma_start3A_94 = tpu.memref_slice %arg4[%add3A_81, %dma_start3A_93] : memref<2560x128xi32, #tpu.memory_space<hbm>> -> memref<2x128xi32, #tpu.memory_space<hbm>>
    tpu.enqueue_dma source(%dma_start3A_94 : memref<2x128xi32, #tpu.memory_space<hbm>>) target(%dma_start3A_92 : memref<2x128xi32, #tpu.memory_space<vmem>>) target_semaphore(%arg13 : memref<!tpu.dma_semaphore, #tpu.memory_space<semaphore_mem>>)
    %add3A_95 = arith.constant 4 : i32
    %add3A_96 = arith.addi %mul3A_35, %add3A_95 : i32
    %dma_start3A_97 = arith.constant 2 : i32
    %dma_start3A_98 = arith.constant 0 : i32
    %dma_start3A_99 = arith.constant 0 : i32
    %dma_start3A_100 = tpu.memref_slice %arg6[%dma_start3A_97, %dma_start3A_98, %dma_start3A_99] : memref<4x2x128xi32, #tpu.memory_space<vmem>> -> memref<1x2x128xi32, #tpu.memory_space<vmem>>
    %dma_start3A_101 = tpu.memref_squeeze %dma_start3A_100 : memref<1x2x128xi32, #tpu.memory_space<vmem>> -> memref<2x128xi32, #tpu.memory_space<vmem>>
    %dma_start3A_102 = arith.constant 0 : i32
    %dma_start3A_103 = tpu.memref_slice %arg3[%add3A_96, %dma_start3A_102] : memref<2560x128xi32, #tpu.memory_space<hbm>> -> memref<2x128xi32, #tpu.memory_space<hbm>>
    %dma_start3A_104 = arith.constant 0 : i32
    %dma_start3A_105 = arith.constant 0 : i32
    %dma_start3A_106 = tpu.memref_slice %arg6[%dma_start3A_97, %dma_start3A_104, %dma_start3A_105] : memref<4x2x128xi32, #tpu.memory_space<vmem>> -> memref<1x2x128xi32, #tpu.memory_space<vmem>>
    %dma_start3A_107 = tpu.memref_squeeze %dma_start3A_106 : memref<1x2x128xi32, #tpu.memory_space<vmem>> -> memref<2x128xi32, #tpu.memory_space<vmem>>
    %dma_start3A_108 = arith.constant 0 : i32
    %dma_start3A_109 = tpu.memref_slice %arg3[%add3A_96, %dma_start3A_108] : memref<2560x128xi32, #tpu.memory_space<hbm>> -> memref<2x128xi32, #tpu.memory_space<hbm>>
    tpu.enqueue_dma source(%dma_start3A_109 : memref<2x128xi32, #tpu.memory_space<hbm>>) target(%dma_start3A_107 : memref<2x128xi32, #tpu.memory_space<vmem>>) target_semaphore(%arg13 : memref<!tpu.dma_semaphore, #tpu.memory_space<semaphore_mem>>)
    %add3A_110 = arith.constant 4 : i32
    %add3A_111 = arith.addi %mul3A_35, %add3A_110 : i32
    %dma_start3A_112 = arith.constant 2 : i32
    %dma_start3A_113 = arith.constant 0 : i32
    %dma_start3A_114 = arith.constant 0 : i32
    %dma_start3A_115 = tpu.memref_slice %arg7[%dma_start3A_112, %dma_start3A_113, %dma_start3A_114] : memref<4x2x128xi32, #tpu.memory_space<vmem>> -> memref<1x2x128xi32, #tpu.memory_space<vmem>>
    %dma_start3A_116 = tpu.memref_squeeze %dma_start3A_115 : memref<1x2x128xi32, #tpu.memory_space<vmem>> -> memref<2x128xi32, #tpu.memory_space<vmem>>
    %dma_start3A_117 = arith.constant 0 : i32
    %dma_start3A_118 = tpu.memref_slice %arg4[%add3A_111, %dma_start3A_117] : memref<2560x128xi32, #tpu.memory_space<hbm>> -> memref<2x128xi32, #tpu.memory_space<hbm>>
    %dma_start3A_119 = arith.constant 0 : i32
    %dma_start3A_120 = arith.constant 0 : i32
    %dma_start3A_121 = tpu.memref_slice %arg7[%dma_start3A_112, %dma_start3A_119, %dma_start3A_120] : memref<4x2x128xi32, #tpu.memory_space<vmem>> -> memref<1x2x128xi32, #tpu.memory_space<vmem>>
    %dma_start3A_122 = tpu.memref_squeeze %dma_start3A_121 : memref<1x2x128xi32, #tpu.memory_space<vmem>> -> memref<2x128xi32, #tpu.memory_space<vmem>>
    %dma_start3A_123 = arith.constant 0 : i32
    %dma_start3A_124 = tpu.memref_slice %arg4[%add3A_111, %dma_start3A_123] : memref<2560x128xi32, #tpu.memory_space<hbm>> -> memref<2x128xi32, #tpu.memory_space<hbm>>
    tpu.enqueue_dma source(%dma_start3A_124 : memref<2x128xi32, #tpu.memory_space<hbm>>) target(%dma_start3A_122 : memref<2x128xi32, #tpu.memory_space<vmem>>) target_semaphore(%arg13 : memref<!tpu.dma_semaphore, #tpu.memory_space<semaphore_mem>>)
    %dma_wait3A = arith.constant 0 : i32
    %dma_wait3A_125 = arith.constant 0 : i32
    %dma_wait3A_126 = arith.constant 0 : i32
    %dma_wait3A_127 = tpu.memref_slice %arg6[%dma_wait3A, %dma_wait3A_125, %dma_wait3A_126] : memref<4x2x128xi32, #tpu.memory_space<vmem>> -> memref<1x2x128xi32, #tpu.memory_space<vmem>>
    %dma_wait3A_128 = tpu.memref_squeeze %dma_wait3A_127 : memref<1x2x128xi32, #tpu.memory_space<vmem>> -> memref<2x128xi32, #tpu.memory_space<vmem>>
    %dma_wait3A_129 = arith.constant 0 : i32
    %dma_wait3A_130 = tpu.memref_slice %arg3[%mul3A_35, %dma_wait3A_129] : memref<2560x128xi32, #tpu.memory_space<hbm>> -> memref<2x128xi32, #tpu.memory_space<hbm>>
    %dma_wait3A_131 = arith.constant 0 : i32
    %dma_wait3A_132 = arith.constant 0 : i32
    %dma_wait3A_133 = tpu.memref_slice %arg6[%dma_wait3A, %dma_wait3A_131, %dma_wait3A_132] : memref<4x2x128xi32, #tpu.memory_space<vmem>> -> memref<1x2x128xi32, #tpu.memory_space<vmem>>
    %dma_wait3A_134 = tpu.memref_squeeze %dma_wait3A_133 : memref<1x2x128xi32, #tpu.memory_space<vmem>> -> memref<2x128xi32, #tpu.memory_space<vmem>>
    %dma_wait3A_135 = arith.constant 0 : i32
    %dma_wait3A_136 = tpu.memref_slice %arg3[%mul3A_35, %dma_wait3A_135] : memref<2560x128xi32, #tpu.memory_space<hbm>> -> memref<2x128xi32, #tpu.memory_space<hbm>>
    tpu.wait_dma2 semaphore(%arg13 : memref<!tpu.dma_semaphore, #tpu.memory_space<semaphore_mem>>) src(%dma_wait3A_136 : memref<2x128xi32, #tpu.memory_space<hbm>>) dst(%dma_wait3A_134 : memref<2x128xi32, #tpu.memory_space<vmem>>)
    %dma_wait3A_137 = arith.constant 0 : i32
    %dma_wait3A_138 = arith.constant 0 : i32
    %dma_wait3A_139 = arith.constant 0 : i32
    %dma_wait3A_140 = tpu.memref_slice %arg7[%dma_wait3A_137, %dma_wait3A_138, %dma_wait3A_139] : memref<4x2x128xi32, #tpu.memory_space<vmem>> -> memref<1x2x128xi32, #tpu.memory_space<vmem>>
    %dma_wait3A_141 = tpu.memref_squeeze %dma_wait3A_140 : memref<1x2x128xi32, #tpu.memory_space<vmem>> -> memref<2x128xi32, #tpu.memory_space<vmem>>
    %dma_wait3A_142 = arith.constant 0 : i32
    %dma_wait3A_143 = tpu.memref_slice %arg4[%mul3A_35, %dma_wait3A_142] : memref<2560x128xi32, #tpu.memory_space<hbm>> -> memref<2x128xi32, #tpu.memory_space<hbm>>
    %dma_wait3A_144 = arith.constant 0 : i32
    %dma_wait3A_145 = arith.constant 0 : i32
    %dma_wait3A_146 = tpu.memref_slice %arg7[%dma_wait3A_137, %dma_wait3A_144, %dma_wait3A_145] : memref<4x2x128xi32, #tpu.memory_space<vmem>> -> memref<1x2x128xi32, #tpu.memory_space<vmem>>
    %dma_wait3A_147 = tpu.memref_squeeze %dma_wait3A_146 : memref<1x2x128xi32, #tpu.memory_space<vmem>> -> memref<2x128xi32, #tpu.memory_space<vmem>>
    %dma_wait3A_148 = arith.constant 0 : i32
    %dma_wait3A_149 = tpu.memref_slice %arg4[%mul3A_35, %dma_wait3A_148] : memref<2560x128xi32, #tpu.memory_space<hbm>> -> memref<2x128xi32, #tpu.memory_space<hbm>>
    tpu.wait_dma2 semaphore(%arg13 : memref<!tpu.dma_semaphore, #tpu.memory_space<semaphore_mem>>) src(%dma_wait3A_149 : memref<2x128xi32, #tpu.memory_space<hbm>>) dst(%dma_wait3A_147 : memref<2x128xi32, #tpu.memory_space<vmem>>)
    %dma_start3A_150 = arith.constant 0 : i32
    %dma_start3A_151 = arith.constant 0 : i32
    %dma_start3A_152 = arith.constant 0 : i32
    %dma_start3A_153 = arith.constant 0 : i32
    %dma_start3A_154 = arith.constant 0 : i32
    %dma_start3A_155 = tpu.memref_slice %arg8[%dma_start3A_152, %dma_start3A_153, %dma_start3A_154] : memref<4x128x64xf32, #tpu.memory_space<vmem>> -> memref<1x128x64xf32, #tpu.memory_space<vmem>>
    %dma_start3A_156 = tpu.memref_squeeze %dma_start3A_155 : memref<1x128x64xf32, #tpu.memory_space<vmem>> -> memref<128x64xf32, #tpu.memory_space<vmem>>
    %dma_start3A_157 = arith.constant 0 : i32
    %dma_start3A_158 = tpu.memref_slice %arg6[%dma_start3A_150, %dma_start3A_151, %dma_start3A_157] : memref<4x2x128xi32, #tpu.memory_space<vmem>> -> memref<1x1x128xi32, #tpu.memory_space<vmem>>
    %dma_start3A_159 = tpu.memref_squeeze %dma_start3A_158 : memref<1x1x128xi32, #tpu.memory_space<vmem>> -> memref<128xi32, #tpu.memory_space<vmem>>
    %dma_start3A_160 = arith.constant 0 : i32
    %dma_start3A_161 = arith.constant 0 : i32
    %dma_start3A_162 = tpu.memref_slice %arg10[%dma_start3A_160, %dma_start3A_161] : memref<10240x64xf32, #tpu.memory_space<vmem_shared>> -> memref<10240x64xf32, #tpu.memory_space<vmem_shared>>
    tpu.enqueue_indirect_dma source(%dma_start3A_162 : memref<10240x64xf32, #tpu.memory_space<vmem_shared>>) target(%dma_start3A_156 : memref<128x64xf32, #tpu.memory_space<vmem>>) offsets(%dma_start3A_159 : memref<128xi32, #tpu.memory_space<vmem>>) semaphore(%arg11 : memref<!tpu.dma_semaphore, #tpu.memory_space<semaphore_mem>>)
    %dma_start3A_163 = arith.constant 0 : i32
    %dma_start3A_164 = arith.constant 1 : i32
    %dma_start3A_165 = arith.constant 1 : i32
    %dma_start3A_166 = arith.constant 0 : i32
    %dma_start3A_167 = arith.constant 0 : i32
    %dma_start3A_168 = tpu.memref_slice %arg8[%dma_start3A_165, %dma_start3A_166, %dma_start3A_167] : memref<4x128x64xf32, #tpu.memory_space<vmem>> -> memref<1x128x64xf32, #tpu.memory_space<vmem>>
    %dma_start3A_169 = tpu.memref_squeeze %dma_start3A_168 : memref<1x128x64xf32, #tpu.memory_space<vmem>> -> memref<128x64xf32, #tpu.memory_space<vmem>>
    %dma_start3A_170 = arith.constant 0 : i32
    %dma_start3A_171 = tpu.memref_slice %arg6[%dma_start3A_163, %dma_start3A_164, %dma_start3A_170] : memref<4x2x128xi32, #tpu.memory_space<vmem>> -> memref<1x1x128xi32, #tpu.memory_space<vmem>>
    %dma_start3A_172 = tpu.memref_squeeze %dma_start3A_171 : memref<1x1x128xi32, #tpu.memory_space<vmem>> -> memref<128xi32, #tpu.memory_space<vmem>>
    %dma_start3A_173 = arith.constant 0 : i32
    %dma_start3A_174 = arith.constant 0 : i32
    %dma_start3A_175 = tpu.memref_slice %arg10[%dma_start3A_173, %dma_start3A_174] : memref<10240x64xf32, #tpu.memory_space<vmem_shared>> -> memref<10240x64xf32, #tpu.memory_space<vmem_shared>>
    tpu.enqueue_indirect_dma source(%dma_start3A_175 : memref<10240x64xf32, #tpu.memory_space<vmem_shared>>) target(%dma_start3A_169 : memref<128x64xf32, #tpu.memory_space<vmem>>) offsets(%dma_start3A_172 : memref<128xi32, #tpu.memory_space<vmem>>) semaphore(%arg11 : memref<!tpu.dma_semaphore, #tpu.memory_space<semaphore_mem>>)
    %dma_wait3A_176 = arith.constant 1 : i32
    %dma_wait3A_177 = arith.constant 0 : i32
    %dma_wait3A_178 = arith.constant 0 : i32
    %dma_wait3A_179 = tpu.memref_slice %arg6[%dma_wait3A_176, %dma_wait3A_177, %dma_wait3A_178] : memref<4x2x128xi32, #tpu.memory_space<vmem>> -> memref<1x2x128xi32, #tpu.memory_space<vmem>>
    %dma_wait3A_180 = tpu.memref_squeeze %dma_wait3A_179 : memref<1x2x128xi32, #tpu.memory_space<vmem>> -> memref<2x128xi32, #tpu.memory_space<vmem>>
    %dma_wait3A_181 = arith.constant 0 : i32
    %dma_wait3A_182 = tpu.memref_slice %arg3[%mul3A_35, %dma_wait3A_181] : memref<2560x128xi32, #tpu.memory_space<hbm>> -> memref<2x128xi32, #tpu.memory_space<hbm>>
    %dma_wait3A_183 = arith.constant 0 : i32
    %dma_wait3A_184 = arith.constant 0 : i32
    %dma_wait3A_185 = tpu.memref_slice %arg6[%dma_wait3A_176, %dma_wait3A_183, %dma_wait3A_184] : memref<4x2x128xi32, #tpu.memory_space<vmem>> -> memref<1x2x128xi32, #tpu.memory_space<vmem>>
    %dma_wait3A_186 = tpu.memref_squeeze %dma_wait3A_185 : memref<1x2x128xi32, #tpu.memory_space<vmem>> -> memref<2x128xi32, #tpu.memory_space<vmem>>
    %dma_wait3A_187 = arith.constant 0 : i32
    %dma_wait3A_188 = tpu.memref_slice %arg3[%mul3A_35, %dma_wait3A_187] : memref<2560x128xi32, #tpu.memory_space<hbm>> -> memref<2x128xi32, #tpu.memory_space<hbm>>
    tpu.wait_dma2 semaphore(%arg13 : memref<!tpu.dma_semaphore, #tpu.memory_space<semaphore_mem>>) src(%dma_wait3A_188 : memref<2x128xi32, #tpu.memory_space<hbm>>) dst(%dma_wait3A_186 : memref<2x128xi32, #tpu.memory_space<vmem>>)
    %dma_wait3A_189 = arith.constant 1 : i32
    %dma_wait3A_190 = arith.constant 0 : i32
    %dma_wait3A_191 = arith.constant 0 : i32
    %dma_wait3A_192 = tpu.memref_slice %arg7[%dma_wait3A_189, %dma_wait3A_190, %dma_wait3A_191] : memref<4x2x128xi32, #tpu.memory_space<vmem>> -> memref<1x2x128xi32, #tpu.memory_space<vmem>>
    %dma_wait3A_193 = tpu.memref_squeeze %dma_wait3A_192 : memref<1x2x128xi32, #tpu.memory_space<vmem>> -> memref<2x128xi32, #tpu.memory_space<vmem>>
    %dma_wait3A_194 = arith.constant 0 : i32
    %dma_wait3A_195 = tpu.memref_slice %arg4[%mul3A_35, %dma_wait3A_194] : memref<2560x128xi32, #tpu.memory_space<hbm>> -> memref<2x128xi32, #tpu.memory_space<hbm>>
    %dma_wait3A_196 = arith.constant 0 : i32
    %dma_wait3A_197 = arith.constant 0 : i32
    %dma_wait3A_198 = tpu.memref_slice %arg7[%dma_wait3A_189, %dma_wait3A_196, %dma_wait3A_197] : memref<4x2x128xi32, #tpu.memory_space<vmem>> -> memref<1x2x128xi32, #tpu.memory_space<vmem>>
    %dma_wait3A_199 = tpu.memref_squeeze %dma_wait3A_198 : memref<1x2x128xi32, #tpu.memory_space<vmem>> -> memref<2x128xi32, #tpu.memory_space<vmem>>
    %dma_wait3A_200 = arith.constant 0 : i32
    %dma_wait3A_201 = tpu.memref_slice %arg4[%mul3A_35, %dma_wait3A_200] : memref<2560x128xi32, #tpu.memory_space<hbm>> -> memref<2x128xi32, #tpu.memory_space<hbm>>
    tpu.wait_dma2 semaphore(%arg13 : memref<!tpu.dma_semaphore, #tpu.memory_space<semaphore_mem>>) src(%dma_wait3A_201 : memref<2x128xi32, #tpu.memory_space<hbm>>) dst(%dma_wait3A_199 : memref<2x128xi32, #tpu.memory_space<vmem>>)
    %dma_wait3A_202 = arith.constant 0 : i32
    %dma_wait3A_203 = arith.constant 0 : i32
    %dma_wait3A_204 = arith.constant 0 : i32
    %dma_wait3A_205 = arith.constant 0 : i32
    %dma_wait3A_206 = arith.constant 0 : i32
    %dma_wait3A_207 = tpu.memref_slice %arg8[%dma_wait3A_204, %dma_wait3A_205, %dma_wait3A_206] : memref<4x128x64xf32, #tpu.memory_space<vmem>> -> memref<1x128x64xf32, #tpu.memory_space<vmem>>
    %dma_wait3A_208 = tpu.memref_squeeze %dma_wait3A_207 : memref<1x128x64xf32, #tpu.memory_space<vmem>> -> memref<128x64xf32, #tpu.memory_space<vmem>>
    %dma_wait3A_209 = arith.constant 0 : i32
    %dma_wait3A_210 = tpu.memref_slice %arg6[%dma_wait3A_202, %dma_wait3A_203, %dma_wait3A_209] : memref<4x2x128xi32, #tpu.memory_space<vmem>> -> memref<1x1x128xi32, #tpu.memory_space<vmem>>
    %dma_wait3A_211 = tpu.memref_squeeze %dma_wait3A_210 : memref<1x1x128xi32, #tpu.memory_space<vmem>> -> memref<128xi32, #tpu.memory_space<vmem>>
    %dma_wait3A_212 = arith.constant 0 : i32
    %dma_wait3A_213 = arith.constant 0 : i32
    %dma_wait3A_214 = tpu.memref_slice %arg10[%dma_wait3A_212, %dma_wait3A_213] : memref<10240x64xf32, #tpu.memory_space<vmem_shared>> -> memref<10240x64xf32, #tpu.memory_space<vmem_shared>>
    tpu.wait_indirect_dma semaphore(%arg11 : memref<!tpu.dma_semaphore, #tpu.memory_space<semaphore_mem>>) src(%dma_wait3A_214 : memref<10240x64xf32, #tpu.memory_space<vmem_shared>>) dst(%dma_wait3A_208 : memref<128x64xf32, #tpu.memory_space<vmem>>)
    %dma_wait3A_215 = arith.constant 0 : i32
    %dma_wait3A_216 = arith.constant 0 : i32
    %dma_wait3A_217 = arith.constant 1 : i32
    %dma_wait3A_218 = arith.constant 0 : i32
    %dma_wait3A_219 = arith.constant 0 : i32
    %dma_wait3A_220 = tpu.memref_slice %arg8[%dma_wait3A_217, %dma_wait3A_218, %dma_wait3A_219] : memref<4x128x64xf32, #tpu.memory_space<vmem>> -> memref<1x128x64xf32, #tpu.memory_space<vmem>>
    %dma_wait3A_221 = tpu.memref_squeeze %dma_wait3A_220 : memref<1x128x64xf32, #tpu.memory_space<vmem>> -> memref<128x64xf32, #tpu.memory_space<vmem>>
    %dma_wait3A_222 = arith.constant 0 : i32
    %dma_wait3A_223 = tpu.memref_slice %arg6[%dma_wait3A_215, %dma_wait3A_216, %dma_wait3A_222] : memref<4x2x128xi32, #tpu.memory_space<vmem>> -> memref<1x1x128xi32, #tpu.memory_space<vmem>>
    %dma_wait3A_224 = tpu.memref_squeeze %dma_wait3A_223 : memref<1x1x128xi32, #tpu.memory_space<vmem>> -> memref<128xi32, #tpu.memory_space<vmem>>
    %dma_wait3A_225 = arith.constant 0 : i32
    %dma_wait3A_226 = arith.constant 0 : i32
    %dma_wait3A_227 = tpu.memref_slice %arg10[%dma_wait3A_225, %dma_wait3A_226] : memref<10240x64xf32, #tpu.memory_space<vmem_shared>> -> memref<10240x64xf32, #tpu.memory_space<vmem_shared>>
    tpu.wait_indirect_dma semaphore(%arg11 : memref<!tpu.dma_semaphore, #tpu.memory_space<semaphore_mem>>) src(%dma_wait3A_227 : memref<10240x64xf32, #tpu.memory_space<vmem_shared>>) dst(%dma_wait3A_221 : memref<128x64xf32, #tpu.memory_space<vmem>>)
    %dma_start3A_228 = arith.constant 1 : i32
    %dma_start3A_229 = arith.constant 0 : i32
    %dma_start3A_230 = arith.constant 2 : i32
    %dma_start3A_231 = arith.constant 0 : i32
    %dma_start3A_232 = arith.constant 0 : i32
    %dma_start3A_233 = tpu.memref_slice %arg8[%dma_start3A_230, %dma_start3A_231, %dma_start3A_232] : memref<4x128x64xf32, #tpu.memory_space<vmem>> -> memref<1x128x64xf32, #tpu.memory_space<vmem>>
    %dma_start3A_234 = tpu.memref_squeeze %dma_start3A_233 : memref<1x128x64xf32, #tpu.memory_space<vmem>> -> memref<128x64xf32, #tpu.memory_space<vmem>>
    %dma_start3A_235 = arith.constant 0 : i32
    %dma_start3A_236 = tpu.memref_slice %arg6[%dma_start3A_228, %dma_start3A_229, %dma_start3A_235] : memref<4x2x128xi32, #tpu.memory_space<vmem>> -> memref<1x1x128xi32, #tpu.memory_space<vmem>>
    %dma_start3A_237 = tpu.memref_squeeze %dma_start3A_236 : memref<1x1x128xi32, #tpu.memory_space<vmem>> -> memref<128xi32, #tpu.memory_space<vmem>>
    %dma_start3A_238 = arith.constant 0 : i32
    %dma_start3A_239 = arith.constant 0 : i32
    %dma_start3A_240 = tpu.memref_slice %arg10[%dma_start3A_238, %dma_start3A_239] : memref<10240x64xf32, #tpu.memory_space<vmem_shared>> -> memref<10240x64xf32, #tpu.memory_space<vmem_shared>>
    tpu.enqueue_indirect_dma source(%dma_start3A_240 : memref<10240x64xf32, #tpu.memory_space<vmem_shared>>) target(%dma_start3A_234 : memref<128x64xf32, #tpu.memory_space<vmem>>) offsets(%dma_start3A_237 : memref<128xi32, #tpu.memory_space<vmem>>) semaphore(%arg11 : memref<!tpu.dma_semaphore, #tpu.memory_space<semaphore_mem>>)
    %dma_start3A_241 = arith.constant 1 : i32
    %dma_start3A_242 = arith.constant 1 : i32
    %dma_start3A_243 = arith.constant 3 : i32
    %dma_start3A_244 = arith.constant 0 : i32
    %dma_start3A_245 = arith.constant 0 : i32
    %dma_start3A_246 = tpu.memref_slice %arg8[%dma_start3A_243, %dma_start3A_244, %dma_start3A_245] : memref<4x128x64xf32, #tpu.memory_space<vmem>> -> memref<1x128x64xf32, #tpu.memory_space<vmem>>
    %dma_start3A_247 = tpu.memref_squeeze %dma_start3A_246 : memref<1x128x64xf32, #tpu.memory_space<vmem>> -> memref<128x64xf32, #tpu.memory_space<vmem>>
    %dma_start3A_248 = arith.constant 0 : i32
    %dma_start3A_249 = tpu.memref_slice %arg6[%dma_start3A_241, %dma_start3A_242, %dma_start3A_248] : memref<4x2x128xi32, #tpu.memory_space<vmem>> -> memref<1x1x128xi32, #tpu.memory_space<vmem>>
    %dma_start3A_250 = tpu.memref_squeeze %dma_start3A_249 : memref<1x1x128xi32, #tpu.memory_space<vmem>> -> memref<128xi32, #tpu.memory_space<vmem>>
    %dma_start3A_251 = arith.constant 0 : i32
    %dma_start3A_252 = arith.constant 0 : i32
    %dma_start3A_253 = tpu.memref_slice %arg10[%dma_start3A_251, %dma_start3A_252] : memref<10240x64xf32, #tpu.memory_space<vmem_shared>> -> memref<10240x64xf32, #tpu.memory_space<vmem_shared>>
    tpu.enqueue_indirect_dma source(%dma_start3A_253 : memref<10240x64xf32, #tpu.memory_space<vmem_shared>>) target(%dma_start3A_247 : memref<128x64xf32, #tpu.memory_space<vmem>>) offsets(%dma_start3A_250 : memref<128xi32, #tpu.memory_space<vmem>>) semaphore(%arg11 : memref<!tpu.dma_semaphore, #tpu.memory_space<semaphore_mem>>)
    %dma_start3A_254 = arith.constant 0 : i32
    %dma_start3A_255 = arith.constant 0 : i32
    %dma_start3A_256 = arith.constant 0 : i32
    %dma_start3A_257 = arith.constant 0 : i32
    %dma_start3A_258 = arith.constant 0 : i32
    %dma_start3A_259 = tpu.memref_slice %arg8[%dma_start3A_254, %dma_start3A_257, %dma_start3A_258] : memref<4x128x64xf32, #tpu.memory_space<vmem>> -> memref<1x128x64xf32, #tpu.memory_space<vmem>>
    %dma_start3A_260 = tpu.memref_squeeze %dma_start3A_259 : memref<1x128x64xf32, #tpu.memory_space<vmem>> -> memref<128x64xf32, #tpu.memory_space<vmem>>
    %dma_start3A_261 = arith.constant 0 : i32
    %dma_start3A_262 = tpu.memref_slice %arg7[%dma_start3A_255, %dma_start3A_256, %dma_start3A_261] : memref<4x2x128xi32, #tpu.memory_space<vmem>> -> memref<1x1x128xi32, #tpu.memory_space<vmem>>
    %dma_start3A_263 = tpu.memref_squeeze %dma_start3A_262 : memref<1x1x128xi32, #tpu.memory_space<vmem>> -> memref<128xi32, #tpu.memory_space<vmem>>
    %dma_start3A_264 = arith.constant 0 : i32
    %dma_start3A_265 = arith.constant 0 : i32
    %dma_start3A_266 = tpu.memref_slice %arg9[%dma_start3A_264, %dma_start3A_265] : memref<10240x64xf32, #tpu.memory_space<vmem_shared>> -> memref<10240x64xf32, #tpu.memory_space<vmem_shared>>
    tpu.enqueue_indirect_dma source(%dma_start3A_260 : memref<128x64xf32, #tpu.memory_space<vmem>>) target(%dma_start3A_266 : memref<10240x64xf32, #tpu.memory_space<vmem_shared>>) offsets(%dma_start3A_263 : memref<128xi32, #tpu.memory_space<vmem>>) semaphore(%arg12 : memref<!tpu.dma_semaphore, #tpu.memory_space<semaphore_mem>>) {add = true}
    %dma_start3A_267 = arith.constant 1 : i32
    %dma_start3A_268 = arith.constant 0 : i32
    %dma_start3A_269 = arith.constant 1 : i32
    %dma_start3A_270 = arith.constant 0 : i32
    %dma_start3A_271 = arith.constant 0 : i32
    %dma_start3A_272 = tpu.memref_slice %arg8[%dma_start3A_267, %dma_start3A_270, %dma_start3A_271] : memref<4x128x64xf32, #tpu.memory_space<vmem>> -> memref<1x128x64xf32, #tpu.memory_space<vmem>>
    %dma_start3A_273 = tpu.memref_squeeze %dma_start3A_272 : memref<1x128x64xf32, #tpu.memory_space<vmem>> -> memref<128x64xf32, #tpu.memory_space<vmem>>
    %dma_start3A_274 = arith.constant 0 : i32
    %dma_start3A_275 = tpu.memref_slice %arg7[%dma_start3A_268, %dma_start3A_269, %dma_start3A_274] : memref<4x2x128xi32, #tpu.memory_space<vmem>> -> memref<1x1x128xi32, #tpu.memory_space<vmem>>
    %dma_start3A_276 = tpu.memref_squeeze %dma_start3A_275 : memref<1x1x128xi32, #tpu.memory_space<vmem>> -> memref<128xi32, #tpu.memory_space<vmem>>
    %dma_start3A_277 = arith.constant 0 : i32
    %dma_start3A_278 = arith.constant 0 : i32
    %dma_start3A_279 = tpu.memref_slice %arg9[%dma_start3A_277, %dma_start3A_278] : memref<10240x64xf32, #tpu.memory_space<vmem_shared>> -> memref<10240x64xf32, #tpu.memory_space<vmem_shared>>
    tpu.enqueue_indirect_dma source(%dma_start3A_273 : memref<128x64xf32, #tpu.memory_space<vmem>>) target(%dma_start3A_279 : memref<10240x64xf32, #tpu.memory_space<vmem_shared>>) offsets(%dma_start3A_276 : memref<128xi32, #tpu.memory_space<vmem>>) semaphore(%arg12 : memref<!tpu.dma_semaphore, #tpu.memory_space<semaphore_mem>>) {add = true}
    %add3A_280 = arith.constant 6 : i32
    %add3A_281 = arith.addi %mul3A_35, %add3A_280 : i32
    %dma_start3A_282 = arith.constant 3 : i32
    %dma_start3A_283 = arith.constant 0 : i32
    %dma_start3A_284 = arith.constant 0 : i32
    %dma_start3A_285 = tpu.memref_slice %arg6[%dma_start3A_282, %dma_start3A_283, %dma_start3A_284] : memref<4x2x128xi32, #tpu.memory_space<vmem>> -> memref<1x2x128xi32, #tpu.memory_space<vmem>>
    %dma_start3A_286 = tpu.memref_squeeze %dma_start3A_285 : memref<1x2x128xi32, #tpu.memory_space<vmem>> -> memref<2x128xi32, #tpu.memory_space<vmem>>
    %dma_start3A_287 = arith.constant 0 : i32
    %dma_start3A_288 = tpu.memref_slice %arg3[%add3A_281, %dma_start3A_287] : memref<2560x128xi32, #tpu.memory_space<hbm>> -> memref<2x128xi32, #tpu.memory_space<hbm>>
    %dma_start3A_289 = arith.constant 0 : i32
    %dma_start3A_290 = arith.constant 0 : i32
    %dma_start3A_291 = tpu.memref_slice %arg6[%dma_start3A_282, %dma_start3A_289, %dma_start3A_290] : memref<4x2x128xi32, #tpu.memory_space<vmem>> -> memref<1x2x128xi32, #tpu.memory_space<vmem>>
    %dma_start3A_292 = tpu.memref_squeeze %dma_start3A_291 : memref<1x2x128xi32, #tpu.memory_space<vmem>> -> memref<2x128xi32, #tpu.memory_space<vmem>>
    %dma_start3A_293 = arith.constant 0 : i32
    %dma_start3A_294 = tpu.memref_slice %arg3[%add3A_281, %dma_start3A_293] : memref<2560x128xi32, #tpu.memory_space<hbm>> -> memref<2x128xi32, #tpu.memory_space<hbm>>
    tpu.enqueue_dma source(%dma_start3A_294 : memref<2x128xi32, #tpu.memory_space<hbm>>) target(%dma_start3A_292 : memref<2x128xi32, #tpu.memory_space<vmem>>) target_semaphore(%arg13 : memref<!tpu.dma_semaphore, #tpu.memory_space<semaphore_mem>>)
    %add3A_295 = arith.constant 6 : i32
    %add3A_296 = arith.addi %mul3A_35, %add3A_295 : i32
    %dma_start3A_297 = arith.constant 3 : i32
    %dma_start3A_298 = arith.constant 0 : i32
    %dma_start3A_299 = arith.constant 0 : i32
    %dma_start3A_300 = tpu.memref_slice %arg7[%dma_start3A_297, %dma_start3A_298, %dma_start3A_299] : memref<4x2x128xi32, #tpu.memory_space<vmem>> -> memref<1x2x128xi32, #tpu.memory_space<vmem>>
    %dma_start3A_301 = tpu.memref_squeeze %dma_start3A_300 : memref<1x2x128xi32, #tpu.memory_space<vmem>> -> memref<2x128xi32, #tpu.memory_space<vmem>>
    %dma_start3A_302 = arith.constant 0 : i32
    %dma_start3A_303 = tpu.memref_slice %arg4[%add3A_296, %dma_start3A_302] : memref<2560x128xi32, #tpu.memory_space<hbm>> -> memref<2x128xi32, #tpu.memory_space<hbm>>
    %dma_start3A_304 = arith.constant 0 : i32
    %dma_start3A_305 = arith.constant 0 : i32
    %dma_start3A_306 = tpu.memref_slice %arg7[%dma_start3A_297, %dma_start3A_304, %dma_start3A_305] : memref<4x2x128xi32, #tpu.memory_space<vmem>> -> memref<1x2x128xi32, #tpu.memory_space<vmem>>
    %dma_start3A_307 = tpu.memref_squeeze %dma_start3A_306 : memref<1x2x128xi32, #tpu.memory_space<vmem>> -> memref<2x128xi32, #tpu.memory_space<vmem>>
    %dma_start3A_308 = arith.constant 0 : i32
    %dma_start3A_309 = tpu.memref_slice %arg4[%add3A_296, %dma_start3A_308] : memref<2560x128xi32, #tpu.memory_space<hbm>> -> memref<2x128xi32, #tpu.memory_space<hbm>>
    tpu.enqueue_dma source(%dma_start3A_309 : memref<2x128xi32, #tpu.memory_space<hbm>>) target(%dma_start3A_307 : memref<2x128xi32, #tpu.memory_space<vmem>>) target_semaphore(%arg13 : memref<!tpu.dma_semaphore, #tpu.memory_space<semaphore_mem>>)
    %dma_wait3A_310 = arith.constant 2 : i32
    %dma_wait3A_311 = arith.constant 0 : i32
    %dma_wait3A_312 = arith.constant 0 : i32
    %dma_wait3A_313 = tpu.memref_slice %arg6[%dma_wait3A_310, %dma_wait3A_311, %dma_wait3A_312] : memref<4x2x128xi32, #tpu.memory_space<vmem>> -> memref<1x2x128xi32, #tpu.memory_space<vmem>>
    %dma_wait3A_314 = tpu.memref_squeeze %dma_wait3A_313 : memref<1x2x128xi32, #tpu.memory_space<vmem>> -> memref<2x128xi32, #tpu.memory_space<vmem>>
    %dma_wait3A_315 = arith.constant 0 : i32
    %dma_wait3A_316 = tpu.memref_slice %arg3[%mul3A_35, %dma_wait3A_315] : memref<2560x128xi32, #tpu.memory_space<hbm>> -> memref<2x128xi32, #tpu.memory_space<hbm>>
    %dma_wait3A_317 = arith.constant 0 : i32
    %dma_wait3A_318 = arith.constant 0 : i32
    %dma_wait3A_319 = tpu.memref_slice %arg6[%dma_wait3A_310, %dma_wait3A_317, %dma_wait3A_318] : memref<4x2x128xi32, #tpu.memory_space<vmem>> -> memref<1x2x128xi32, #tpu.memory_space<vmem>>
    %dma_wait3A_320 = tpu.memref_squeeze %dma_wait3A_319 : memref<1x2x128xi32, #tpu.memory_space<vmem>> -> memref<2x128xi32, #tpu.memory_space<vmem>>
    %dma_wait3A_321 = arith.constant 0 : i32
    %dma_wait3A_322 = tpu.memref_slice %arg3[%mul3A_35, %dma_wait3A_321] : memref<2560x128xi32, #tpu.memory_space<hbm>> -> memref<2x128xi32, #tpu.memory_space<hbm>>
    tpu.wait_dma2 semaphore(%arg13 : memref<!tpu.dma_semaphore, #tpu.memory_space<semaphore_mem>>) src(%dma_wait3A_322 : memref<2x128xi32, #tpu.memory_space<hbm>>) dst(%dma_wait3A_320 : memref<2x128xi32, #tpu.memory_space<vmem>>)
    %dma_wait3A_323 = arith.constant 2 : i32
    %dma_wait3A_324 = arith.constant 0 : i32
    %dma_wait3A_325 = arith.constant 0 : i32
    %dma_wait3A_326 = tpu.memref_slice %arg7[%dma_wait3A_323, %dma_wait3A_324, %dma_wait3A_325] : memref<4x2x128xi32, #tpu.memory_space<vmem>> -> memref<1x2x128xi32, #tpu.memory_space<vmem>>
    %dma_wait3A_327 = tpu.memref_squeeze %dma_wait3A_326 : memref<1x2x128xi32, #tpu.memory_space<vmem>> -> memref<2x128xi32, #tpu.memory_space<vmem>>
    %dma_wait3A_328 = arith.constant 0 : i32
    %dma_wait3A_329 = tpu.memref_slice %arg4[%mul3A_35, %dma_wait3A_328] : memref<2560x128xi32, #tpu.memory_space<hbm>> -> memref<2x128xi32, #tpu.memory_space<hbm>>
    %dma_wait3A_330 = arith.constant 0 : i32
    %dma_wait3A_331 = arith.constant 0 : i32
    %dma_wait3A_332 = tpu.memref_slice %arg7[%dma_wait3A_323, %dma_wait3A_330, %dma_wait3A_331] : memref<4x2x128xi32, #tpu.memory_space<vmem>> -> memref<1x2x128xi32, #tpu.memory_space<vmem>>
    %dma_wait3A_333 = tpu.memref_squeeze %dma_wait3A_332 : memref<1x2x128xi32, #tpu.memory_space<vmem>> -> memref<2x128xi32, #tpu.memory_space<vmem>>
    %dma_wait3A_334 = arith.constant 0 : i32
    %dma_wait3A_335 = tpu.memref_slice %arg4[%mul3A_35, %dma_wait3A_334] : memref<2560x128xi32, #tpu.memory_space<hbm>> -> memref<2x128xi32, #tpu.memory_space<hbm>>
    tpu.wait_dma2 semaphore(%arg13 : memref<!tpu.dma_semaphore, #tpu.memory_space<semaphore_mem>>) src(%dma_wait3A_335 : memref<2x128xi32, #tpu.memory_space<hbm>>) dst(%dma_wait3A_333 : memref<2x128xi32, #tpu.memory_space<vmem>>)
    %scan3A_336 = arith.constant 0 : i32
    %scan3A_337 = arith.constant 1 : i32
    %scan3A_338 = arith.constant 76 : i32
    %scan3A_339 = arith.addi %scan3A_337, %scan3A_338 : i32
    %scan3A_340 = arith.constant 1 : i32
    scf.for %scan3A_701 = %scan3A_337 to %scan3A_339 step %scan3A_340  : i32 {
      %jit3A = arith.constant 2 : i32
      %eq3A = arith.constant 0 : i32
      %eq3A_702 = arith.cmpi eq, %jit3A, %eq3A : i32
      %jit3A_703 = arith.constant 1 : i32
      %select_n3A = arith.select %eq3A_702, %jit3A_703, %jit3A : i32
      %rem3A = arith.remsi %scan3A_701, %select_n3A : i32
      %ne3A = arith.constant 0 : i32
      %ne3A_704 = arith.cmpi ne, %rem3A, %ne3A : i32
      %lt3A = arith.constant 0 : i32
      %lt3A_705 = arith.cmpi slt, %rem3A, %lt3A : i32
      %lt3A_706 = arith.constant 0 : i32
      %lt3A_707 = arith.cmpi slt, %select_n3A, %lt3A_706 : i32
      %ne3A_708 = arith.xori %lt3A_705, %lt3A_707 : i1
      %and3A = arith.andi %ne3A_708, %ne3A_704 : i1
      %add3A_709 = arith.addi %rem3A, %select_n3A : i32
      %select_n3A_710 = arith.select %and3A, %add3A_709, %rem3A : i32
      %mul3A_711 = arith.constant 2 : i32
      %mul3A_712 = arith.muli %select_n3A_710, %mul3A_711 : i32
      %add3A_713 = arith.constant 0 : i32
      %add3A_714 = arith.addi %mul3A_712, %add3A_713 : i32
      %dma_wait3A_715 = arith.constant 0 : i32
      %dma_wait3A_716 = arith.constant 0 : i32
      %dma_wait3A_717 = arith.constant 0 : i32
      %dma_wait3A_718 = arith.constant 0 : i32
      %dma_wait3A_719 = tpu.memref_slice %arg8[%add3A_714, %dma_wait3A_717, %dma_wait3A_718] : memref<4x128x64xf32, #tpu.memory_space<vmem>> -> memref<1x128x64xf32, #tpu.memory_space<vmem>>
      %dma_wait3A_720 = tpu.memref_squeeze %dma_wait3A_719 : memref<1x128x64xf32, #tpu.memory_space<vmem>> -> memref<128x64xf32, #tpu.memory_space<vmem>>
      %dma_wait3A_721 = arith.constant 0 : i32
      %dma_wait3A_722 = tpu.memref_slice %arg6[%dma_wait3A_715, %dma_wait3A_716, %dma_wait3A_721] : memref<4x2x128xi32, #tpu.memory_space<vmem>> -> memref<1x1x128xi32, #tpu.memory_space<vmem>>
      %dma_wait3A_723 = tpu.memref_squeeze %dma_wait3A_722 : memref<1x1x128xi32, #tpu.memory_space<vmem>> -> memref<128xi32, #tpu.memory_space<vmem>>
      %dma_wait3A_724 = arith.constant 0 : i32
      %dma_wait3A_725 = arith.constant 0 : i32
      %dma_wait3A_726 = tpu.memref_slice %arg10[%dma_wait3A_724, %dma_wait3A_725] : memref<10240x64xf32, #tpu.memory_space<vmem_shared>> -> memref<10240x64xf32, #tpu.memory_space<vmem_shared>>
      tpu.wait_indirect_dma semaphore(%arg11 : memref<!tpu.dma_semaphore, #tpu.memory_space<semaphore_mem>>) src(%dma_wait3A_726 : memref<10240x64xf32, #tpu.memory_space<vmem_shared>>) dst(%dma_wait3A_720 : memref<128x64xf32, #tpu.memory_space<vmem>>)
      %add3A_727 = arith.constant 1 : i32
      %add3A_728 = arith.addi %mul3A_712, %add3A_727 : i32
      %dma_wait3A_729 = arith.constant 0 : i32
      %dma_wait3A_730 = arith.constant 0 : i32
      %dma_wait3A_731 = arith.constant 0 : i32
      %dma_wait3A_732 = arith.constant 0 : i32
      %dma_wait3A_733 = tpu.memref_slice %arg8[%add3A_728, %dma_wait3A_731, %dma_wait3A_732] : memref<4x128x64xf32, #tpu.memory_space<vmem>> -> memref<1x128x64xf32, #tpu.memory_space<vmem>>
      %dma_wait3A_734 = tpu.memref_squeeze %dma_wait3A_733 : memref<1x128x64xf32, #tpu.memory_space<vmem>> -> memref<128x64xf32, #tpu.memory_space<vmem>>
      %dma_wait3A_735 = arith.constant 0 : i32
      %dma_wait3A_736 = tpu.memref_slice %arg6[%dma_wait3A_729, %dma_wait3A_730, %dma_wait3A_735] : memref<4x2x128xi32, #tpu.memory_space<vmem>> -> memref<1x1x128xi32, #tpu.memory_space<vmem>>
      %dma_wait3A_737 = tpu.memref_squeeze %dma_wait3A_736 : memref<1x1x128xi32, #tpu.memory_space<vmem>> -> memref<128xi32, #tpu.memory_space<vmem>>
      %dma_wait3A_738 = arith.constant 0 : i32
      %dma_wait3A_739 = arith.constant 0 : i32
      %dma_wait3A_740 = tpu.memref_slice %arg10[%dma_wait3A_738, %dma_wait3A_739] : memref<10240x64xf32, #tpu.memory_space<vmem_shared>> -> memref<10240x64xf32, #tpu.memory_space<vmem_shared>>
      tpu.wait_indirect_dma semaphore(%arg11 : memref<!tpu.dma_semaphore, #tpu.memory_space<semaphore_mem>>) src(%dma_wait3A_740 : memref<10240x64xf32, #tpu.memory_space<vmem_shared>>) dst(%dma_wait3A_734 : memref<128x64xf32, #tpu.memory_space<vmem>>)
      %sub3A = arith.constant 1 : i32
      %sub3A_741 = arith.subi %scan3A_701, %sub3A : i32
      %jit3A_742 = arith.constant 2 : i32
      %eq3A_743 = arith.constant 0 : i32
      %eq3A_744 = arith.cmpi eq, %jit3A_742, %eq3A_743 : i32
      %jit3A_745 = arith.constant 1 : i32
      %select_n3A_746 = arith.select %eq3A_744, %jit3A_745, %jit3A_742 : i32
      %rem3A_747 = arith.remsi %sub3A_741, %select_n3A_746 : i32
      %ne3A_748 = arith.constant 0 : i32
      %ne3A_749 = arith.cmpi ne, %rem3A_747, %ne3A_748 : i32
      %lt3A_750 = arith.constant 0 : i32
      %lt3A_751 = arith.cmpi slt, %rem3A_747, %lt3A_750 : i32
      %lt3A_752 = arith.constant 0 : i32
      %lt3A_753 = arith.cmpi slt, %select_n3A_746, %lt3A_752 : i32
      %ne3A_754 = arith.xori %lt3A_751, %lt3A_753 : i1
      %and3A_755 = arith.andi %ne3A_754, %ne3A_749 : i1
      %add3A_756 = arith.addi %rem3A_747, %select_n3A_746 : i32
      %select_n3A_757 = arith.select %and3A_755, %add3A_756, %rem3A_747 : i32
      %mul3A_758 = arith.constant 2 : i32
      %mul3A_759 = arith.muli %select_n3A_757, %mul3A_758 : i32
      %add3A_760 = arith.constant 0 : i32
      %add3A_761 = arith.addi %mul3A_759, %add3A_760 : i32
      %dma_wait3A_762 = arith.constant 0 : i32
      %dma_wait3A_763 = arith.constant 0 : i32
      %dma_wait3A_764 = arith.constant 0 : i32
      %dma_wait3A_765 = arith.constant 0 : i32
      %dma_wait3A_766 = tpu.memref_slice %arg8[%add3A_761, %dma_wait3A_764, %dma_wait3A_765] : memref<4x128x64xf32, #tpu.memory_space<vmem>> -> memref<1x128x64xf32, #tpu.memory_space<vmem>>
      %dma_wait3A_767 = tpu.memref_squeeze %dma_wait3A_766 : memref<1x128x64xf32, #tpu.memory_space<vmem>> -> memref<128x64xf32, #tpu.memory_space<vmem>>
      %dma_wait3A_768 = arith.constant 0 : i32
      %dma_wait3A_769 = tpu.memref_slice %arg7[%dma_wait3A_762, %dma_wait3A_763, %dma_wait3A_768] : memref<4x2x128xi32, #tpu.memory_space<vmem>> -> memref<1x1x128xi32, #tpu.memory_space<vmem>>
      %dma_wait3A_770 = tpu.memref_squeeze %dma_wait3A_769 : memref<1x1x128xi32, #tpu.memory_space<vmem>> -> memref<128xi32, #tpu.memory_space<vmem>>
      %dma_wait3A_771 = arith.constant 0 : i32
      %dma_wait3A_772 = arith.constant 0 : i32
      %dma_wait3A_773 = tpu.memref_slice %arg9[%dma_wait3A_771, %dma_wait3A_772] : memref<10240x64xf32, #tpu.memory_space<vmem_shared>> -> memref<10240x64xf32, #tpu.memory_space<vmem_shared>>
      tpu.wait_indirect_dma semaphore(%arg12 : memref<!tpu.dma_semaphore, #tpu.memory_space<semaphore_mem>>) src(%dma_wait3A_767 : memref<128x64xf32, #tpu.memory_space<vmem>>) dst(%dma_wait3A_773 : memref<10240x64xf32, #tpu.memory_space<vmem_shared>>)
      %add3A_774 = arith.constant 1 : i32
      %add3A_775 = arith.addi %mul3A_759, %add3A_774 : i32
      %dma_wait3A_776 = arith.constant 0 : i32
      %dma_wait3A_777 = arith.constant 0 : i32
      %dma_wait3A_778 = arith.constant 0 : i32
      %dma_wait3A_779 = arith.constant 0 : i32
      %dma_wait3A_780 = tpu.memref_slice %arg8[%add3A_775, %dma_wait3A_778, %dma_wait3A_779] : memref<4x128x64xf32, #tpu.memory_space<vmem>> -> memref<1x128x64xf32, #tpu.memory_space<vmem>>
      %dma_wait3A_781 = tpu.memref_squeeze %dma_wait3A_780 : memref<1x128x64xf32, #tpu.memory_space<vmem>> -> memref<128x64xf32, #tpu.memory_space<vmem>>
      %dma_wait3A_782 = arith.constant 0 : i32
      %dma_wait3A_783 = tpu.memref_slice %arg7[%dma_wait3A_776, %dma_wait3A_777, %dma_wait3A_782] : memref<4x2x128xi32, #tpu.memory_space<vmem>> -> memref<1x1x128xi32, #tpu.memory_space<vmem>>
      %dma_wait3A_784 = tpu.memref_squeeze %dma_wait3A_783 : memref<1x1x128xi32, #tpu.memory_space<vmem>> -> memref<128xi32, #tpu.memory_space<vmem>>
      %dma_wait3A_785 = arith.constant 0 : i32
      %dma_wait3A_786 = arith.constant 0 : i32
      %dma_wait3A_787 = tpu.memref_slice %arg9[%dma_wait3A_785, %dma_wait3A_786] : memref<10240x64xf32, #tpu.memory_space<vmem_shared>> -> memref<10240x64xf32, #tpu.memory_space<vmem_shared>>
      tpu.wait_indirect_dma semaphore(%arg12 : memref<!tpu.dma_semaphore, #tpu.memory_space<semaphore_mem>>) src(%dma_wait3A_781 : memref<128x64xf32, #tpu.memory_space<vmem>>) dst(%dma_wait3A_787 : memref<10240x64xf32, #tpu.memory_space<vmem_shared>>)
      %add3A_788 = arith.constant 2 : i32
      %add3A_789 = arith.addi %scan3A_701, %add3A_788 : i32
      %jit3A_790 = arith.constant 4 : i32
      %eq3A_791 = arith.constant 0 : i32
      %eq3A_792 = arith.cmpi eq, %jit3A_790, %eq3A_791 : i32
      %jit3A_793 = arith.constant 1 : i32
      %select_n3A_794 = arith.select %eq3A_792, %jit3A_793, %jit3A_790 : i32
      %rem3A_795 = arith.remsi %add3A_789, %select_n3A_794 : i32
      %ne3A_796 = arith.constant 0 : i32
      %ne3A_797 = arith.cmpi ne, %rem3A_795, %ne3A_796 : i32
      %lt3A_798 = arith.constant 0 : i32
      %lt3A_799 = arith.cmpi slt, %rem3A_795, %lt3A_798 : i32
      %lt3A_800 = arith.constant 0 : i32
      %lt3A_801 = arith.cmpi slt, %select_n3A_794, %lt3A_800 : i32
      %ne3A_802 = arith.xori %lt3A_799, %lt3A_801 : i1
      %and3A_803 = arith.andi %ne3A_802, %ne3A_797 : i1
      %add3A_804 = arith.addi %rem3A_795, %select_n3A_794 : i32
      %select_n3A_805 = arith.select %and3A_803, %add3A_804, %rem3A_795 : i32
      %dma_wait3A_806 = arith.constant 0 : i32
      %dma_wait3A_807 = arith.constant 0 : i32
      %dma_wait3A_808 = tpu.memref_slice %arg6[%select_n3A_805, %dma_wait3A_806, %dma_wait3A_807] : memref<4x2x128xi32, #tpu.memory_space<vmem>> -> memref<1x2x128xi32, #tpu.memory_space<vmem>>
      %dma_wait3A_809 = tpu.memref_squeeze %dma_wait3A_808 : memref<1x2x128xi32, #tpu.memory_space<vmem>> -> memref<2x128xi32, #tpu.memory_space<vmem>>
      %dma_wait3A_810 = arith.constant 0 : i32
      %dma_wait3A_811 = tpu.memref_slice %arg3[%mul3A_35, %dma_wait3A_810] : memref<2560x128xi32, #tpu.memory_space<hbm>> -> memref<2x128xi32, #tpu.memory_space<hbm>>
      %dma_wait3A_812 = arith.constant 0 : i32
      %dma_wait3A_813 = arith.constant 0 : i32
      %dma_wait3A_814 = tpu.memref_slice %arg6[%select_n3A_805, %dma_wait3A_812, %dma_wait3A_813] : memref<4x2x128xi32, #tpu.memory_space<vmem>> -> memref<1x2x128xi32, #tpu.memory_space<vmem>>
      %dma_wait3A_815 = tpu.memref_squeeze %dma_wait3A_814 : memref<1x2x128xi32, #tpu.memory_space<vmem>> -> memref<2x128xi32, #tpu.memory_space<vmem>>
      %dma_wait3A_816 = arith.constant 0 : i32
      %dma_wait3A_817 = tpu.memref_slice %arg3[%mul3A_35, %dma_wait3A_816] : memref<2560x128xi32, #tpu.memory_space<hbm>> -> memref<2x128xi32, #tpu.memory_space<hbm>>
      tpu.wait_dma2 semaphore(%arg13 : memref<!tpu.dma_semaphore, #tpu.memory_space<semaphore_mem>>) src(%dma_wait3A_817 : memref<2x128xi32, #tpu.memory_space<hbm>>) dst(%dma_wait3A_815 : memref<2x128xi32, #tpu.memory_space<vmem>>)
      %dma_wait3A_818 = arith.constant 0 : i32
      %dma_wait3A_819 = arith.constant 0 : i32
      %dma_wait3A_820 = tpu.memref_slice %arg7[%select_n3A_805, %dma_wait3A_818, %dma_wait3A_819] : memref<4x2x128xi32, #tpu.memory_space<vmem>> -> memref<1x2x128xi32, #tpu.memory_space<vmem>>
      %dma_wait3A_821 = tpu.memref_squeeze %dma_wait3A_820 : memref<1x2x128xi32, #tpu.memory_space<vmem>> -> memref<2x128xi32, #tpu.memory_space<vmem>>
      %dma_wait3A_822 = arith.constant 0 : i32
      %dma_wait3A_823 = tpu.memref_slice %arg4[%mul3A_35, %dma_wait3A_822] : memref<2560x128xi32, #tpu.memory_space<hbm>> -> memref<2x128xi32, #tpu.memory_space<hbm>>
      %dma_wait3A_824 = arith.constant 0 : i32
      %dma_wait3A_825 = arith.constant 0 : i32
      %dma_wait3A_826 = tpu.memref_slice %arg7[%select_n3A_805, %dma_wait3A_824, %dma_wait3A_825] : memref<4x2x128xi32, #tpu.memory_space<vmem>> -> memref<1x2x128xi32, #tpu.memory_space<vmem>>
      %dma_wait3A_827 = tpu.memref_squeeze %dma_wait3A_826 : memref<1x2x128xi32, #tpu.memory_space<vmem>> -> memref<2x128xi32, #tpu.memory_space<vmem>>
      %dma_wait3A_828 = arith.constant 0 : i32
      %dma_wait3A_829 = tpu.memref_slice %arg4[%mul3A_35, %dma_wait3A_828] : memref<2560x128xi32, #tpu.memory_space<hbm>> -> memref<2x128xi32, #tpu.memory_space<hbm>>
      tpu.wait_dma2 semaphore(%arg13 : memref<!tpu.dma_semaphore, #tpu.memory_space<semaphore_mem>>) src(%dma_wait3A_829 : memref<2x128xi32, #tpu.memory_space<hbm>>) dst(%dma_wait3A_827 : memref<2x128xi32, #tpu.memory_space<vmem>>)
      %add3A_830 = arith.constant 1 : i32
      %add3A_831 = arith.addi %scan3A_701, %add3A_830 : i32
      %jit3A_832 = arith.constant 4 : i32
      %eq3A_833 = arith.constant 0 : i32
      %eq3A_834 = arith.cmpi eq, %jit3A_832, %eq3A_833 : i32
      %jit3A_835 = arith.constant 1 : i32
      %select_n3A_836 = arith.select %eq3A_834, %jit3A_835, %jit3A_832 : i32
      %rem3A_837 = arith.remsi %add3A_831, %select_n3A_836 : i32
      %ne3A_838 = arith.constant 0 : i32
      %ne3A_839 = arith.cmpi ne, %rem3A_837, %ne3A_838 : i32
      %lt3A_840 = arith.constant 0 : i32
      %lt3A_841 = arith.cmpi slt, %rem3A_837, %lt3A_840 : i32
      %lt3A_842 = arith.constant 0 : i32
      %lt3A_843 = arith.cmpi slt, %select_n3A_836, %lt3A_842 : i32
      %ne3A_844 = arith.xori %lt3A_841, %lt3A_843 : i1
      %and3A_845 = arith.andi %ne3A_844, %ne3A_839 : i1
      %add3A_846 = arith.addi %rem3A_837, %select_n3A_836 : i32
      %select_n3A_847 = arith.select %and3A_845, %add3A_846, %rem3A_837 : i32
      %jit3A_848 = arith.constant 2 : i32
      %eq3A_849 = arith.constant 0 : i32
      %eq3A_850 = arith.cmpi eq, %jit3A_848, %eq3A_849 : i32
      %jit3A_851 = arith.constant 1 : i32
      %select_n3A_852 = arith.select %eq3A_850, %jit3A_851, %jit3A_848 : i32
      %rem3A_853 = arith.remsi %add3A_831, %select_n3A_852 : i32
      %ne3A_854 = arith.constant 0 : i32
      %ne3A_855 = arith.cmpi ne, %rem3A_853, %ne3A_854 : i32
      %lt3A_856 = arith.constant 0 : i32
      %lt3A_857 = arith.cmpi slt, %rem3A_853, %lt3A_856 : i32
      %lt3A_858 = arith.constant 0 : i32
      %lt3A_859 = arith.cmpi slt, %select_n3A_852, %lt3A_858 : i32
      %ne3A_860 = arith.xori %lt3A_857, %lt3A_859 : i1
      %and3A_861 = arith.andi %ne3A_860, %ne3A_855 : i1
      %add3A_862 = arith.addi %rem3A_853, %select_n3A_852 : i32
      %select_n3A_863 = arith.select %and3A_861, %add3A_862, %rem3A_853 : i32
      %mul3A_864 = arith.constant 2 : i32
      %mul3A_865 = arith.muli %select_n3A_863, %mul3A_864 : i32
      %add3A_866 = arith.constant 0 : i32
      %add3A_867 = arith.addi %mul3A_865, %add3A_866 : i32
      %dma_start3A_868 = arith.constant 0 : i32
      %dma_start3A_869 = arith.constant 0 : i32
      %dma_start3A_870 = arith.constant 0 : i32
      %dma_start3A_871 = tpu.memref_slice %arg8[%add3A_867, %dma_start3A_869, %dma_start3A_870] : memref<4x128x64xf32, #tpu.memory_space<vmem>> -> memref<1x128x64xf32, #tpu.memory_space<vmem>>
      %dma_start3A_872 = tpu.memref_squeeze %dma_start3A_871 : memref<1x128x64xf32, #tpu.memory_space<vmem>> -> memref<128x64xf32, #tpu.memory_space<vmem>>
      %dma_start3A_873 = arith.constant 0 : i32
      %dma_start3A_874 = tpu.memref_slice %arg6[%select_n3A_847, %dma_start3A_868, %dma_start3A_873] : memref<4x2x128xi32, #tpu.memory_space<vmem>> -> memref<1x1x128xi32, #tpu.memory_space<vmem>>
      %dma_start3A_875 = tpu.memref_squeeze %dma_start3A_874 : memref<1x1x128xi32, #tpu.memory_space<vmem>> -> memref<128xi32, #tpu.memory_space<vmem>>
      %dma_start3A_876 = arith.constant 0 : i32
      %dma_start3A_877 = arith.constant 0 : i32
      %dma_start3A_878 = tpu.memref_slice %arg10[%dma_start3A_876, %dma_start3A_877] : memref<10240x64xf32, #tpu.memory_space<vmem_shared>> -> memref<10240x64xf32, #tpu.memory_space<vmem_shared>>
      tpu.enqueue_indirect_dma source(%dma_start3A_878 : memref<10240x64xf32, #tpu.memory_space<vmem_shared>>) target(%dma_start3A_872 : memref<128x64xf32, #tpu.memory_space<vmem>>) offsets(%dma_start3A_875 : memref<128xi32, #tpu.memory_space<vmem>>) semaphore(%arg11 : memref<!tpu.dma_semaphore, #tpu.memory_space<semaphore_mem>>)
      %add3A_879 = arith.constant 1 : i32
      %add3A_880 = arith.addi %mul3A_865, %add3A_879 : i32
      %dma_start3A_881 = arith.constant 1 : i32
      %dma_start3A_882 = arith.constant 0 : i32
      %dma_start3A_883 = arith.constant 0 : i32
      %dma_start3A_884 = tpu.memref_slice %arg8[%add3A_880, %dma_start3A_882, %dma_start3A_883] : memref<4x128x64xf32, #tpu.memory_space<vmem>> -> memref<1x128x64xf32, #tpu.memory_space<vmem>>
      %dma_start3A_885 = tpu.memref_squeeze %dma_start3A_884 : memref<1x128x64xf32, #tpu.memory_space<vmem>> -> memref<128x64xf32, #tpu.memory_space<vmem>>
      %dma_start3A_886 = arith.constant 0 : i32
      %dma_start3A_887 = tpu.memref_slice %arg6[%select_n3A_847, %dma_start3A_881, %dma_start3A_886] : memref<4x2x128xi32, #tpu.memory_space<vmem>> -> memref<1x1x128xi32, #tpu.memory_space<vmem>>
      %dma_start3A_888 = tpu.memref_squeeze %dma_start3A_887 : memref<1x1x128xi32, #tpu.memory_space<vmem>> -> memref<128xi32, #tpu.memory_space<vmem>>
      %dma_start3A_889 = arith.constant 0 : i32
      %dma_start3A_890 = arith.constant 0 : i32
      %dma_start3A_891 = tpu.memref_slice %arg10[%dma_start3A_889, %dma_start3A_890] : memref<10240x64xf32, #tpu.memory_space<vmem_shared>> -> memref<10240x64xf32, #tpu.memory_space<vmem_shared>>
      tpu.enqueue_indirect_dma source(%dma_start3A_891 : memref<10240x64xf32, #tpu.memory_space<vmem_shared>>) target(%dma_start3A_885 : memref<128x64xf32, #tpu.memory_space<vmem>>) offsets(%dma_start3A_888 : memref<128xi32, #tpu.memory_space<vmem>>) semaphore(%arg11 : memref<!tpu.dma_semaphore, #tpu.memory_space<semaphore_mem>>)
      %jit3A_892 = arith.constant 4 : i32
      %eq3A_893 = arith.constant 0 : i32
      %eq3A_894 = arith.cmpi eq, %jit3A_892, %eq3A_893 : i32
      %jit3A_895 = arith.constant 1 : i32
      %select_n3A_896 = arith.select %eq3A_894, %jit3A_895, %jit3A_892 : i32
      %rem3A_897 = arith.remsi %scan3A_701, %select_n3A_896 : i32
      %ne3A_898 = arith.constant 0 : i32
      %ne3A_899 = arith.cmpi ne, %rem3A_897, %ne3A_898 : i32
      %lt3A_900 = arith.constant 0 : i32
      %lt3A_901 = arith.cmpi slt, %rem3A_897, %lt3A_900 : i32
      %lt3A_902 = arith.constant 0 : i32
      %lt3A_903 = arith.cmpi slt, %select_n3A_896, %lt3A_902 : i32
      %ne3A_904 = arith.xori %lt3A_901, %lt3A_903 : i1
      %and3A_905 = arith.andi %ne3A_904, %ne3A_899 : i1
      %add3A_906 = arith.addi %rem3A_897, %select_n3A_896 : i32
      %select_n3A_907 = arith.select %and3A_905, %add3A_906, %rem3A_897 : i32
      %jit3A_908 = arith.constant 2 : i32
      %eq3A_909 = arith.constant 0 : i32
      %eq3A_910 = arith.cmpi eq, %jit3A_908, %eq3A_909 : i32
      %jit3A_911 = arith.constant 1 : i32
      %select_n3A_912 = arith.select %eq3A_910, %jit3A_911, %jit3A_908 : i32
      %rem3A_913 = arith.remsi %scan3A_701, %select_n3A_912 : i32
      %ne3A_914 = arith.constant 0 : i32
      %ne3A_915 = arith.cmpi ne, %rem3A_913, %ne3A_914 : i32
      %lt3A_916 = arith.constant 0 : i32
      %lt3A_917 = arith.cmpi slt, %rem3A_913, %lt3A_916 : i32
      %lt3A_918 = arith.constant 0 : i32
      %lt3A_919 = arith.cmpi slt, %select_n3A_912, %lt3A_918 : i32
      %ne3A_920 = arith.xori %lt3A_917, %lt3A_919 : i1
      %and3A_921 = arith.andi %ne3A_920, %ne3A_915 : i1
      %add3A_922 = arith.addi %rem3A_913, %select_n3A_912 : i32
      %select_n3A_923 = arith.select %and3A_921, %add3A_922, %rem3A_913 : i32
      %mul3A_924 = arith.constant 2 : i32
      %mul3A_925 = arith.muli %select_n3A_923, %mul3A_924 : i32
      %add3A_926 = arith.constant 0 : i32
      %add3A_927 = arith.addi %mul3A_925, %add3A_926 : i32
      %dma_start3A_928 = arith.constant 0 : i32
      %dma_start3A_929 = arith.constant 0 : i32
      %dma_start3A_930 = arith.constant 0 : i32
      %dma_start3A_931 = tpu.memref_slice %arg8[%add3A_927, %dma_start3A_929, %dma_start3A_930] : memref<4x128x64xf32, #tpu.memory_space<vmem>> -> memref<1x128x64xf32, #tpu.memory_space<vmem>>
      %dma_start3A_932 = tpu.memref_squeeze %dma_start3A_931 : memref<1x128x64xf32, #tpu.memory_space<vmem>> -> memref<128x64xf32, #tpu.memory_space<vmem>>
      %dma_start3A_933 = arith.constant 0 : i32
      %dma_start3A_934 = tpu.memref_slice %arg7[%select_n3A_907, %dma_start3A_928, %dma_start3A_933] : memref<4x2x128xi32, #tpu.memory_space<vmem>> -> memref<1x1x128xi32, #tpu.memory_space<vmem>>
      %dma_start3A_935 = tpu.memref_squeeze %dma_start3A_934 : memref<1x1x128xi32, #tpu.memory_space<vmem>> -> memref<128xi32, #tpu.memory_space<vmem>>
      %dma_start3A_936 = arith.constant 0 : i32
      %dma_start3A_937 = arith.constant 0 : i32
      %dma_start3A_938 = tpu.memref_slice %arg9[%dma_start3A_936, %dma_start3A_937] : memref<10240x64xf32, #tpu.memory_space<vmem_shared>> -> memref<10240x64xf32, #tpu.memory_space<vmem_shared>>
      tpu.enqueue_indirect_dma source(%dma_start3A_932 : memref<128x64xf32, #tpu.memory_space<vmem>>) target(%dma_start3A_938 : memref<10240x64xf32, #tpu.memory_space<vmem_shared>>) offsets(%dma_start3A_935 : memref<128xi32, #tpu.memory_space<vmem>>) semaphore(%arg12 : memref<!tpu.dma_semaphore, #tpu.memory_space<semaphore_mem>>) {add = true}
      %add3A_939 = arith.constant 1 : i32
      %add3A_940 = arith.addi %mul3A_925, %add3A_939 : i32
      %dma_start3A_941 = arith.constant 1 : i32
      %dma_start3A_942 = arith.constant 0 : i32
      %dma_start3A_943 = arith.constant 0 : i32
      %dma_start3A_944 = tpu.memref_slice %arg8[%add3A_940, %dma_start3A_942, %dma_start3A_943] : memref<4x128x64xf32, #tpu.memory_space<vmem>> -> memref<1x128x64xf32, #tpu.memory_space<vmem>>
      %dma_start3A_945 = tpu.memref_squeeze %dma_start3A_944 : memref<1x128x64xf32, #tpu.memory_space<vmem>> -> memref<128x64xf32, #tpu.memory_space<vmem>>
      %dma_start3A_946 = arith.constant 0 : i32
      %dma_start3A_947 = tpu.memref_slice %arg7[%select_n3A_907, %dma_start3A_941, %dma_start3A_946] : memref<4x2x128xi32, #tpu.memory_space<vmem>> -> memref<1x1x128xi32, #tpu.memory_space<vmem>>
      %dma_start3A_948 = tpu.memref_squeeze %dma_start3A_947 : memref<1x1x128xi32, #tpu.memory_space<vmem>> -> memref<128xi32, #tpu.memory_space<vmem>>
      %dma_start3A_949 = arith.constant 0 : i32
      %dma_start3A_950 = arith.constant 0 : i32
      %dma_start3A_951 = tpu.memref_slice %arg9[%dma_start3A_949, %dma_start3A_950] : memref<10240x64xf32, #tpu.memory_space<vmem_shared>> -> memref<10240x64xf32, #tpu.memory_space<vmem_shared>>
      tpu.enqueue_indirect_dma source(%dma_start3A_945 : memref<128x64xf32, #tpu.memory_space<vmem>>) target(%dma_start3A_951 : memref<10240x64xf32, #tpu.memory_space<vmem_shared>>) offsets(%dma_start3A_948 : memref<128xi32, #tpu.memory_space<vmem>>) semaphore(%arg12 : memref<!tpu.dma_semaphore, #tpu.memory_space<semaphore_mem>>) {add = true}
      %add3A_952 = arith.constant 3 : i32
      %add3A_953 = arith.addi %scan3A_701, %add3A_952 : i32
      %jit3A_954 = arith.constant 4 : i32
      %eq3A_955 = arith.constant 0 : i32
      %eq3A_956 = arith.cmpi eq, %jit3A_954, %eq3A_955 : i32
      %jit3A_957 = arith.constant 1 : i32
      %select_n3A_958 = arith.select %eq3A_956, %jit3A_957, %jit3A_954 : i32
      %rem3A_959 = arith.remsi %add3A_953, %select_n3A_958 : i32
      %ne3A_960 = arith.constant 0 : i32
      %ne3A_961 = arith.cmpi ne, %rem3A_959, %ne3A_960 : i32
      %lt3A_962 = arith.constant 0 : i32
      %lt3A_963 = arith.cmpi slt, %rem3A_959, %lt3A_962 : i32
      %lt3A_964 = arith.constant 0 : i32
      %lt3A_965 = arith.cmpi slt, %select_n3A_958, %lt3A_964 : i32
      %ne3A_966 = arith.xori %lt3A_963, %lt3A_965 : i1
      %and3A_967 = arith.andi %ne3A_966, %ne3A_961 : i1
      %add3A_968 = arith.addi %rem3A_959, %select_n3A_958 : i32
      %select_n3A_969 = arith.select %and3A_967, %add3A_968, %rem3A_959 : i32
      %mul3A_970 = arith.constant 2 : i32
      %mul3A_971 = arith.muli %add3A_953, %mul3A_970 : i32
      %add3A_972 = arith.addi %mul3A_35, %mul3A_971 : i32
      %dma_start3A_973 = arith.constant 0 : i32
      %dma_start3A_974 = arith.constant 0 : i32
      %dma_start3A_975 = tpu.memref_slice %arg6[%select_n3A_969, %dma_start3A_973, %dma_start3A_974] : memref<4x2x128xi32, #tpu.memory_space<vmem>> -> memref<1x2x128xi32, #tpu.memory_space<vmem>>
      %dma_start3A_976 = tpu.memref_squeeze %dma_start3A_975 : memref<1x2x128xi32, #tpu.memory_space<vmem>> -> memref<2x128xi32, #tpu.memory_space<vmem>>
      %dma_start3A_977 = arith.constant 0 : i32
      %dma_start3A_978 = tpu.memref_slice %arg3[%add3A_972, %dma_start3A_977] : memref<2560x128xi32, #tpu.memory_space<hbm>> -> memref<2x128xi32, #tpu.memory_space<hbm>>
      %dma_start3A_979 = arith.constant 0 : i32
      %dma_start3A_980 = arith.constant 0 : i32
      %dma_start3A_981 = tpu.memref_slice %arg6[%select_n3A_969, %dma_start3A_979, %dma_start3A_980] : memref<4x2x128xi32, #tpu.memory_space<vmem>> -> memref<1x2x128xi32, #tpu.memory_space<vmem>>
      %dma_start3A_982 = tpu.memref_squeeze %dma_start3A_981 : memref<1x2x128xi32, #tpu.memory_space<vmem>> -> memref<2x128xi32, #tpu.memory_space<vmem>>
      %dma_start3A_983 = arith.constant 0 : i32
      %dma_start3A_984 = tpu.memref_slice %arg3[%add3A_972, %dma_start3A_983] : memref<2560x128xi32, #tpu.memory_space<hbm>> -> memref<2x128xi32, #tpu.memory_space<hbm>>
      tpu.enqueue_dma source(%dma_start3A_984 : memref<2x128xi32, #tpu.memory_space<hbm>>) target(%dma_start3A_982 : memref<2x128xi32, #tpu.memory_space<vmem>>) target_semaphore(%arg13 : memref<!tpu.dma_semaphore, #tpu.memory_space<semaphore_mem>>)
      %mul3A_985 = arith.constant 2 : i32
      %mul3A_986 = arith.muli %add3A_953, %mul3A_985 : i32
      %add3A_987 = arith.addi %mul3A_35, %mul3A_986 : i32
      %dma_start3A_988 = arith.constant 0 : i32
      %dma_start3A_989 = arith.constant 0 : i32
      %dma_start3A_990 = tpu.memref_slice %arg7[%select_n3A_969, %dma_start3A_988, %dma_start3A_989] : memref<4x2x128xi32, #tpu.memory_space<vmem>> -> memref<1x2x128xi32, #tpu.memory_space<vmem>>
      %dma_start3A_991 = tpu.memref_squeeze %dma_start3A_990 : memref<1x2x128xi32, #tpu.memory_space<vmem>> -> memref<2x128xi32, #tpu.memory_space<vmem>>
      %dma_start3A_992 = arith.constant 0 : i32
      %dma_start3A_993 = tpu.memref_slice %arg4[%add3A_987, %dma_start3A_992] : memref<2560x128xi32, #tpu.memory_space<hbm>> -> memref<2x128xi32, #tpu.memory_space<hbm>>
      %dma_start3A_994 = arith.constant 0 : i32
      %dma_start3A_995 = arith.constant 0 : i32
      %dma_start3A_996 = tpu.memref_slice %arg7[%select_n3A_969, %dma_start3A_994, %dma_start3A_995] : memref<4x2x128xi32, #tpu.memory_space<vmem>> -> memref<1x2x128xi32, #tpu.memory_space<vmem>>
      %dma_start3A_997 = tpu.memref_squeeze %dma_start3A_996 : memref<1x2x128xi32, #tpu.memory_space<vmem>> -> memref<2x128xi32, #tpu.memory_space<vmem>>
      %dma_start3A_998 = arith.constant 0 : i32
      %dma_start3A_999 = tpu.memref_slice %arg4[%add3A_987, %dma_start3A_998] : memref<2560x128xi32, #tpu.memory_space<hbm>> -> memref<2x128xi32, #tpu.memory_space<hbm>>
      tpu.enqueue_dma source(%dma_start3A_999 : memref<2x128xi32, #tpu.memory_space<hbm>>) target(%dma_start3A_997 : memref<2x128xi32, #tpu.memory_space<vmem>>) target_semaphore(%arg13 : memref<!tpu.dma_semaphore, #tpu.memory_space<semaphore_mem>>)
    }
    %scan3A_341 = arith.constant 76 : i32
    %dma_wait3A_342 = arith.constant 0 : i32
    %dma_wait3A_343 = arith.constant 0 : i32
    %dma_wait3A_344 = arith.constant 2 : i32
    %dma_wait3A_345 = arith.constant 0 : i32
    %dma_wait3A_346 = arith.constant 0 : i32
    %dma_wait3A_347 = tpu.memref_slice %arg8[%dma_wait3A_344, %dma_wait3A_345, %dma_wait3A_346] : memref<4x128x64xf32, #tpu.memory_space<vmem>> -> memref<1x128x64xf32, #tpu.memory_space<vmem>>
    %dma_wait3A_348 = tpu.memref_squeeze %dma_wait3A_347 : memref<1x128x64xf32, #tpu.memory_space<vmem>> -> memref<128x64xf32, #tpu.memory_space<vmem>>
    %dma_wait3A_349 = arith.constant 0 : i32
    %dma_wait3A_350 = tpu.memref_slice %arg6[%dma_wait3A_342, %dma_wait3A_343, %dma_wait3A_349] : memref<4x2x128xi32, #tpu.memory_space<vmem>> -> memref<1x1x128xi32, #tpu.memory_space<vmem>>
    %dma_wait3A_351 = tpu.memref_squeeze %dma_wait3A_350 : memref<1x1x128xi32, #tpu.memory_space<vmem>> -> memref<128xi32, #tpu.memory_space<vmem>>
    %dma_wait3A_352 = arith.constant 0 : i32
    %dma_wait3A_353 = arith.constant 0 : i32
    %dma_wait3A_354 = tpu.memref_slice %arg10[%dma_wait3A_352, %dma_wait3A_353] : memref<10240x64xf32, #tpu.memory_space<vmem_shared>> -> memref<10240x64xf32, #tpu.memory_space<vmem_shared>>
    tpu.wait_indirect_dma semaphore(%arg11 : memref<!tpu.dma_semaphore, #tpu.memory_space<semaphore_mem>>) src(%dma_wait3A_354 : memref<10240x64xf32, #tpu.memory_space<vmem_shared>>) dst(%dma_wait3A_348 : memref<128x64xf32, #tpu.memory_space<vmem>>)
    %dma_wait3A_355 = arith.constant 0 : i32
    %dma_wait3A_356 = arith.constant 0 : i32
    %dma_wait3A_357 = arith.constant 3 : i32
    %dma_wait3A_358 = arith.constant 0 : i32
    %dma_wait3A_359 = arith.constant 0 : i32
    %dma_wait3A_360 = tpu.memref_slice %arg8[%dma_wait3A_357, %dma_wait3A_358, %dma_wait3A_359] : memref<4x128x64xf32, #tpu.memory_space<vmem>> -> memref<1x128x64xf32, #tpu.memory_space<vmem>>
    %dma_wait3A_361 = tpu.memref_squeeze %dma_wait3A_360 : memref<1x128x64xf32, #tpu.memory_space<vmem>> -> memref<128x64xf32, #tpu.memory_space<vmem>>
    %dma_wait3A_362 = arith.constant 0 : i32
    %dma_wait3A_363 = tpu.memref_slice %arg6[%dma_wait3A_355, %dma_wait3A_356, %dma_wait3A_362] : memref<4x2x128xi32, #tpu.memory_space<vmem>> -> memref<1x1x128xi32, #tpu.memory_space<vmem>>
    %dma_wait3A_364 = tpu.memref_squeeze %dma_wait3A_363 : memref<1x1x128xi32, #tpu.memory_space<vmem>> -> memref<128xi32, #tpu.memory_space<vmem>>
    %dma_wait3A_365 = arith.constant 0 : i32
    %dma_wait3A_366 = arith.constant 0 : i32
    %dma_wait3A_367 = tpu.memref_slice %arg10[%dma_wait3A_365, %dma_wait3A_366] : memref<10240x64xf32, #tpu.memory_space<vmem_shared>> -> memref<10240x64xf32, #tpu.memory_space<vmem_shared>>
    tpu.wait_indirect_dma semaphore(%arg11 : memref<!tpu.dma_semaphore, #tpu.memory_space<semaphore_mem>>) src(%dma_wait3A_367 : memref<10240x64xf32, #tpu.memory_space<vmem_shared>>) dst(%dma_wait3A_361 : memref<128x64xf32, #tpu.memory_space<vmem>>)
    %dma_wait3A_368 = arith.constant 0 : i32
    %dma_wait3A_369 = arith.constant 0 : i32
    %dma_wait3A_370 = arith.constant 0 : i32
    %dma_wait3A_371 = arith.constant 0 : i32
    %dma_wait3A_372 = arith.constant 0 : i32
    %dma_wait3A_373 = tpu.memref_slice %arg8[%dma_wait3A_368, %dma_wait3A_371, %dma_wait3A_372] : memref<4x128x64xf32, #tpu.memory_space<vmem>> -> memref<1x128x64xf32, #tpu.memory_space<vmem>>
    %dma_wait3A_374 = tpu.memref_squeeze %dma_wait3A_373 : memref<1x128x64xf32, #tpu.memory_space<vmem>> -> memref<128x64xf32, #tpu.memory_space<vmem>>
    %dma_wait3A_375 = arith.constant 0 : i32
    %dma_wait3A_376 = tpu.memref_slice %arg7[%dma_wait3A_369, %dma_wait3A_370, %dma_wait3A_375] : memref<4x2x128xi32, #tpu.memory_space<vmem>> -> memref<1x1x128xi32, #tpu.memory_space<vmem>>
    %dma_wait3A_377 = tpu.memref_squeeze %dma_wait3A_376 : memref<1x1x128xi32, #tpu.memory_space<vmem>> -> memref<128xi32, #tpu.memory_space<vmem>>
    %dma_wait3A_378 = arith.constant 0 : i32
    %dma_wait3A_379 = arith.constant 0 : i32
    %dma_wait3A_380 = tpu.memref_slice %arg9[%dma_wait3A_378, %dma_wait3A_379] : memref<10240x64xf32, #tpu.memory_space<vmem_shared>> -> memref<10240x64xf32, #tpu.memory_space<vmem_shared>>
    tpu.wait_indirect_dma semaphore(%arg12 : memref<!tpu.dma_semaphore, #tpu.memory_space<semaphore_mem>>) src(%dma_wait3A_374 : memref<128x64xf32, #tpu.memory_space<vmem>>) dst(%dma_wait3A_380 : memref<10240x64xf32, #tpu.memory_space<vmem_shared>>)
    %dma_wait3A_381 = arith.constant 1 : i32
    %dma_wait3A_382 = arith.constant 0 : i32
    %dma_wait3A_383 = arith.constant 0 : i32
    %dma_wait3A_384 = arith.constant 0 : i32
    %dma_wait3A_385 = arith.constant 0 : i32
    %dma_wait3A_386 = tpu.memref_slice %arg8[%dma_wait3A_381, %dma_wait3A_384, %dma_wait3A_385] : memref<4x128x64xf32, #tpu.memory_space<vmem>> -> memref<1x128x64xf32, #tpu.memory_space<vmem>>
    %dma_wait3A_387 = tpu.memref_squeeze %dma_wait3A_386 : memref<1x128x64xf32, #tpu.memory_space<vmem>> -> memref<128x64xf32, #tpu.memory_space<vmem>>
    %dma_wait3A_388 = arith.constant 0 : i32
    %dma_wait3A_389 = tpu.memref_slice %arg7[%dma_wait3A_382, %dma_wait3A_383, %dma_wait3A_388] : memref<4x2x128xi32, #tpu.memory_space<vmem>> -> memref<1x1x128xi32, #tpu.memory_space<vmem>>
    %dma_wait3A_390 = tpu.memref_squeeze %dma_wait3A_389 : memref<1x1x128xi32, #tpu.memory_space<vmem>> -> memref<128xi32, #tpu.memory_space<vmem>>
    %dma_wait3A_391 = arith.constant 0 : i32
    %dma_wait3A_392 = arith.constant 0 : i32
    %dma_wait3A_393 = tpu.memref_slice %arg9[%dma_wait3A_391, %dma_wait3A_392] : memref<10240x64xf32, #tpu.memory_space<vmem_shared>> -> memref<10240x64xf32, #tpu.memory_space<vmem_shared>>
    tpu.wait_indirect_dma semaphore(%arg12 : memref<!tpu.dma_semaphore, #tpu.memory_space<semaphore_mem>>) src(%dma_wait3A_387 : memref<128x64xf32, #tpu.memory_space<vmem>>) dst(%dma_wait3A_393 : memref<10240x64xf32, #tpu.memory_space<vmem_shared>>)
    %dma_wait3A_394 = arith.constant 3 : i32
    %dma_wait3A_395 = arith.constant 0 : i32
    %dma_wait3A_396 = arith.constant 0 : i32
    %dma_wait3A_397 = tpu.memref_slice %arg6[%dma_wait3A_394, %dma_wait3A_395, %dma_wait3A_396] : memref<4x2x128xi32, #tpu.memory_space<vmem>> -> memref<1x2x128xi32, #tpu.memory_space<vmem>>
    %dma_wait3A_398 = tpu.memref_squeeze %dma_wait3A_397 : memref<1x2x128xi32, #tpu.memory_space<vmem>> -> memref<2x128xi32, #tpu.memory_space<vmem>>
    %dma_wait3A_399 = arith.constant 0 : i32
    %dma_wait3A_400 = tpu.memref_slice %arg3[%mul3A_35, %dma_wait3A_399] : memref<2560x128xi32, #tpu.memory_space<hbm>> -> memref<2x128xi32, #tpu.memory_space<hbm>>
    %dma_wait3A_401 = arith.constant 0 : i32
    %dma_wait3A_402 = arith.constant 0 : i32
    %dma_wait3A_403 = tpu.memref_slice %arg6[%dma_wait3A_394, %dma_wait3A_401, %dma_wait3A_402] : memref<4x2x128xi32, #tpu.memory_space<vmem>> -> memref<1x2x128xi32, #tpu.memory_space<vmem>>
    %dma_wait3A_404 = tpu.memref_squeeze %dma_wait3A_403 : memref<1x2x128xi32, #tpu.memory_space<vmem>> -> memref<2x128xi32, #tpu.memory_space<vmem>>
    %dma_wait3A_405 = arith.constant 0 : i32
    %dma_wait3A_406 = tpu.memref_slice %arg3[%mul3A_35, %dma_wait3A_405] : memref<2560x128xi32, #tpu.memory_space<hbm>> -> memref<2x128xi32, #tpu.memory_space<hbm>>
    tpu.wait_dma2 semaphore(%arg13 : memref<!tpu.dma_semaphore, #tpu.memory_space<semaphore_mem>>) src(%dma_wait3A_406 : memref<2x128xi32, #tpu.memory_space<hbm>>) dst(%dma_wait3A_404 : memref<2x128xi32, #tpu.memory_space<vmem>>)
    %dma_wait3A_407 = arith.constant 3 : i32
    %dma_wait3A_408 = arith.constant 0 : i32
    %dma_wait3A_409 = arith.constant 0 : i32
    %dma_wait3A_410 = tpu.memref_slice %arg7[%dma_wait3A_407, %dma_wait3A_408, %dma_wait3A_409] : memref<4x2x128xi32, #tpu.memory_space<vmem>> -> memref<1x2x128xi32, #tpu.memory_space<vmem>>
    %dma_wait3A_411 = tpu.memref_squeeze %dma_wait3A_410 : memref<1x2x128xi32, #tpu.memory_space<vmem>> -> memref<2x128xi32, #tpu.memory_space<vmem>>
    %dma_wait3A_412 = arith.constant 0 : i32
    %dma_wait3A_413 = tpu.memref_slice %arg4[%mul3A_35, %dma_wait3A_412] : memref<2560x128xi32, #tpu.memory_space<hbm>> -> memref<2x128xi32, #tpu.memory_space<hbm>>
    %dma_wait3A_414 = arith.constant 0 : i32
    %dma_wait3A_415 = arith.constant 0 : i32
    %dma_wait3A_416 = tpu.memref_slice %arg7[%dma_wait3A_407, %dma_wait3A_414, %dma_wait3A_415] : memref<4x2x128xi32, #tpu.memory_space<vmem>> -> memref<1x2x128xi32, #tpu.memory_space<vmem>>
    %dma_wait3A_417 = tpu.memref_squeeze %dma_wait3A_416 : memref<1x2x128xi32, #tpu.memory_space<vmem>> -> memref<2x128xi32, #tpu.memory_space<vmem>>
    %dma_wait3A_418 = arith.constant 0 : i32
    %dma_wait3A_419 = tpu.memref_slice %arg4[%mul3A_35, %dma_wait3A_418] : memref<2560x128xi32, #tpu.memory_space<hbm>> -> memref<2x128xi32, #tpu.memory_space<hbm>>
    tpu.wait_dma2 semaphore(%arg13 : memref<!tpu.dma_semaphore, #tpu.memory_space<semaphore_mem>>) src(%dma_wait3A_419 : memref<2x128xi32, #tpu.memory_space<hbm>>) dst(%dma_wait3A_417 : memref<2x128xi32, #tpu.memory_space<vmem>>)
    %dma_start3A_420 = arith.constant 2 : i32
    %dma_start3A_421 = arith.constant 0 : i32
    %dma_start3A_422 = arith.constant 0 : i32
    %dma_start3A_423 = arith.constant 0 : i32
    %dma_start3A_424 = arith.constant 0 : i32
    %dma_start3A_425 = tpu.memref_slice %arg8[%dma_start3A_422, %dma_start3A_423, %dma_start3A_424] : memref<4x128x64xf32, #tpu.memory_space<vmem>> -> memref<1x128x64xf32, #tpu.memory_space<vmem>>
    %dma_start3A_426 = tpu.memref_squeeze %dma_start3A_425 : memref<1x128x64xf32, #tpu.memory_space<vmem>> -> memref<128x64xf32, #tpu.memory_space<vmem>>
    %dma_start3A_427 = arith.constant 0 : i32
    %dma_start3A_428 = tpu.memref_slice %arg6[%dma_start3A_420, %dma_start3A_421, %dma_start3A_427] : memref<4x2x128xi32, #tpu.memory_space<vmem>> -> memref<1x1x128xi32, #tpu.memory_space<vmem>>
    %dma_start3A_429 = tpu.memref_squeeze %dma_start3A_428 : memref<1x1x128xi32, #tpu.memory_space<vmem>> -> memref<128xi32, #tpu.memory_space<vmem>>
    %dma_start3A_430 = arith.constant 0 : i32
    %dma_start3A_431 = arith.constant 0 : i32
    %dma_start3A_432 = tpu.memref_slice %arg10[%dma_start3A_430, %dma_start3A_431] : memref<10240x64xf32, #tpu.memory_space<vmem_shared>> -> memref<10240x64xf32, #tpu.memory_space<vmem_shared>>
    tpu.enqueue_indirect_dma source(%dma_start3A_432 : memref<10240x64xf32, #tpu.memory_space<vmem_shared>>) target(%dma_start3A_426 : memref<128x64xf32, #tpu.memory_space<vmem>>) offsets(%dma_start3A_429 : memref<128xi32, #tpu.memory_space<vmem>>) semaphore(%arg11 : memref<!tpu.dma_semaphore, #tpu.memory_space<semaphore_mem>>)
    %dma_start3A_433 = arith.constant 2 : i32
    %dma_start3A_434 = arith.constant 1 : i32
    %dma_start3A_435 = arith.constant 1 : i32
    %dma_start3A_436 = arith.constant 0 : i32
    %dma_start3A_437 = arith.constant 0 : i32
    %dma_start3A_438 = tpu.memref_slice %arg8[%dma_start3A_435, %dma_start3A_436, %dma_start3A_437] : memref<4x128x64xf32, #tpu.memory_space<vmem>> -> memref<1x128x64xf32, #tpu.memory_space<vmem>>
    %dma_start3A_439 = tpu.memref_squeeze %dma_start3A_438 : memref<1x128x64xf32, #tpu.memory_space<vmem>> -> memref<128x64xf32, #tpu.memory_space<vmem>>
    %dma_start3A_440 = arith.constant 0 : i32
    %dma_start3A_441 = tpu.memref_slice %arg6[%dma_start3A_433, %dma_start3A_434, %dma_start3A_440] : memref<4x2x128xi32, #tpu.memory_space<vmem>> -> memref<1x1x128xi32, #tpu.memory_space<vmem>>
    %dma_start3A_442 = tpu.memref_squeeze %dma_start3A_441 : memref<1x1x128xi32, #tpu.memory_space<vmem>> -> memref<128xi32, #tpu.memory_space<vmem>>
    %dma_start3A_443 = arith.constant 0 : i32
    %dma_start3A_444 = arith.constant 0 : i32
    %dma_start3A_445 = tpu.memref_slice %arg10[%dma_start3A_443, %dma_start3A_444] : memref<10240x64xf32, #tpu.memory_space<vmem_shared>> -> memref<10240x64xf32, #tpu.memory_space<vmem_shared>>
    tpu.enqueue_indirect_dma source(%dma_start3A_445 : memref<10240x64xf32, #tpu.memory_space<vmem_shared>>) target(%dma_start3A_439 : memref<128x64xf32, #tpu.memory_space<vmem>>) offsets(%dma_start3A_442 : memref<128xi32, #tpu.memory_space<vmem>>) semaphore(%arg11 : memref<!tpu.dma_semaphore, #tpu.memory_space<semaphore_mem>>)
    %dma_start3A_446 = arith.constant 2 : i32
    %dma_start3A_447 = arith.constant 1 : i32
    %dma_start3A_448 = arith.constant 0 : i32
    %dma_start3A_449 = arith.constant 0 : i32
    %dma_start3A_450 = arith.constant 0 : i32
    %dma_start3A_451 = tpu.memref_slice %arg8[%dma_start3A_446, %dma_start3A_449, %dma_start3A_450] : memref<4x128x64xf32, #tpu.memory_space<vmem>> -> memref<1x128x64xf32, #tpu.memory_space<vmem>>
    %dma_start3A_452 = tpu.memref_squeeze %dma_start3A_451 : memref<1x128x64xf32, #tpu.memory_space<vmem>> -> memref<128x64xf32, #tpu.memory_space<vmem>>
    %dma_start3A_453 = arith.constant 0 : i32
    %dma_start3A_454 = tpu.memref_slice %arg7[%dma_start3A_447, %dma_start3A_448, %dma_start3A_453] : memref<4x2x128xi32, #tpu.memory_space<vmem>> -> memref<1x1x128xi32, #tpu.memory_space<vmem>>
    %dma_start3A_455 = tpu.memref_squeeze %dma_start3A_454 : memref<1x1x128xi32, #tpu.memory_space<vmem>> -> memref<128xi32, #tpu.memory_space<vmem>>
    %dma_start3A_456 = arith.constant 0 : i32
    %dma_start3A_457 = arith.constant 0 : i32
    %dma_start3A_458 = tpu.memref_slice %arg9[%dma_start3A_456, %dma_start3A_457] : memref<10240x64xf32, #tpu.memory_space<vmem_shared>> -> memref<10240x64xf32, #tpu.memory_space<vmem_shared>>
    tpu.enqueue_indirect_dma source(%dma_start3A_452 : memref<128x64xf32, #tpu.memory_space<vmem>>) target(%dma_start3A_458 : memref<10240x64xf32, #tpu.memory_space<vmem_shared>>) offsets(%dma_start3A_455 : memref<128xi32, #tpu.memory_space<vmem>>) semaphore(%arg12 : memref<!tpu.dma_semaphore, #tpu.memory_space<semaphore_mem>>) {add = true}
    %dma_start3A_459 = arith.constant 3 : i32
    %dma_start3A_460 = arith.constant 1 : i32
    %dma_start3A_461 = arith.constant 1 : i32
    %dma_start3A_462 = arith.constant 0 : i32
    %dma_start3A_463 = arith.constant 0 : i32
    %dma_start3A_464 = tpu.memref_slice %arg8[%dma_start3A_459, %dma_start3A_462, %dma_start3A_463] : memref<4x128x64xf32, #tpu.memory_space<vmem>> -> memref<1x128x64xf32, #tpu.memory_space<vmem>>
    %dma_start3A_465 = tpu.memref_squeeze %dma_start3A_464 : memref<1x128x64xf32, #tpu.memory_space<vmem>> -> memref<128x64xf32, #tpu.memory_space<vmem>>
    %dma_start3A_466 = arith.constant 0 : i32
    %dma_start3A_467 = tpu.memref_slice %arg7[%dma_start3A_460, %dma_start3A_461, %dma_start3A_466] : memref<4x2x128xi32, #tpu.memory_space<vmem>> -> memref<1x1x128xi32, #tpu.memory_space<vmem>>
    %dma_start3A_468 = tpu.memref_squeeze %dma_start3A_467 : memref<1x1x128xi32, #tpu.memory_space<vmem>> -> memref<128xi32, #tpu.memory_space<vmem>>
    %dma_start3A_469 = arith.constant 0 : i32
    %dma_start3A_470 = arith.constant 0 : i32
    %dma_start3A_471 = tpu.memref_slice %arg9[%dma_start3A_469, %dma_start3A_470] : memref<10240x64xf32, #tpu.memory_space<vmem_shared>> -> memref<10240x64xf32, #tpu.memory_space<vmem_shared>>
    tpu.enqueue_indirect_dma source(%dma_start3A_465 : memref<128x64xf32, #tpu.memory_space<vmem>>) target(%dma_start3A_471 : memref<10240x64xf32, #tpu.memory_space<vmem_shared>>) offsets(%dma_start3A_468 : memref<128xi32, #tpu.memory_space<vmem>>) semaphore(%arg12 : memref<!tpu.dma_semaphore, #tpu.memory_space<semaphore_mem>>) {add = true}
    %dma_wait3A_472 = arith.constant 0 : i32
    %dma_wait3A_473 = arith.constant 0 : i32
    %dma_wait3A_474 = arith.constant 0 : i32
    %dma_wait3A_475 = arith.constant 0 : i32
    %dma_wait3A_476 = arith.constant 0 : i32
    %dma_wait3A_477 = tpu.memref_slice %arg8[%dma_wait3A_474, %dma_wait3A_475, %dma_wait3A_476] : memref<4x128x64xf32, #tpu.memory_space<vmem>> -> memref<1x128x64xf32, #tpu.memory_space<vmem>>
    %dma_wait3A_478 = tpu.memref_squeeze %dma_wait3A_477 : memref<1x128x64xf32, #tpu.memory_space<vmem>> -> memref<128x64xf32, #tpu.memory_space<vmem>>
    %dma_wait3A_479 = arith.constant 0 : i32
    %dma_wait3A_480 = tpu.memref_slice %arg6[%dma_wait3A_472, %dma_wait3A_473, %dma_wait3A_479] : memref<4x2x128xi32, #tpu.memory_space<vmem>> -> memref<1x1x128xi32, #tpu.memory_space<vmem>>
    %dma_wait3A_481 = tpu.memref_squeeze %dma_wait3A_480 : memref<1x1x128xi32, #tpu.memory_space<vmem>> -> memref<128xi32, #tpu.memory_space<vmem>>
    %dma_wait3A_482 = arith.constant 0 : i32
    %dma_wait3A_483 = arith.constant 0 : i32
    %dma_wait3A_484 = tpu.memref_slice %arg10[%dma_wait3A_482, %dma_wait3A_483] : memref<10240x64xf32, #tpu.memory_space<vmem_shared>> -> memref<10240x64xf32, #tpu.memory_space<vmem_shared>>
    tpu.wait_indirect_dma semaphore(%arg11 : memref<!tpu.dma_semaphore, #tpu.memory_space<semaphore_mem>>) src(%dma_wait3A_484 : memref<10240x64xf32, #tpu.memory_space<vmem_shared>>) dst(%dma_wait3A_478 : memref<128x64xf32, #tpu.memory_space<vmem>>)
    %dma_wait3A_485 = arith.constant 0 : i32
    %dma_wait3A_486 = arith.constant 0 : i32
    %dma_wait3A_487 = arith.constant 1 : i32
    %dma_wait3A_488 = arith.constant 0 : i32
    %dma_wait3A_489 = arith.constant 0 : i32
    %dma_wait3A_490 = tpu.memref_slice %arg8[%dma_wait3A_487, %dma_wait3A_488, %dma_wait3A_489] : memref<4x128x64xf32, #tpu.memory_space<vmem>> -> memref<1x128x64xf32, #tpu.memory_space<vmem>>
    %dma_wait3A_491 = tpu.memref_squeeze %dma_wait3A_490 : memref<1x128x64xf32, #tpu.memory_space<vmem>> -> memref<128x64xf32, #tpu.memory_space<vmem>>
    %dma_wait3A_492 = arith.constant 0 : i32
    %dma_wait3A_493 = tpu.memref_slice %arg6[%dma_wait3A_485, %dma_wait3A_486, %dma_wait3A_492] : memref<4x2x128xi32, #tpu.memory_space<vmem>> -> memref<1x1x128xi32, #tpu.memory_space<vmem>>
    %dma_wait3A_494 = tpu.memref_squeeze %dma_wait3A_493 : memref<1x1x128xi32, #tpu.memory_space<vmem>> -> memref<128xi32, #tpu.memory_space<vmem>>
    %dma_wait3A_495 = arith.constant 0 : i32
    %dma_wait3A_496 = arith.constant 0 : i32
    %dma_wait3A_497 = tpu.memref_slice %arg10[%dma_wait3A_495, %dma_wait3A_496] : memref<10240x64xf32, #tpu.memory_space<vmem_shared>> -> memref<10240x64xf32, #tpu.memory_space<vmem_shared>>
    tpu.wait_indirect_dma semaphore(%arg11 : memref<!tpu.dma_semaphore, #tpu.memory_space<semaphore_mem>>) src(%dma_wait3A_497 : memref<10240x64xf32, #tpu.memory_space<vmem_shared>>) dst(%dma_wait3A_491 : memref<128x64xf32, #tpu.memory_space<vmem>>)
    %dma_wait3A_498 = arith.constant 2 : i32
    %dma_wait3A_499 = arith.constant 0 : i32
    %dma_wait3A_500 = arith.constant 0 : i32
    %dma_wait3A_501 = arith.constant 0 : i32
    %dma_wait3A_502 = arith.constant 0 : i32
    %dma_wait3A_503 = tpu.memref_slice %arg8[%dma_wait3A_498, %dma_wait3A_501, %dma_wait3A_502] : memref<4x128x64xf32, #tpu.memory_space<vmem>> -> memref<1x128x64xf32, #tpu.memory_space<vmem>>
    %dma_wait3A_504 = tpu.memref_squeeze %dma_wait3A_503 : memref<1x128x64xf32, #tpu.memory_space<vmem>> -> memref<128x64xf32, #tpu.memory_space<vmem>>
    %dma_wait3A_505 = arith.constant 0 : i32
    %dma_wait3A_506 = tpu.memref_slice %arg7[%dma_wait3A_499, %dma_wait3A_500, %dma_wait3A_505] : memref<4x2x128xi32, #tpu.memory_space<vmem>> -> memref<1x1x128xi32, #tpu.memory_space<vmem>>
    %dma_wait3A_507 = tpu.memref_squeeze %dma_wait3A_506 : memref<1x1x128xi32, #tpu.memory_space<vmem>> -> memref<128xi32, #tpu.memory_space<vmem>>
    %dma_wait3A_508 = arith.constant 0 : i32
    %dma_wait3A_509 = arith.constant 0 : i32
    %dma_wait3A_510 = tpu.memref_slice %arg9[%dma_wait3A_508, %dma_wait3A_509] : memref<10240x64xf32, #tpu.memory_space<vmem_shared>> -> memref<10240x64xf32, #tpu.memory_space<vmem_shared>>
    tpu.wait_indirect_dma semaphore(%arg12 : memref<!tpu.dma_semaphore, #tpu.memory_space<semaphore_mem>>) src(%dma_wait3A_504 : memref<128x64xf32, #tpu.memory_space<vmem>>) dst(%dma_wait3A_510 : memref<10240x64xf32, #tpu.memory_space<vmem_shared>>)
    %dma_wait3A_511 = arith.constant 3 : i32
    %dma_wait3A_512 = arith.constant 0 : i32
    %dma_wait3A_513 = arith.constant 0 : i32
    %dma_wait3A_514 = arith.constant 0 : i32
    %dma_wait3A_515 = arith.constant 0 : i32
    %dma_wait3A_516 = tpu.memref_slice %arg8[%dma_wait3A_511, %dma_wait3A_514, %dma_wait3A_515] : memref<4x128x64xf32, #tpu.memory_space<vmem>> -> memref<1x128x64xf32, #tpu.memory_space<vmem>>
    %dma_wait3A_517 = tpu.memref_squeeze %dma_wait3A_516 : memref<1x128x64xf32, #tpu.memory_space<vmem>> -> memref<128x64xf32, #tpu.memory_space<vmem>>
    %dma_wait3A_518 = arith.constant 0 : i32
    %dma_wait3A_519 = tpu.memref_slice %arg7[%dma_wait3A_512, %dma_wait3A_513, %dma_wait3A_518] : memref<4x2x128xi32, #tpu.memory_space<vmem>> -> memref<1x1x128xi32, #tpu.memory_space<vmem>>
    %dma_wait3A_520 = tpu.memref_squeeze %dma_wait3A_519 : memref<1x1x128xi32, #tpu.memory_space<vmem>> -> memref<128xi32, #tpu.memory_space<vmem>>
    %dma_wait3A_521 = arith.constant 0 : i32
    %dma_wait3A_522 = arith.constant 0 : i32
    %dma_wait3A_523 = tpu.memref_slice %arg9[%dma_wait3A_521, %dma_wait3A_522] : memref<10240x64xf32, #tpu.memory_space<vmem_shared>> -> memref<10240x64xf32, #tpu.memory_space<vmem_shared>>
    tpu.wait_indirect_dma semaphore(%arg12 : memref<!tpu.dma_semaphore, #tpu.memory_space<semaphore_mem>>) src(%dma_wait3A_517 : memref<128x64xf32, #tpu.memory_space<vmem>>) dst(%dma_wait3A_523 : memref<10240x64xf32, #tpu.memory_space<vmem_shared>>)
    %dma_start3A_524 = arith.constant 3 : i32
    %dma_start3A_525 = arith.constant 0 : i32
    %dma_start3A_526 = arith.constant 2 : i32
    %dma_start3A_527 = arith.constant 0 : i32
    %dma_start3A_528 = arith.constant 0 : i32
    %dma_start3A_529 = tpu.memref_slice %arg8[%dma_start3A_526, %dma_start3A_527, %dma_start3A_528] : memref<4x128x64xf32, #tpu.memory_space<vmem>> -> memref<1x128x64xf32, #tpu.memory_space<vmem>>
    %dma_start3A_530 = tpu.memref_squeeze %dma_start3A_529 : memref<1x128x64xf32, #tpu.memory_space<vmem>> -> memref<128x64xf32, #tpu.memory_space<vmem>>
    %dma_start3A_531 = arith.constant 0 : i32
    %dma_start3A_532 = tpu.memref_slice %arg6[%dma_start3A_524, %dma_start3A_525, %dma_start3A_531] : memref<4x2x128xi32, #tpu.memory_space<vmem>> -> memref<1x1x128xi32, #tpu.memory_space<vmem>>
    %dma_start3A_533 = tpu.memref_squeeze %dma_start3A_532 : memref<1x1x128xi32, #tpu.memory_space<vmem>> -> memref<128xi32, #tpu.memory_space<vmem>>
    %dma_start3A_534 = arith.constant 0 : i32
    %dma_start3A_535 = arith.constant 0 : i32
    %dma_start3A_536 = tpu.memref_slice %arg10[%dma_start3A_534, %dma_start3A_535] : memref<10240x64xf32, #tpu.memory_space<vmem_shared>> -> memref<10240x64xf32, #tpu.memory_space<vmem_shared>>
    tpu.enqueue_indirect_dma source(%dma_start3A_536 : memref<10240x64xf32, #tpu.memory_space<vmem_shared>>) target(%dma_start3A_530 : memref<128x64xf32, #tpu.memory_space<vmem>>) offsets(%dma_start3A_533 : memref<128xi32, #tpu.memory_space<vmem>>) semaphore(%arg11 : memref<!tpu.dma_semaphore, #tpu.memory_space<semaphore_mem>>)
    %dma_start3A_537 = arith.constant 3 : i32
    %dma_start3A_538 = arith.constant 1 : i32
    %dma_start3A_539 = arith.constant 3 : i32
    %dma_start3A_540 = arith.constant 0 : i32
    %dma_start3A_541 = arith.constant 0 : i32
    %dma_start3A_542 = tpu.memref_slice %arg8[%dma_start3A_539, %dma_start3A_540, %dma_start3A_541] : memref<4x128x64xf32, #tpu.memory_space<vmem>> -> memref<1x128x64xf32, #tpu.memory_space<vmem>>
    %dma_start3A_543 = tpu.memref_squeeze %dma_start3A_542 : memref<1x128x64xf32, #tpu.memory_space<vmem>> -> memref<128x64xf32, #tpu.memory_space<vmem>>
    %dma_start3A_544 = arith.constant 0 : i32
    %dma_start3A_545 = tpu.memref_slice %arg6[%dma_start3A_537, %dma_start3A_538, %dma_start3A_544] : memref<4x2x128xi32, #tpu.memory_space<vmem>> -> memref<1x1x128xi32, #tpu.memory_space<vmem>>
    %dma_start3A_546 = tpu.memref_squeeze %dma_start3A_545 : memref<1x1x128xi32, #tpu.memory_space<vmem>> -> memref<128xi32, #tpu.memory_space<vmem>>
    %dma_start3A_547 = arith.constant 0 : i32
    %dma_start3A_548 = arith.constant 0 : i32
    %dma_start3A_549 = tpu.memref_slice %arg10[%dma_start3A_547, %dma_start3A_548] : memref<10240x64xf32, #tpu.memory_space<vmem_shared>> -> memref<10240x64xf32, #tpu.memory_space<vmem_shared>>
    tpu.enqueue_indirect_dma source(%dma_start3A_549 : memref<10240x64xf32, #tpu.memory_space<vmem_shared>>) target(%dma_start3A_543 : memref<128x64xf32, #tpu.memory_space<vmem>>) offsets(%dma_start3A_546 : memref<128xi32, #tpu.memory_space<vmem>>) semaphore(%arg11 : memref<!tpu.dma_semaphore, #tpu.memory_space<semaphore_mem>>)
    %dma_start3A_550 = arith.constant 0 : i32
    %dma_start3A_551 = arith.constant 2 : i32
    %dma_start3A_552 = arith.constant 0 : i32
    %dma_start3A_553 = arith.constant 0 : i32
    %dma_start3A_554 = arith.constant 0 : i32
    %dma_start3A_555 = tpu.memref_slice %arg8[%dma_start3A_550, %dma_start3A_553, %dma_start3A_554] : memref<4x128x64xf32, #tpu.memory_space<vmem>> -> memref<1x128x64xf32, #tpu.memory_space<vmem>>
    %dma_start3A_556 = tpu.memref_squeeze %dma_start3A_555 : memref<1x128x64xf32, #tpu.memory_space<vmem>> -> memref<128x64xf32, #tpu.memory_space<vmem>>
    %dma_start3A_557 = arith.constant 0 : i32
    %dma_start3A_558 = tpu.memref_slice %arg7[%dma_start3A_551, %dma_start3A_552, %dma_start3A_557] : memref<4x2x128xi32, #tpu.memory_space<vmem>> -> memref<1x1x128xi32, #tpu.memory_space<vmem>>
    %dma_start3A_559 = tpu.memref_squeeze %dma_start3A_558 : memref<1x1x128xi32, #tpu.memory_space<vmem>> -> memref<128xi32, #tpu.memory_space<vmem>>
    %dma_start3A_560 = arith.constant 0 : i32
    %dma_start3A_561 = arith.constant 0 : i32
    %dma_start3A_562 = tpu.memref_slice %arg9[%dma_start3A_560, %dma_start3A_561] : memref<10240x64xf32, #tpu.memory_space<vmem_shared>> -> memref<10240x64xf32, #tpu.memory_space<vmem_shared>>
    tpu.enqueue_indirect_dma source(%dma_start3A_556 : memref<128x64xf32, #tpu.memory_space<vmem>>) target(%dma_start3A_562 : memref<10240x64xf32, #tpu.memory_space<vmem_shared>>) offsets(%dma_start3A_559 : memref<128xi32, #tpu.memory_space<vmem>>) semaphore(%arg12 : memref<!tpu.dma_semaphore, #tpu.memory_space<semaphore_mem>>) {add = true}
    %dma_start3A_563 = arith.constant 1 : i32
    %dma_start3A_564 = arith.constant 2 : i32
    %dma_start3A_565 = arith.constant 1 : i32
    %dma_start3A_566 = arith.constant 0 : i32
    %dma_start3A_567 = arith.constant 0 : i32
    %dma_start3A_568 = tpu.memref_slice %arg8[%dma_start3A_563, %dma_start3A_566, %dma_start3A_567] : memref<4x128x64xf32, #tpu.memory_space<vmem>> -> memref<1x128x64xf32, #tpu.memory_space<vmem>>
    %dma_start3A_569 = tpu.memref_squeeze %dma_start3A_568 : memref<1x128x64xf32, #tpu.memory_space<vmem>> -> memref<128x64xf32, #tpu.memory_space<vmem>>
    %dma_start3A_570 = arith.constant 0 : i32
    %dma_start3A_571 = tpu.memref_slice %arg7[%dma_start3A_564, %dma_start3A_565, %dma_start3A_570] : memref<4x2x128xi32, #tpu.memory_space<vmem>> -> memref<1x1x128xi32, #tpu.memory_space<vmem>>
    %dma_start3A_572 = tpu.memref_squeeze %dma_start3A_571 : memref<1x1x128xi32, #tpu.memory_space<vmem>> -> memref<128xi32, #tpu.memory_space<vmem>>
    %dma_start3A_573 = arith.constant 0 : i32
    %dma_start3A_574 = arith.constant 0 : i32
    %dma_start3A_575 = tpu.memref_slice %arg9[%dma_start3A_573, %dma_start3A_574] : memref<10240x64xf32, #tpu.memory_space<vmem_shared>> -> memref<10240x64xf32, #tpu.memory_space<vmem_shared>>
    tpu.enqueue_indirect_dma source(%dma_start3A_569 : memref<128x64xf32, #tpu.memory_space<vmem>>) target(%dma_start3A_575 : memref<10240x64xf32, #tpu.memory_space<vmem_shared>>) offsets(%dma_start3A_572 : memref<128xi32, #tpu.memory_space<vmem>>) semaphore(%arg12 : memref<!tpu.dma_semaphore, #tpu.memory_space<semaphore_mem>>) {add = true}
    %dma_wait3A_576 = arith.constant 0 : i32
    %dma_wait3A_577 = arith.constant 0 : i32
    %dma_wait3A_578 = arith.constant 2 : i32
    %dma_wait3A_579 = arith.constant 0 : i32
    %dma_wait3A_580 = arith.constant 0 : i32
    %dma_wait3A_581 = tpu.memref_slice %arg8[%dma_wait3A_578, %dma_wait3A_579, %dma_wait3A_580] : memref<4x128x64xf32, #tpu.memory_space<vmem>> -> memref<1x128x64xf32, #tpu.memory_space<vmem>>
    %dma_wait3A_582 = tpu.memref_squeeze %dma_wait3A_581 : memref<1x128x64xf32, #tpu.memory_space<vmem>> -> memref<128x64xf32, #tpu.memory_space<vmem>>
    %dma_wait3A_583 = arith.constant 0 : i32
    %dma_wait3A_584 = tpu.memref_slice %arg6[%dma_wait3A_576, %dma_wait3A_577, %dma_wait3A_583] : memref<4x2x128xi32, #tpu.memory_space<vmem>> -> memref<1x1x128xi32, #tpu.memory_space<vmem>>
    %dma_wait3A_585 = tpu.memref_squeeze %dma_wait3A_584 : memref<1x1x128xi32, #tpu.memory_space<vmem>> -> memref<128xi32, #tpu.memory_space<vmem>>
    %dma_wait3A_586 = arith.constant 0 : i32
    %dma_wait3A_587 = arith.constant 0 : i32
    %dma_wait3A_588 = tpu.memref_slice %arg10[%dma_wait3A_586, %dma_wait3A_587] : memref<10240x64xf32, #tpu.memory_space<vmem_shared>> -> memref<10240x64xf32, #tpu.memory_space<vmem_shared>>
    tpu.wait_indirect_dma semaphore(%arg11 : memref<!tpu.dma_semaphore, #tpu.memory_space<semaphore_mem>>) src(%dma_wait3A_588 : memref<10240x64xf32, #tpu.memory_space<vmem_shared>>) dst(%dma_wait3A_582 : memref<128x64xf32, #tpu.memory_space<vmem>>)
    %dma_wait3A_589 = arith.constant 0 : i32
    %dma_wait3A_590 = arith.constant 0 : i32
    %dma_wait3A_591 = arith.constant 3 : i32
    %dma_wait3A_592 = arith.constant 0 : i32
    %dma_wait3A_593 = arith.constant 0 : i32
    %dma_wait3A_594 = tpu.memref_slice %arg8[%dma_wait3A_591, %dma_wait3A_592, %dma_wait3A_593] : memref<4x128x64xf32, #tpu.memory_space<vmem>> -> memref<1x128x64xf32, #tpu.memory_space<vmem>>
    %dma_wait3A_595 = tpu.memref_squeeze %dma_wait3A_594 : memref<1x128x64xf32, #tpu.memory_space<vmem>> -> memref<128x64xf32, #tpu.memory_space<vmem>>
    %dma_wait3A_596 = arith.constant 0 : i32
    %dma_wait3A_597 = tpu.memref_slice %arg6[%dma_wait3A_589, %dma_wait3A_590, %dma_wait3A_596] : memref<4x2x128xi32, #tpu.memory_space<vmem>> -> memref<1x1x128xi32, #tpu.memory_space<vmem>>
    %dma_wait3A_598 = tpu.memref_squeeze %dma_wait3A_597 : memref<1x1x128xi32, #tpu.memory_space<vmem>> -> memref<128xi32, #tpu.memory_space<vmem>>
    %dma_wait3A_599 = arith.constant 0 : i32
    %dma_wait3A_600 = arith.constant 0 : i32
    %dma_wait3A_601 = tpu.memref_slice %arg10[%dma_wait3A_599, %dma_wait3A_600] : memref<10240x64xf32, #tpu.memory_space<vmem_shared>> -> memref<10240x64xf32, #tpu.memory_space<vmem_shared>>
    tpu.wait_indirect_dma semaphore(%arg11 : memref<!tpu.dma_semaphore, #tpu.memory_space<semaphore_mem>>) src(%dma_wait3A_601 : memref<10240x64xf32, #tpu.memory_space<vmem_shared>>) dst(%dma_wait3A_595 : memref<128x64xf32, #tpu.memory_space<vmem>>)
    %dma_wait3A_602 = arith.constant 0 : i32
    %dma_wait3A_603 = arith.constant 0 : i32
    %dma_wait3A_604 = arith.constant 0 : i32
    %dma_wait3A_605 = arith.constant 0 : i32
    %dma_wait3A_606 = arith.constant 0 : i32
    %dma_wait3A_607 = tpu.memref_slice %arg8[%dma_wait3A_602, %dma_wait3A_605, %dma_wait3A_606] : memref<4x128x64xf32, #tpu.memory_space<vmem>> -> memref<1x128x64xf32, #tpu.memory_space<vmem>>
    %dma_wait3A_608 = tpu.memref_squeeze %dma_wait3A_607 : memref<1x128x64xf32, #tpu.memory_space<vmem>> -> memref<128x64xf32, #tpu.memory_space<vmem>>
    %dma_wait3A_609 = arith.constant 0 : i32
    %dma_wait3A_610 = tpu.memref_slice %arg7[%dma_wait3A_603, %dma_wait3A_604, %dma_wait3A_609] : memref<4x2x128xi32, #tpu.memory_space<vmem>> -> memref<1x1x128xi32, #tpu.memory_space<vmem>>
    %dma_wait3A_611 = tpu.memref_squeeze %dma_wait3A_610 : memref<1x1x128xi32, #tpu.memory_space<vmem>> -> memref<128xi32, #tpu.memory_space<vmem>>
    %dma_wait3A_612 = arith.constant 0 : i32
    %dma_wait3A_613 = arith.constant 0 : i32
    %dma_wait3A_614 = tpu.memref_slice %arg9[%dma_wait3A_612, %dma_wait3A_613] : memref<10240x64xf32, #tpu.memory_space<vmem_shared>> -> memref<10240x64xf32, #tpu.memory_space<vmem_shared>>
    tpu.wait_indirect_dma semaphore(%arg12 : memref<!tpu.dma_semaphore, #tpu.memory_space<semaphore_mem>>) src(%dma_wait3A_608 : memref<128x64xf32, #tpu.memory_space<vmem>>) dst(%dma_wait3A_614 : memref<10240x64xf32, #tpu.memory_space<vmem_shared>>)
    %dma_wait3A_615 = arith.constant 1 : i32
    %dma_wait3A_616 = arith.constant 0 : i32
    %dma_wait3A_617 = arith.constant 0 : i32
    %dma_wait3A_618 = arith.constant 0 : i32
    %dma_wait3A_619 = arith.constant 0 : i32
    %dma_wait3A_620 = tpu.memref_slice %arg8[%dma_wait3A_615, %dma_wait3A_618, %dma_wait3A_619] : memref<4x128x64xf32, #tpu.memory_space<vmem>> -> memref<1x128x64xf32, #tpu.memory_space<vmem>>
    %dma_wait3A_621 = tpu.memref_squeeze %dma_wait3A_620 : memref<1x128x64xf32, #tpu.memory_space<vmem>> -> memref<128x64xf32, #tpu.memory_space<vmem>>
    %dma_wait3A_622 = arith.constant 0 : i32
    %dma_wait3A_623 = tpu.memref_slice %arg7[%dma_wait3A_616, %dma_wait3A_617, %dma_wait3A_622] : memref<4x2x128xi32, #tpu.memory_space<vmem>> -> memref<1x1x128xi32, #tpu.memory_space<vmem>>
    %dma_wait3A_624 = tpu.memref_squeeze %dma_wait3A_623 : memref<1x1x128xi32, #tpu.memory_space<vmem>> -> memref<128xi32, #tpu.memory_space<vmem>>
    %dma_wait3A_625 = arith.constant 0 : i32
    %dma_wait3A_626 = arith.constant 0 : i32
    %dma_wait3A_627 = tpu.memref_slice %arg9[%dma_wait3A_625, %dma_wait3A_626] : memref<10240x64xf32, #tpu.memory_space<vmem_shared>> -> memref<10240x64xf32, #tpu.memory_space<vmem_shared>>
    tpu.wait_indirect_dma semaphore(%arg12 : memref<!tpu.dma_semaphore, #tpu.memory_space<semaphore_mem>>) src(%dma_wait3A_621 : memref<128x64xf32, #tpu.memory_space<vmem>>) dst(%dma_wait3A_627 : memref<10240x64xf32, #tpu.memory_space<vmem_shared>>)
    %dma_start3A_628 = arith.constant 2 : i32
    %dma_start3A_629 = arith.constant 3 : i32
    %dma_start3A_630 = arith.constant 0 : i32
    %dma_start3A_631 = arith.constant 0 : i32
    %dma_start3A_632 = arith.constant 0 : i32
    %dma_start3A_633 = tpu.memref_slice %arg8[%dma_start3A_628, %dma_start3A_631, %dma_start3A_632] : memref<4x128x64xf32, #tpu.memory_space<vmem>> -> memref<1x128x64xf32, #tpu.memory_space<vmem>>
    %dma_start3A_634 = tpu.memref_squeeze %dma_start3A_633 : memref<1x128x64xf32, #tpu.memory_space<vmem>> -> memref<128x64xf32, #tpu.memory_space<vmem>>
    %dma_start3A_635 = arith.constant 0 : i32
    %dma_start3A_636 = tpu.memref_slice %arg7[%dma_start3A_629, %dma_start3A_630, %dma_start3A_635] : memref<4x2x128xi32, #tpu.memory_space<vmem>> -> memref<1x1x128xi32, #tpu.memory_space<vmem>>
    %dma_start3A_637 = tpu.memref_squeeze %dma_start3A_636 : memref<1x1x128xi32, #tpu.memory_space<vmem>> -> memref<128xi32, #tpu.memory_space<vmem>>
    %dma_start3A_638 = arith.constant 0 : i32
    %dma_start3A_639 = arith.constant 0 : i32
    %dma_start3A_640 = tpu.memref_slice %arg9[%dma_start3A_638, %dma_start3A_639] : memref<10240x64xf32, #tpu.memory_space<vmem_shared>> -> memref<10240x64xf32, #tpu.memory_space<vmem_shared>>
    tpu.enqueue_indirect_dma source(%dma_start3A_634 : memref<128x64xf32, #tpu.memory_space<vmem>>) target(%dma_start3A_640 : memref<10240x64xf32, #tpu.memory_space<vmem_shared>>) offsets(%dma_start3A_637 : memref<128xi32, #tpu.memory_space<vmem>>) semaphore(%arg12 : memref<!tpu.dma_semaphore, #tpu.memory_space<semaphore_mem>>) {add = true}
    %dma_start3A_641 = arith.constant 3 : i32
    %dma_start3A_642 = arith.constant 3 : i32
    %dma_start3A_643 = arith.constant 1 : i32
    %dma_start3A_644 = arith.constant 0 : i32
    %dma_start3A_645 = arith.constant 0 : i32
    %dma_start3A_646 = tpu.memref_slice %arg8[%dma_start3A_641, %dma_start3A_644, %dma_start3A_645] : memref<4x128x64xf32, #tpu.memory_space<vmem>> -> memref<1x128x64xf32, #tpu.memory_space<vmem>>
    %dma_start3A_647 = tpu.memref_squeeze %dma_start3A_646 : memref<1x128x64xf32, #tpu.memory_space<vmem>> -> memref<128x64xf32, #tpu.memory_space<vmem>>
    %dma_start3A_648 = arith.constant 0 : i32
    %dma_start3A_649 = tpu.memref_slice %arg7[%dma_start3A_642, %dma_start3A_643, %dma_start3A_648] : memref<4x2x128xi32, #tpu.memory_space<vmem>> -> memref<1x1x128xi32, #tpu.memory_space<vmem>>
    %dma_start3A_650 = tpu.memref_squeeze %dma_start3A_649 : memref<1x1x128xi32, #tpu.memory_space<vmem>> -> memref<128xi32, #tpu.memory_space<vmem>>
    %dma_start3A_651 = arith.constant 0 : i32
    %dma_start3A_652 = arith.constant 0 : i32
    %dma_start3A_653 = tpu.memref_slice %arg9[%dma_start3A_651, %dma_start3A_652] : memref<10240x64xf32, #tpu.memory_space<vmem_shared>> -> memref<10240x64xf32, #tpu.memory_space<vmem_shared>>
    tpu.enqueue_indirect_dma source(%dma_start3A_647 : memref<128x64xf32, #tpu.memory_space<vmem>>) target(%dma_start3A_653 : memref<10240x64xf32, #tpu.memory_space<vmem_shared>>) offsets(%dma_start3A_650 : memref<128xi32, #tpu.memory_space<vmem>>) semaphore(%arg12 : memref<!tpu.dma_semaphore, #tpu.memory_space<semaphore_mem>>) {add = true}
    %dma_wait3A_654 = arith.constant 2 : i32
    %dma_wait3A_655 = arith.constant 0 : i32
    %dma_wait3A_656 = arith.constant 0 : i32
    %dma_wait3A_657 = arith.constant 0 : i32
    %dma_wait3A_658 = arith.constant 0 : i32
    %dma_wait3A_659 = tpu.memref_slice %arg8[%dma_wait3A_654, %dma_wait3A_657, %dma_wait3A_658] : memref<4x128x64xf32, #tpu.memory_space<vmem>> -> memref<1x128x64xf32, #tpu.memory_space<vmem>>
    %dma_wait3A_660 = tpu.memref_squeeze %dma_wait3A_659 : memref<1x128x64xf32, #tpu.memory_space<vmem>> -> memref<128x64xf32, #tpu.memory_space<vmem>>
    %dma_wait3A_661 = arith.constant 0 : i32
    %dma_wait3A_662 = tpu.memref_slice %arg7[%dma_wait3A_655, %dma_wait3A_656, %dma_wait3A_661] : memref<4x2x128xi32, #tpu.memory_space<vmem>> -> memref<1x1x128xi32, #tpu.memory_space<vmem>>
    %dma_wait3A_663 = tpu.memref_squeeze %dma_wait3A_662 : memref<1x1x128xi32, #tpu.memory_space<vmem>> -> memref<128xi32, #tpu.memory_space<vmem>>
    %dma_wait3A_664 = arith.constant 0 : i32
    %dma_wait3A_665 = arith.constant 0 : i32
    %dma_wait3A_666 = tpu.memref_slice %arg9[%dma_wait3A_664, %dma_wait3A_665] : memref<10240x64xf32, #tpu.memory_space<vmem_shared>> -> memref<10240x64xf32, #tpu.memory_space<vmem_shared>>
    tpu.wait_indirect_dma semaphore(%arg12 : memref<!tpu.dma_semaphore, #tpu.memory_space<semaphore_mem>>) src(%dma_wait3A_660 : memref<128x64xf32, #tpu.memory_space<vmem>>) dst(%dma_wait3A_666 : memref<10240x64xf32, #tpu.memory_space<vmem_shared>>)
    %dma_wait3A_667 = arith.constant 3 : i32
    %dma_wait3A_668 = arith.constant 0 : i32
    %dma_wait3A_669 = arith.constant 0 : i32
    %dma_wait3A_670 = arith.constant 0 : i32
    %dma_wait3A_671 = arith.constant 0 : i32
    %dma_wait3A_672 = tpu.memref_slice %arg8[%dma_wait3A_667, %dma_wait3A_670, %dma_wait3A_671] : memref<4x128x64xf32, #tpu.memory_space<vmem>> -> memref<1x128x64xf32, #tpu.memory_space<vmem>>
    %dma_wait3A_673 = tpu.memref_squeeze %dma_wait3A_672 : memref<1x128x64xf32, #tpu.memory_space<vmem>> -> memref<128x64xf32, #tpu.memory_space<vmem>>
    %dma_wait3A_674 = arith.constant 0 : i32
    %dma_wait3A_675 = tpu.memref_slice %arg7[%dma_wait3A_668, %dma_wait3A_669, %dma_wait3A_674] : memref<4x2x128xi32, #tpu.memory_space<vmem>> -> memref<1x1x128xi32, #tpu.memory_space<vmem>>
    %dma_wait3A_676 = tpu.memref_squeeze %dma_wait3A_675 : memref<1x1x128xi32, #tpu.memory_space<vmem>> -> memref<128xi32, #tpu.memory_space<vmem>>
    %dma_wait3A_677 = arith.constant 0 : i32
    %dma_wait3A_678 = arith.constant 0 : i32
    %dma_wait3A_679 = tpu.memref_slice %arg9[%dma_wait3A_677, %dma_wait3A_678] : memref<10240x64xf32, #tpu.memory_space<vmem_shared>> -> memref<10240x64xf32, #tpu.memory_space<vmem_shared>>
    tpu.wait_indirect_dma semaphore(%arg12 : memref<!tpu.dma_semaphore, #tpu.memory_space<semaphore_mem>>) src(%dma_wait3A_673 : memref<128x64xf32, #tpu.memory_space<vmem>>) dst(%dma_wait3A_679 : memref<10240x64xf32, #tpu.memory_space<vmem_shared>>)
    %barrier3A_680 = arith.constant 0 : index
    tpu.barrier barrier_id(%barrier3A_680)
    %mul3A_681 = arith.constant 640 : i32
    %mul3A_682 = arith.muli %arg1, %mul3A_681 : i32
    %add3A_683 = arith.constant 0 : i32
    %add3A_684 = arith.addi %mul3A_682, %add3A_683 : i32
    "tpu.region"() ({
      %run_scoped3A_701 = tpu.sem_alloc : memref<!tpu.dma_semaphore, #tpu.memory_space<semaphore_mem>>
      %dma_start3A_702 = arith.constant 0 : i32
      %dma_start3A_703 = tpu.memref_slice %arg5[%arg0, %add3A_684, %dma_start3A_702] : memref<2x10240x64xf32, #tpu.memory_space<hbm>> -> memref<1x128x64xf32, #tpu.memory_space<hbm>>
      %dma_start3A_704 = tpu.memref_squeeze %dma_start3A_703 : memref<1x128x64xf32, #tpu.memory_space<hbm>> -> memref<128x64xf32, #tpu.memory_space<hbm>>
      %dma_start3A_705 = arith.constant 0 : i32
      %dma_start3A_706 = tpu.memref_slice %arg9[%add3A_684, %dma_start3A_705] : memref<10240x64xf32, #tpu.memory_space<vmem_shared>> -> memref<128x64xf32, #tpu.memory_space<vmem_shared>>
      tpu.enqueue_dma source(%dma_start3A_706 : memref<128x64xf32, #tpu.memory_space<vmem_shared>>) target(%dma_start3A_704 : memref<128x64xf32, #tpu.memory_space<hbm>>) target_semaphore(%run_scoped3A_701 : memref<!tpu.dma_semaphore, #tpu.memory_space<semaphore_mem>>)
      %dma_wait3A_707 = arith.constant 0 : i32
      %dma_wait3A_708 = tpu.memref_slice %arg5[%arg0, %add3A_684, %dma_wait3A_707] : memref<2x10240x64xf32, #tpu.memory_space<hbm>> -> memref<1x128x64xf32, #tpu.memory_space<hbm>>
      %dma_wait3A_709 = tpu.memref_squeeze %dma_wait3A_708 : memref<1x128x64xf32, #tpu.memory_space<hbm>> -> memref<128x64xf32, #tpu.memory_space<hbm>>
      %dma_wait3A_710 = arith.constant 0 : i32
      %dma_wait3A_711 = tpu.memref_slice %arg9[%add3A_684, %dma_wait3A_710] : memref<10240x64xf32, #tpu.memory_space<vmem_shared>> -> memref<128x64xf32, #tpu.memory_space<vmem_shared>>
      tpu.wait_dma2 semaphore(%run_scoped3A_701 : memref<!tpu.dma_semaphore, #tpu.memory_space<semaphore_mem>>) src(%dma_wait3A_711 : memref<128x64xf32, #tpu.memory_space<vmem_shared>>) dst(%dma_wait3A_709 : memref<128x64xf32, #tpu.memory_space<hbm>>)
      tpu.yield
    }) : () -> ()
    %mul3A_685 = arith.constant 640 : i32
    %mul3A_686 = arith.muli %arg1, %mul3A_685 : i32
    %add3A_687 = arith.constant 128 : i32
    %add3A_688 = arith.addi %mul3A_686, %add3A_687 : i32
    "tpu.region"() ({
      %run_scoped3A_701 = tpu.sem_alloc : memref<!tpu.dma_semaphore, #tpu.memory_space<semaphore_mem>>
      %dma_start3A_702 = arith.constant 0 : i32
      %dma_start3A_703 = tpu.memref_slice %arg5[%arg0, %add3A_688, %dma_start3A_702] : memref<2x10240x64xf32, #tpu.memory_space<hbm>> -> memref<1x128x64xf32, #tpu.memory_space<hbm>>
      %dma_start3A_704 = tpu.memref_squeeze %dma_start3A_703 : memref<1x128x64xf32, #tpu.memory_space<hbm>> -> memref<128x64xf32, #tpu.memory_space<hbm>>
      %dma_start3A_705 = arith.constant 0 : i32
      %dma_start3A_706 = tpu.memref_slice %arg9[%add3A_688, %dma_start3A_705] : memref<10240x64xf32, #tpu.memory_space<vmem_shared>> -> memref<128x64xf32, #tpu.memory_space<vmem_shared>>
      tpu.enqueue_dma source(%dma_start3A_706 : memref<128x64xf32, #tpu.memory_space<vmem_shared>>) target(%dma_start3A_704 : memref<128x64xf32, #tpu.memory_space<hbm>>) target_semaphore(%run_scoped3A_701 : memref<!tpu.dma_semaphore, #tpu.memory_space<semaphore_mem>>)
      %dma_wait3A_707 = arith.constant 0 : i32
      %dma_wait3A_708 = tpu.memref_slice %arg5[%arg0, %add3A_688, %dma_wait3A_707] : memref<2x10240x64xf32, #tpu.memory_space<hbm>> -> memref<1x128x64xf32, #tpu.memory_space<hbm>>
      %dma_wait3A_709 = tpu.memref_squeeze %dma_wait3A_708 : memref<1x128x64xf32, #tpu.memory_space<hbm>> -> memref<128x64xf32, #tpu.memory_space<hbm>>
      %dma_wait3A_710 = arith.constant 0 : i32
      %dma_wait3A_711 = tpu.memref_slice %arg9[%add3A_688, %dma_wait3A_710] : memref<10240x64xf32, #tpu.memory_space<vmem_shared>> -> memref<128x64xf32, #tpu.memory_space<vmem_shared>>
      tpu.wait_dma2 semaphore(%run_scoped3A_701 : memref<!tpu.dma_semaphore, #tpu.memory_space<semaphore_mem>>) src(%dma_wait3A_711 : memref<128x64xf32, #tpu.memory_space<vmem_shared>>) dst(%dma_wait3A_709 : memref<128x64xf32, #tpu.memory_space<hbm>>)
      tpu.yield
    }) : () -> ()
    %mul3A_689 = arith.constant 640 : i32
    %mul3A_690 = arith.muli %arg1, %mul3A_689 : i32
    %add3A_691 = arith.constant 256 : i32
    %add3A_692 = arith.addi %mul3A_690, %add3A_691 : i32
    "tpu.region"() ({
      %run_scoped3A_701 = tpu.sem_alloc : memref<!tpu.dma_semaphore, #tpu.memory_space<semaphore_mem>>
      %dma_start3A_702 = arith.constant 0 : i32
      %dma_start3A_703 = tpu.memref_slice %arg5[%arg0, %add3A_692, %dma_start3A_702] : memref<2x10240x64xf32, #tpu.memory_space<hbm>> -> memref<1x128x64xf32, #tpu.memory_space<hbm>>
      %dma_start3A_704 = tpu.memref_squeeze %dma_start3A_703 : memref<1x128x64xf32, #tpu.memory_space<hbm>> -> memref<128x64xf32, #tpu.memory_space<hbm>>
      %dma_start3A_705 = arith.constant 0 : i32
      %dma_start3A_706 = tpu.memref_slice %arg9[%add3A_692, %dma_start3A_705] : memref<10240x64xf32, #tpu.memory_space<vmem_shared>> -> memref<128x64xf32, #tpu.memory_space<vmem_shared>>
      tpu.enqueue_dma source(%dma_start3A_706 : memref<128x64xf32, #tpu.memory_space<vmem_shared>>) target(%dma_start3A_704 : memref<128x64xf32, #tpu.memory_space<hbm>>) target_semaphore(%run_scoped3A_701 : memref<!tpu.dma_semaphore, #tpu.memory_space<semaphore_mem>>)
      %dma_wait3A_707 = arith.constant 0 : i32
      %dma_wait3A_708 = tpu.memref_slice %arg5[%arg0, %add3A_692, %dma_wait3A_707] : memref<2x10240x64xf32, #tpu.memory_space<hbm>> -> memref<1x128x64xf32, #tpu.memory_space<hbm>>
      %dma_wait3A_709 = tpu.memref_squeeze %dma_wait3A_708 : memref<1x128x64xf32, #tpu.memory_space<hbm>> -> memref<128x64xf32, #tpu.memory_space<hbm>>
      %dma_wait3A_710 = arith.constant 0 : i32
      %dma_wait3A_711 = tpu.memref_slice %arg9[%add3A_692, %dma_wait3A_710] : memref<10240x64xf32, #tpu.memory_space<vmem_shared>> -> memref<128x64xf32, #tpu.memory_space<vmem_shared>>
      tpu.wait_dma2 semaphore(%run_scoped3A_701 : memref<!tpu.dma_semaphore, #tpu.memory_space<semaphore_mem>>) src(%dma_wait3A_711 : memref<128x64xf32, #tpu.memory_space<vmem_shared>>) dst(%dma_wait3A_709 : memref<128x64xf32, #tpu.memory_space<hbm>>)
      tpu.yield
    }) : () -> ()
    %mul3A_693 = arith.constant 640 : i32
    %mul3A_694 = arith.muli %arg1, %mul3A_693 : i32
    %add3A_695 = arith.constant 384 : i32
    %add3A_696 = arith.addi %mul3A_694, %add3A_695 : i32
    "tpu.region"() ({
      %run_scoped3A_701 = tpu.sem_alloc : memref<!tpu.dma_semaphore, #tpu.memory_space<semaphore_mem>>
      %dma_start3A_702 = arith.constant 0 : i32
      %dma_start3A_703 = tpu.memref_slice %arg5[%arg0, %add3A_696, %dma_start3A_702] : memref<2x10240x64xf32, #tpu.memory_space<hbm>> -> memref<1x128x64xf32, #tpu.memory_space<hbm>>
      %dma_start3A_704 = tpu.memref_squeeze %dma_start3A_703 : memref<1x128x64xf32, #tpu.memory_space<hbm>> -> memref<128x64xf32, #tpu.memory_space<hbm>>
      %dma_start3A_705 = arith.constant 0 : i32
      %dma_start3A_706 = tpu.memref_slice %arg9[%add3A_696, %dma_start3A_705] : memref<10240x64xf32, #tpu.memory_space<vmem_shared>> -> memref<128x64xf32, #tpu.memory_space<vmem_shared>>
      tpu.enqueue_dma source(%dma_start3A_706 : memref<128x64xf32, #tpu.memory_space<vmem_shared>>) target(%dma_start3A_704 : memref<128x64xf32, #tpu.memory_space<hbm>>) target_semaphore(%run_scoped3A_701 : memref<!tpu.dma_semaphore, #tpu.memory_space<semaphore_mem>>)
      %dma_wait3A_707 = arith.constant 0 : i32
      %dma_wait3A_708 = tpu.memref_slice %arg5[%arg0, %add3A_696, %dma_wait3A_707] : memref<2x10240x64xf32, #tpu.memory_space<hbm>> -> memref<1x128x64xf32, #tpu.memory_space<hbm>>
      %dma_wait3A_709 = tpu.memref_squeeze %dma_wait3A_708 : memref<1x128x64xf32, #tpu.memory_space<hbm>> -> memref<128x64xf32, #tpu.memory_space<hbm>>
      %dma_wait3A_710 = arith.constant 0 : i32
      %dma_wait3A_711 = tpu.memref_slice %arg9[%add3A_696, %dma_wait3A_710] : memref<10240x64xf32, #tpu.memory_space<vmem_shared>> -> memref<128x64xf32, #tpu.memory_space<vmem_shared>>
      tpu.wait_dma2 semaphore(%run_scoped3A_701 : memref<!tpu.dma_semaphore, #tpu.memory_space<semaphore_mem>>) src(%dma_wait3A_711 : memref<128x64xf32, #tpu.memory_space<vmem_shared>>) dst(%dma_wait3A_709 : memref<128x64xf32, #tpu.memory_space<hbm>>)
      tpu.yield
    }) : () -> ()
    %mul3A_697 = arith.constant 640 : i32
    %mul3A_698 = arith.muli %arg1, %mul3A_697 : i32
    %add3A_699 = arith.constant 512 : i32
    %add3A_700 = arith.addi %mul3A_698, %add3A_699 : i32
    "tpu.region"() ({
      %run_scoped3A_701 = tpu.sem_alloc : memref<!tpu.dma_semaphore, #tpu.memory_space<semaphore_mem>>
      %dma_start3A_702 = arith.constant 0 : i32
      %dma_start3A_703 = tpu.memref_slice %arg5[%arg0, %add3A_700, %dma_start3A_702] : memref<2x10240x64xf32, #tpu.memory_space<hbm>> -> memref<1x128x64xf32, #tpu.memory_space<hbm>>
      %dma_start3A_704 = tpu.memref_squeeze %dma_start3A_703 : memref<1x128x64xf32, #tpu.memory_space<hbm>> -> memref<128x64xf32, #tpu.memory_space<hbm>>
      %dma_start3A_705 = arith.constant 0 : i32
      %dma_start3A_706 = tpu.memref_slice %arg9[%add3A_700, %dma_start3A_705] : memref<10240x64xf32, #tpu.memory_space<vmem_shared>> -> memref<128x64xf32, #tpu.memory_space<vmem_shared>>
      tpu.enqueue_dma source(%dma_start3A_706 : memref<128x64xf32, #tpu.memory_space<vmem_shared>>) target(%dma_start3A_704 : memref<128x64xf32, #tpu.memory_space<hbm>>) target_semaphore(%run_scoped3A_701 : memref<!tpu.dma_semaphore, #tpu.memory_space<semaphore_mem>>)
      %dma_wait3A_707 = arith.constant 0 : i32
      %dma_wait3A_708 = tpu.memref_slice %arg5[%arg0, %add3A_700, %dma_wait3A_707] : memref<2x10240x64xf32, #tpu.memory_space<hbm>> -> memref<1x128x64xf32, #tpu.memory_space<hbm>>
      %dma_wait3A_709 = tpu.memref_squeeze %dma_wait3A_708 : memref<1x128x64xf32, #tpu.memory_space<hbm>> -> memref<128x64xf32, #tpu.memory_space<hbm>>
      %dma_wait3A_710 = arith.constant 0 : i32
      %dma_wait3A_711 = tpu.memref_slice %arg9[%add3A_700, %dma_wait3A_710] : memref<10240x64xf32, #tpu.memory_space<vmem_shared>> -> memref<128x64xf32, #tpu.memory_space<vmem_shared>>
      tpu.wait_dma2 semaphore(%run_scoped3A_701 : memref<!tpu.dma_semaphore, #tpu.memory_space<semaphore_mem>>) src(%dma_wait3A_711 : memref<128x64xf32, #tpu.memory_space<vmem_shared>>) dst(%dma_wait3A_709 : memref<128x64xf32, #tpu.memory_space<hbm>>)
      tpu.yield
    }) : () -> ()
    return
  }
}

#map = affine_map<(d0, d1) -> (0, 0)>
#map1 = affine_map<(d0, d1) -> (0, 0, 0)>
module attributes {stable_mosaic.version = 14 : i64} {
  func.func @_agg_sc(%arg0: i32, %arg1: i32, %arg2: memref<20480x64xf32, #tpu.memory_space<hbm>>, %arg3: memref<2560x128xi32, #tpu.memory_space<hbm>>, %arg4: memref<2560x128xi32, #tpu.memory_space<hbm>>, %arg5: memref<2x10240x64xf32, #tpu.memory_space<hbm>>, %arg6: memref<4x2x128xi32, #tpu.memory_space<vmem>>, %arg7: memref<4x2x128xi32, #tpu.memory_space<vmem>>, %arg8: memref<4x128x64xf32, #tpu.memory_space<vmem>>, %arg9: memref<10240x64xf32, #tpu.memory_space<vmem_shared>>, %arg10: memref<10240x64xf32, #tpu.memory_space<vmem_shared>>, %arg11: memref<!tpu.dma_semaphore, #tpu.memory_space<semaphore_mem>>, %arg12: memref<!tpu.dma_semaphore, #tpu.memory_space<semaphore_mem>>, %arg13: memref<!tpu.dma_semaphore, #tpu.memory_space<semaphore_mem>>) attributes {dimension_semantics = [#tpu.dimension_semantics<core_parallel>, #tpu.dimension_semantics<subcore_parallel>], iteration_bounds = array<i64: 2, 16>, scalar_prefetch = 0 : i64, scratch_operands = 8 : i64, tpu.core_type = #tpu.core_type<sc_vector_subcore>, window_params = [{transform_indices = #map}, {transform_indices = #map}, {transform_indices = #map}, {transform_indices = #map1}]} {
    %scan3A = arith.constant 0 : i32
    %scan3A_0 = arith.constant 0 : i32
    %scan3A_1 = arith.constant 128 : i32
    %scan3A_2 = arith.addi %scan3A_0, %scan3A_1 : i32
    %scan3A_3 = arith.constant 1 : i32
    scf.for %scan3A_701 = %scan3A_0 to %scan3A_2 step %scan3A_3  : i32 {
      %broadcast_in_dim3A = arith.constant 0.000000e+00 : f32
      %broadcast_in_dim3A_702 = vector.broadcast %broadcast_in_dim3A : f32 to vector<16xf32>
      %swap3A = arith.constant 0 : i32
      %swap3A_703 = arith.index_cast %swap3A : i32 to index
      %swap3A_704 = arith.index_cast %scan3A_701 : i32 to index
      %swap3A_705 = arith.constant 0 : index
      %swap3A_706 = tpu.vector_load %arg8[%swap3A_703, %swap3A_704, %swap3A_705] {strides = array<i32>} : memref<4x128x64xf32, #tpu.memory_space<vmem>>, vector<1x1x16xf32>,
      %swap3A_707 = vector.shape_cast %swap3A_706 : vector<1x1x16xf32> to vector<16xf32>
      %swap3A_708 = vector.shape_cast %broadcast_in_dim3A_702 : vector<16xf32> to vector<1x1x16xf32>
      tpu.vector_store %arg8[%swap3A_703, %swap3A_704, %swap3A_705], %swap3A_708 {strides = array<i32>} : memref<4x128x64xf32, #tpu.memory_space<vmem>>, vector<1x1x16xf32>,
      %broadcast_in_dim3A_709 = arith.constant 0.000000e+00 : f32
      %broadcast_in_dim3A_710 = vector.broadcast %broadcast_in_dim3A_709 : f32 to vector<16xf32>
      %swap3A_711 = arith.constant 0 : i32
      %swap3A_712 = arith.index_cast %swap3A_711 : i32 to index
      %swap3A_713 = arith.index_cast %scan3A_701 : i32 to index
      %swap3A_714 = arith.constant 16 : index
      %swap3A_715 = tpu.vector_load %arg8[%swap3A_712, %swap3A_713, %swap3A_714] {strides = array<i32>} : memref<4x128x64xf32, #tpu.memory_space<vmem>>, vector<1x1x16xf32>,
      %swap3A_716 = vector.shape_cast %swap3A_715 : vector<1x1x16xf32> to vector<16xf32>
      %swap3A_717 = vector.shape_cast %broadcast_in_dim3A_710 : vector<16xf32> to vector<1x1x16xf32>
      tpu.vector_store %arg8[%swap3A_712, %swap3A_713, %swap3A_714], %swap3A_717 {strides = array<i32>} : memref<4x128x64xf32, #tpu.memory_space<vmem>>, vector<1x1x16xf32>,
      %broadcast_in_dim3A_718 = arith.constant 0.000000e+00 : f32
      %broadcast_in_dim3A_719 = vector.broadcast %broadcast_in_dim3A_718 : f32 to vector<16xf32>
      %swap3A_720 = arith.constant 0 : i32
      %swap3A_721 = arith.index_cast %swap3A_720 : i32 to index
      %swap3A_722 = arith.index_cast %scan3A_701 : i32 to index
      %swap3A_723 = arith.constant 32 : index
      %swap3A_724 = tpu.vector_load %arg8[%swap3A_721, %swap3A_722, %swap3A_723] {strides = array<i32>} : memref<4x128x64xf32, #tpu.memory_space<vmem>>, vector<1x1x16xf32>,
      %swap3A_725 = vector.shape_cast %swap3A_724 : vector<1x1x16xf32> to vector<16xf32>
      %swap3A_726 = vector.shape_cast %broadcast_in_dim3A_719 : vector<16xf32> to vector<1x1x16xf32>
      tpu.vector_store %arg8[%swap3A_721, %swap3A_722, %swap3A_723], %swap3A_726 {strides = array<i32>} : memref<4x128x64xf32, #tpu.memory_space<vmem>>, vector<1x1x16xf32>,
      %broadcast_in_dim3A_727 = arith.constant 0.000000e+00 : f32
      %broadcast_in_dim3A_728 = vector.broadcast %broadcast_in_dim3A_727 : f32 to vector<16xf32>
      %swap3A_729 = arith.constant 0 : i32
      %swap3A_730 = arith.index_cast %swap3A_729 : i32 to index
      %swap3A_731 = arith.index_cast %scan3A_701 : i32 to index
      %swap3A_732 = arith.constant 48 : index
      %swap3A_733 = tpu.vector_load %arg8[%swap3A_730, %swap3A_731, %swap3A_732] {strides = array<i32>} : memref<4x128x64xf32, #tpu.memory_space<vmem>>, vector<1x1x16xf32>,
      %swap3A_734 = vector.shape_cast %swap3A_733 : vector<1x1x16xf32> to vector<16xf32>
      %swap3A_735 = vector.shape_cast %broadcast_in_dim3A_728 : vector<16xf32> to vector<1x1x16xf32>
      tpu.vector_store %arg8[%swap3A_730, %swap3A_731, %swap3A_732], %swap3A_735 {strides = array<i32>} : memref<4x128x64xf32, #tpu.memory_space<vmem>>, vector<1x1x16xf32>,
    }
    %scan3A_4 = arith.constant 128 : i32
    %mul3A = arith.constant 640 : i32
    %mul3A_5 = arith.muli %arg1, %mul3A : i32
    %add3A = arith.constant 0 : i32
    %add3A_6 = arith.addi %mul3A_5, %add3A : i32
    %run_scoped3A = arith.constant 0 : i32
    "tpu.region"() ({
      %run_scoped3A_701 = tpu.sem_alloc : memref<!tpu.dma_semaphore, #tpu.memory_space<semaphore_mem>>
      %dma_start3A_702 = arith.constant 0 : i32
      %dma_start3A_703 = arith.constant 0 : i32
      %dma_start3A_704 = tpu.memref_slice %arg8[%run_scoped3A, %dma_start3A_702, %dma_start3A_703] : memref<4x128x64xf32, #tpu.memory_space<vmem>> -> memref<1x128x64xf32, #tpu.memory_space<vmem>>
      %dma_start3A_705 = tpu.memref_squeeze %dma_start3A_704 : memref<1x128x64xf32, #tpu.memory_space<vmem>> -> memref<128x64xf32, #tpu.memory_space<vmem>>
      %dma_start3A_706 = arith.constant 0 : i32
      %dma_start3A_707 = tpu.memref_slice %arg9[%add3A_6, %dma_start3A_706] : memref<10240x64xf32, #tpu.memory_space<vmem_shared>> -> memref<128x64xf32, #tpu.memory_space<vmem_shared>>
      %dma_start3A_708 = arith.constant 0 : i32
      %dma_start3A_709 = tpu.memref_slice %arg9[%add3A_6, %dma_start3A_708] : memref<10240x64xf32, #tpu.memory_space<vmem_shared>> -> memref<128x64xf32, #tpu.memory_space<vmem_shared>>
      %dma_start3A_710 = arith.constant 0 : i32
      %dma_start3A_711 = arith.constant 0 : i32
      %dma_start3A_712 = tpu.memref_slice %arg8[%run_scoped3A, %dma_start3A_710, %dma_start3A_711] : memref<4x128x64xf32, #tpu.memory_space<vmem>> -> memref<1x128x64xf32, #tpu.memory_space<vmem>>
      %dma_start3A_713 = tpu.memref_squeeze %dma_start3A_712 : memref<1x128x64xf32, #tpu.memory_space<vmem>> -> memref<128x64xf32, #tpu.memory_space<vmem>>
      tpu.enqueue_dma source(%dma_start3A_713 : memref<128x64xf32, #tpu.memory_space<vmem>>) target(%dma_start3A_709 : memref<128x64xf32, #tpu.memory_space<vmem_shared>>) target_semaphore(%run_scoped3A_701 : memref<!tpu.dma_semaphore, #tpu.memory_space<semaphore_mem>>)
      %dma_wait3A_714 = arith.constant 0 : i32
      %dma_wait3A_715 = arith.constant 0 : i32
      %dma_wait3A_716 = tpu.memref_slice %arg8[%run_scoped3A, %dma_wait3A_714, %dma_wait3A_715] : memref<4x128x64xf32, #tpu.memory_space<vmem>> -> memref<1x128x64xf32, #tpu.memory_space<vmem>>
      %dma_wait3A_717 = tpu.memref_squeeze %dma_wait3A_716 : memref<1x128x64xf32, #tpu.memory_space<vmem>> -> memref<128x64xf32, #tpu.memory_space<vmem>>
      %dma_wait3A_718 = arith.constant 0 : i32
      %dma_wait3A_719 = tpu.memref_slice %arg9[%add3A_6, %dma_wait3A_718] : memref<10240x64xf32, #tpu.memory_space<vmem_shared>> -> memref<128x64xf32, #tpu.memory_space<vmem_shared>>
      %dma_wait3A_720 = arith.constant 0 : i32
      %dma_wait3A_721 = tpu.memref_slice %arg9[%add3A_6, %dma_wait3A_720] : memref<10240x64xf32, #tpu.memory_space<vmem_shared>> -> memref<128x64xf32, #tpu.memory_space<vmem_shared>>
      %dma_wait3A_722 = arith.constant 0 : i32
      %dma_wait3A_723 = arith.constant 0 : i32
      %dma_wait3A_724 = tpu.memref_slice %arg8[%run_scoped3A, %dma_wait3A_722, %dma_wait3A_723] : memref<4x128x64xf32, #tpu.memory_space<vmem>> -> memref<1x128x64xf32, #tpu.memory_space<vmem>>
      %dma_wait3A_725 = tpu.memref_squeeze %dma_wait3A_724 : memref<1x128x64xf32, #tpu.memory_space<vmem>> -> memref<128x64xf32, #tpu.memory_space<vmem>>
      tpu.wait_dma2 semaphore(%run_scoped3A_701 : memref<!tpu.dma_semaphore, #tpu.memory_space<semaphore_mem>>) src(%dma_wait3A_725 : memref<128x64xf32, #tpu.memory_space<vmem>>) dst(%dma_wait3A_721 : memref<128x64xf32, #tpu.memory_space<vmem_shared>>)
      tpu.yield
    }) : () -> ()
    %mul3A_7 = arith.constant 640 : i32
    %mul3A_8 = arith.muli %arg1, %mul3A_7 : i32
    %add3A_9 = arith.constant 128 : i32
    %add3A_10 = arith.addi %mul3A_8, %add3A_9 : i32
    %run_scoped3A_11 = arith.constant 0 : i32
    "tpu.region"() ({
      %run_scoped3A_701 = tpu.sem_alloc : memref<!tpu.dma_semaphore, #tpu.memory_space<semaphore_mem>>
      %dma_start3A_702 = arith.constant 0 : i32
      %dma_start3A_703 = arith.constant 0 : i32
      %dma_start3A_704 = tpu.memref_slice %arg8[%run_scoped3A_11, %dma_start3A_702, %dma_start3A_703] : memref<4x128x64xf32, #tpu.memory_space<vmem>> -> memref<1x128x64xf32, #tpu.memory_space<vmem>>
      %dma_start3A_705 = tpu.memref_squeeze %dma_start3A_704 : memref<1x128x64xf32, #tpu.memory_space<vmem>> -> memref<128x64xf32, #tpu.memory_space<vmem>>
      %dma_start3A_706 = arith.constant 0 : i32
      %dma_start3A_707 = tpu.memref_slice %arg9[%add3A_10, %dma_start3A_706] : memref<10240x64xf32, #tpu.memory_space<vmem_shared>> -> memref<128x64xf32, #tpu.memory_space<vmem_shared>>
      %dma_start3A_708 = arith.constant 0 : i32
      %dma_start3A_709 = tpu.memref_slice %arg9[%add3A_10, %dma_start3A_708] : memref<10240x64xf32, #tpu.memory_space<vmem_shared>> -> memref<128x64xf32, #tpu.memory_space<vmem_shared>>
      %dma_start3A_710 = arith.constant 0 : i32
      %dma_start3A_711 = arith.constant 0 : i32
      %dma_start3A_712 = tpu.memref_slice %arg8[%run_scoped3A_11, %dma_start3A_710, %dma_start3A_711] : memref<4x128x64xf32, #tpu.memory_space<vmem>> -> memref<1x128x64xf32, #tpu.memory_space<vmem>>
      %dma_start3A_713 = tpu.memref_squeeze %dma_start3A_712 : memref<1x128x64xf32, #tpu.memory_space<vmem>> -> memref<128x64xf32, #tpu.memory_space<vmem>>
      tpu.enqueue_dma source(%dma_start3A_713 : memref<128x64xf32, #tpu.memory_space<vmem>>) target(%dma_start3A_709 : memref<128x64xf32, #tpu.memory_space<vmem_shared>>) target_semaphore(%run_scoped3A_701 : memref<!tpu.dma_semaphore, #tpu.memory_space<semaphore_mem>>)
      %dma_wait3A_714 = arith.constant 0 : i32
      %dma_wait3A_715 = arith.constant 0 : i32
      %dma_wait3A_716 = tpu.memref_slice %arg8[%run_scoped3A_11, %dma_wait3A_714, %dma_wait3A_715] : memref<4x128x64xf32, #tpu.memory_space<vmem>> -> memref<1x128x64xf32, #tpu.memory_space<vmem>>
      %dma_wait3A_717 = tpu.memref_squeeze %dma_wait3A_716 : memref<1x128x64xf32, #tpu.memory_space<vmem>> -> memref<128x64xf32, #tpu.memory_space<vmem>>
      %dma_wait3A_718 = arith.constant 0 : i32
      %dma_wait3A_719 = tpu.memref_slice %arg9[%add3A_10, %dma_wait3A_718] : memref<10240x64xf32, #tpu.memory_space<vmem_shared>> -> memref<128x64xf32, #tpu.memory_space<vmem_shared>>
      %dma_wait3A_720 = arith.constant 0 : i32
      %dma_wait3A_721 = tpu.memref_slice %arg9[%add3A_10, %dma_wait3A_720] : memref<10240x64xf32, #tpu.memory_space<vmem_shared>> -> memref<128x64xf32, #tpu.memory_space<vmem_shared>>
      %dma_wait3A_722 = arith.constant 0 : i32
      %dma_wait3A_723 = arith.constant 0 : i32
      %dma_wait3A_724 = tpu.memref_slice %arg8[%run_scoped3A_11, %dma_wait3A_722, %dma_wait3A_723] : memref<4x128x64xf32, #tpu.memory_space<vmem>> -> memref<1x128x64xf32, #tpu.memory_space<vmem>>
      %dma_wait3A_725 = tpu.memref_squeeze %dma_wait3A_724 : memref<1x128x64xf32, #tpu.memory_space<vmem>> -> memref<128x64xf32, #tpu.memory_space<vmem>>
      tpu.wait_dma2 semaphore(%run_scoped3A_701 : memref<!tpu.dma_semaphore, #tpu.memory_space<semaphore_mem>>) src(%dma_wait3A_725 : memref<128x64xf32, #tpu.memory_space<vmem>>) dst(%dma_wait3A_721 : memref<128x64xf32, #tpu.memory_space<vmem_shared>>)
      tpu.yield
    }) : () -> ()
    %mul3A_12 = arith.constant 640 : i32
    %mul3A_13 = arith.muli %arg1, %mul3A_12 : i32
    %add3A_14 = arith.constant 256 : i32
    %add3A_15 = arith.addi %mul3A_13, %add3A_14 : i32
    %run_scoped3A_16 = arith.constant 0 : i32
    "tpu.region"() ({
      %run_scoped3A_701 = tpu.sem_alloc : memref<!tpu.dma_semaphore, #tpu.memory_space<semaphore_mem>>
      %dma_start3A_702 = arith.constant 0 : i32
      %dma_start3A_703 = arith.constant 0 : i32
      %dma_start3A_704 = tpu.memref_slice %arg8[%run_scoped3A_16, %dma_start3A_702, %dma_start3A_703] : memref<4x128x64xf32, #tpu.memory_space<vmem>> -> memref<1x128x64xf32, #tpu.memory_space<vmem>>
      %dma_start3A_705 = tpu.memref_squeeze %dma_start3A_704 : memref<1x128x64xf32, #tpu.memory_space<vmem>> -> memref<128x64xf32, #tpu.memory_space<vmem>>
      %dma_start3A_706 = arith.constant 0 : i32
      %dma_start3A_707 = tpu.memref_slice %arg9[%add3A_15, %dma_start3A_706] : memref<10240x64xf32, #tpu.memory_space<vmem_shared>> -> memref<128x64xf32, #tpu.memory_space<vmem_shared>>
      %dma_start3A_708 = arith.constant 0 : i32
      %dma_start3A_709 = tpu.memref_slice %arg9[%add3A_15, %dma_start3A_708] : memref<10240x64xf32, #tpu.memory_space<vmem_shared>> -> memref<128x64xf32, #tpu.memory_space<vmem_shared>>
      %dma_start3A_710 = arith.constant 0 : i32
      %dma_start3A_711 = arith.constant 0 : i32
      %dma_start3A_712 = tpu.memref_slice %arg8[%run_scoped3A_16, %dma_start3A_710, %dma_start3A_711] : memref<4x128x64xf32, #tpu.memory_space<vmem>> -> memref<1x128x64xf32, #tpu.memory_space<vmem>>
      %dma_start3A_713 = tpu.memref_squeeze %dma_start3A_712 : memref<1x128x64xf32, #tpu.memory_space<vmem>> -> memref<128x64xf32, #tpu.memory_space<vmem>>
      tpu.enqueue_dma source(%dma_start3A_713 : memref<128x64xf32, #tpu.memory_space<vmem>>) target(%dma_start3A_709 : memref<128x64xf32, #tpu.memory_space<vmem_shared>>) target_semaphore(%run_scoped3A_701 : memref<!tpu.dma_semaphore, #tpu.memory_space<semaphore_mem>>)
      %dma_wait3A_714 = arith.constant 0 : i32
      %dma_wait3A_715 = arith.constant 0 : i32
      %dma_wait3A_716 = tpu.memref_slice %arg8[%run_scoped3A_16, %dma_wait3A_714, %dma_wait3A_715] : memref<4x128x64xf32, #tpu.memory_space<vmem>> -> memref<1x128x64xf32, #tpu.memory_space<vmem>>
      %dma_wait3A_717 = tpu.memref_squeeze %dma_wait3A_716 : memref<1x128x64xf32, #tpu.memory_space<vmem>> -> memref<128x64xf32, #tpu.memory_space<vmem>>
      %dma_wait3A_718 = arith.constant 0 : i32
      %dma_wait3A_719 = tpu.memref_slice %arg9[%add3A_15, %dma_wait3A_718] : memref<10240x64xf32, #tpu.memory_space<vmem_shared>> -> memref<128x64xf32, #tpu.memory_space<vmem_shared>>
      %dma_wait3A_720 = arith.constant 0 : i32
      %dma_wait3A_721 = tpu.memref_slice %arg9[%add3A_15, %dma_wait3A_720] : memref<10240x64xf32, #tpu.memory_space<vmem_shared>> -> memref<128x64xf32, #tpu.memory_space<vmem_shared>>
      %dma_wait3A_722 = arith.constant 0 : i32
      %dma_wait3A_723 = arith.constant 0 : i32
      %dma_wait3A_724 = tpu.memref_slice %arg8[%run_scoped3A_16, %dma_wait3A_722, %dma_wait3A_723] : memref<4x128x64xf32, #tpu.memory_space<vmem>> -> memref<1x128x64xf32, #tpu.memory_space<vmem>>
      %dma_wait3A_725 = tpu.memref_squeeze %dma_wait3A_724 : memref<1x128x64xf32, #tpu.memory_space<vmem>> -> memref<128x64xf32, #tpu.memory_space<vmem>>
      tpu.wait_dma2 semaphore(%run_scoped3A_701 : memref<!tpu.dma_semaphore, #tpu.memory_space<semaphore_mem>>) src(%dma_wait3A_725 : memref<128x64xf32, #tpu.memory_space<vmem>>) dst(%dma_wait3A_721 : memref<128x64xf32, #tpu.memory_space<vmem_shared>>)
      tpu.yield
    }) : () -> ()
    %mul3A_17 = arith.constant 640 : i32
    %mul3A_18 = arith.muli %arg1, %mul3A_17 : i32
    %add3A_19 = arith.constant 384 : i32
    %add3A_20 = arith.addi %mul3A_18, %add3A_19 : i32
    %run_scoped3A_21 = arith.constant 0 : i32
    "tpu.region"() ({
      %run_scoped3A_701 = tpu.sem_alloc : memref<!tpu.dma_semaphore, #tpu.memory_space<semaphore_mem>>
      %dma_start3A_702 = arith.constant 0 : i32
      %dma_start3A_703 = arith.constant 0 : i32
      %dma_start3A_704 = tpu.memref_slice %arg8[%run_scoped3A_21, %dma_start3A_702, %dma_start3A_703] : memref<4x128x64xf32, #tpu.memory_space<vmem>> -> memref<1x128x64xf32, #tpu.memory_space<vmem>>
      %dma_start3A_705 = tpu.memref_squeeze %dma_start3A_704 : memref<1x128x64xf32, #tpu.memory_space<vmem>> -> memref<128x64xf32, #tpu.memory_space<vmem>>
      %dma_start3A_706 = arith.constant 0 : i32
      %dma_start3A_707 = tpu.memref_slice %arg9[%add3A_20, %dma_start3A_706] : memref<10240x64xf32, #tpu.memory_space<vmem_shared>> -> memref<128x64xf32, #tpu.memory_space<vmem_shared>>
      %dma_start3A_708 = arith.constant 0 : i32
      %dma_start3A_709 = tpu.memref_slice %arg9[%add3A_20, %dma_start3A_708] : memref<10240x64xf32, #tpu.memory_space<vmem_shared>> -> memref<128x64xf32, #tpu.memory_space<vmem_shared>>
      %dma_start3A_710 = arith.constant 0 : i32
      %dma_start3A_711 = arith.constant 0 : i32
      %dma_start3A_712 = tpu.memref_slice %arg8[%run_scoped3A_21, %dma_start3A_710, %dma_start3A_711] : memref<4x128x64xf32, #tpu.memory_space<vmem>> -> memref<1x128x64xf32, #tpu.memory_space<vmem>>
      %dma_start3A_713 = tpu.memref_squeeze %dma_start3A_712 : memref<1x128x64xf32, #tpu.memory_space<vmem>> -> memref<128x64xf32, #tpu.memory_space<vmem>>
      tpu.enqueue_dma source(%dma_start3A_713 : memref<128x64xf32, #tpu.memory_space<vmem>>) target(%dma_start3A_709 : memref<128x64xf32, #tpu.memory_space<vmem_shared>>) target_semaphore(%run_scoped3A_701 : memref<!tpu.dma_semaphore, #tpu.memory_space<semaphore_mem>>)
      %dma_wait3A_714 = arith.constant 0 : i32
      %dma_wait3A_715 = arith.constant 0 : i32
      %dma_wait3A_716 = tpu.memref_slice %arg8[%run_scoped3A_21, %dma_wait3A_714, %dma_wait3A_715] : memref<4x128x64xf32, #tpu.memory_space<vmem>> -> memref<1x128x64xf32, #tpu.memory_space<vmem>>
      %dma_wait3A_717 = tpu.memref_squeeze %dma_wait3A_716 : memref<1x128x64xf32, #tpu.memory_space<vmem>> -> memref<128x64xf32, #tpu.memory_space<vmem>>
      %dma_wait3A_718 = arith.constant 0 : i32
      %dma_wait3A_719 = tpu.memref_slice %arg9[%add3A_20, %dma_wait3A_718] : memref<10240x64xf32, #tpu.memory_space<vmem_shared>> -> memref<128x64xf32, #tpu.memory_space<vmem_shared>>
      %dma_wait3A_720 = arith.constant 0 : i32
      %dma_wait3A_721 = tpu.memref_slice %arg9[%add3A_20, %dma_wait3A_720] : memref<10240x64xf32, #tpu.memory_space<vmem_shared>> -> memref<128x64xf32, #tpu.memory_space<vmem_shared>>
      %dma_wait3A_722 = arith.constant 0 : i32
      %dma_wait3A_723 = arith.constant 0 : i32
      %dma_wait3A_724 = tpu.memref_slice %arg8[%run_scoped3A_21, %dma_wait3A_722, %dma_wait3A_723] : memref<4x128x64xf32, #tpu.memory_space<vmem>> -> memref<1x128x64xf32, #tpu.memory_space<vmem>>
      %dma_wait3A_725 = tpu.memref_squeeze %dma_wait3A_724 : memref<1x128x64xf32, #tpu.memory_space<vmem>> -> memref<128x64xf32, #tpu.memory_space<vmem>>
      tpu.wait_dma2 semaphore(%run_scoped3A_701 : memref<!tpu.dma_semaphore, #tpu.memory_space<semaphore_mem>>) src(%dma_wait3A_725 : memref<128x64xf32, #tpu.memory_space<vmem>>) dst(%dma_wait3A_721 : memref<128x64xf32, #tpu.memory_space<vmem_shared>>)
      tpu.yield
    }) : () -> ()
    %mul3A_22 = arith.constant 640 : i32
    %mul3A_23 = arith.muli %arg1, %mul3A_22 : i32
    %add3A_24 = arith.constant 512 : i32
    %add3A_25 = arith.addi %mul3A_23, %add3A_24 : i32
    %run_scoped3A_26 = arith.constant 0 : i32
    "tpu.region"() ({
      %run_scoped3A_701 = tpu.sem_alloc : memref<!tpu.dma_semaphore, #tpu.memory_space<semaphore_mem>>
      %dma_start3A_702 = arith.constant 0 : i32
      %dma_start3A_703 = arith.constant 0 : i32
      %dma_start3A_704 = tpu.memref_slice %arg8[%run_scoped3A_26, %dma_start3A_702, %dma_start3A_703] : memref<4x128x64xf32, #tpu.memory_space<vmem>> -> memref<1x128x64xf32, #tpu.memory_space<vmem>>
      %dma_start3A_705 = tpu.memref_squeeze %dma_start3A_704 : memref<1x128x64xf32, #tpu.memory_space<vmem>> -> memref<128x64xf32, #tpu.memory_space<vmem>>
      %dma_start3A_706 = arith.constant 0 : i32
      %dma_start3A_707 = tpu.memref_slice %arg9[%add3A_25, %dma_start3A_706] : memref<10240x64xf32, #tpu.memory_space<vmem_shared>> -> memref<128x64xf32, #tpu.memory_space<vmem_shared>>
      %dma_start3A_708 = arith.constant 0 : i32
      %dma_start3A_709 = tpu.memref_slice %arg9[%add3A_25, %dma_start3A_708] : memref<10240x64xf32, #tpu.memory_space<vmem_shared>> -> memref<128x64xf32, #tpu.memory_space<vmem_shared>>
      %dma_start3A_710 = arith.constant 0 : i32
      %dma_start3A_711 = arith.constant 0 : i32
      %dma_start3A_712 = tpu.memref_slice %arg8[%run_scoped3A_26, %dma_start3A_710, %dma_start3A_711] : memref<4x128x64xf32, #tpu.memory_space<vmem>> -> memref<1x128x64xf32, #tpu.memory_space<vmem>>
      %dma_start3A_713 = tpu.memref_squeeze %dma_start3A_712 : memref<1x128x64xf32, #tpu.memory_space<vmem>> -> memref<128x64xf32, #tpu.memory_space<vmem>>
      tpu.enqueue_dma source(%dma_start3A_713 : memref<128x64xf32, #tpu.memory_space<vmem>>) target(%dma_start3A_709 : memref<128x64xf32, #tpu.memory_space<vmem_shared>>) target_semaphore(%run_scoped3A_701 : memref<!tpu.dma_semaphore, #tpu.memory_space<semaphore_mem>>)
      %dma_wait3A_714 = arith.constant 0 : i32
      %dma_wait3A_715 = arith.constant 0 : i32
      %dma_wait3A_716 = tpu.memref_slice %arg8[%run_scoped3A_26, %dma_wait3A_714, %dma_wait3A_715] : memref<4x128x64xf32, #tpu.memory_space<vmem>> -> memref<1x128x64xf32, #tpu.memory_space<vmem>>
      %dma_wait3A_717 = tpu.memref_squeeze %dma_wait3A_716 : memref<1x128x64xf32, #tpu.memory_space<vmem>> -> memref<128x64xf32, #tpu.memory_space<vmem>>
      %dma_wait3A_718 = arith.constant 0 : i32
      %dma_wait3A_719 = tpu.memref_slice %arg9[%add3A_25, %dma_wait3A_718] : memref<10240x64xf32, #tpu.memory_space<vmem_shared>> -> memref<128x64xf32, #tpu.memory_space<vmem_shared>>
      %dma_wait3A_720 = arith.constant 0 : i32
      %dma_wait3A_721 = tpu.memref_slice %arg9[%add3A_25, %dma_wait3A_720] : memref<10240x64xf32, #tpu.memory_space<vmem_shared>> -> memref<128x64xf32, #tpu.memory_space<vmem_shared>>
      %dma_wait3A_722 = arith.constant 0 : i32
      %dma_wait3A_723 = arith.constant 0 : i32
      %dma_wait3A_724 = tpu.memref_slice %arg8[%run_scoped3A_26, %dma_wait3A_722, %dma_wait3A_723] : memref<4x128x64xf32, #tpu.memory_space<vmem>> -> memref<1x128x64xf32, #tpu.memory_space<vmem>>
      %dma_wait3A_725 = tpu.memref_squeeze %dma_wait3A_724 : memref<1x128x64xf32, #tpu.memory_space<vmem>> -> memref<128x64xf32, #tpu.memory_space<vmem>>
      tpu.wait_dma2 semaphore(%run_scoped3A_701 : memref<!tpu.dma_semaphore, #tpu.memory_space<semaphore_mem>>) src(%dma_wait3A_725 : memref<128x64xf32, #tpu.memory_space<vmem>>) dst(%dma_wait3A_721 : memref<128x64xf32, #tpu.memory_space<vmem_shared>>)
      tpu.yield
    }) : () -> ()
    %mul3A_27 = arith.constant 10240 : i32
    %mul3A_28 = arith.muli %arg0, %mul3A_27 : i32
    %mul3A_29 = arith.constant 640 : i32
    %mul3A_30 = arith.muli %arg1, %mul3A_29 : i32
    %add3A_31 = arith.addi %mul3A_28, %mul3A_30 : i32
    %mul3A_32 = arith.constant 640 : i32
    %mul3A_33 = arith.muli %arg1, %mul3A_32 : i32
    "tpu.region"() ({
      %run_scoped3A_701 = tpu.sem_alloc : memref<!tpu.dma_semaphore, #tpu.memory_space<semaphore_mem>>
      %dma_start3A_702 = arith.constant 0 : i32
      %dma_start3A_703 = tpu.memref_slice %arg10[%mul3A_33, %dma_start3A_702] : memref<10240x64xf32, #tpu.memory_space<vmem_shared>> -> memref<640x64xf32, #tpu.memory_space<vmem_shared>>
      %dma_start3A_704 = arith.constant 0 : i32
      %dma_start3A_705 = tpu.memref_slice %arg2[%add3A_31, %dma_start3A_704] : memref<20480x64xf32, #tpu.memory_space<hbm>> -> memref<640x64xf32, #tpu.memory_space<hbm>>
      tpu.enqueue_dma source(%dma_start3A_705 : memref<640x64xf32, #tpu.memory_space<hbm>>) target(%dma_start3A_703 : memref<640x64xf32, #tpu.memory_space<vmem_shared>>) target_semaphore(%run_scoped3A_701 : memref<!tpu.dma_semaphore, #tpu.memory_space<semaphore_mem>>)
      %dma_wait3A_706 = arith.constant 0 : i32
      %dma_wait3A_707 = tpu.memref_slice %arg10[%mul3A_33, %dma_wait3A_706] : memref<10240x64xf32, #tpu.memory_space<vmem_shared>> -> memref<640x64xf32, #tpu.memory_space<vmem_shared>>
      %dma_wait3A_708 = arith.constant 0 : i32
      %dma_wait3A_709 = tpu.memref_slice %arg2[%add3A_31, %dma_wait3A_708] : memref<20480x64xf32, #tpu.memory_space<hbm>> -> memref<640x64xf32, #tpu.memory_space<hbm>>
      tpu.wait_dma2 semaphore(%run_scoped3A_701 : memref<!tpu.dma_semaphore, #tpu.memory_space<semaphore_mem>>) src(%dma_wait3A_709 : memref<640x64xf32, #tpu.memory_space<hbm>>) dst(%dma_wait3A_707 : memref<640x64xf32, #tpu.memory_space<vmem_shared>>)
      tpu.yield
    }) : () -> ()
    %barrier3A = arith.constant 0 : index
    tpu.barrier barrier_id(%barrier3A)
    %mul3A_34 = arith.constant 160 : i32
    %mul3A_35 = arith.muli %arg1, %mul3A_34 : i32
    %add3A_36 = arith.constant 0 : i32
    %add3A_37 = arith.addi %mul3A_35, %add3A_36 : i32
    %dma_start3A = arith.constant 0 : i32
    %dma_start3A_38 = arith.constant 0 : i32
    %dma_start3A_39 = arith.constant 0 : i32
    %dma_start3A_40 = tpu.memref_slice %arg6[%dma_start3A, %dma_start3A_38, %dma_start3A_39] : memref<4x2x128xi32, #tpu.memory_space<vmem>> -> memref<1x2x128xi32, #tpu.memory_space<vmem>>
    %dma_start3A_41 = tpu.memref_squeeze %dma_start3A_40 : memref<1x2x128xi32, #tpu.memory_space<vmem>> -> memref<2x128xi32, #tpu.memory_space<vmem>>
    %dma_start3A_42 = arith.constant 0 : i32
    %dma_start3A_43 = tpu.memref_slice %arg3[%add3A_37, %dma_start3A_42] : memref<2560x128xi32, #tpu.memory_space<hbm>> -> memref<2x128xi32, #tpu.memory_space<hbm>>
    %dma_start3A_44 = arith.constant 0 : i32
    %dma_start3A_45 = arith.constant 0 : i32
    %dma_start3A_46 = tpu.memref_slice %arg6[%dma_start3A, %dma_start3A_44, %dma_start3A_45] : memref<4x2x128xi32, #tpu.memory_space<vmem>> -> memref<1x2x128xi32, #tpu.memory_space<vmem>>
    %dma_start3A_47 = tpu.memref_squeeze %dma_start3A_46 : memref<1x2x128xi32, #tpu.memory_space<vmem>> -> memref<2x128xi32, #tpu.memory_space<vmem>>
    %dma_start3A_48 = arith.constant 0 : i32
    %dma_start3A_49 = tpu.memref_slice %arg3[%add3A_37, %dma_start3A_48] : memref<2560x128xi32, #tpu.memory_space<hbm>> -> memref<2x128xi32, #tpu.memory_space<hbm>>
    tpu.enqueue_dma source(%dma_start3A_49 : memref<2x128xi32, #tpu.memory_space<hbm>>) target(%dma_start3A_47 : memref<2x128xi32, #tpu.memory_space<vmem>>) target_semaphore(%arg13 : memref<!tpu.dma_semaphore, #tpu.memory_space<semaphore_mem>>)
    %add3A_50 = arith.constant 0 : i32
    %add3A_51 = arith.addi %mul3A_35, %add3A_50 : i32
    %dma_start3A_52 = arith.constant 0 : i32
    %dma_start3A_53 = arith.constant 0 : i32
    %dma_start3A_54 = arith.constant 0 : i32
    %dma_start3A_55 = tpu.memref_slice %arg7[%dma_start3A_52, %dma_start3A_53, %dma_start3A_54] : memref<4x2x128xi32, #tpu.memory_space<vmem>> -> memref<1x2x128xi32, #tpu.memory_space<vmem>>
    %dma_start3A_56 = tpu.memref_squeeze %dma_start3A_55 : memref<1x2x128xi32, #tpu.memory_space<vmem>> -> memref<2x128xi32, #tpu.memory_space<vmem>>
    %dma_start3A_57 = arith.constant 0 : i32
    %dma_start3A_58 = tpu.memref_slice %arg4[%add3A_51, %dma_start3A_57] : memref<2560x128xi32, #tpu.memory_space<hbm>> -> memref<2x128xi32, #tpu.memory_space<hbm>>
    %dma_start3A_59 = arith.constant 0 : i32
    %dma_start3A_60 = arith.constant 0 : i32
    %dma_start3A_61 = tpu.memref_slice %arg7[%dma_start3A_52, %dma_start3A_59, %dma_start3A_60] : memref<4x2x128xi32, #tpu.memory_space<vmem>> -> memref<1x2x128xi32, #tpu.memory_space<vmem>>
    %dma_start3A_62 = tpu.memref_squeeze %dma_start3A_61 : memref<1x2x128xi32, #tpu.memory_space<vmem>> -> memref<2x128xi32, #tpu.memory_space<vmem>>
    %dma_start3A_63 = arith.constant 0 : i32
    %dma_start3A_64 = tpu.memref_slice %arg4[%add3A_51, %dma_start3A_63] : memref<2560x128xi32, #tpu.memory_space<hbm>> -> memref<2x128xi32, #tpu.memory_space<hbm>>
    tpu.enqueue_dma source(%dma_start3A_64 : memref<2x128xi32, #tpu.memory_space<hbm>>) target(%dma_start3A_62 : memref<2x128xi32, #tpu.memory_space<vmem>>) target_semaphore(%arg13 : memref<!tpu.dma_semaphore, #tpu.memory_space<semaphore_mem>>)
    %add3A_65 = arith.constant 2 : i32
    %add3A_66 = arith.addi %mul3A_35, %add3A_65 : i32
    %dma_start3A_67 = arith.constant 1 : i32
    %dma_start3A_68 = arith.constant 0 : i32
    %dma_start3A_69 = arith.constant 0 : i32
    %dma_start3A_70 = tpu.memref_slice %arg6[%dma_start3A_67, %dma_start3A_68, %dma_start3A_69] : memref<4x2x128xi32, #tpu.memory_space<vmem>> -> memref<1x2x128xi32, #tpu.memory_space<vmem>>
    %dma_start3A_71 = tpu.memref_squeeze %dma_start3A_70 : memref<1x2x128xi32, #tpu.memory_space<vmem>> -> memref<2x128xi32, #tpu.memory_space<vmem>>
    %dma_start3A_72 = arith.constant 0 : i32
    %dma_start3A_73 = tpu.memref_slice %arg3[%add3A_66, %dma_start3A_72] : memref<2560x128xi32, #tpu.memory_space<hbm>> -> memref<2x128xi32, #tpu.memory_space<hbm>>
    %dma_start3A_74 = arith.constant 0 : i32
    %dma_start3A_75 = arith.constant 0 : i32
    %dma_start3A_76 = tpu.memref_slice %arg6[%dma_start3A_67, %dma_start3A_74, %dma_start3A_75] : memref<4x2x128xi32, #tpu.memory_space<vmem>> -> memref<1x2x128xi32, #tpu.memory_space<vmem>>
    %dma_start3A_77 = tpu.memref_squeeze %dma_start3A_76 : memref<1x2x128xi32, #tpu.memory_space<vmem>> -> memref<2x128xi32, #tpu.memory_space<vmem>>
    %dma_start3A_78 = arith.constant 0 : i32
    %dma_start3A_79 = tpu.memref_slice %arg3[%add3A_66, %dma_start3A_78] : memref<2560x128xi32, #tpu.memory_space<hbm>> -> memref<2x128xi32, #tpu.memory_space<hbm>>
    tpu.enqueue_dma source(%dma_start3A_79 : memref<2x128xi32, #tpu.memory_space<hbm>>) target(%dma_start3A_77 : memref<2x128xi32, #tpu.memory_space<vmem>>) target_semaphore(%arg13 : memref<!tpu.dma_semaphore, #tpu.memory_space<semaphore_mem>>)
    %add3A_80 = arith.constant 2 : i32
    %add3A_81 = arith.addi %mul3A_35, %add3A_80 : i32
    %dma_start3A_82 = arith.constant 1 : i32
    %dma_start3A_83 = arith.constant 0 : i32
    %dma_start3A_84 = arith.constant 0 : i32
    %dma_start3A_85 = tpu.memref_slice %arg7[%dma_start3A_82, %dma_start3A_83, %dma_start3A_84] : memref<4x2x128xi32, #tpu.memory_space<vmem>> -> memref<1x2x128xi32, #tpu.memory_space<vmem>>
    %dma_start3A_86 = tpu.memref_squeeze %dma_start3A_85 : memref<1x2x128xi32, #tpu.memory_space<vmem>> -> memref<2x128xi32, #tpu.memory_space<vmem>>
    %dma_start3A_87 = arith.constant 0 : i32
    %dma_start3A_88 = tpu.memref_slice %arg4[%add3A_81, %dma_start3A_87] : memref<2560x128xi32, #tpu.memory_space<hbm>> -> memref<2x128xi32, #tpu.memory_space<hbm>>
    %dma_start3A_89 = arith.constant 0 : i32
    %dma_start3A_90 = arith.constant 0 : i32
    %dma_start3A_91 = tpu.memref_slice %arg7[%dma_start3A_82, %dma_start3A_89, %dma_start3A_90] : memref<4x2x128xi32, #tpu.memory_space<vmem>> -> memref<1x2x128xi32, #tpu.memory_space<vmem>>
    %dma_start3A_92 = tpu.memref_squeeze %dma_start3A_91 : memref<1x2x128xi32, #tpu.memory_space<vmem>> -> memref<2x128xi32, #tpu.memory_space<vmem>>
    %dma_start3A_93 = arith.constant 0 : i32
    %dma_start3A_94 = tpu.memref_slice %arg4[%add3A_81, %dma_start3A_93] : memref<2560x128xi32, #tpu.memory_space<hbm>> -> memref<2x128xi32, #tpu.memory_space<hbm>>
    tpu.enqueue_dma source(%dma_start3A_94 : memref<2x128xi32, #tpu.memory_space<hbm>>) target(%dma_start3A_92 : memref<2x128xi32, #tpu.memory_space<vmem>>) target_semaphore(%arg13 : memref<!tpu.dma_semaphore, #tpu.memory_space<semaphore_mem>>)
    %add3A_95 = arith.constant 4 : i32
    %add3A_96 = arith.addi %mul3A_35, %add3A_95 : i32
    %dma_start3A_97 = arith.constant 2 : i32
    %dma_start3A_98 = arith.constant 0 : i32
    %dma_start3A_99 = arith.constant 0 : i32
    %dma_start3A_100 = tpu.memref_slice %arg6[%dma_start3A_97, %dma_start3A_98, %dma_start3A_99] : memref<4x2x128xi32, #tpu.memory_space<vmem>> -> memref<1x2x128xi32, #tpu.memory_space<vmem>>
    %dma_start3A_101 = tpu.memref_squeeze %dma_start3A_100 : memref<1x2x128xi32, #tpu.memory_space<vmem>> -> memref<2x128xi32, #tpu.memory_space<vmem>>
    %dma_start3A_102 = arith.constant 0 : i32
    %dma_start3A_103 = tpu.memref_slice %arg3[%add3A_96, %dma_start3A_102] : memref<2560x128xi32, #tpu.memory_space<hbm>> -> memref<2x128xi32, #tpu.memory_space<hbm>>
    %dma_start3A_104 = arith.constant 0 : i32
    %dma_start3A_105 = arith.constant 0 : i32
    %dma_start3A_106 = tpu.memref_slice %arg6[%dma_start3A_97, %dma_start3A_104, %dma_start3A_105] : memref<4x2x128xi32, #tpu.memory_space<vmem>> -> memref<1x2x128xi32, #tpu.memory_space<vmem>>
    %dma_start3A_107 = tpu.memref_squeeze %dma_start3A_106 : memref<1x2x128xi32, #tpu.memory_space<vmem>> -> memref<2x128xi32, #tpu.memory_space<vmem>>
    %dma_start3A_108 = arith.constant 0 : i32
    %dma_start3A_109 = tpu.memref_slice %arg3[%add3A_96, %dma_start3A_108] : memref<2560x128xi32, #tpu.memory_space<hbm>> -> memref<2x128xi32, #tpu.memory_space<hbm>>
    tpu.enqueue_dma source(%dma_start3A_109 : memref<2x128xi32, #tpu.memory_space<hbm>>) target(%dma_start3A_107 : memref<2x128xi32, #tpu.memory_space<vmem>>) target_semaphore(%arg13 : memref<!tpu.dma_semaphore, #tpu.memory_space<semaphore_mem>>)
    %add3A_110 = arith.constant 4 : i32
    %add3A_111 = arith.addi %mul3A_35, %add3A_110 : i32
    %dma_start3A_112 = arith.constant 2 : i32
    %dma_start3A_113 = arith.constant 0 : i32
    %dma_start3A_114 = arith.constant 0 : i32
    %dma_start3A_115 = tpu.memref_slice %arg7[%dma_start3A_112, %dma_start3A_113, %dma_start3A_114] : memref<4x2x128xi32, #tpu.memory_space<vmem>> -> memref<1x2x128xi32, #tpu.memory_space<vmem>>
    %dma_start3A_116 = tpu.memref_squeeze %dma_start3A_115 : memref<1x2x128xi32, #tpu.memory_space<vmem>> -> memref<2x128xi32, #tpu.memory_space<vmem>>
    %dma_start3A_117 = arith.constant 0 : i32
    %dma_start3A_118 = tpu.memref_slice %arg4[%add3A_111, %dma_start3A_117] : memref<2560x128xi32, #tpu.memory_space<hbm>> -> memref<2x128xi32, #tpu.memory_space<hbm>>
    %dma_start3A_119 = arith.constant 0 : i32
    %dma_start3A_120 = arith.constant 0 : i32
    %dma_start3A_121 = tpu.memref_slice %arg7[%dma_start3A_112, %dma_start3A_119, %dma_start3A_120] : memref<4x2x128xi32, #tpu.memory_space<vmem>> -> memref<1x2x128xi32, #tpu.memory_space<vmem>>
    %dma_start3A_122 = tpu.memref_squeeze %dma_start3A_121 : memref<1x2x128xi32, #tpu.memory_space<vmem>> -> memref<2x128xi32, #tpu.memory_space<vmem>>
    %dma_start3A_123 = arith.constant 0 : i32
    %dma_start3A_124 = tpu.memref_slice %arg4[%add3A_111, %dma_start3A_123] : memref<2560x128xi32, #tpu.memory_space<hbm>> -> memref<2x128xi32, #tpu.memory_space<hbm>>
    tpu.enqueue_dma source(%dma_start3A_124 : memref<2x128xi32, #tpu.memory_space<hbm>>) target(%dma_start3A_122 : memref<2x128xi32, #tpu.memory_space<vmem>>) target_semaphore(%arg13 : memref<!tpu.dma_semaphore, #tpu.memory_space<semaphore_mem>>)
    %dma_wait3A = arith.constant 0 : i32
    %dma_wait3A_125 = arith.constant 0 : i32
    %dma_wait3A_126 = arith.constant 0 : i32
    %dma_wait3A_127 = tpu.memref_slice %arg6[%dma_wait3A, %dma_wait3A_125, %dma_wait3A_126] : memref<4x2x128xi32, #tpu.memory_space<vmem>> -> memref<1x2x128xi32, #tpu.memory_space<vmem>>
    %dma_wait3A_128 = tpu.memref_squeeze %dma_wait3A_127 : memref<1x2x128xi32, #tpu.memory_space<vmem>> -> memref<2x128xi32, #tpu.memory_space<vmem>>
    %dma_wait3A_129 = arith.constant 0 : i32
    %dma_wait3A_130 = tpu.memref_slice %arg3[%mul3A_35, %dma_wait3A_129] : memref<2560x128xi32, #tpu.memory_space<hbm>> -> memref<2x128xi32, #tpu.memory_space<hbm>>
    %dma_wait3A_131 = arith.constant 0 : i32
    %dma_wait3A_132 = arith.constant 0 : i32
    %dma_wait3A_133 = tpu.memref_slice %arg6[%dma_wait3A, %dma_wait3A_131, %dma_wait3A_132] : memref<4x2x128xi32, #tpu.memory_space<vmem>> -> memref<1x2x128xi32, #tpu.memory_space<vmem>>
    %dma_wait3A_134 = tpu.memref_squeeze %dma_wait3A_133 : memref<1x2x128xi32, #tpu.memory_space<vmem>> -> memref<2x128xi32, #tpu.memory_space<vmem>>
    %dma_wait3A_135 = arith.constant 0 : i32
    %dma_wait3A_136 = tpu.memref_slice %arg3[%mul3A_35, %dma_wait3A_135] : memref<2560x128xi32, #tpu.memory_space<hbm>> -> memref<2x128xi32, #tpu.memory_space<hbm>>
    tpu.wait_dma2 semaphore(%arg13 : memref<!tpu.dma_semaphore, #tpu.memory_space<semaphore_mem>>) src(%dma_wait3A_136 : memref<2x128xi32, #tpu.memory_space<hbm>>) dst(%dma_wait3A_134 : memref<2x128xi32, #tpu.memory_space<vmem>>)
    %dma_wait3A_137 = arith.constant 0 : i32
    %dma_wait3A_138 = arith.constant 0 : i32
    %dma_wait3A_139 = arith.constant 0 : i32
    %dma_wait3A_140 = tpu.memref_slice %arg7[%dma_wait3A_137, %dma_wait3A_138, %dma_wait3A_139] : memref<4x2x128xi32, #tpu.memory_space<vmem>> -> memref<1x2x128xi32, #tpu.memory_space<vmem>>
    %dma_wait3A_141 = tpu.memref_squeeze %dma_wait3A_140 : memref<1x2x128xi32, #tpu.memory_space<vmem>> -> memref<2x128xi32, #tpu.memory_space<vmem>>
    %dma_wait3A_142 = arith.constant 0 : i32
    %dma_wait3A_143 = tpu.memref_slice %arg4[%mul3A_35, %dma_wait3A_142] : memref<2560x128xi32, #tpu.memory_space<hbm>> -> memref<2x128xi32, #tpu.memory_space<hbm>>
    %dma_wait3A_144 = arith.constant 0 : i32
    %dma_wait3A_145 = arith.constant 0 : i32
    %dma_wait3A_146 = tpu.memref_slice %arg7[%dma_wait3A_137, %dma_wait3A_144, %dma_wait3A_145] : memref<4x2x128xi32, #tpu.memory_space<vmem>> -> memref<1x2x128xi32, #tpu.memory_space<vmem>>
    %dma_wait3A_147 = tpu.memref_squeeze %dma_wait3A_146 : memref<1x2x128xi32, #tpu.memory_space<vmem>> -> memref<2x128xi32, #tpu.memory_space<vmem>>
    %dma_wait3A_148 = arith.constant 0 : i32
    %dma_wait3A_149 = tpu.memref_slice %arg4[%mul3A_35, %dma_wait3A_148] : memref<2560x128xi32, #tpu.memory_space<hbm>> -> memref<2x128xi32, #tpu.memory_space<hbm>>
    tpu.wait_dma2 semaphore(%arg13 : memref<!tpu.dma_semaphore, #tpu.memory_space<semaphore_mem>>) src(%dma_wait3A_149 : memref<2x128xi32, #tpu.memory_space<hbm>>) dst(%dma_wait3A_147 : memref<2x128xi32, #tpu.memory_space<vmem>>)
    %dma_start3A_150 = arith.constant 0 : i32
    %dma_start3A_151 = arith.constant 0 : i32
    %dma_start3A_152 = arith.constant 0 : i32
    %dma_start3A_153 = arith.constant 0 : i32
    %dma_start3A_154 = arith.constant 0 : i32
    %dma_start3A_155 = tpu.memref_slice %arg8[%dma_start3A_152, %dma_start3A_153, %dma_start3A_154] : memref<4x128x64xf32, #tpu.memory_space<vmem>> -> memref<1x128x64xf32, #tpu.memory_space<vmem>>
    %dma_start3A_156 = tpu.memref_squeeze %dma_start3A_155 : memref<1x128x64xf32, #tpu.memory_space<vmem>> -> memref<128x64xf32, #tpu.memory_space<vmem>>
    %dma_start3A_157 = arith.constant 0 : i32
    %dma_start3A_158 = tpu.memref_slice %arg6[%dma_start3A_150, %dma_start3A_151, %dma_start3A_157] : memref<4x2x128xi32, #tpu.memory_space<vmem>> -> memref<1x1x128xi32, #tpu.memory_space<vmem>>
    %dma_start3A_159 = tpu.memref_squeeze %dma_start3A_158 : memref<1x1x128xi32, #tpu.memory_space<vmem>> -> memref<128xi32, #tpu.memory_space<vmem>>
    %dma_start3A_160 = arith.constant 0 : i32
    %dma_start3A_161 = arith.constant 0 : i32
    %dma_start3A_162 = tpu.memref_slice %arg10[%dma_start3A_160, %dma_start3A_161] : memref<10240x64xf32, #tpu.memory_space<vmem_shared>> -> memref<10240x64xf32, #tpu.memory_space<vmem_shared>>
    tpu.enqueue_indirect_dma source(%dma_start3A_162 : memref<10240x64xf32, #tpu.memory_space<vmem_shared>>) target(%dma_start3A_156 : memref<128x64xf32, #tpu.memory_space<vmem>>) offsets(%dma_start3A_159 : memref<128xi32, #tpu.memory_space<vmem>>) semaphore(%arg11 : memref<!tpu.dma_semaphore, #tpu.memory_space<semaphore_mem>>)
    %dma_start3A_163 = arith.constant 0 : i32
    %dma_start3A_164 = arith.constant 1 : i32
    %dma_start3A_165 = arith.constant 1 : i32
    %dma_start3A_166 = arith.constant 0 : i32
    %dma_start3A_167 = arith.constant 0 : i32
    %dma_start3A_168 = tpu.memref_slice %arg8[%dma_start3A_165, %dma_start3A_166, %dma_start3A_167] : memref<4x128x64xf32, #tpu.memory_space<vmem>> -> memref<1x128x64xf32, #tpu.memory_space<vmem>>
    %dma_start3A_169 = tpu.memref_squeeze %dma_start3A_168 : memref<1x128x64xf32, #tpu.memory_space<vmem>> -> memref<128x64xf32, #tpu.memory_space<vmem>>
    %dma_start3A_170 = arith.constant 0 : i32
    %dma_start3A_171 = tpu.memref_slice %arg6[%dma_start3A_163, %dma_start3A_164, %dma_start3A_170] : memref<4x2x128xi32, #tpu.memory_space<vmem>> -> memref<1x1x128xi32, #tpu.memory_space<vmem>>
    %dma_start3A_172 = tpu.memref_squeeze %dma_start3A_171 : memref<1x1x128xi32, #tpu.memory_space<vmem>> -> memref<128xi32, #tpu.memory_space<vmem>>
    %dma_start3A_173 = arith.constant 0 : i32
    %dma_start3A_174 = arith.constant 0 : i32
    %dma_start3A_175 = tpu.memref_slice %arg10[%dma_start3A_173, %dma_start3A_174] : memref<10240x64xf32, #tpu.memory_space<vmem_shared>> -> memref<10240x64xf32, #tpu.memory_space<vmem_shared>>
    tpu.enqueue_indirect_dma source(%dma_start3A_175 : memref<10240x64xf32, #tpu.memory_space<vmem_shared>>) target(%dma_start3A_169 : memref<128x64xf32, #tpu.memory_space<vmem>>) offsets(%dma_start3A_172 : memref<128xi32, #tpu.memory_space<vmem>>) semaphore(%arg11 : memref<!tpu.dma_semaphore, #tpu.memory_space<semaphore_mem>>)
    %dma_wait3A_176 = arith.constant 1 : i32
    %dma_wait3A_177 = arith.constant 0 : i32
    %dma_wait3A_178 = arith.constant 0 : i32
    %dma_wait3A_179 = tpu.memref_slice %arg6[%dma_wait3A_176, %dma_wait3A_177, %dma_wait3A_178] : memref<4x2x128xi32, #tpu.memory_space<vmem>> -> memref<1x2x128xi32, #tpu.memory_space<vmem>>
    %dma_wait3A_180 = tpu.memref_squeeze %dma_wait3A_179 : memref<1x2x128xi32, #tpu.memory_space<vmem>> -> memref<2x128xi32, #tpu.memory_space<vmem>>
    %dma_wait3A_181 = arith.constant 0 : i32
    %dma_wait3A_182 = tpu.memref_slice %arg3[%mul3A_35, %dma_wait3A_181] : memref<2560x128xi32, #tpu.memory_space<hbm>> -> memref<2x128xi32, #tpu.memory_space<hbm>>
    %dma_wait3A_183 = arith.constant 0 : i32
    %dma_wait3A_184 = arith.constant 0 : i32
    %dma_wait3A_185 = tpu.memref_slice %arg6[%dma_wait3A_176, %dma_wait3A_183, %dma_wait3A_184] : memref<4x2x128xi32, #tpu.memory_space<vmem>> -> memref<1x2x128xi32, #tpu.memory_space<vmem>>
    %dma_wait3A_186 = tpu.memref_squeeze %dma_wait3A_185 : memref<1x2x128xi32, #tpu.memory_space<vmem>> -> memref<2x128xi32, #tpu.memory_space<vmem>>
    %dma_wait3A_187 = arith.constant 0 : i32
    %dma_wait3A_188 = tpu.memref_slice %arg3[%mul3A_35, %dma_wait3A_187] : memref<2560x128xi32, #tpu.memory_space<hbm>> -> memref<2x128xi32, #tpu.memory_space<hbm>>
    tpu.wait_dma2 semaphore(%arg13 : memref<!tpu.dma_semaphore, #tpu.memory_space<semaphore_mem>>) src(%dma_wait3A_188 : memref<2x128xi32, #tpu.memory_space<hbm>>) dst(%dma_wait3A_186 : memref<2x128xi32, #tpu.memory_space<vmem>>)
    %dma_wait3A_189 = arith.constant 1 : i32
    %dma_wait3A_190 = arith.constant 0 : i32
    %dma_wait3A_191 = arith.constant 0 : i32
    %dma_wait3A_192 = tpu.memref_slice %arg7[%dma_wait3A_189, %dma_wait3A_190, %dma_wait3A_191] : memref<4x2x128xi32, #tpu.memory_space<vmem>> -> memref<1x2x128xi32, #tpu.memory_space<vmem>>
    %dma_wait3A_193 = tpu.memref_squeeze %dma_wait3A_192 : memref<1x2x128xi32, #tpu.memory_space<vmem>> -> memref<2x128xi32, #tpu.memory_space<vmem>>
    %dma_wait3A_194 = arith.constant 0 : i32
    %dma_wait3A_195 = tpu.memref_slice %arg4[%mul3A_35, %dma_wait3A_194] : memref<2560x128xi32, #tpu.memory_space<hbm>> -> memref<2x128xi32, #tpu.memory_space<hbm>>
    %dma_wait3A_196 = arith.constant 0 : i32
    %dma_wait3A_197 = arith.constant 0 : i32
    %dma_wait3A_198 = tpu.memref_slice %arg7[%dma_wait3A_189, %dma_wait3A_196, %dma_wait3A_197] : memref<4x2x128xi32, #tpu.memory_space<vmem>> -> memref<1x2x128xi32, #tpu.memory_space<vmem>>
    %dma_wait3A_199 = tpu.memref_squeeze %dma_wait3A_198 : memref<1x2x128xi32, #tpu.memory_space<vmem>> -> memref<2x128xi32, #tpu.memory_space<vmem>>
    %dma_wait3A_200 = arith.constant 0 : i32
    %dma_wait3A_201 = tpu.memref_slice %arg4[%mul3A_35, %dma_wait3A_200] : memref<2560x128xi32, #tpu.memory_space<hbm>> -> memref<2x128xi32, #tpu.memory_space<hbm>>
    tpu.wait_dma2 semaphore(%arg13 : memref<!tpu.dma_semaphore, #tpu.memory_space<semaphore_mem>>) src(%dma_wait3A_201 : memref<2x128xi32, #tpu.memory_space<hbm>>) dst(%dma_wait3A_199 : memref<2x128xi32, #tpu.memory_space<vmem>>)
    %dma_wait3A_202 = arith.constant 0 : i32
    %dma_wait3A_203 = arith.constant 0 : i32
    %dma_wait3A_204 = arith.constant 0 : i32
    %dma_wait3A_205 = arith.constant 0 : i32
    %dma_wait3A_206 = arith.constant 0 : i32
    %dma_wait3A_207 = tpu.memref_slice %arg8[%dma_wait3A_204, %dma_wait3A_205, %dma_wait3A_206] : memref<4x128x64xf32, #tpu.memory_space<vmem>> -> memref<1x128x64xf32, #tpu.memory_space<vmem>>
    %dma_wait3A_208 = tpu.memref_squeeze %dma_wait3A_207 : memref<1x128x64xf32, #tpu.memory_space<vmem>> -> memref<128x64xf32, #tpu.memory_space<vmem>>
    %dma_wait3A_209 = arith.constant 0 : i32
    %dma_wait3A_210 = tpu.memref_slice %arg6[%dma_wait3A_202, %dma_wait3A_203, %dma_wait3A_209] : memref<4x2x128xi32, #tpu.memory_space<vmem>> -> memref<1x1x128xi32, #tpu.memory_space<vmem>>
    %dma_wait3A_211 = tpu.memref_squeeze %dma_wait3A_210 : memref<1x1x128xi32, #tpu.memory_space<vmem>> -> memref<128xi32, #tpu.memory_space<vmem>>
    %dma_wait3A_212 = arith.constant 0 : i32
    %dma_wait3A_213 = arith.constant 0 : i32
    %dma_wait3A_214 = tpu.memref_slice %arg10[%dma_wait3A_212, %dma_wait3A_213] : memref<10240x64xf32, #tpu.memory_space<vmem_shared>> -> memref<10240x64xf32, #tpu.memory_space<vmem_shared>>
    tpu.wait_indirect_dma semaphore(%arg11 : memref<!tpu.dma_semaphore, #tpu.memory_space<semaphore_mem>>) src(%dma_wait3A_214 : memref<10240x64xf32, #tpu.memory_space<vmem_shared>>) dst(%dma_wait3A_208 : memref<128x64xf32, #tpu.memory_space<vmem>>)
    %dma_wait3A_215 = arith.constant 0 : i32
    %dma_wait3A_216 = arith.constant 0 : i32
    %dma_wait3A_217 = arith.constant 1 : i32
    %dma_wait3A_218 = arith.constant 0 : i32
    %dma_wait3A_219 = arith.constant 0 : i32
    %dma_wait3A_220 = tpu.memref_slice %arg8[%dma_wait3A_217, %dma_wait3A_218, %dma_wait3A_219] : memref<4x128x64xf32, #tpu.memory_space<vmem>> -> memref<1x128x64xf32, #tpu.memory_space<vmem>>
    %dma_wait3A_221 = tpu.memref_squeeze %dma_wait3A_220 : memref<1x128x64xf32, #tpu.memory_space<vmem>> -> memref<128x64xf32, #tpu.memory_space<vmem>>
    %dma_wait3A_222 = arith.constant 0 : i32
    %dma_wait3A_223 = tpu.memref_slice %arg6[%dma_wait3A_215, %dma_wait3A_216, %dma_wait3A_222] : memref<4x2x128xi32, #tpu.memory_space<vmem>> -> memref<1x1x128xi32, #tpu.memory_space<vmem>>
    %dma_wait3A_224 = tpu.memref_squeeze %dma_wait3A_223 : memref<1x1x128xi32, #tpu.memory_space<vmem>> -> memref<128xi32, #tpu.memory_space<vmem>>
    %dma_wait3A_225 = arith.constant 0 : i32
    %dma_wait3A_226 = arith.constant 0 : i32
    %dma_wait3A_227 = tpu.memref_slice %arg10[%dma_wait3A_225, %dma_wait3A_226] : memref<10240x64xf32, #tpu.memory_space<vmem_shared>> -> memref<10240x64xf32, #tpu.memory_space<vmem_shared>>
    tpu.wait_indirect_dma semaphore(%arg11 : memref<!tpu.dma_semaphore, #tpu.memory_space<semaphore_mem>>) src(%dma_wait3A_227 : memref<10240x64xf32, #tpu.memory_space<vmem_shared>>) dst(%dma_wait3A_221 : memref<128x64xf32, #tpu.memory_space<vmem>>)
    %dma_start3A_228 = arith.constant 1 : i32
    %dma_start3A_229 = arith.constant 0 : i32
    %dma_start3A_230 = arith.constant 2 : i32
    %dma_start3A_231 = arith.constant 0 : i32
    %dma_start3A_232 = arith.constant 0 : i32
    %dma_start3A_233 = tpu.memref_slice %arg8[%dma_start3A_230, %dma_start3A_231, %dma_start3A_232] : memref<4x128x64xf32, #tpu.memory_space<vmem>> -> memref<1x128x64xf32, #tpu.memory_space<vmem>>
    %dma_start3A_234 = tpu.memref_squeeze %dma_start3A_233 : memref<1x128x64xf32, #tpu.memory_space<vmem>> -> memref<128x64xf32, #tpu.memory_space<vmem>>
    %dma_start3A_235 = arith.constant 0 : i32
    %dma_start3A_236 = tpu.memref_slice %arg6[%dma_start3A_228, %dma_start3A_229, %dma_start3A_235] : memref<4x2x128xi32, #tpu.memory_space<vmem>> -> memref<1x1x128xi32, #tpu.memory_space<vmem>>
    %dma_start3A_237 = tpu.memref_squeeze %dma_start3A_236 : memref<1x1x128xi32, #tpu.memory_space<vmem>> -> memref<128xi32, #tpu.memory_space<vmem>>
    %dma_start3A_238 = arith.constant 0 : i32
    %dma_start3A_239 = arith.constant 0 : i32
    %dma_start3A_240 = tpu.memref_slice %arg10[%dma_start3A_238, %dma_start3A_239] : memref<10240x64xf32, #tpu.memory_space<vmem_shared>> -> memref<10240x64xf32, #tpu.memory_space<vmem_shared>>
    tpu.enqueue_indirect_dma source(%dma_start3A_240 : memref<10240x64xf32, #tpu.memory_space<vmem_shared>>) target(%dma_start3A_234 : memref<128x64xf32, #tpu.memory_space<vmem>>) offsets(%dma_start3A_237 : memref<128xi32, #tpu.memory_space<vmem>>) semaphore(%arg11 : memref<!tpu.dma_semaphore, #tpu.memory_space<semaphore_mem>>)
    %dma_start3A_241 = arith.constant 1 : i32
    %dma_start3A_242 = arith.constant 1 : i32
    %dma_start3A_243 = arith.constant 3 : i32
    %dma_start3A_244 = arith.constant 0 : i32
    %dma_start3A_245 = arith.constant 0 : i32
    %dma_start3A_246 = tpu.memref_slice %arg8[%dma_start3A_243, %dma_start3A_244, %dma_start3A_245] : memref<4x128x64xf32, #tpu.memory_space<vmem>> -> memref<1x128x64xf32, #tpu.memory_space<vmem>>
    %dma_start3A_247 = tpu.memref_squeeze %dma_start3A_246 : memref<1x128x64xf32, #tpu.memory_space<vmem>> -> memref<128x64xf32, #tpu.memory_space<vmem>>
    %dma_start3A_248 = arith.constant 0 : i32
    %dma_start3A_249 = tpu.memref_slice %arg6[%dma_start3A_241, %dma_start3A_242, %dma_start3A_248] : memref<4x2x128xi32, #tpu.memory_space<vmem>> -> memref<1x1x128xi32, #tpu.memory_space<vmem>>
    %dma_start3A_250 = tpu.memref_squeeze %dma_start3A_249 : memref<1x1x128xi32, #tpu.memory_space<vmem>> -> memref<128xi32, #tpu.memory_space<vmem>>
    %dma_start3A_251 = arith.constant 0 : i32
    %dma_start3A_252 = arith.constant 0 : i32
    %dma_start3A_253 = tpu.memref_slice %arg10[%dma_start3A_251, %dma_start3A_252] : memref<10240x64xf32, #tpu.memory_space<vmem_shared>> -> memref<10240x64xf32, #tpu.memory_space<vmem_shared>>
    tpu.enqueue_indirect_dma source(%dma_start3A_253 : memref<10240x64xf32, #tpu.memory_space<vmem_shared>>) target(%dma_start3A_247 : memref<128x64xf32, #tpu.memory_space<vmem>>) offsets(%dma_start3A_250 : memref<128xi32, #tpu.memory_space<vmem>>) semaphore(%arg11 : memref<!tpu.dma_semaphore, #tpu.memory_space<semaphore_mem>>)
    %dma_start3A_254 = arith.constant 0 : i32
    %dma_start3A_255 = arith.constant 0 : i32
    %dma_start3A_256 = arith.constant 0 : i32
    %dma_start3A_257 = arith.constant 0 : i32
    %dma_start3A_258 = arith.constant 0 : i32
    %dma_start3A_259 = tpu.memref_slice %arg8[%dma_start3A_254, %dma_start3A_257, %dma_start3A_258] : memref<4x128x64xf32, #tpu.memory_space<vmem>> -> memref<1x128x64xf32, #tpu.memory_space<vmem>>
    %dma_start3A_260 = tpu.memref_squeeze %dma_start3A_259 : memref<1x128x64xf32, #tpu.memory_space<vmem>> -> memref<128x64xf32, #tpu.memory_space<vmem>>
    %dma_start3A_261 = arith.constant 0 : i32
    %dma_start3A_262 = tpu.memref_slice %arg7[%dma_start3A_255, %dma_start3A_256, %dma_start3A_261] : memref<4x2x128xi32, #tpu.memory_space<vmem>> -> memref<1x1x128xi32, #tpu.memory_space<vmem>>
    %dma_start3A_263 = tpu.memref_squeeze %dma_start3A_262 : memref<1x1x128xi32, #tpu.memory_space<vmem>> -> memref<128xi32, #tpu.memory_space<vmem>>
    %dma_start3A_264 = arith.constant 0 : i32
    %dma_start3A_265 = arith.constant 0 : i32
    %dma_start3A_266 = tpu.memref_slice %arg9[%dma_start3A_264, %dma_start3A_265] : memref<10240x64xf32, #tpu.memory_space<vmem_shared>> -> memref<10240x64xf32, #tpu.memory_space<vmem_shared>>
    tpu.enqueue_indirect_dma source(%dma_start3A_260 : memref<128x64xf32, #tpu.memory_space<vmem>>) target(%dma_start3A_266 : memref<10240x64xf32, #tpu.memory_space<vmem_shared>>) offsets(%dma_start3A_263 : memref<128xi32, #tpu.memory_space<vmem>>) semaphore(%arg12 : memref<!tpu.dma_semaphore, #tpu.memory_space<semaphore_mem>>) {add = true}
    %dma_start3A_267 = arith.constant 1 : i32
    %dma_start3A_268 = arith.constant 0 : i32
    %dma_start3A_269 = arith.constant 1 : i32
    %dma_start3A_270 = arith.constant 0 : i32
    %dma_start3A_271 = arith.constant 0 : i32
    %dma_start3A_272 = tpu.memref_slice %arg8[%dma_start3A_267, %dma_start3A_270, %dma_start3A_271] : memref<4x128x64xf32, #tpu.memory_space<vmem>> -> memref<1x128x64xf32, #tpu.memory_space<vmem>>
    %dma_start3A_273 = tpu.memref_squeeze %dma_start3A_272 : memref<1x128x64xf32, #tpu.memory_space<vmem>> -> memref<128x64xf32, #tpu.memory_space<vmem>>
    %dma_start3A_274 = arith.constant 0 : i32
    %dma_start3A_275 = tpu.memref_slice %arg7[%dma_start3A_268, %dma_start3A_269, %dma_start3A_274] : memref<4x2x128xi32, #tpu.memory_space<vmem>> -> memref<1x1x128xi32, #tpu.memory_space<vmem>>
    %dma_start3A_276 = tpu.memref_squeeze %dma_start3A_275 : memref<1x1x128xi32, #tpu.memory_space<vmem>> -> memref<128xi32, #tpu.memory_space<vmem>>
    %dma_start3A_277 = arith.constant 0 : i32
    %dma_start3A_278 = arith.constant 0 : i32
    %dma_start3A_279 = tpu.memref_slice %arg9[%dma_start3A_277, %dma_start3A_278] : memref<10240x64xf32, #tpu.memory_space<vmem_shared>> -> memref<10240x64xf32, #tpu.memory_space<vmem_shared>>
    tpu.enqueue_indirect_dma source(%dma_start3A_273 : memref<128x64xf32, #tpu.memory_space<vmem>>) target(%dma_start3A_279 : memref<10240x64xf32, #tpu.memory_space<vmem_shared>>) offsets(%dma_start3A_276 : memref<128xi32, #tpu.memory_space<vmem>>) semaphore(%arg12 : memref<!tpu.dma_semaphore, #tpu.memory_space<semaphore_mem>>) {add = true}
    %add3A_280 = arith.constant 6 : i32
    %add3A_281 = arith.addi %mul3A_35, %add3A_280 : i32
    %dma_start3A_282 = arith.constant 3 : i32
    %dma_start3A_283 = arith.constant 0 : i32
    %dma_start3A_284 = arith.constant 0 : i32
    %dma_start3A_285 = tpu.memref_slice %arg6[%dma_start3A_282, %dma_start3A_283, %dma_start3A_284] : memref<4x2x128xi32, #tpu.memory_space<vmem>> -> memref<1x2x128xi32, #tpu.memory_space<vmem>>
    %dma_start3A_286 = tpu.memref_squeeze %dma_start3A_285 : memref<1x2x128xi32, #tpu.memory_space<vmem>> -> memref<2x128xi32, #tpu.memory_space<vmem>>
    %dma_start3A_287 = arith.constant 0 : i32
    %dma_start3A_288 = tpu.memref_slice %arg3[%add3A_281, %dma_start3A_287] : memref<2560x128xi32, #tpu.memory_space<hbm>> -> memref<2x128xi32, #tpu.memory_space<hbm>>
    %dma_start3A_289 = arith.constant 0 : i32
    %dma_start3A_290 = arith.constant 0 : i32
    %dma_start3A_291 = tpu.memref_slice %arg6[%dma_start3A_282, %dma_start3A_289, %dma_start3A_290] : memref<4x2x128xi32, #tpu.memory_space<vmem>> -> memref<1x2x128xi32, #tpu.memory_space<vmem>>
    %dma_start3A_292 = tpu.memref_squeeze %dma_start3A_291 : memref<1x2x128xi32, #tpu.memory_space<vmem>> -> memref<2x128xi32, #tpu.memory_space<vmem>>
    %dma_start3A_293 = arith.constant 0 : i32
    %dma_start3A_294 = tpu.memref_slice %arg3[%add3A_281, %dma_start3A_293] : memref<2560x128xi32, #tpu.memory_space<hbm>> -> memref<2x128xi32, #tpu.memory_space<hbm>>
    tpu.enqueue_dma source(%dma_start3A_294 : memref<2x128xi32, #tpu.memory_space<hbm>>) target(%dma_start3A_292 : memref<2x128xi32, #tpu.memory_space<vmem>>) target_semaphore(%arg13 : memref<!tpu.dma_semaphore, #tpu.memory_space<semaphore_mem>>)
    %add3A_295 = arith.constant 6 : i32
    %add3A_296 = arith.addi %mul3A_35, %add3A_295 : i32
    %dma_start3A_297 = arith.constant 3 : i32
    %dma_start3A_298 = arith.constant 0 : i32
    %dma_start3A_299 = arith.constant 0 : i32
    %dma_start3A_300 = tpu.memref_slice %arg7[%dma_start3A_297, %dma_start3A_298, %dma_start3A_299] : memref<4x2x128xi32, #tpu.memory_space<vmem>> -> memref<1x2x128xi32, #tpu.memory_space<vmem>>
    %dma_start3A_301 = tpu.memref_squeeze %dma_start3A_300 : memref<1x2x128xi32, #tpu.memory_space<vmem>> -> memref<2x128xi32, #tpu.memory_space<vmem>>
    %dma_start3A_302 = arith.constant 0 : i32
    %dma_start3A_303 = tpu.memref_slice %arg4[%add3A_296, %dma_start3A_302] : memref<2560x128xi32, #tpu.memory_space<hbm>> -> memref<2x128xi32, #tpu.memory_space<hbm>>
    %dma_start3A_304 = arith.constant 0 : i32
    %dma_start3A_305 = arith.constant 0 : i32
    %dma_start3A_306 = tpu.memref_slice %arg7[%dma_start3A_297, %dma_start3A_304, %dma_start3A_305] : memref<4x2x128xi32, #tpu.memory_space<vmem>> -> memref<1x2x128xi32, #tpu.memory_space<vmem>>
    %dma_start3A_307 = tpu.memref_squeeze %dma_start3A_306 : memref<1x2x128xi32, #tpu.memory_space<vmem>> -> memref<2x128xi32, #tpu.memory_space<vmem>>
    %dma_start3A_308 = arith.constant 0 : i32
    %dma_start3A_309 = tpu.memref_slice %arg4[%add3A_296, %dma_start3A_308] : memref<2560x128xi32, #tpu.memory_space<hbm>> -> memref<2x128xi32, #tpu.memory_space<hbm>>
    tpu.enqueue_dma source(%dma_start3A_309 : memref<2x128xi32, #tpu.memory_space<hbm>>) target(%dma_start3A_307 : memref<2x128xi32, #tpu.memory_space<vmem>>) target_semaphore(%arg13 : memref<!tpu.dma_semaphore, #tpu.memory_space<semaphore_mem>>)
    %dma_wait3A_310 = arith.constant 2 : i32
    %dma_wait3A_311 = arith.constant 0 : i32
    %dma_wait3A_312 = arith.constant 0 : i32
    %dma_wait3A_313 = tpu.memref_slice %arg6[%dma_wait3A_310, %dma_wait3A_311, %dma_wait3A_312] : memref<4x2x128xi32, #tpu.memory_space<vmem>> -> memref<1x2x128xi32, #tpu.memory_space<vmem>>
    %dma_wait3A_314 = tpu.memref_squeeze %dma_wait3A_313 : memref<1x2x128xi32, #tpu.memory_space<vmem>> -> memref<2x128xi32, #tpu.memory_space<vmem>>
    %dma_wait3A_315 = arith.constant 0 : i32
    %dma_wait3A_316 = tpu.memref_slice %arg3[%mul3A_35, %dma_wait3A_315] : memref<2560x128xi32, #tpu.memory_space<hbm>> -> memref<2x128xi32, #tpu.memory_space<hbm>>
    %dma_wait3A_317 = arith.constant 0 : i32
    %dma_wait3A_318 = arith.constant 0 : i32
    %dma_wait3A_319 = tpu.memref_slice %arg6[%dma_wait3A_310, %dma_wait3A_317, %dma_wait3A_318] : memref<4x2x128xi32, #tpu.memory_space<vmem>> -> memref<1x2x128xi32, #tpu.memory_space<vmem>>
    %dma_wait3A_320 = tpu.memref_squeeze %dma_wait3A_319 : memref<1x2x128xi32, #tpu.memory_space<vmem>> -> memref<2x128xi32, #tpu.memory_space<vmem>>
    %dma_wait3A_321 = arith.constant 0 : i32
    %dma_wait3A_322 = tpu.memref_slice %arg3[%mul3A_35, %dma_wait3A_321] : memref<2560x128xi32, #tpu.memory_space<hbm>> -> memref<2x128xi32, #tpu.memory_space<hbm>>
    tpu.wait_dma2 semaphore(%arg13 : memref<!tpu.dma_semaphore, #tpu.memory_space<semaphore_mem>>) src(%dma_wait3A_322 : memref<2x128xi32, #tpu.memory_space<hbm>>) dst(%dma_wait3A_320 : memref<2x128xi32, #tpu.memory_space<vmem>>)
    %dma_wait3A_323 = arith.constant 2 : i32
    %dma_wait3A_324 = arith.constant 0 : i32
    %dma_wait3A_325 = arith.constant 0 : i32
    %dma_wait3A_326 = tpu.memref_slice %arg7[%dma_wait3A_323, %dma_wait3A_324, %dma_wait3A_325] : memref<4x2x128xi32, #tpu.memory_space<vmem>> -> memref<1x2x128xi32, #tpu.memory_space<vmem>>
    %dma_wait3A_327 = tpu.memref_squeeze %dma_wait3A_326 : memref<1x2x128xi32, #tpu.memory_space<vmem>> -> memref<2x128xi32, #tpu.memory_space<vmem>>
    %dma_wait3A_328 = arith.constant 0 : i32
    %dma_wait3A_329 = tpu.memref_slice %arg4[%mul3A_35, %dma_wait3A_328] : memref<2560x128xi32, #tpu.memory_space<hbm>> -> memref<2x128xi32, #tpu.memory_space<hbm>>
    %dma_wait3A_330 = arith.constant 0 : i32
    %dma_wait3A_331 = arith.constant 0 : i32
    %dma_wait3A_332 = tpu.memref_slice %arg7[%dma_wait3A_323, %dma_wait3A_330, %dma_wait3A_331] : memref<4x2x128xi32, #tpu.memory_space<vmem>> -> memref<1x2x128xi32, #tpu.memory_space<vmem>>
    %dma_wait3A_333 = tpu.memref_squeeze %dma_wait3A_332 : memref<1x2x128xi32, #tpu.memory_space<vmem>> -> memref<2x128xi32, #tpu.memory_space<vmem>>
    %dma_wait3A_334 = arith.constant 0 : i32
    %dma_wait3A_335 = tpu.memref_slice %arg4[%mul3A_35, %dma_wait3A_334] : memref<2560x128xi32, #tpu.memory_space<hbm>> -> memref<2x128xi32, #tpu.memory_space<hbm>>
    tpu.wait_dma2 semaphore(%arg13 : memref<!tpu.dma_semaphore, #tpu.memory_space<semaphore_mem>>) src(%dma_wait3A_335 : memref<2x128xi32, #tpu.memory_space<hbm>>) dst(%dma_wait3A_333 : memref<2x128xi32, #tpu.memory_space<vmem>>)
    %scan3A_336 = arith.constant 0 : i32
    %scan3A_337 = arith.constant 1 : i32
    %scan3A_338 = arith.constant 76 : i32
    %scan3A_339 = arith.addi %scan3A_337, %scan3A_338 : i32
    %scan3A_340 = arith.constant 1 : i32
    scf.for %scan3A_701 = %scan3A_337 to %scan3A_339 step %scan3A_340  : i32 {
      %jit3A = arith.constant 2 : i32
      %eq3A = arith.constant 0 : i32
      %eq3A_702 = arith.cmpi eq, %jit3A, %eq3A : i32
      %jit3A_703 = arith.constant 1 : i32
      %select_n3A = arith.select %eq3A_702, %jit3A_703, %jit3A : i32
      %rem3A = arith.remsi %scan3A_701, %select_n3A : i32
      %ne3A = arith.constant 0 : i32
      %ne3A_704 = arith.cmpi ne, %rem3A, %ne3A : i32
      %lt3A = arith.constant 0 : i32
      %lt3A_705 = arith.cmpi slt, %rem3A, %lt3A : i32
      %lt3A_706 = arith.constant 0 : i32
      %lt3A_707 = arith.cmpi slt, %select_n3A, %lt3A_706 : i32
      %ne3A_708 = arith.xori %lt3A_705, %lt3A_707 : i1
      %and3A = arith.andi %ne3A_708, %ne3A_704 : i1
      %add3A_709 = arith.addi %rem3A, %select_n3A : i32
      %select_n3A_710 = arith.select %and3A, %add3A_709, %rem3A : i32
      %mul3A_711 = arith.constant 2 : i32
      %mul3A_712 = arith.muli %select_n3A_710, %mul3A_711 : i32
      %add3A_713 = arith.constant 0 : i32
      %add3A_714 = arith.addi %mul3A_712, %add3A_713 : i32
      %dma_wait3A_715 = arith.constant 0 : i32
      %dma_wait3A_716 = arith.constant 0 : i32
      %dma_wait3A_717 = arith.constant 0 : i32
      %dma_wait3A_718 = arith.constant 0 : i32
      %dma_wait3A_719 = tpu.memref_slice %arg8[%add3A_714, %dma_wait3A_717, %dma_wait3A_718] : memref<4x128x64xf32, #tpu.memory_space<vmem>> -> memref<1x128x64xf32, #tpu.memory_space<vmem>>
      %dma_wait3A_720 = tpu.memref_squeeze %dma_wait3A_719 : memref<1x128x64xf32, #tpu.memory_space<vmem>> -> memref<128x64xf32, #tpu.memory_space<vmem>>
      %dma_wait3A_721 = arith.constant 0 : i32
      %dma_wait3A_722 = tpu.memref_slice %arg6[%dma_wait3A_715, %dma_wait3A_716, %dma_wait3A_721] : memref<4x2x128xi32, #tpu.memory_space<vmem>> -> memref<1x1x128xi32, #tpu.memory_space<vmem>>
      %dma_wait3A_723 = tpu.memref_squeeze %dma_wait3A_722 : memref<1x1x128xi32, #tpu.memory_space<vmem>> -> memref<128xi32, #tpu.memory_space<vmem>>
      %dma_wait3A_724 = arith.constant 0 : i32
      %dma_wait3A_725 = arith.constant 0 : i32
      %dma_wait3A_726 = tpu.memref_slice %arg10[%dma_wait3A_724, %dma_wait3A_725] : memref<10240x64xf32, #tpu.memory_space<vmem_shared>> -> memref<10240x64xf32, #tpu.memory_space<vmem_shared>>
      tpu.wait_indirect_dma semaphore(%arg11 : memref<!tpu.dma_semaphore, #tpu.memory_space<semaphore_mem>>) src(%dma_wait3A_726 : memref<10240x64xf32, #tpu.memory_space<vmem_shared>>) dst(%dma_wait3A_720 : memref<128x64xf32, #tpu.memory_space<vmem>>)
      %add3A_727 = arith.constant 1 : i32
      %add3A_728 = arith.addi %mul3A_712, %add3A_727 : i32
      %dma_wait3A_729 = arith.constant 0 : i32
      %dma_wait3A_730 = arith.constant 0 : i32
      %dma_wait3A_731 = arith.constant 0 : i32
      %dma_wait3A_732 = arith.constant 0 : i32
      %dma_wait3A_733 = tpu.memref_slice %arg8[%add3A_728, %dma_wait3A_731, %dma_wait3A_732] : memref<4x128x64xf32, #tpu.memory_space<vmem>> -> memref<1x128x64xf32, #tpu.memory_space<vmem>>
      %dma_wait3A_734 = tpu.memref_squeeze %dma_wait3A_733 : memref<1x128x64xf32, #tpu.memory_space<vmem>> -> memref<128x64xf32, #tpu.memory_space<vmem>>
      %dma_wait3A_735 = arith.constant 0 : i32
      %dma_wait3A_736 = tpu.memref_slice %arg6[%dma_wait3A_729, %dma_wait3A_730, %dma_wait3A_735] : memref<4x2x128xi32, #tpu.memory_space<vmem>> -> memref<1x1x128xi32, #tpu.memory_space<vmem>>
      %dma_wait3A_737 = tpu.memref_squeeze %dma_wait3A_736 : memref<1x1x128xi32, #tpu.memory_space<vmem>> -> memref<128xi32, #tpu.memory_space<vmem>>
      %dma_wait3A_738 = arith.constant 0 : i32
      %dma_wait3A_739 = arith.constant 0 : i32
      %dma_wait3A_740 = tpu.memref_slice %arg10[%dma_wait3A_738, %dma_wait3A_739] : memref<10240x64xf32, #tpu.memory_space<vmem_shared>> -> memref<10240x64xf32, #tpu.memory_space<vmem_shared>>
      tpu.wait_indirect_dma semaphore(%arg11 : memref<!tpu.dma_semaphore, #tpu.memory_space<semaphore_mem>>) src(%dma_wait3A_740 : memref<10240x64xf32, #tpu.memory_space<vmem_shared>>) dst(%dma_wait3A_734 : memref<128x64xf32, #tpu.memory_space<vmem>>)
      %sub3A = arith.constant 1 : i32
      %sub3A_741 = arith.subi %scan3A_701, %sub3A : i32
      %jit3A_742 = arith.constant 2 : i32
      %eq3A_743 = arith.constant 0 : i32
      %eq3A_744 = arith.cmpi eq, %jit3A_742, %eq3A_743 : i32
      %jit3A_745 = arith.constant 1 : i32
      %select_n3A_746 = arith.select %eq3A_744, %jit3A_745, %jit3A_742 : i32
      %rem3A_747 = arith.remsi %sub3A_741, %select_n3A_746 : i32
      %ne3A_748 = arith.constant 0 : i32
      %ne3A_749 = arith.cmpi ne, %rem3A_747, %ne3A_748 : i32
      %lt3A_750 = arith.constant 0 : i32
      %lt3A_751 = arith.cmpi slt, %rem3A_747, %lt3A_750 : i32
      %lt3A_752 = arith.constant 0 : i32
      %lt3A_753 = arith.cmpi slt, %select_n3A_746, %lt3A_752 : i32
      %ne3A_754 = arith.xori %lt3A_751, %lt3A_753 : i1
      %and3A_755 = arith.andi %ne3A_754, %ne3A_749 : i1
      %add3A_756 = arith.addi %rem3A_747, %select_n3A_746 : i32
      %select_n3A_757 = arith.select %and3A_755, %add3A_756, %rem3A_747 : i32
      %mul3A_758 = arith.constant 2 : i32
      %mul3A_759 = arith.muli %select_n3A_757, %mul3A_758 : i32
      %add3A_760 = arith.constant 0 : i32
      %add3A_761 = arith.addi %mul3A_759, %add3A_760 : i32
      %dma_wait3A_762 = arith.constant 0 : i32
      %dma_wait3A_763 = arith.constant 0 : i32
      %dma_wait3A_764 = arith.constant 0 : i32
      %dma_wait3A_765 = arith.constant 0 : i32
      %dma_wait3A_766 = tpu.memref_slice %arg8[%add3A_761, %dma_wait3A_764, %dma_wait3A_765] : memref<4x128x64xf32, #tpu.memory_space<vmem>> -> memref<1x128x64xf32, #tpu.memory_space<vmem>>
      %dma_wait3A_767 = tpu.memref_squeeze %dma_wait3A_766 : memref<1x128x64xf32, #tpu.memory_space<vmem>> -> memref<128x64xf32, #tpu.memory_space<vmem>>
      %dma_wait3A_768 = arith.constant 0 : i32
      %dma_wait3A_769 = tpu.memref_slice %arg7[%dma_wait3A_762, %dma_wait3A_763, %dma_wait3A_768] : memref<4x2x128xi32, #tpu.memory_space<vmem>> -> memref<1x1x128xi32, #tpu.memory_space<vmem>>
      %dma_wait3A_770 = tpu.memref_squeeze %dma_wait3A_769 : memref<1x1x128xi32, #tpu.memory_space<vmem>> -> memref<128xi32, #tpu.memory_space<vmem>>
      %dma_wait3A_771 = arith.constant 0 : i32
      %dma_wait3A_772 = arith.constant 0 : i32
      %dma_wait3A_773 = tpu.memref_slice %arg9[%dma_wait3A_771, %dma_wait3A_772] : memref<10240x64xf32, #tpu.memory_space<vmem_shared>> -> memref<10240x64xf32, #tpu.memory_space<vmem_shared>>
      tpu.wait_indirect_dma semaphore(%arg12 : memref<!tpu.dma_semaphore, #tpu.memory_space<semaphore_mem>>) src(%dma_wait3A_767 : memref<128x64xf32, #tpu.memory_space<vmem>>) dst(%dma_wait3A_773 : memref<10240x64xf32, #tpu.memory_space<vmem_shared>>)
      %add3A_774 = arith.constant 1 : i32
      %add3A_775 = arith.addi %mul3A_759, %add3A_774 : i32
      %dma_wait3A_776 = arith.constant 0 : i32
      %dma_wait3A_777 = arith.constant 0 : i32
      %dma_wait3A_778 = arith.constant 0 : i32
      %dma_wait3A_779 = arith.constant 0 : i32
      %dma_wait3A_780 = tpu.memref_slice %arg8[%add3A_775, %dma_wait3A_778, %dma_wait3A_779] : memref<4x128x64xf32, #tpu.memory_space<vmem>> -> memref<1x128x64xf32, #tpu.memory_space<vmem>>
      %dma_wait3A_781 = tpu.memref_squeeze %dma_wait3A_780 : memref<1x128x64xf32, #tpu.memory_space<vmem>> -> memref<128x64xf32, #tpu.memory_space<vmem>>
      %dma_wait3A_782 = arith.constant 0 : i32
      %dma_wait3A_783 = tpu.memref_slice %arg7[%dma_wait3A_776, %dma_wait3A_777, %dma_wait3A_782] : memref<4x2x128xi32, #tpu.memory_space<vmem>> -> memref<1x1x128xi32, #tpu.memory_space<vmem>>
      %dma_wait3A_784 = tpu.memref_squeeze %dma_wait3A_783 : memref<1x1x128xi32, #tpu.memory_space<vmem>> -> memref<128xi32, #tpu.memory_space<vmem>>
      %dma_wait3A_785 = arith.constant 0 : i32
      %dma_wait3A_786 = arith.constant 0 : i32
      %dma_wait3A_787 = tpu.memref_slice %arg9[%dma_wait3A_785, %dma_wait3A_786] : memref<10240x64xf32, #tpu.memory_space<vmem_shared>> -> memref<10240x64xf32, #tpu.memory_space<vmem_shared>>
      tpu.wait_indirect_dma semaphore(%arg12 : memref<!tpu.dma_semaphore, #tpu.memory_space<semaphore_mem>>) src(%dma_wait3A_781 : memref<128x64xf32, #tpu.memory_space<vmem>>) dst(%dma_wait3A_787 : memref<10240x64xf32, #tpu.memory_space<vmem_shared>>)
      %add3A_788 = arith.constant 2 : i32
      %add3A_789 = arith.addi %scan3A_701, %add3A_788 : i32
      %jit3A_790 = arith.constant 4 : i32
      %eq3A_791 = arith.constant 0 : i32
      %eq3A_792 = arith.cmpi eq, %jit3A_790, %eq3A_791 : i32
      %jit3A_793 = arith.constant 1 : i32
      %select_n3A_794 = arith.select %eq3A_792, %jit3A_793, %jit3A_790 : i32
      %rem3A_795 = arith.remsi %add3A_789, %select_n3A_794 : i32
      %ne3A_796 = arith.constant 0 : i32
      %ne3A_797 = arith.cmpi ne, %rem3A_795, %ne3A_796 : i32
      %lt3A_798 = arith.constant 0 : i32
      %lt3A_799 = arith.cmpi slt, %rem3A_795, %lt3A_798 : i32
      %lt3A_800 = arith.constant 0 : i32
      %lt3A_801 = arith.cmpi slt, %select_n3A_794, %lt3A_800 : i32
      %ne3A_802 = arith.xori %lt3A_799, %lt3A_801 : i1
      %and3A_803 = arith.andi %ne3A_802, %ne3A_797 : i1
      %add3A_804 = arith.addi %rem3A_795, %select_n3A_794 : i32
      %select_n3A_805 = arith.select %and3A_803, %add3A_804, %rem3A_795 : i32
      %dma_wait3A_806 = arith.constant 0 : i32
      %dma_wait3A_807 = arith.constant 0 : i32
      %dma_wait3A_808 = tpu.memref_slice %arg6[%select_n3A_805, %dma_wait3A_806, %dma_wait3A_807] : memref<4x2x128xi32, #tpu.memory_space<vmem>> -> memref<1x2x128xi32, #tpu.memory_space<vmem>>
      %dma_wait3A_809 = tpu.memref_squeeze %dma_wait3A_808 : memref<1x2x128xi32, #tpu.memory_space<vmem>> -> memref<2x128xi32, #tpu.memory_space<vmem>>
      %dma_wait3A_810 = arith.constant 0 : i32
      %dma_wait3A_811 = tpu.memref_slice %arg3[%mul3A_35, %dma_wait3A_810] : memref<2560x128xi32, #tpu.memory_space<hbm>> -> memref<2x128xi32, #tpu.memory_space<hbm>>
      %dma_wait3A_812 = arith.constant 0 : i32
      %dma_wait3A_813 = arith.constant 0 : i32
      %dma_wait3A_814 = tpu.memref_slice %arg6[%select_n3A_805, %dma_wait3A_812, %dma_wait3A_813] : memref<4x2x128xi32, #tpu.memory_space<vmem>> -> memref<1x2x128xi32, #tpu.memory_space<vmem>>
      %dma_wait3A_815 = tpu.memref_squeeze %dma_wait3A_814 : memref<1x2x128xi32, #tpu.memory_space<vmem>> -> memref<2x128xi32, #tpu.memory_space<vmem>>
      %dma_wait3A_816 = arith.constant 0 : i32
      %dma_wait3A_817 = tpu.memref_slice %arg3[%mul3A_35, %dma_wait3A_816] : memref<2560x128xi32, #tpu.memory_space<hbm>> -> memref<2x128xi32, #tpu.memory_space<hbm>>
      tpu.wait_dma2 semaphore(%arg13 : memref<!tpu.dma_semaphore, #tpu.memory_space<semaphore_mem>>) src(%dma_wait3A_817 : memref<2x128xi32, #tpu.memory_space<hbm>>) dst(%dma_wait3A_815 : memref<2x128xi32, #tpu.memory_space<vmem>>)
      %dma_wait3A_818 = arith.constant 0 : i32
      %dma_wait3A_819 = arith.constant 0 : i32
      %dma_wait3A_820 = tpu.memref_slice %arg7[%select_n3A_805, %dma_wait3A_818, %dma_wait3A_819] : memref<4x2x128xi32, #tpu.memory_space<vmem>> -> memref<1x2x128xi32, #tpu.memory_space<vmem>>
      %dma_wait3A_821 = tpu.memref_squeeze %dma_wait3A_820 : memref<1x2x128xi32, #tpu.memory_space<vmem>> -> memref<2x128xi32, #tpu.memory_space<vmem>>
      %dma_wait3A_822 = arith.constant 0 : i32
      %dma_wait3A_823 = tpu.memref_slice %arg4[%mul3A_35, %dma_wait3A_822] : memref<2560x128xi32, #tpu.memory_space<hbm>> -> memref<2x128xi32, #tpu.memory_space<hbm>>
      %dma_wait3A_824 = arith.constant 0 : i32
      %dma_wait3A_825 = arith.constant 0 : i32
      %dma_wait3A_826 = tpu.memref_slice %arg7[%select_n3A_805, %dma_wait3A_824, %dma_wait3A_825] : memref<4x2x128xi32, #tpu.memory_space<vmem>> -> memref<1x2x128xi32, #tpu.memory_space<vmem>>
      %dma_wait3A_827 = tpu.memref_squeeze %dma_wait3A_826 : memref<1x2x128xi32, #tpu.memory_space<vmem>> -> memref<2x128xi32, #tpu.memory_space<vmem>>
      %dma_wait3A_828 = arith.constant 0 : i32
      %dma_wait3A_829 = tpu.memref_slice %arg4[%mul3A_35, %dma_wait3A_828] : memref<2560x128xi32, #tpu.memory_space<hbm>> -> memref<2x128xi32, #tpu.memory_space<hbm>>
      tpu.wait_dma2 semaphore(%arg13 : memref<!tpu.dma_semaphore, #tpu.memory_space<semaphore_mem>>) src(%dma_wait3A_829 : memref<2x128xi32, #tpu.memory_space<hbm>>) dst(%dma_wait3A_827 : memref<2x128xi32, #tpu.memory_space<vmem>>)
      %add3A_830 = arith.constant 1 : i32
      %add3A_831 = arith.addi %scan3A_701, %add3A_830 : i32
      %jit3A_832 = arith.constant 4 : i32
      %eq3A_833 = arith.constant 0 : i32
      %eq3A_834 = arith.cmpi eq, %jit3A_832, %eq3A_833 : i32
      %jit3A_835 = arith.constant 1 : i32
      %select_n3A_836 = arith.select %eq3A_834, %jit3A_835, %jit3A_832 : i32
      %rem3A_837 = arith.remsi %add3A_831, %select_n3A_836 : i32
      %ne3A_838 = arith.constant 0 : i32
      %ne3A_839 = arith.cmpi ne, %rem3A_837, %ne3A_838 : i32
      %lt3A_840 = arith.constant 0 : i32
      %lt3A_841 = arith.cmpi slt, %rem3A_837, %lt3A_840 : i32
      %lt3A_842 = arith.constant 0 : i32
      %lt3A_843 = arith.cmpi slt, %select_n3A_836, %lt3A_842 : i32
      %ne3A_844 = arith.xori %lt3A_841, %lt3A_843 : i1
      %and3A_845 = arith.andi %ne3A_844, %ne3A_839 : i1
      %add3A_846 = arith.addi %rem3A_837, %select_n3A_836 : i32
      %select_n3A_847 = arith.select %and3A_845, %add3A_846, %rem3A_837 : i32
      %jit3A_848 = arith.constant 2 : i32
      %eq3A_849 = arith.constant 0 : i32
      %eq3A_850 = arith.cmpi eq, %jit3A_848, %eq3A_849 : i32
      %jit3A_851 = arith.constant 1 : i32
      %select_n3A_852 = arith.select %eq3A_850, %jit3A_851, %jit3A_848 : i32
      %rem3A_853 = arith.remsi %add3A_831, %select_n3A_852 : i32
      %ne3A_854 = arith.constant 0 : i32
      %ne3A_855 = arith.cmpi ne, %rem3A_853, %ne3A_854 : i32
      %lt3A_856 = arith.constant 0 : i32
      %lt3A_857 = arith.cmpi slt, %rem3A_853, %lt3A_856 : i32
      %lt3A_858 = arith.constant 0 : i32
      %lt3A_859 = arith.cmpi slt, %select_n3A_852, %lt3A_858 : i32
      %ne3A_860 = arith.xori %lt3A_857, %lt3A_859 : i1
      %and3A_861 = arith.andi %ne3A_860, %ne3A_855 : i1
      %add3A_862 = arith.addi %rem3A_853, %select_n3A_852 : i32
      %select_n3A_863 = arith.select %and3A_861, %add3A_862, %rem3A_853 : i32
      %mul3A_864 = arith.constant 2 : i32
      %mul3A_865 = arith.muli %select_n3A_863, %mul3A_864 : i32
      %add3A_866 = arith.constant 0 : i32
      %add3A_867 = arith.addi %mul3A_865, %add3A_866 : i32
      %dma_start3A_868 = arith.constant 0 : i32
      %dma_start3A_869 = arith.constant 0 : i32
      %dma_start3A_870 = arith.constant 0 : i32
      %dma_start3A_871 = tpu.memref_slice %arg8[%add3A_867, %dma_start3A_869, %dma_start3A_870] : memref<4x128x64xf32, #tpu.memory_space<vmem>> -> memref<1x128x64xf32, #tpu.memory_space<vmem>>
      %dma_start3A_872 = tpu.memref_squeeze %dma_start3A_871 : memref<1x128x64xf32, #tpu.memory_space<vmem>> -> memref<128x64xf32, #tpu.memory_space<vmem>>
      %dma_start3A_873 = arith.constant 0 : i32
      %dma_start3A_874 = tpu.memref_slice %arg6[%select_n3A_847, %dma_start3A_868, %dma_start3A_873] : memref<4x2x128xi32, #tpu.memory_space<vmem>> -> memref<1x1x128xi32, #tpu.memory_space<vmem>>
      %dma_start3A_875 = tpu.memref_squeeze %dma_start3A_874 : memref<1x1x128xi32, #tpu.memory_space<vmem>> -> memref<128xi32, #tpu.memory_space<vmem>>
      %dma_start3A_876 = arith.constant 0 : i32
      %dma_start3A_877 = arith.constant 0 : i32
      %dma_start3A_878 = tpu.memref_slice %arg10[%dma_start3A_876, %dma_start3A_877] : memref<10240x64xf32, #tpu.memory_space<vmem_shared>> -> memref<10240x64xf32, #tpu.memory_space<vmem_shared>>
      tpu.enqueue_indirect_dma source(%dma_start3A_878 : memref<10240x64xf32, #tpu.memory_space<vmem_shared>>) target(%dma_start3A_872 : memref<128x64xf32, #tpu.memory_space<vmem>>) offsets(%dma_start3A_875 : memref<128xi32, #tpu.memory_space<vmem>>) semaphore(%arg11 : memref<!tpu.dma_semaphore, #tpu.memory_space<semaphore_mem>>)
      %add3A_879 = arith.constant 1 : i32
      %add3A_880 = arith.addi %mul3A_865, %add3A_879 : i32
      %dma_start3A_881 = arith.constant 1 : i32
      %dma_start3A_882 = arith.constant 0 : i32
      %dma_start3A_883 = arith.constant 0 : i32
      %dma_start3A_884 = tpu.memref_slice %arg8[%add3A_880, %dma_start3A_882, %dma_start3A_883] : memref<4x128x64xf32, #tpu.memory_space<vmem>> -> memref<1x128x64xf32, #tpu.memory_space<vmem>>
      %dma_start3A_885 = tpu.memref_squeeze %dma_start3A_884 : memref<1x128x64xf32, #tpu.memory_space<vmem>> -> memref<128x64xf32, #tpu.memory_space<vmem>>
      %dma_start3A_886 = arith.constant 0 : i32
      %dma_start3A_887 = tpu.memref_slice %arg6[%select_n3A_847, %dma_start3A_881, %dma_start3A_886] : memref<4x2x128xi32, #tpu.memory_space<vmem>> -> memref<1x1x128xi32, #tpu.memory_space<vmem>>
      %dma_start3A_888 = tpu.memref_squeeze %dma_start3A_887 : memref<1x1x128xi32, #tpu.memory_space<vmem>> -> memref<128xi32, #tpu.memory_space<vmem>>
      %dma_start3A_889 = arith.constant 0 : i32
      %dma_start3A_890 = arith.constant 0 : i32
      %dma_start3A_891 = tpu.memref_slice %arg10[%dma_start3A_889, %dma_start3A_890] : memref<10240x64xf32, #tpu.memory_space<vmem_shared>> -> memref<10240x64xf32, #tpu.memory_space<vmem_shared>>
      tpu.enqueue_indirect_dma source(%dma_start3A_891 : memref<10240x64xf32, #tpu.memory_space<vmem_shared>>) target(%dma_start3A_885 : memref<128x64xf32, #tpu.memory_space<vmem>>) offsets(%dma_start3A_888 : memref<128xi32, #tpu.memory_space<vmem>>) semaphore(%arg11 : memref<!tpu.dma_semaphore, #tpu.memory_space<semaphore_mem>>)
      %jit3A_892 = arith.constant 4 : i32
      %eq3A_893 = arith.constant 0 : i32
      %eq3A_894 = arith.cmpi eq, %jit3A_892, %eq3A_893 : i32
      %jit3A_895 = arith.constant 1 : i32
      %select_n3A_896 = arith.select %eq3A_894, %jit3A_895, %jit3A_892 : i32
      %rem3A_897 = arith.remsi %scan3A_701, %select_n3A_896 : i32
      %ne3A_898 = arith.constant 0 : i32
      %ne3A_899 = arith.cmpi ne, %rem3A_897, %ne3A_898 : i32
      %lt3A_900 = arith.constant 0 : i32
      %lt3A_901 = arith.cmpi slt, %rem3A_897, %lt3A_900 : i32
      %lt3A_902 = arith.constant 0 : i32
      %lt3A_903 = arith.cmpi slt, %select_n3A_896, %lt3A_902 : i32
      %ne3A_904 = arith.xori %lt3A_901, %lt3A_903 : i1
      %and3A_905 = arith.andi %ne3A_904, %ne3A_899 : i1
      %add3A_906 = arith.addi %rem3A_897, %select_n3A_896 : i32
      %select_n3A_907 = arith.select %and3A_905, %add3A_906, %rem3A_897 : i32
      %jit3A_908 = arith.constant 2 : i32
      %eq3A_909 = arith.constant 0 : i32
      %eq3A_910 = arith.cmpi eq, %jit3A_908, %eq3A_909 : i32
      %jit3A_911 = arith.constant 1 : i32
      %select_n3A_912 = arith.select %eq3A_910, %jit3A_911, %jit3A_908 : i32
      %rem3A_913 = arith.remsi %scan3A_701, %select_n3A_912 : i32
      %ne3A_914 = arith.constant 0 : i32
      %ne3A_915 = arith.cmpi ne, %rem3A_913, %ne3A_914 : i32
      %lt3A_916 = arith.constant 0 : i32
      %lt3A_917 = arith.cmpi slt, %rem3A_913, %lt3A_916 : i32
      %lt3A_918 = arith.constant 0 : i32
      %lt3A_919 = arith.cmpi slt, %select_n3A_912, %lt3A_918 : i32
      %ne3A_920 = arith.xori %lt3A_917, %lt3A_919 : i1
      %and3A_921 = arith.andi %ne3A_920, %ne3A_915 : i1
      %add3A_922 = arith.addi %rem3A_913, %select_n3A_912 : i32
      %select_n3A_923 = arith.select %and3A_921, %add3A_922, %rem3A_913 : i32
      %mul3A_924 = arith.constant 2 : i32
      %mul3A_925 = arith.muli %select_n3A_923, %mul3A_924 : i32
      %add3A_926 = arith.constant 0 : i32
      %add3A_927 = arith.addi %mul3A_925, %add3A_926 : i32
      %dma_start3A_928 = arith.constant 0 : i32
      %dma_start3A_929 = arith.constant 0 : i32
      %dma_start3A_930 = arith.constant 0 : i32
      %dma_start3A_931 = tpu.memref_slice %arg8[%add3A_927, %dma_start3A_929, %dma_start3A_930] : memref<4x128x64xf32, #tpu.memory_space<vmem>> -> memref<1x128x64xf32, #tpu.memory_space<vmem>>
      %dma_start3A_932 = tpu.memref_squeeze %dma_start3A_931 : memref<1x128x64xf32, #tpu.memory_space<vmem>> -> memref<128x64xf32, #tpu.memory_space<vmem>>
      %dma_start3A_933 = arith.constant 0 : i32
      %dma_start3A_934 = tpu.memref_slice %arg7[%select_n3A_907, %dma_start3A_928, %dma_start3A_933] : memref<4x2x128xi32, #tpu.memory_space<vmem>> -> memref<1x1x128xi32, #tpu.memory_space<vmem>>
      %dma_start3A_935 = tpu.memref_squeeze %dma_start3A_934 : memref<1x1x128xi32, #tpu.memory_space<vmem>> -> memref<128xi32, #tpu.memory_space<vmem>>
      %dma_start3A_936 = arith.constant 0 : i32
      %dma_start3A_937 = arith.constant 0 : i32
      %dma_start3A_938 = tpu.memref_slice %arg9[%dma_start3A_936, %dma_start3A_937] : memref<10240x64xf32, #tpu.memory_space<vmem_shared>> -> memref<10240x64xf32, #tpu.memory_space<vmem_shared>>
      tpu.enqueue_indirect_dma source(%dma_start3A_932 : memref<128x64xf32, #tpu.memory_space<vmem>>) target(%dma_start3A_938 : memref<10240x64xf32, #tpu.memory_space<vmem_shared>>) offsets(%dma_start3A_935 : memref<128xi32, #tpu.memory_space<vmem>>) semaphore(%arg12 : memref<!tpu.dma_semaphore, #tpu.memory_space<semaphore_mem>>) {add = true}
      %add3A_939 = arith.constant 1 : i32
      %add3A_940 = arith.addi %mul3A_925, %add3A_939 : i32
      %dma_start3A_941 = arith.constant 1 : i32
      %dma_start3A_942 = arith.constant 0 : i32
      %dma_start3A_943 = arith.constant 0 : i32
      %dma_start3A_944 = tpu.memref_slice %arg8[%add3A_940, %dma_start3A_942, %dma_start3A_943] : memref<4x128x64xf32, #tpu.memory_space<vmem>> -> memref<1x128x64xf32, #tpu.memory_space<vmem>>
      %dma_start3A_945 = tpu.memref_squeeze %dma_start3A_944 : memref<1x128x64xf32, #tpu.memory_space<vmem>> -> memref<128x64xf32, #tpu.memory_space<vmem>>
      %dma_start3A_946 = arith.constant 0 : i32
      %dma_start3A_947 = tpu.memref_slice %arg7[%select_n3A_907, %dma_start3A_941, %dma_start3A_946] : memref<4x2x128xi32, #tpu.memory_space<vmem>> -> memref<1x1x128xi32, #tpu.memory_space<vmem>>
      %dma_start3A_948 = tpu.memref_squeeze %dma_start3A_947 : memref<1x1x128xi32, #tpu.memory_space<vmem>> -> memref<128xi32, #tpu.memory_space<vmem>>
      %dma_start3A_949 = arith.constant 0 : i32
      %dma_start3A_950 = arith.constant 0 : i32
      %dma_start3A_951 = tpu.memref_slice %arg9[%dma_start3A_949, %dma_start3A_950] : memref<10240x64xf32, #tpu.memory_space<vmem_shared>> -> memref<10240x64xf32, #tpu.memory_space<vmem_shared>>
      tpu.enqueue_indirect_dma source(%dma_start3A_945 : memref<128x64xf32, #tpu.memory_space<vmem>>) target(%dma_start3A_951 : memref<10240x64xf32, #tpu.memory_space<vmem_shared>>) offsets(%dma_start3A_948 : memref<128xi32, #tpu.memory_space<vmem>>) semaphore(%arg12 : memref<!tpu.dma_semaphore, #tpu.memory_space<semaphore_mem>>) {add = true}
      %add3A_952 = arith.constant 3 : i32
      %add3A_953 = arith.addi %scan3A_701, %add3A_952 : i32
      %jit3A_954 = arith.constant 4 : i32
      %eq3A_955 = arith.constant 0 : i32
      %eq3A_956 = arith.cmpi eq, %jit3A_954, %eq3A_955 : i32
      %jit3A_957 = arith.constant 1 : i32
      %select_n3A_958 = arith.select %eq3A_956, %jit3A_957, %jit3A_954 : i32
      %rem3A_959 = arith.remsi %add3A_953, %select_n3A_958 : i32
      %ne3A_960 = arith.constant 0 : i32
      %ne3A_961 = arith.cmpi ne, %rem3A_959, %ne3A_960 : i32
      %lt3A_962 = arith.constant 0 : i32
      %lt3A_963 = arith.cmpi slt, %rem3A_959, %lt3A_962 : i32
      %lt3A_964 = arith.constant 0 : i32
      %lt3A_965 = arith.cmpi slt, %select_n3A_958, %lt3A_964 : i32
      %ne3A_966 = arith.xori %lt3A_963, %lt3A_965 : i1
      %and3A_967 = arith.andi %ne3A_966, %ne3A_961 : i1
      %add3A_968 = arith.addi %rem3A_959, %select_n3A_958 : i32
      %select_n3A_969 = arith.select %and3A_967, %add3A_968, %rem3A_959 : i32
      %mul3A_970 = arith.constant 2 : i32
      %mul3A_971 = arith.muli %add3A_953, %mul3A_970 : i32
      %add3A_972 = arith.addi %mul3A_35, %mul3A_971 : i32
      %dma_start3A_973 = arith.constant 0 : i32
      %dma_start3A_974 = arith.constant 0 : i32
      %dma_start3A_975 = tpu.memref_slice %arg6[%select_n3A_969, %dma_start3A_973, %dma_start3A_974] : memref<4x2x128xi32, #tpu.memory_space<vmem>> -> memref<1x2x128xi32, #tpu.memory_space<vmem>>
      %dma_start3A_976 = tpu.memref_squeeze %dma_start3A_975 : memref<1x2x128xi32, #tpu.memory_space<vmem>> -> memref<2x128xi32, #tpu.memory_space<vmem>>
      %dma_start3A_977 = arith.constant 0 : i32
      %dma_start3A_978 = tpu.memref_slice %arg3[%add3A_972, %dma_start3A_977] : memref<2560x128xi32, #tpu.memory_space<hbm>> -> memref<2x128xi32, #tpu.memory_space<hbm>>
      %dma_start3A_979 = arith.constant 0 : i32
      %dma_start3A_980 = arith.constant 0 : i32
      %dma_start3A_981 = tpu.memref_slice %arg6[%select_n3A_969, %dma_start3A_979, %dma_start3A_980] : memref<4x2x128xi32, #tpu.memory_space<vmem>> -> memref<1x2x128xi32, #tpu.memory_space<vmem>>
      %dma_start3A_982 = tpu.memref_squeeze %dma_start3A_981 : memref<1x2x128xi32, #tpu.memory_space<vmem>> -> memref<2x128xi32, #tpu.memory_space<vmem>>
      %dma_start3A_983 = arith.constant 0 : i32
      %dma_start3A_984 = tpu.memref_slice %arg3[%add3A_972, %dma_start3A_983] : memref<2560x128xi32, #tpu.memory_space<hbm>> -> memref<2x128xi32, #tpu.memory_space<hbm>>
      tpu.enqueue_dma source(%dma_start3A_984 : memref<2x128xi32, #tpu.memory_space<hbm>>) target(%dma_start3A_982 : memref<2x128xi32, #tpu.memory_space<vmem>>) target_semaphore(%arg13 : memref<!tpu.dma_semaphore, #tpu.memory_space<semaphore_mem>>)
      %mul3A_985 = arith.constant 2 : i32
      %mul3A_986 = arith.muli %add3A_953, %mul3A_985 : i32
      %add3A_987 = arith.addi %mul3A_35, %mul3A_986 : i32
      %dma_start3A_988 = arith.constant 0 : i32
      %dma_start3A_989 = arith.constant 0 : i32
      %dma_start3A_990 = tpu.memref_slice %arg7[%select_n3A_969, %dma_start3A_988, %dma_start3A_989] : memref<4x2x128xi32, #tpu.memory_space<vmem>> -> memref<1x2x128xi32, #tpu.memory_space<vmem>>
      %dma_start3A_991 = tpu.memref_squeeze %dma_start3A_990 : memref<1x2x128xi32, #tpu.memory_space<vmem>> -> memref<2x128xi32, #tpu.memory_space<vmem>>
      %dma_start3A_992 = arith.constant 0 : i32
      %dma_start3A_993 = tpu.memref_slice %arg4[%add3A_987, %dma_start3A_992] : memref<2560x128xi32, #tpu.memory_space<hbm>> -> memref<2x128xi32, #tpu.memory_space<hbm>>
      %dma_start3A_994 = arith.constant 0 : i32
      %dma_start3A_995 = arith.constant 0 : i32
      %dma_start3A_996 = tpu.memref_slice %arg7[%select_n3A_969, %dma_start3A_994, %dma_start3A_995] : memref<4x2x128xi32, #tpu.memory_space<vmem>> -> memref<1x2x128xi32, #tpu.memory_space<vmem>>
      %dma_start3A_997 = tpu.memref_squeeze %dma_start3A_996 : memref<1x2x128xi32, #tpu.memory_space<vmem>> -> memref<2x128xi32, #tpu.memory_space<vmem>>
      %dma_start3A_998 = arith.constant 0 : i32
      %dma_start3A_999 = tpu.memref_slice %arg4[%add3A_987, %dma_start3A_998] : memref<2560x128xi32, #tpu.memory_space<hbm>> -> memref<2x128xi32, #tpu.memory_space<hbm>>
      tpu.enqueue_dma source(%dma_start3A_999 : memref<2x128xi32, #tpu.memory_space<hbm>>) target(%dma_start3A_997 : memref<2x128xi32, #tpu.memory_space<vmem>>) target_semaphore(%arg13 : memref<!tpu.dma_semaphore, #tpu.memory_space<semaphore_mem>>)
    }
    %scan3A_341 = arith.constant 76 : i32
    %dma_wait3A_342 = arith.constant 0 : i32
    %dma_wait3A_343 = arith.constant 0 : i32
    %dma_wait3A_344 = arith.constant 2 : i32
    %dma_wait3A_345 = arith.constant 0 : i32
    %dma_wait3A_346 = arith.constant 0 : i32
    %dma_wait3A_347 = tpu.memref_slice %arg8[%dma_wait3A_344, %dma_wait3A_345, %dma_wait3A_346] : memref<4x128x64xf32, #tpu.memory_space<vmem>> -> memref<1x128x64xf32, #tpu.memory_space<vmem>>
    %dma_wait3A_348 = tpu.memref_squeeze %dma_wait3A_347 : memref<1x128x64xf32, #tpu.memory_space<vmem>> -> memref<128x64xf32, #tpu.memory_space<vmem>>
    %dma_wait3A_349 = arith.constant 0 : i32
    %dma_wait3A_350 = tpu.memref_slice %arg6[%dma_wait3A_342, %dma_wait3A_343, %dma_wait3A_349] : memref<4x2x128xi32, #tpu.memory_space<vmem>> -> memref<1x1x128xi32, #tpu.memory_space<vmem>>
    %dma_wait3A_351 = tpu.memref_squeeze %dma_wait3A_350 : memref<1x1x128xi32, #tpu.memory_space<vmem>> -> memref<128xi32, #tpu.memory_space<vmem>>
    %dma_wait3A_352 = arith.constant 0 : i32
    %dma_wait3A_353 = arith.constant 0 : i32
    %dma_wait3A_354 = tpu.memref_slice %arg10[%dma_wait3A_352, %dma_wait3A_353] : memref<10240x64xf32, #tpu.memory_space<vmem_shared>> -> memref<10240x64xf32, #tpu.memory_space<vmem_shared>>
    tpu.wait_indirect_dma semaphore(%arg11 : memref<!tpu.dma_semaphore, #tpu.memory_space<semaphore_mem>>) src(%dma_wait3A_354 : memref<10240x64xf32, #tpu.memory_space<vmem_shared>>) dst(%dma_wait3A_348 : memref<128x64xf32, #tpu.memory_space<vmem>>)
    %dma_wait3A_355 = arith.constant 0 : i32
    %dma_wait3A_356 = arith.constant 0 : i32
    %dma_wait3A_357 = arith.constant 3 : i32
    %dma_wait3A_358 = arith.constant 0 : i32
    %dma_wait3A_359 = arith.constant 0 : i32
    %dma_wait3A_360 = tpu.memref_slice %arg8[%dma_wait3A_357, %dma_wait3A_358, %dma_wait3A_359] : memref<4x128x64xf32, #tpu.memory_space<vmem>> -> memref<1x128x64xf32, #tpu.memory_space<vmem>>
    %dma_wait3A_361 = tpu.memref_squeeze %dma_wait3A_360 : memref<1x128x64xf32, #tpu.memory_space<vmem>> -> memref<128x64xf32, #tpu.memory_space<vmem>>
    %dma_wait3A_362 = arith.constant 0 : i32
    %dma_wait3A_363 = tpu.memref_slice %arg6[%dma_wait3A_355, %dma_wait3A_356, %dma_wait3A_362] : memref<4x2x128xi32, #tpu.memory_space<vmem>> -> memref<1x1x128xi32, #tpu.memory_space<vmem>>
    %dma_wait3A_364 = tpu.memref_squeeze %dma_wait3A_363 : memref<1x1x128xi32, #tpu.memory_space<vmem>> -> memref<128xi32, #tpu.memory_space<vmem>>
    %dma_wait3A_365 = arith.constant 0 : i32
    %dma_wait3A_366 = arith.constant 0 : i32
    %dma_wait3A_367 = tpu.memref_slice %arg10[%dma_wait3A_365, %dma_wait3A_366] : memref<10240x64xf32, #tpu.memory_space<vmem_shared>> -> memref<10240x64xf32, #tpu.memory_space<vmem_shared>>
    tpu.wait_indirect_dma semaphore(%arg11 : memref<!tpu.dma_semaphore, #tpu.memory_space<semaphore_mem>>) src(%dma_wait3A_367 : memref<10240x64xf32, #tpu.memory_space<vmem_shared>>) dst(%dma_wait3A_361 : memref<128x64xf32, #tpu.memory_space<vmem>>)
    %dma_wait3A_368 = arith.constant 0 : i32
    %dma_wait3A_369 = arith.constant 0 : i32
    %dma_wait3A_370 = arith.constant 0 : i32
    %dma_wait3A_371 = arith.constant 0 : i32
    %dma_wait3A_372 = arith.constant 0 : i32
    %dma_wait3A_373 = tpu.memref_slice %arg8[%dma_wait3A_368, %dma_wait3A_371, %dma_wait3A_372] : memref<4x128x64xf32, #tpu.memory_space<vmem>> -> memref<1x128x64xf32, #tpu.memory_space<vmem>>
    %dma_wait3A_374 = tpu.memref_squeeze %dma_wait3A_373 : memref<1x128x64xf32, #tpu.memory_space<vmem>> -> memref<128x64xf32, #tpu.memory_space<vmem>>
    %dma_wait3A_375 = arith.constant 0 : i32
    %dma_wait3A_376 = tpu.memref_slice %arg7[%dma_wait3A_369, %dma_wait3A_370, %dma_wait3A_375] : memref<4x2x128xi32, #tpu.memory_space<vmem>> -> memref<1x1x128xi32, #tpu.memory_space<vmem>>
    %dma_wait3A_377 = tpu.memref_squeeze %dma_wait3A_376 : memref<1x1x128xi32, #tpu.memory_space<vmem>> -> memref<128xi32, #tpu.memory_space<vmem>>
    %dma_wait3A_378 = arith.constant 0 : i32
    %dma_wait3A_379 = arith.constant 0 : i32
    %dma_wait3A_380 = tpu.memref_slice %arg9[%dma_wait3A_378, %dma_wait3A_379] : memref<10240x64xf32, #tpu.memory_space<vmem_shared>> -> memref<10240x64xf32, #tpu.memory_space<vmem_shared>>
    tpu.wait_indirect_dma semaphore(%arg12 : memref<!tpu.dma_semaphore, #tpu.memory_space<semaphore_mem>>) src(%dma_wait3A_374 : memref<128x64xf32, #tpu.memory_space<vmem>>) dst(%dma_wait3A_380 : memref<10240x64xf32, #tpu.memory_space<vmem_shared>>)
    %dma_wait3A_381 = arith.constant 1 : i32
    %dma_wait3A_382 = arith.constant 0 : i32
    %dma_wait3A_383 = arith.constant 0 : i32
    %dma_wait3A_384 = arith.constant 0 : i32
    %dma_wait3A_385 = arith.constant 0 : i32
    %dma_wait3A_386 = tpu.memref_slice %arg8[%dma_wait3A_381, %dma_wait3A_384, %dma_wait3A_385] : memref<4x128x64xf32, #tpu.memory_space<vmem>> -> memref<1x128x64xf32, #tpu.memory_space<vmem>>
    %dma_wait3A_387 = tpu.memref_squeeze %dma_wait3A_386 : memref<1x128x64xf32, #tpu.memory_space<vmem>> -> memref<128x64xf32, #tpu.memory_space<vmem>>
    %dma_wait3A_388 = arith.constant 0 : i32
    %dma_wait3A_389 = tpu.memref_slice %arg7[%dma_wait3A_382, %dma_wait3A_383, %dma_wait3A_388] : memref<4x2x128xi32, #tpu.memory_space<vmem>> -> memref<1x1x128xi32, #tpu.memory_space<vmem>>
    %dma_wait3A_390 = tpu.memref_squeeze %dma_wait3A_389 : memref<1x1x128xi32, #tpu.memory_space<vmem>> -> memref<128xi32, #tpu.memory_space<vmem>>
    %dma_wait3A_391 = arith.constant 0 : i32
    %dma_wait3A_392 = arith.constant 0 : i32
    %dma_wait3A_393 = tpu.memref_slice %arg9[%dma_wait3A_391, %dma_wait3A_392] : memref<10240x64xf32, #tpu.memory_space<vmem_shared>> -> memref<10240x64xf32, #tpu.memory_space<vmem_shared>>
    tpu.wait_indirect_dma semaphore(%arg12 : memref<!tpu.dma_semaphore, #tpu.memory_space<semaphore_mem>>) src(%dma_wait3A_387 : memref<128x64xf32, #tpu.memory_space<vmem>>) dst(%dma_wait3A_393 : memref<10240x64xf32, #tpu.memory_space<vmem_shared>>)
    %dma_wait3A_394 = arith.constant 3 : i32
    %dma_wait3A_395 = arith.constant 0 : i32
    %dma_wait3A_396 = arith.constant 0 : i32
    %dma_wait3A_397 = tpu.memref_slice %arg6[%dma_wait3A_394, %dma_wait3A_395, %dma_wait3A_396] : memref<4x2x128xi32, #tpu.memory_space<vmem>> -> memref<1x2x128xi32, #tpu.memory_space<vmem>>
    %dma_wait3A_398 = tpu.memref_squeeze %dma_wait3A_397 : memref<1x2x128xi32, #tpu.memory_space<vmem>> -> memref<2x128xi32, #tpu.memory_space<vmem>>
    %dma_wait3A_399 = arith.constant 0 : i32
    %dma_wait3A_400 = tpu.memref_slice %arg3[%mul3A_35, %dma_wait3A_399] : memref<2560x128xi32, #tpu.memory_space<hbm>> -> memref<2x128xi32, #tpu.memory_space<hbm>>
    %dma_wait3A_401 = arith.constant 0 : i32
    %dma_wait3A_402 = arith.constant 0 : i32
    %dma_wait3A_403 = tpu.memref_slice %arg6[%dma_wait3A_394, %dma_wait3A_401, %dma_wait3A_402] : memref<4x2x128xi32, #tpu.memory_space<vmem>> -> memref<1x2x128xi32, #tpu.memory_space<vmem>>
    %dma_wait3A_404 = tpu.memref_squeeze %dma_wait3A_403 : memref<1x2x128xi32, #tpu.memory_space<vmem>> -> memref<2x128xi32, #tpu.memory_space<vmem>>
    %dma_wait3A_405 = arith.constant 0 : i32
    %dma_wait3A_406 = tpu.memref_slice %arg3[%mul3A_35, %dma_wait3A_405] : memref<2560x128xi32, #tpu.memory_space<hbm>> -> memref<2x128xi32, #tpu.memory_space<hbm>>
    tpu.wait_dma2 semaphore(%arg13 : memref<!tpu.dma_semaphore, #tpu.memory_space<semaphore_mem>>) src(%dma_wait3A_406 : memref<2x128xi32, #tpu.memory_space<hbm>>) dst(%dma_wait3A_404 : memref<2x128xi32, #tpu.memory_space<vmem>>)
    %dma_wait3A_407 = arith.constant 3 : i32
    %dma_wait3A_408 = arith.constant 0 : i32
    %dma_wait3A_409 = arith.constant 0 : i32
    %dma_wait3A_410 = tpu.memref_slice %arg7[%dma_wait3A_407, %dma_wait3A_408, %dma_wait3A_409] : memref<4x2x128xi32, #tpu.memory_space<vmem>> -> memref<1x2x128xi32, #tpu.memory_space<vmem>>
    %dma_wait3A_411 = tpu.memref_squeeze %dma_wait3A_410 : memref<1x2x128xi32, #tpu.memory_space<vmem>> -> memref<2x128xi32, #tpu.memory_space<vmem>>
    %dma_wait3A_412 = arith.constant 0 : i32
    %dma_wait3A_413 = tpu.memref_slice %arg4[%mul3A_35, %dma_wait3A_412] : memref<2560x128xi32, #tpu.memory_space<hbm>> -> memref<2x128xi32, #tpu.memory_space<hbm>>
    %dma_wait3A_414 = arith.constant 0 : i32
    %dma_wait3A_415 = arith.constant 0 : i32
    %dma_wait3A_416 = tpu.memref_slice %arg7[%dma_wait3A_407, %dma_wait3A_414, %dma_wait3A_415] : memref<4x2x128xi32, #tpu.memory_space<vmem>> -> memref<1x2x128xi32, #tpu.memory_space<vmem>>
    %dma_wait3A_417 = tpu.memref_squeeze %dma_wait3A_416 : memref<1x2x128xi32, #tpu.memory_space<vmem>> -> memref<2x128xi32, #tpu.memory_space<vmem>>
    %dma_wait3A_418 = arith.constant 0 : i32
    %dma_wait3A_419 = tpu.memref_slice %arg4[%mul3A_35, %dma_wait3A_418] : memref<2560x128xi32, #tpu.memory_space<hbm>> -> memref<2x128xi32, #tpu.memory_space<hbm>>
    tpu.wait_dma2 semaphore(%arg13 : memref<!tpu.dma_semaphore, #tpu.memory_space<semaphore_mem>>) src(%dma_wait3A_419 : memref<2x128xi32, #tpu.memory_space<hbm>>) dst(%dma_wait3A_417 : memref<2x128xi32, #tpu.memory_space<vmem>>)
    %dma_start3A_420 = arith.constant 2 : i32
    %dma_start3A_421 = arith.constant 0 : i32
    %dma_start3A_422 = arith.constant 0 : i32
    %dma_start3A_423 = arith.constant 0 : i32
    %dma_start3A_424 = arith.constant 0 : i32
    %dma_start3A_425 = tpu.memref_slice %arg8[%dma_start3A_422, %dma_start3A_423, %dma_start3A_424] : memref<4x128x64xf32, #tpu.memory_space<vmem>> -> memref<1x128x64xf32, #tpu.memory_space<vmem>>
    %dma_start3A_426 = tpu.memref_squeeze %dma_start3A_425 : memref<1x128x64xf32, #tpu.memory_space<vmem>> -> memref<128x64xf32, #tpu.memory_space<vmem>>
    %dma_start3A_427 = arith.constant 0 : i32
    %dma_start3A_428 = tpu.memref_slice %arg6[%dma_start3A_420, %dma_start3A_421, %dma_start3A_427] : memref<4x2x128xi32, #tpu.memory_space<vmem>> -> memref<1x1x128xi32, #tpu.memory_space<vmem>>
    %dma_start3A_429 = tpu.memref_squeeze %dma_start3A_428 : memref<1x1x128xi32, #tpu.memory_space<vmem>> -> memref<128xi32, #tpu.memory_space<vmem>>
    %dma_start3A_430 = arith.constant 0 : i32
    %dma_start3A_431 = arith.constant 0 : i32
    %dma_start3A_432 = tpu.memref_slice %arg10[%dma_start3A_430, %dma_start3A_431] : memref<10240x64xf32, #tpu.memory_space<vmem_shared>> -> memref<10240x64xf32, #tpu.memory_space<vmem_shared>>
    tpu.enqueue_indirect_dma source(%dma_start3A_432 : memref<10240x64xf32, #tpu.memory_space<vmem_shared>>) target(%dma_start3A_426 : memref<128x64xf32, #tpu.memory_space<vmem>>) offsets(%dma_start3A_429 : memref<128xi32, #tpu.memory_space<vmem>>) semaphore(%arg11 : memref<!tpu.dma_semaphore, #tpu.memory_space<semaphore_mem>>)
    %dma_start3A_433 = arith.constant 2 : i32
    %dma_start3A_434 = arith.constant 1 : i32
    %dma_start3A_435 = arith.constant 1 : i32
    %dma_start3A_436 = arith.constant 0 : i32
    %dma_start3A_437 = arith.constant 0 : i32
    %dma_start3A_438 = tpu.memref_slice %arg8[%dma_start3A_435, %dma_start3A_436, %dma_start3A_437] : memref<4x128x64xf32, #tpu.memory_space<vmem>> -> memref<1x128x64xf32, #tpu.memory_space<vmem>>
    %dma_start3A_439 = tpu.memref_squeeze %dma_start3A_438 : memref<1x128x64xf32, #tpu.memory_space<vmem>> -> memref<128x64xf32, #tpu.memory_space<vmem>>
    %dma_start3A_440 = arith.constant 0 : i32
    %dma_start3A_441 = tpu.memref_slice %arg6[%dma_start3A_433, %dma_start3A_434, %dma_start3A_440] : memref<4x2x128xi32, #tpu.memory_space<vmem>> -> memref<1x1x128xi32, #tpu.memory_space<vmem>>
    %dma_start3A_442 = tpu.memref_squeeze %dma_start3A_441 : memref<1x1x128xi32, #tpu.memory_space<vmem>> -> memref<128xi32, #tpu.memory_space<vmem>>
    %dma_start3A_443 = arith.constant 0 : i32
    %dma_start3A_444 = arith.constant 0 : i32
    %dma_start3A_445 = tpu.memref_slice %arg10[%dma_start3A_443, %dma_start3A_444] : memref<10240x64xf32, #tpu.memory_space<vmem_shared>> -> memref<10240x64xf32, #tpu.memory_space<vmem_shared>>
    tpu.enqueue_indirect_dma source(%dma_start3A_445 : memref<10240x64xf32, #tpu.memory_space<vmem_shared>>) target(%dma_start3A_439 : memref<128x64xf32, #tpu.memory_space<vmem>>) offsets(%dma_start3A_442 : memref<128xi32, #tpu.memory_space<vmem>>) semaphore(%arg11 : memref<!tpu.dma_semaphore, #tpu.memory_space<semaphore_mem>>)
    %dma_start3A_446 = arith.constant 2 : i32
    %dma_start3A_447 = arith.constant 1 : i32
    %dma_start3A_448 = arith.constant 0 : i32
    %dma_start3A_449 = arith.constant 0 : i32
    %dma_start3A_450 = arith.constant 0 : i32
    %dma_start3A_451 = tpu.memref_slice %arg8[%dma_start3A_446, %dma_start3A_449, %dma_start3A_450] : memref<4x128x64xf32, #tpu.memory_space<vmem>> -> memref<1x128x64xf32, #tpu.memory_space<vmem>>
    %dma_start3A_452 = tpu.memref_squeeze %dma_start3A_451 : memref<1x128x64xf32, #tpu.memory_space<vmem>> -> memref<128x64xf32, #tpu.memory_space<vmem>>
    %dma_start3A_453 = arith.constant 0 : i32
    %dma_start3A_454 = tpu.memref_slice %arg7[%dma_start3A_447, %dma_start3A_448, %dma_start3A_453] : memref<4x2x128xi32, #tpu.memory_space<vmem>> -> memref<1x1x128xi32, #tpu.memory_space<vmem>>
    %dma_start3A_455 = tpu.memref_squeeze %dma_start3A_454 : memref<1x1x128xi32, #tpu.memory_space<vmem>> -> memref<128xi32, #tpu.memory_space<vmem>>
    %dma_start3A_456 = arith.constant 0 : i32
    %dma_start3A_457 = arith.constant 0 : i32
    %dma_start3A_458 = tpu.memref_slice %arg9[%dma_start3A_456, %dma_start3A_457] : memref<10240x64xf32, #tpu.memory_space<vmem_shared>> -> memref<10240x64xf32, #tpu.memory_space<vmem_shared>>
    tpu.enqueue_indirect_dma source(%dma_start3A_452 : memref<128x64xf32, #tpu.memory_space<vmem>>) target(%dma_start3A_458 : memref<10240x64xf32, #tpu.memory_space<vmem_shared>>) offsets(%dma_start3A_455 : memref<128xi32, #tpu.memory_space<vmem>>) semaphore(%arg12 : memref<!tpu.dma_semaphore, #tpu.memory_space<semaphore_mem>>) {add = true}
    %dma_start3A_459 = arith.constant 3 : i32
    %dma_start3A_460 = arith.constant 1 : i32
    %dma_start3A_461 = arith.constant 1 : i32
    %dma_start3A_462 = arith.constant 0 : i32
    %dma_start3A_463 = arith.constant 0 : i32
    %dma_start3A_464 = tpu.memref_slice %arg8[%dma_start3A_459, %dma_start3A_462, %dma_start3A_463] : memref<4x128x64xf32, #tpu.memory_space<vmem>> -> memref<1x128x64xf32, #tpu.memory_space<vmem>>
    %dma_start3A_465 = tpu.memref_squeeze %dma_start3A_464 : memref<1x128x64xf32, #tpu.memory_space<vmem>> -> memref<128x64xf32, #tpu.memory_space<vmem>>
    %dma_start3A_466 = arith.constant 0 : i32
    %dma_start3A_467 = tpu.memref_slice %arg7[%dma_start3A_460, %dma_start3A_461, %dma_start3A_466] : memref<4x2x128xi32, #tpu.memory_space<vmem>> -> memref<1x1x128xi32, #tpu.memory_space<vmem>>
    %dma_start3A_468 = tpu.memref_squeeze %dma_start3A_467 : memref<1x1x128xi32, #tpu.memory_space<vmem>> -> memref<128xi32, #tpu.memory_space<vmem>>
    %dma_start3A_469 = arith.constant 0 : i32
    %dma_start3A_470 = arith.constant 0 : i32
    %dma_start3A_471 = tpu.memref_slice %arg9[%dma_start3A_469, %dma_start3A_470] : memref<10240x64xf32, #tpu.memory_space<vmem_shared>> -> memref<10240x64xf32, #tpu.memory_space<vmem_shared>>
    tpu.enqueue_indirect_dma source(%dma_start3A_465 : memref<128x64xf32, #tpu.memory_space<vmem>>) target(%dma_start3A_471 : memref<10240x64xf32, #tpu.memory_space<vmem_shared>>) offsets(%dma_start3A_468 : memref<128xi32, #tpu.memory_space<vmem>>) semaphore(%arg12 : memref<!tpu.dma_semaphore, #tpu.memory_space<semaphore_mem>>) {add = true}
    %dma_wait3A_472 = arith.constant 0 : i32
    %dma_wait3A_473 = arith.constant 0 : i32
    %dma_wait3A_474 = arith.constant 0 : i32
    %dma_wait3A_475 = arith.constant 0 : i32
    %dma_wait3A_476 = arith.constant 0 : i32
    %dma_wait3A_477 = tpu.memref_slice %arg8[%dma_wait3A_474, %dma_wait3A_475, %dma_wait3A_476] : memref<4x128x64xf32, #tpu.memory_space<vmem>> -> memref<1x128x64xf32, #tpu.memory_space<vmem>>
    %dma_wait3A_478 = tpu.memref_squeeze %dma_wait3A_477 : memref<1x128x64xf32, #tpu.memory_space<vmem>> -> memref<128x64xf32, #tpu.memory_space<vmem>>
    %dma_wait3A_479 = arith.constant 0 : i32
    %dma_wait3A_480 = tpu.memref_slice %arg6[%dma_wait3A_472, %dma_wait3A_473, %dma_wait3A_479] : memref<4x2x128xi32, #tpu.memory_space<vmem>> -> memref<1x1x128xi32, #tpu.memory_space<vmem>>
    %dma_wait3A_481 = tpu.memref_squeeze %dma_wait3A_480 : memref<1x1x128xi32, #tpu.memory_space<vmem>> -> memref<128xi32, #tpu.memory_space<vmem>>
    %dma_wait3A_482 = arith.constant 0 : i32
    %dma_wait3A_483 = arith.constant 0 : i32
    %dma_wait3A_484 = tpu.memref_slice %arg10[%dma_wait3A_482, %dma_wait3A_483] : memref<10240x64xf32, #tpu.memory_space<vmem_shared>> -> memref<10240x64xf32, #tpu.memory_space<vmem_shared>>
    tpu.wait_indirect_dma semaphore(%arg11 : memref<!tpu.dma_semaphore, #tpu.memory_space<semaphore_mem>>) src(%dma_wait3A_484 : memref<10240x64xf32, #tpu.memory_space<vmem_shared>>) dst(%dma_wait3A_478 : memref<128x64xf32, #tpu.memory_space<vmem>>)
    %dma_wait3A_485 = arith.constant 0 : i32
    %dma_wait3A_486 = arith.constant 0 : i32
    %dma_wait3A_487 = arith.constant 1 : i32
    %dma_wait3A_488 = arith.constant 0 : i32
    %dma_wait3A_489 = arith.constant 0 : i32
    %dma_wait3A_490 = tpu.memref_slice %arg8[%dma_wait3A_487, %dma_wait3A_488, %dma_wait3A_489] : memref<4x128x64xf32, #tpu.memory_space<vmem>> -> memref<1x128x64xf32, #tpu.memory_space<vmem>>
    %dma_wait3A_491 = tpu.memref_squeeze %dma_wait3A_490 : memref<1x128x64xf32, #tpu.memory_space<vmem>> -> memref<128x64xf32, #tpu.memory_space<vmem>>
    %dma_wait3A_492 = arith.constant 0 : i32
    %dma_wait3A_493 = tpu.memref_slice %arg6[%dma_wait3A_485, %dma_wait3A_486, %dma_wait3A_492] : memref<4x2x128xi32, #tpu.memory_space<vmem>> -> memref<1x1x128xi32, #tpu.memory_space<vmem>>
    %dma_wait3A_494 = tpu.memref_squeeze %dma_wait3A_493 : memref<1x1x128xi32, #tpu.memory_space<vmem>> -> memref<128xi32, #tpu.memory_space<vmem>>
    %dma_wait3A_495 = arith.constant 0 : i32
    %dma_wait3A_496 = arith.constant 0 : i32
    %dma_wait3A_497 = tpu.memref_slice %arg10[%dma_wait3A_495, %dma_wait3A_496] : memref<10240x64xf32, #tpu.memory_space<vmem_shared>> -> memref<10240x64xf32, #tpu.memory_space<vmem_shared>>
    tpu.wait_indirect_dma semaphore(%arg11 : memref<!tpu.dma_semaphore, #tpu.memory_space<semaphore_mem>>) src(%dma_wait3A_497 : memref<10240x64xf32, #tpu.memory_space<vmem_shared>>) dst(%dma_wait3A_491 : memref<128x64xf32, #tpu.memory_space<vmem>>)
    %dma_wait3A_498 = arith.constant 2 : i32
    %dma_wait3A_499 = arith.constant 0 : i32
    %dma_wait3A_500 = arith.constant 0 : i32
    %dma_wait3A_501 = arith.constant 0 : i32
    %dma_wait3A_502 = arith.constant 0 : i32
    %dma_wait3A_503 = tpu.memref_slice %arg8[%dma_wait3A_498, %dma_wait3A_501, %dma_wait3A_502] : memref<4x128x64xf32, #tpu.memory_space<vmem>> -> memref<1x128x64xf32, #tpu.memory_space<vmem>>
    %dma_wait3A_504 = tpu.memref_squeeze %dma_wait3A_503 : memref<1x128x64xf32, #tpu.memory_space<vmem>> -> memref<128x64xf32, #tpu.memory_space<vmem>>
    %dma_wait3A_505 = arith.constant 0 : i32
    %dma_wait3A_506 = tpu.memref_slice %arg7[%dma_wait3A_499, %dma_wait3A_500, %dma_wait3A_505] : memref<4x2x128xi32, #tpu.memory_space<vmem>> -> memref<1x1x128xi32, #tpu.memory_space<vmem>>
    %dma_wait3A_507 = tpu.memref_squeeze %dma_wait3A_506 : memref<1x1x128xi32, #tpu.memory_space<vmem>> -> memref<128xi32, #tpu.memory_space<vmem>>
    %dma_wait3A_508 = arith.constant 0 : i32
    %dma_wait3A_509 = arith.constant 0 : i32
    %dma_wait3A_510 = tpu.memref_slice %arg9[%dma_wait3A_508, %dma_wait3A_509] : memref<10240x64xf32, #tpu.memory_space<vmem_shared>> -> memref<10240x64xf32, #tpu.memory_space<vmem_shared>>
    tpu.wait_indirect_dma semaphore(%arg12 : memref<!tpu.dma_semaphore, #tpu.memory_space<semaphore_mem>>) src(%dma_wait3A_504 : memref<128x64xf32, #tpu.memory_space<vmem>>) dst(%dma_wait3A_510 : memref<10240x64xf32, #tpu.memory_space<vmem_shared>>)
    %dma_wait3A_511 = arith.constant 3 : i32
    %dma_wait3A_512 = arith.constant 0 : i32
    %dma_wait3A_513 = arith.constant 0 : i32
    %dma_wait3A_514 = arith.constant 0 : i32
    %dma_wait3A_515 = arith.constant 0 : i32
    %dma_wait3A_516 = tpu.memref_slice %arg8[%dma_wait3A_511, %dma_wait3A_514, %dma_wait3A_515] : memref<4x128x64xf32, #tpu.memory_space<vmem>> -> memref<1x128x64xf32, #tpu.memory_space<vmem>>
    %dma_wait3A_517 = tpu.memref_squeeze %dma_wait3A_516 : memref<1x128x64xf32, #tpu.memory_space<vmem>> -> memref<128x64xf32, #tpu.memory_space<vmem>>
    %dma_wait3A_518 = arith.constant 0 : i32
    %dma_wait3A_519 = tpu.memref_slice %arg7[%dma_wait3A_512, %dma_wait3A_513, %dma_wait3A_518] : memref<4x2x128xi32, #tpu.memory_space<vmem>> -> memref<1x1x128xi32, #tpu.memory_space<vmem>>
    %dma_wait3A_520 = tpu.memref_squeeze %dma_wait3A_519 : memref<1x1x128xi32, #tpu.memory_space<vmem>> -> memref<128xi32, #tpu.memory_space<vmem>>
    %dma_wait3A_521 = arith.constant 0 : i32
    %dma_wait3A_522 = arith.constant 0 : i32
    %dma_wait3A_523 = tpu.memref_slice %arg9[%dma_wait3A_521, %dma_wait3A_522] : memref<10240x64xf32, #tpu.memory_space<vmem_shared>> -> memref<10240x64xf32, #tpu.memory_space<vmem_shared>>
    tpu.wait_indirect_dma semaphore(%arg12 : memref<!tpu.dma_semaphore, #tpu.memory_space<semaphore_mem>>) src(%dma_wait3A_517 : memref<128x64xf32, #tpu.memory_space<vmem>>) dst(%dma_wait3A_523 : memref<10240x64xf32, #tpu.memory_space<vmem_shared>>)
    %dma_start3A_524 = arith.constant 3 : i32
    %dma_start3A_525 = arith.constant 0 : i32
    %dma_start3A_526 = arith.constant 2 : i32
    %dma_start3A_527 = arith.constant 0 : i32
    %dma_start3A_528 = arith.constant 0 : i32
    %dma_start3A_529 = tpu.memref_slice %arg8[%dma_start3A_526, %dma_start3A_527, %dma_start3A_528] : memref<4x128x64xf32, #tpu.memory_space<vmem>> -> memref<1x128x64xf32, #tpu.memory_space<vmem>>
    %dma_start3A_530 = tpu.memref_squeeze %dma_start3A_529 : memref<1x128x64xf32, #tpu.memory_space<vmem>> -> memref<128x64xf32, #tpu.memory_space<vmem>>
    %dma_start3A_531 = arith.constant 0 : i32
    %dma_start3A_532 = tpu.memref_slice %arg6[%dma_start3A_524, %dma_start3A_525, %dma_start3A_531] : memref<4x2x128xi32, #tpu.memory_space<vmem>> -> memref<1x1x128xi32, #tpu.memory_space<vmem>>
    %dma_start3A_533 = tpu.memref_squeeze %dma_start3A_532 : memref<1x1x128xi32, #tpu.memory_space<vmem>> -> memref<128xi32, #tpu.memory_space<vmem>>
    %dma_start3A_534 = arith.constant 0 : i32
    %dma_start3A_535 = arith.constant 0 : i32
    %dma_start3A_536 = tpu.memref_slice %arg10[%dma_start3A_534, %dma_start3A_535] : memref<10240x64xf32, #tpu.memory_space<vmem_shared>> -> memref<10240x64xf32, #tpu.memory_space<vmem_shared>>
    tpu.enqueue_indirect_dma source(%dma_start3A_536 : memref<10240x64xf32, #tpu.memory_space<vmem_shared>>) target(%dma_start3A_530 : memref<128x64xf32, #tpu.memory_space<vmem>>) offsets(%dma_start3A_533 : memref<128xi32, #tpu.memory_space<vmem>>) semaphore(%arg11 : memref<!tpu.dma_semaphore, #tpu.memory_space<semaphore_mem>>)
    %dma_start3A_537 = arith.constant 3 : i32
    %dma_start3A_538 = arith.constant 1 : i32
    %dma_start3A_539 = arith.constant 3 : i32
    %dma_start3A_540 = arith.constant 0 : i32
    %dma_start3A_541 = arith.constant 0 : i32
    %dma_start3A_542 = tpu.memref_slice %arg8[%dma_start3A_539, %dma_start3A_540, %dma_start3A_541] : memref<4x128x64xf32, #tpu.memory_space<vmem>> -> memref<1x128x64xf32, #tpu.memory_space<vmem>>
    %dma_start3A_543 = tpu.memref_squeeze %dma_start3A_542 : memref<1x128x64xf32, #tpu.memory_space<vmem>> -> memref<128x64xf32, #tpu.memory_space<vmem>>
    %dma_start3A_544 = arith.constant 0 : i32
    %dma_start3A_545 = tpu.memref_slice %arg6[%dma_start3A_537, %dma_start3A_538, %dma_start3A_544] : memref<4x2x128xi32, #tpu.memory_space<vmem>> -> memref<1x1x128xi32, #tpu.memory_space<vmem>>
    %dma_start3A_546 = tpu.memref_squeeze %dma_start3A_545 : memref<1x1x128xi32, #tpu.memory_space<vmem>> -> memref<128xi32, #tpu.memory_space<vmem>>
    %dma_start3A_547 = arith.constant 0 : i32
    %dma_start3A_548 = arith.constant 0 : i32
    %dma_start3A_549 = tpu.memref_slice %arg10[%dma_start3A_547, %dma_start3A_548] : memref<10240x64xf32, #tpu.memory_space<vmem_shared>> -> memref<10240x64xf32, #tpu.memory_space<vmem_shared>>
    tpu.enqueue_indirect_dma source(%dma_start3A_549 : memref<10240x64xf32, #tpu.memory_space<vmem_shared>>) target(%dma_start3A_543 : memref<128x64xf32, #tpu.memory_space<vmem>>) offsets(%dma_start3A_546 : memref<128xi32, #tpu.memory_space<vmem>>) semaphore(%arg11 : memref<!tpu.dma_semaphore, #tpu.memory_space<semaphore_mem>>)
    %dma_start3A_550 = arith.constant 0 : i32
    %dma_start3A_551 = arith.constant 2 : i32
    %dma_start3A_552 = arith.constant 0 : i32
    %dma_start3A_553 = arith.constant 0 : i32
    %dma_start3A_554 = arith.constant 0 : i32
    %dma_start3A_555 = tpu.memref_slice %arg8[%dma_start3A_550, %dma_start3A_553, %dma_start3A_554] : memref<4x128x64xf32, #tpu.memory_space<vmem>> -> memref<1x128x64xf32, #tpu.memory_space<vmem>>
    %dma_start3A_556 = tpu.memref_squeeze %dma_start3A_555 : memref<1x128x64xf32, #tpu.memory_space<vmem>> -> memref<128x64xf32, #tpu.memory_space<vmem>>
    %dma_start3A_557 = arith.constant 0 : i32
    %dma_start3A_558 = tpu.memref_slice %arg7[%dma_start3A_551, %dma_start3A_552, %dma_start3A_557] : memref<4x2x128xi32, #tpu.memory_space<vmem>> -> memref<1x1x128xi32, #tpu.memory_space<vmem>>
    %dma_start3A_559 = tpu.memref_squeeze %dma_start3A_558 : memref<1x1x128xi32, #tpu.memory_space<vmem>> -> memref<128xi32, #tpu.memory_space<vmem>>
    %dma_start3A_560 = arith.constant 0 : i32
    %dma_start3A_561 = arith.constant 0 : i32
    %dma_start3A_562 = tpu.memref_slice %arg9[%dma_start3A_560, %dma_start3A_561] : memref<10240x64xf32, #tpu.memory_space<vmem_shared>> -> memref<10240x64xf32, #tpu.memory_space<vmem_shared>>
    tpu.enqueue_indirect_dma source(%dma_start3A_556 : memref<128x64xf32, #tpu.memory_space<vmem>>) target(%dma_start3A_562 : memref<10240x64xf32, #tpu.memory_space<vmem_shared>>) offsets(%dma_start3A_559 : memref<128xi32, #tpu.memory_space<vmem>>) semaphore(%arg12 : memref<!tpu.dma_semaphore, #tpu.memory_space<semaphore_mem>>) {add = true}
    %dma_start3A_563 = arith.constant 1 : i32
    %dma_start3A_564 = arith.constant 2 : i32
    %dma_start3A_565 = arith.constant 1 : i32
    %dma_start3A_566 = arith.constant 0 : i32
    %dma_start3A_567 = arith.constant 0 : i32
    %dma_start3A_568 = tpu.memref_slice %arg8[%dma_start3A_563, %dma_start3A_566, %dma_start3A_567] : memref<4x128x64xf32, #tpu.memory_space<vmem>> -> memref<1x128x64xf32, #tpu.memory_space<vmem>>
    %dma_start3A_569 = tpu.memref_squeeze %dma_start3A_568 : memref<1x128x64xf32, #tpu.memory_space<vmem>> -> memref<128x64xf32, #tpu.memory_space<vmem>>
    %dma_start3A_570 = arith.constant 0 : i32
    %dma_start3A_571 = tpu.memref_slice %arg7[%dma_start3A_564, %dma_start3A_565, %dma_start3A_570] : memref<4x2x128xi32, #tpu.memory_space<vmem>> -> memref<1x1x128xi32, #tpu.memory_space<vmem>>
    %dma_start3A_572 = tpu.memref_squeeze %dma_start3A_571 : memref<1x1x128xi32, #tpu.memory_space<vmem>> -> memref<128xi32, #tpu.memory_space<vmem>>
    %dma_start3A_573 = arith.constant 0 : i32
    %dma_start3A_574 = arith.constant 0 : i32
    %dma_start3A_575 = tpu.memref_slice %arg9[%dma_start3A_573, %dma_start3A_574] : memref<10240x64xf32, #tpu.memory_space<vmem_shared>> -> memref<10240x64xf32, #tpu.memory_space<vmem_shared>>
    tpu.enqueue_indirect_dma source(%dma_start3A_569 : memref<128x64xf32, #tpu.memory_space<vmem>>) target(%dma_start3A_575 : memref<10240x64xf32, #tpu.memory_space<vmem_shared>>) offsets(%dma_start3A_572 : memref<128xi32, #tpu.memory_space<vmem>>) semaphore(%arg12 : memref<!tpu.dma_semaphore, #tpu.memory_space<semaphore_mem>>) {add = true}
    %dma_wait3A_576 = arith.constant 0 : i32
    %dma_wait3A_577 = arith.constant 0 : i32
    %dma_wait3A_578 = arith.constant 2 : i32
    %dma_wait3A_579 = arith.constant 0 : i32
    %dma_wait3A_580 = arith.constant 0 : i32
    %dma_wait3A_581 = tpu.memref_slice %arg8[%dma_wait3A_578, %dma_wait3A_579, %dma_wait3A_580] : memref<4x128x64xf32, #tpu.memory_space<vmem>> -> memref<1x128x64xf32, #tpu.memory_space<vmem>>
    %dma_wait3A_582 = tpu.memref_squeeze %dma_wait3A_581 : memref<1x128x64xf32, #tpu.memory_space<vmem>> -> memref<128x64xf32, #tpu.memory_space<vmem>>
    %dma_wait3A_583 = arith.constant 0 : i32
    %dma_wait3A_584 = tpu.memref_slice %arg6[%dma_wait3A_576, %dma_wait3A_577, %dma_wait3A_583] : memref<4x2x128xi32, #tpu.memory_space<vmem>> -> memref<1x1x128xi32, #tpu.memory_space<vmem>>
    %dma_wait3A_585 = tpu.memref_squeeze %dma_wait3A_584 : memref<1x1x128xi32, #tpu.memory_space<vmem>> -> memref<128xi32, #tpu.memory_space<vmem>>
    %dma_wait3A_586 = arith.constant 0 : i32
    %dma_wait3A_587 = arith.constant 0 : i32
    %dma_wait3A_588 = tpu.memref_slice %arg10[%dma_wait3A_586, %dma_wait3A_587] : memref<10240x64xf32, #tpu.memory_space<vmem_shared>> -> memref<10240x64xf32, #tpu.memory_space<vmem_shared>>
    tpu.wait_indirect_dma semaphore(%arg11 : memref<!tpu.dma_semaphore, #tpu.memory_space<semaphore_mem>>) src(%dma_wait3A_588 : memref<10240x64xf32, #tpu.memory_space<vmem_shared>>) dst(%dma_wait3A_582 : memref<128x64xf32, #tpu.memory_space<vmem>>)
    %dma_wait3A_589 = arith.constant 0 : i32
    %dma_wait3A_590 = arith.constant 0 : i32
    %dma_wait3A_591 = arith.constant 3 : i32
    %dma_wait3A_592 = arith.constant 0 : i32
    %dma_wait3A_593 = arith.constant 0 : i32
    %dma_wait3A_594 = tpu.memref_slice %arg8[%dma_wait3A_591, %dma_wait3A_592, %dma_wait3A_593] : memref<4x128x64xf32, #tpu.memory_space<vmem>> -> memref<1x128x64xf32, #tpu.memory_space<vmem>>
    %dma_wait3A_595 = tpu.memref_squeeze %dma_wait3A_594 : memref<1x128x64xf32, #tpu.memory_space<vmem>> -> memref<128x64xf32, #tpu.memory_space<vmem>>
    %dma_wait3A_596 = arith.constant 0 : i32
    %dma_wait3A_597 = tpu.memref_slice %arg6[%dma_wait3A_589, %dma_wait3A_590, %dma_wait3A_596] : memref<4x2x128xi32, #tpu.memory_space<vmem>> -> memref<1x1x128xi32, #tpu.memory_space<vmem>>
    %dma_wait3A_598 = tpu.memref_squeeze %dma_wait3A_597 : memref<1x1x128xi32, #tpu.memory_space<vmem>> -> memref<128xi32, #tpu.memory_space<vmem>>
    %dma_wait3A_599 = arith.constant 0 : i32
    %dma_wait3A_600 = arith.constant 0 : i32
    %dma_wait3A_601 = tpu.memref_slice %arg10[%dma_wait3A_599, %dma_wait3A_600] : memref<10240x64xf32, #tpu.memory_space<vmem_shared>> -> memref<10240x64xf32, #tpu.memory_space<vmem_shared>>
    tpu.wait_indirect_dma semaphore(%arg11 : memref<!tpu.dma_semaphore, #tpu.memory_space<semaphore_mem>>) src(%dma_wait3A_601 : memref<10240x64xf32, #tpu.memory_space<vmem_shared>>) dst(%dma_wait3A_595 : memref<128x64xf32, #tpu.memory_space<vmem>>)
    %dma_wait3A_602 = arith.constant 0 : i32
    %dma_wait3A_603 = arith.constant 0 : i32
    %dma_wait3A_604 = arith.constant 0 : i32
    %dma_wait3A_605 = arith.constant 0 : i32
    %dma_wait3A_606 = arith.constant 0 : i32
    %dma_wait3A_607 = tpu.memref_slice %arg8[%dma_wait3A_602, %dma_wait3A_605, %dma_wait3A_606] : memref<4x128x64xf32, #tpu.memory_space<vmem>> -> memref<1x128x64xf32, #tpu.memory_space<vmem>>
    %dma_wait3A_608 = tpu.memref_squeeze %dma_wait3A_607 : memref<1x128x64xf32, #tpu.memory_space<vmem>> -> memref<128x64xf32, #tpu.memory_space<vmem>>
    %dma_wait3A_609 = arith.constant 0 : i32
    %dma_wait3A_610 = tpu.memref_slice %arg7[%dma_wait3A_603, %dma_wait3A_604, %dma_wait3A_609] : memref<4x2x128xi32, #tpu.memory_space<vmem>> -> memref<1x1x128xi32, #tpu.memory_space<vmem>>
    %dma_wait3A_611 = tpu.memref_squeeze %dma_wait3A_610 : memref<1x1x128xi32, #tpu.memory_space<vmem>> -> memref<128xi32, #tpu.memory_space<vmem>>
    %dma_wait3A_612 = arith.constant 0 : i32
    %dma_wait3A_613 = arith.constant 0 : i32
    %dma_wait3A_614 = tpu.memref_slice %arg9[%dma_wait3A_612, %dma_wait3A_613] : memref<10240x64xf32, #tpu.memory_space<vmem_shared>> -> memref<10240x64xf32, #tpu.memory_space<vmem_shared>>
    tpu.wait_indirect_dma semaphore(%arg12 : memref<!tpu.dma_semaphore, #tpu.memory_space<semaphore_mem>>) src(%dma_wait3A_608 : memref<128x64xf32, #tpu.memory_space<vmem>>) dst(%dma_wait3A_614 : memref<10240x64xf32, #tpu.memory_space<vmem_shared>>)
    %dma_wait3A_615 = arith.constant 1 : i32
    %dma_wait3A_616 = arith.constant 0 : i32
    %dma_wait3A_617 = arith.constant 0 : i32
    %dma_wait3A_618 = arith.constant 0 : i32
    %dma_wait3A_619 = arith.constant 0 : i32
    %dma_wait3A_620 = tpu.memref_slice %arg8[%dma_wait3A_615, %dma_wait3A_618, %dma_wait3A_619] : memref<4x128x64xf32, #tpu.memory_space<vmem>> -> memref<1x128x64xf32, #tpu.memory_space<vmem>>
    %dma_wait3A_621 = tpu.memref_squeeze %dma_wait3A_620 : memref<1x128x64xf32, #tpu.memory_space<vmem>> -> memref<128x64xf32, #tpu.memory_space<vmem>>
    %dma_wait3A_622 = arith.constant 0 : i32
    %dma_wait3A_623 = tpu.memref_slice %arg7[%dma_wait3A_616, %dma_wait3A_617, %dma_wait3A_622] : memref<4x2x128xi32, #tpu.memory_space<vmem>> -> memref<1x1x128xi32, #tpu.memory_space<vmem>>
    %dma_wait3A_624 = tpu.memref_squeeze %dma_wait3A_623 : memref<1x1x128xi32, #tpu.memory_space<vmem>> -> memref<128xi32, #tpu.memory_space<vmem>>
    %dma_wait3A_625 = arith.constant 0 : i32
    %dma_wait3A_626 = arith.constant 0 : i32
    %dma_wait3A_627 = tpu.memref_slice %arg9[%dma_wait3A_625, %dma_wait3A_626] : memref<10240x64xf32, #tpu.memory_space<vmem_shared>> -> memref<10240x64xf32, #tpu.memory_space<vmem_shared>>
    tpu.wait_indirect_dma semaphore(%arg12 : memref<!tpu.dma_semaphore, #tpu.memory_space<semaphore_mem>>) src(%dma_wait3A_621 : memref<128x64xf32, #tpu.memory_space<vmem>>) dst(%dma_wait3A_627 : memref<10240x64xf32, #tpu.memory_space<vmem_shared>>)
    %dma_start3A_628 = arith.constant 2 : i32
    %dma_start3A_629 = arith.constant 3 : i32
    %dma_start3A_630 = arith.constant 0 : i32
    %dma_start3A_631 = arith.constant 0 : i32
    %dma_start3A_632 = arith.constant 0 : i32
    %dma_start3A_633 = tpu.memref_slice %arg8[%dma_start3A_628, %dma_start3A_631, %dma_start3A_632] : memref<4x128x64xf32, #tpu.memory_space<vmem>> -> memref<1x128x64xf32, #tpu.memory_space<vmem>>
    %dma_start3A_634 = tpu.memref_squeeze %dma_start3A_633 : memref<1x128x64xf32, #tpu.memory_space<vmem>> -> memref<128x64xf32, #tpu.memory_space<vmem>>
    %dma_start3A_635 = arith.constant 0 : i32
    %dma_start3A_636 = tpu.memref_slice %arg7[%dma_start3A_629, %dma_start3A_630, %dma_start3A_635] : memref<4x2x128xi32, #tpu.memory_space<vmem>> -> memref<1x1x128xi32, #tpu.memory_space<vmem>>
    %dma_start3A_637 = tpu.memref_squeeze %dma_start3A_636 : memref<1x1x128xi32, #tpu.memory_space<vmem>> -> memref<128xi32, #tpu.memory_space<vmem>>
    %dma_start3A_638 = arith.constant 0 : i32
    %dma_start3A_639 = arith.constant 0 : i32
    %dma_start3A_640 = tpu.memref_slice %arg9[%dma_start3A_638, %dma_start3A_639] : memref<10240x64xf32, #tpu.memory_space<vmem_shared>> -> memref<10240x64xf32, #tpu.memory_space<vmem_shared>>
    tpu.enqueue_indirect_dma source(%dma_start3A_634 : memref<128x64xf32, #tpu.memory_space<vmem>>) target(%dma_start3A_640 : memref<10240x64xf32, #tpu.memory_space<vmem_shared>>) offsets(%dma_start3A_637 : memref<128xi32, #tpu.memory_space<vmem>>) semaphore(%arg12 : memref<!tpu.dma_semaphore, #tpu.memory_space<semaphore_mem>>) {add = true}
    %dma_start3A_641 = arith.constant 3 : i32
    %dma_start3A_642 = arith.constant 3 : i32
    %dma_start3A_643 = arith.constant 1 : i32
    %dma_start3A_644 = arith.constant 0 : i32
    %dma_start3A_645 = arith.constant 0 : i32
    %dma_start3A_646 = tpu.memref_slice %arg8[%dma_start3A_641, %dma_start3A_644, %dma_start3A_645] : memref<4x128x64xf32, #tpu.memory_space<vmem>> -> memref<1x128x64xf32, #tpu.memory_space<vmem>>
    %dma_start3A_647 = tpu.memref_squeeze %dma_start3A_646 : memref<1x128x64xf32, #tpu.memory_space<vmem>> -> memref<128x64xf32, #tpu.memory_space<vmem>>
    %dma_start3A_648 = arith.constant 0 : i32
    %dma_start3A_649 = tpu.memref_slice %arg7[%dma_start3A_642, %dma_start3A_643, %dma_start3A_648] : memref<4x2x128xi32, #tpu.memory_space<vmem>> -> memref<1x1x128xi32, #tpu.memory_space<vmem>>
    %dma_start3A_650 = tpu.memref_squeeze %dma_start3A_649 : memref<1x1x128xi32, #tpu.memory_space<vmem>> -> memref<128xi32, #tpu.memory_space<vmem>>
    %dma_start3A_651 = arith.constant 0 : i32
    %dma_start3A_652 = arith.constant 0 : i32
    %dma_start3A_653 = tpu.memref_slice %arg9[%dma_start3A_651, %dma_start3A_652] : memref<10240x64xf32, #tpu.memory_space<vmem_shared>> -> memref<10240x64xf32, #tpu.memory_space<vmem_shared>>
    tpu.enqueue_indirect_dma source(%dma_start3A_647 : memref<128x64xf32, #tpu.memory_space<vmem>>) target(%dma_start3A_653 : memref<10240x64xf32, #tpu.memory_space<vmem_shared>>) offsets(%dma_start3A_650 : memref<128xi32, #tpu.memory_space<vmem>>) semaphore(%arg12 : memref<!tpu.dma_semaphore, #tpu.memory_space<semaphore_mem>>) {add = true}
    %dma_wait3A_654 = arith.constant 2 : i32
    %dma_wait3A_655 = arith.constant 0 : i32
    %dma_wait3A_656 = arith.constant 0 : i32
    %dma_wait3A_657 = arith.constant 0 : i32
    %dma_wait3A_658 = arith.constant 0 : i32
    %dma_wait3A_659 = tpu.memref_slice %arg8[%dma_wait3A_654, %dma_wait3A_657, %dma_wait3A_658] : memref<4x128x64xf32, #tpu.memory_space<vmem>> -> memref<1x128x64xf32, #tpu.memory_space<vmem>>
    %dma_wait3A_660 = tpu.memref_squeeze %dma_wait3A_659 : memref<1x128x64xf32, #tpu.memory_space<vmem>> -> memref<128x64xf32, #tpu.memory_space<vmem>>
    %dma_wait3A_661 = arith.constant 0 : i32
    %dma_wait3A_662 = tpu.memref_slice %arg7[%dma_wait3A_655, %dma_wait3A_656, %dma_wait3A_661] : memref<4x2x128xi32, #tpu.memory_space<vmem>> -> memref<1x1x128xi32, #tpu.memory_space<vmem>>
    %dma_wait3A_663 = tpu.memref_squeeze %dma_wait3A_662 : memref<1x1x128xi32, #tpu.memory_space<vmem>> -> memref<128xi32, #tpu.memory_space<vmem>>
    %dma_wait3A_664 = arith.constant 0 : i32
    %dma_wait3A_665 = arith.constant 0 : i32
    %dma_wait3A_666 = tpu.memref_slice %arg9[%dma_wait3A_664, %dma_wait3A_665] : memref<10240x64xf32, #tpu.memory_space<vmem_shared>> -> memref<10240x64xf32, #tpu.memory_space<vmem_shared>>
    tpu.wait_indirect_dma semaphore(%arg12 : memref<!tpu.dma_semaphore, #tpu.memory_space<semaphore_mem>>) src(%dma_wait3A_660 : memref<128x64xf32, #tpu.memory_space<vmem>>) dst(%dma_wait3A_666 : memref<10240x64xf32, #tpu.memory_space<vmem_shared>>)
    %dma_wait3A_667 = arith.constant 3 : i32
    %dma_wait3A_668 = arith.constant 0 : i32
    %dma_wait3A_669 = arith.constant 0 : i32
    %dma_wait3A_670 = arith.constant 0 : i32
    %dma_wait3A_671 = arith.constant 0 : i32
    %dma_wait3A_672 = tpu.memref_slice %arg8[%dma_wait3A_667, %dma_wait3A_670, %dma_wait3A_671] : memref<4x128x64xf32, #tpu.memory_space<vmem>> -> memref<1x128x64xf32, #tpu.memory_space<vmem>>
    %dma_wait3A_673 = tpu.memref_squeeze %dma_wait3A_672 : memref<1x128x64xf32, #tpu.memory_space<vmem>> -> memref<128x64xf32, #tpu.memory_space<vmem>>
    %dma_wait3A_674 = arith.constant 0 : i32
    %dma_wait3A_675 = tpu.memref_slice %arg7[%dma_wait3A_668, %dma_wait3A_669, %dma_wait3A_674] : memref<4x2x128xi32, #tpu.memory_space<vmem>> -> memref<1x1x128xi32, #tpu.memory_space<vmem>>
    %dma_wait3A_676 = tpu.memref_squeeze %dma_wait3A_675 : memref<1x1x128xi32, #tpu.memory_space<vmem>> -> memref<128xi32, #tpu.memory_space<vmem>>
    %dma_wait3A_677 = arith.constant 0 : i32
    %dma_wait3A_678 = arith.constant 0 : i32
    %dma_wait3A_679 = tpu.memref_slice %arg9[%dma_wait3A_677, %dma_wait3A_678] : memref<10240x64xf32, #tpu.memory_space<vmem_shared>> -> memref<10240x64xf32, #tpu.memory_space<vmem_shared>>
    tpu.wait_indirect_dma semaphore(%arg12 : memref<!tpu.dma_semaphore, #tpu.memory_space<semaphore_mem>>) src(%dma_wait3A_673 : memref<128x64xf32, #tpu.memory_space<vmem>>) dst(%dma_wait3A_679 : memref<10240x64xf32, #tpu.memory_space<vmem_shared>>)
    %barrier3A_680 = arith.constant 0 : index
    tpu.barrier barrier_id(%barrier3A_680)
    %mul3A_681 = arith.constant 640 : i32
    %mul3A_682 = arith.muli %arg1, %mul3A_681 : i32
    %add3A_683 = arith.constant 0 : i32
    %add3A_684 = arith.addi %mul3A_682, %add3A_683 : i32
    "tpu.region"() ({
      %run_scoped3A_701 = tpu.sem_alloc : memref<!tpu.dma_semaphore, #tpu.memory_space<semaphore_mem>>
      %dma_start3A_702 = arith.constant 0 : i32
      %dma_start3A_703 = tpu.memref_slice %arg5[%arg0, %add3A_684, %dma_start3A_702] : memref<2x10240x64xf32, #tpu.memory_space<hbm>> -> memref<1x128x64xf32, #tpu.memory_space<hbm>>
      %dma_start3A_704 = tpu.memref_squeeze %dma_start3A_703 : memref<1x128x64xf32, #tpu.memory_space<hbm>> -> memref<128x64xf32, #tpu.memory_space<hbm>>
      %dma_start3A_705 = arith.constant 0 : i32
      %dma_start3A_706 = tpu.memref_slice %arg9[%add3A_684, %dma_start3A_705] : memref<10240x64xf32, #tpu.memory_space<vmem_shared>> -> memref<128x64xf32, #tpu.memory_space<vmem_shared>>
      tpu.enqueue_dma source(%dma_start3A_706 : memref<128x64xf32, #tpu.memory_space<vmem_shared>>) target(%dma_start3A_704 : memref<128x64xf32, #tpu.memory_space<hbm>>) target_semaphore(%run_scoped3A_701 : memref<!tpu.dma_semaphore, #tpu.memory_space<semaphore_mem>>)
      %dma_wait3A_707 = arith.constant 0 : i32
      %dma_wait3A_708 = tpu.memref_slice %arg5[%arg0, %add3A_684, %dma_wait3A_707] : memref<2x10240x64xf32, #tpu.memory_space<hbm>> -> memref<1x128x64xf32, #tpu.memory_space<hbm>>
      %dma_wait3A_709 = tpu.memref_squeeze %dma_wait3A_708 : memref<1x128x64xf32, #tpu.memory_space<hbm>> -> memref<128x64xf32, #tpu.memory_space<hbm>>
      %dma_wait3A_710 = arith.constant 0 : i32
      %dma_wait3A_711 = tpu.memref_slice %arg9[%add3A_684, %dma_wait3A_710] : memref<10240x64xf32, #tpu.memory_space<vmem_shared>> -> memref<128x64xf32, #tpu.memory_space<vmem_shared>>
      tpu.wait_dma2 semaphore(%run_scoped3A_701 : memref<!tpu.dma_semaphore, #tpu.memory_space<semaphore_mem>>) src(%dma_wait3A_711 : memref<128x64xf32, #tpu.memory_space<vmem_shared>>) dst(%dma_wait3A_709 : memref<128x64xf32, #tpu.memory_space<hbm>>)
      tpu.yield
    }) : () -> ()
    %mul3A_685 = arith.constant 640 : i32
    %mul3A_686 = arith.muli %arg1, %mul3A_685 : i32
    %add3A_687 = arith.constant 128 : i32
    %add3A_688 = arith.addi %mul3A_686, %add3A_687 : i32
    "tpu.region"() ({
      %run_scoped3A_701 = tpu.sem_alloc : memref<!tpu.dma_semaphore, #tpu.memory_space<semaphore_mem>>
      %dma_start3A_702 = arith.constant 0 : i32
      %dma_start3A_703 = tpu.memref_slice %arg5[%arg0, %add3A_688, %dma_start3A_702] : memref<2x10240x64xf32, #tpu.memory_space<hbm>> -> memref<1x128x64xf32, #tpu.memory_space<hbm>>
      %dma_start3A_704 = tpu.memref_squeeze %dma_start3A_703 : memref<1x128x64xf32, #tpu.memory_space<hbm>> -> memref<128x64xf32, #tpu.memory_space<hbm>>
      %dma_start3A_705 = arith.constant 0 : i32
      %dma_start3A_706 = tpu.memref_slice %arg9[%add3A_688, %dma_start3A_705] : memref<10240x64xf32, #tpu.memory_space<vmem_shared>> -> memref<128x64xf32, #tpu.memory_space<vmem_shared>>
      tpu.enqueue_dma source(%dma_start3A_706 : memref<128x64xf32, #tpu.memory_space<vmem_shared>>) target(%dma_start3A_704 : memref<128x64xf32, #tpu.memory_space<hbm>>) target_semaphore(%run_scoped3A_701 : memref<!tpu.dma_semaphore, #tpu.memory_space<semaphore_mem>>)
      %dma_wait3A_707 = arith.constant 0 : i32
      %dma_wait3A_708 = tpu.memref_slice %arg5[%arg0, %add3A_688, %dma_wait3A_707] : memref<2x10240x64xf32, #tpu.memory_space<hbm>> -> memref<1x128x64xf32, #tpu.memory_space<hbm>>
      %dma_wait3A_709 = tpu.memref_squeeze %dma_wait3A_708 : memref<1x128x64xf32, #tpu.memory_space<hbm>> -> memref<128x64xf32, #tpu.memory_space<hbm>>
      %dma_wait3A_710 = arith.constant 0 : i32
      %dma_wait3A_711 = tpu.memref_slice %arg9[%add3A_688, %dma_wait3A_710] : memref<10240x64xf32, #tpu.memory_space<vmem_shared>> -> memref<128x64xf32, #tpu.memory_space<vmem_shared>>
      tpu.wait_dma2 semaphore(%run_scoped3A_701 : memref<!tpu.dma_semaphore, #tpu.memory_space<semaphore_mem>>) src(%dma_wait3A_711 : memref<128x64xf32, #tpu.memory_space<vmem_shared>>) dst(%dma_wait3A_709 : memref<128x64xf32, #tpu.memory_space<hbm>>)
      tpu.yield
    }) : () -> ()
    %mul3A_689 = arith.constant 640 : i32
    %mul3A_690 = arith.muli %arg1, %mul3A_689 : i32
    %add3A_691 = arith.constant 256 : i32
    %add3A_692 = arith.addi %mul3A_690, %add3A_691 : i32
    "tpu.region"() ({
      %run_scoped3A_701 = tpu.sem_alloc : memref<!tpu.dma_semaphore, #tpu.memory_space<semaphore_mem>>
      %dma_start3A_702 = arith.constant 0 : i32
      %dma_start3A_703 = tpu.memref_slice %arg5[%arg0, %add3A_692, %dma_start3A_702] : memref<2x10240x64xf32, #tpu.memory_space<hbm>> -> memref<1x128x64xf32, #tpu.memory_space<hbm>>
      %dma_start3A_704 = tpu.memref_squeeze %dma_start3A_703 : memref<1x128x64xf32, #tpu.memory_space<hbm>> -> memref<128x64xf32, #tpu.memory_space<hbm>>
      %dma_start3A_705 = arith.constant 0 : i32
      %dma_start3A_706 = tpu.memref_slice %arg9[%add3A_692, %dma_start3A_705] : memref<10240x64xf32, #tpu.memory_space<vmem_shared>> -> memref<128x64xf32, #tpu.memory_space<vmem_shared>>
      tpu.enqueue_dma source(%dma_start3A_706 : memref<128x64xf32, #tpu.memory_space<vmem_shared>>) target(%dma_start3A_704 : memref<128x64xf32, #tpu.memory_space<hbm>>) target_semaphore(%run_scoped3A_701 : memref<!tpu.dma_semaphore, #tpu.memory_space<semaphore_mem>>)
      %dma_wait3A_707 = arith.constant 0 : i32
      %dma_wait3A_708 = tpu.memref_slice %arg5[%arg0, %add3A_692, %dma_wait3A_707] : memref<2x10240x64xf32, #tpu.memory_space<hbm>> -> memref<1x128x64xf32, #tpu.memory_space<hbm>>
      %dma_wait3A_709 = tpu.memref_squeeze %dma_wait3A_708 : memref<1x128x64xf32, #tpu.memory_space<hbm>> -> memref<128x64xf32, #tpu.memory_space<hbm>>
      %dma_wait3A_710 = arith.constant 0 : i32
      %dma_wait3A_711 = tpu.memref_slice %arg9[%add3A_692, %dma_wait3A_710] : memref<10240x64xf32, #tpu.memory_space<vmem_shared>> -> memref<128x64xf32, #tpu.memory_space<vmem_shared>>
      tpu.wait_dma2 semaphore(%run_scoped3A_701 : memref<!tpu.dma_semaphore, #tpu.memory_space<semaphore_mem>>) src(%dma_wait3A_711 : memref<128x64xf32, #tpu.memory_space<vmem_shared>>) dst(%dma_wait3A_709 : memref<128x64xf32, #tpu.memory_space<hbm>>)
      tpu.yield
    }) : () -> ()
    %mul3A_693 = arith.constant 640 : i32
    %mul3A_694 = arith.muli %arg1, %mul3A_693 : i32
    %add3A_695 = arith.constant 384 : i32
    %add3A_696 = arith.addi %mul3A_694, %add3A_695 : i32
    "tpu.region"() ({
      %run_scoped3A_701 = tpu.sem_alloc : memref<!tpu.dma_semaphore, #tpu.memory_space<semaphore_mem>>
      %dma_start3A_702 = arith.constant 0 : i32
      %dma_start3A_703 = tpu.memref_slice %arg5[%arg0, %add3A_696, %dma_start3A_702] : memref<2x10240x64xf32, #tpu.memory_space<hbm>> -> memref<1x128x64xf32, #tpu.memory_space<hbm>>
      %dma_start3A_704 = tpu.memref_squeeze %dma_start3A_703 : memref<1x128x64xf32, #tpu.memory_space<hbm>> -> memref<128x64xf32, #tpu.memory_space<hbm>>
      %dma_start3A_705 = arith.constant 0 : i32
      %dma_start3A_706 = tpu.memref_slice %arg9[%add3A_696, %dma_start3A_705] : memref<10240x64xf32, #tpu.memory_space<vmem_shared>> -> memref<128x64xf32, #tpu.memory_space<vmem_shared>>
      tpu.enqueue_dma source(%dma_start3A_706 : memref<128x64xf32, #tpu.memory_space<vmem_shared>>) target(%dma_start3A_704 : memref<128x64xf32, #tpu.memory_space<hbm>>) target_semaphore(%run_scoped3A_701 : memref<!tpu.dma_semaphore, #tpu.memory_space<semaphore_mem>>)
      %dma_wait3A_707 = arith.constant 0 : i32
      %dma_wait3A_708 = tpu.memref_slice %arg5[%arg0, %add3A_696, %dma_wait3A_707] : memref<2x10240x64xf32, #tpu.memory_space<hbm>> -> memref<1x128x64xf32, #tpu.memory_space<hbm>>
      %dma_wait3A_709 = tpu.memref_squeeze %dma_wait3A_708 : memref<1x128x64xf32, #tpu.memory_space<hbm>> -> memref<128x64xf32, #tpu.memory_space<hbm>>
      %dma_wait3A_710 = arith.constant 0 : i32
      %dma_wait3A_711 = tpu.memref_slice %arg9[%add3A_696, %dma_wait3A_710] : memref<10240x64xf32, #tpu.memory_space<vmem_shared>> -> memref<128x64xf32, #tpu.memory_space<vmem_shared>>
      tpu.wait_dma2 semaphore(%run_scoped3A_701 : memref<!tpu.dma_semaphore, #tpu.memory_space<semaphore_mem>>) src(%dma_wait3A_711 : memref<128x64xf32, #tpu.memory_space<vmem_shared>>) dst(%dma_wait3A_709 : memref<128x64xf32, #tpu.memory_space<hbm>>)
      tpu.yield
    }) : () -> ()
    %mul3A_697 = arith.constant 640 : i32
    %mul3A_698 = arith.muli %arg1, %mul3A_697 : i32
    %add3A_699 = arith.constant 512 : i32
    %add3A_700 = arith.addi %mul3A_698, %add3A_699 : i32
    "tpu.region"() ({
      %run_scoped3A_701 = tpu.sem_alloc : memref<!tpu.dma_semaphore, #tpu.memory_space<semaphore_mem>>
      %dma_start3A_702 = arith.constant 0 : i32
      %dma_start3A_703 = tpu.memref_slice %arg5[%arg0, %add3A_700, %dma_start3A_702] : memref<2x10240x64xf32, #tpu.memory_space<hbm>> -> memref<1x128x64xf32, #tpu.memory_space<hbm>>
      %dma_start3A_704 = tpu.memref_squeeze %dma_start3A_703 : memref<1x128x64xf32, #tpu.memory_space<hbm>> -> memref<128x64xf32, #tpu.memory_space<hbm>>
      %dma_start3A_705 = arith.constant 0 : i32
      %dma_start3A_706 = tpu.memref_slice %arg9[%add3A_700, %dma_start3A_705] : memref<10240x64xf32, #tpu.memory_space<vmem_shared>> -> memref<128x64xf32, #tpu.memory_space<vmem_shared>>
      tpu.enqueue_dma source(%dma_start3A_706 : memref<128x64xf32, #tpu.memory_space<vmem_shared>>) target(%dma_start3A_704 : memref<128x64xf32, #tpu.memory_space<hbm>>) target_semaphore(%run_scoped3A_701 : memref<!tpu.dma_semaphore, #tpu.memory_space<semaphore_mem>>)
      %dma_wait3A_707 = arith.constant 0 : i32
      %dma_wait3A_708 = tpu.memref_slice %arg5[%arg0, %add3A_700, %dma_wait3A_707] : memref<2x10240x64xf32, #tpu.memory_space<hbm>> -> memref<1x128x64xf32, #tpu.memory_space<hbm>>
      %dma_wait3A_709 = tpu.memref_squeeze %dma_wait3A_708 : memref<1x128x64xf32, #tpu.memory_space<hbm>> -> memref<128x64xf32, #tpu.memory_space<hbm>>
      %dma_wait3A_710 = arith.constant 0 : i32
      %dma_wait3A_711 = tpu.memref_slice %arg9[%add3A_700, %dma_wait3A_710] : memref<10240x64xf32, #tpu.memory_space<vmem_shared>> -> memref<128x64xf32, #tpu.memory_space<vmem_shared>>
      tpu.wait_dma2 semaphore(%run_scoped3A_701 : memref<!tpu.dma_semaphore, #tpu.memory_space<semaphore_mem>>) src(%dma_wait3A_711 : memref<128x64xf32, #tpu.memory_space<vmem_shared>>) dst(%dma_wait3A_709 : memref<128x64xf32, #tpu.memory_space<hbm>>)
      tpu.yield
    }) : () -> ()
    return
  }
}

module attributes {stable_mosaic.version = 14 : i64} {
  func.func @_prep_body(%arg0: i32, %arg1: memref<1x1000x1xf32, #tpu.memory_space<vmem>>, %arg2: memref<1x1000x1xf32, #tpu.memory_space<vmem>>, %arg3: memref<1000x128xf32, #tpu.memory_space<vmem>>, %arg4: memref<2x1000x64xf32, #tpu.memory_space<vmem>>, %arg5: memref<1000x1xf32, #tpu.memory_space<vmem>>) attributes {dimension_semantics = [#tpu.dimension_semantics<arbitrary>], iteration_bounds = array<i64: 10>, scalar_prefetch = 0 : i64, scratch_operands = 0 : i64, tpu.core_type = #tpu.core_type<tc>, window_params = [{transform_indices = @transform_0, window_bounds = array<i64: 1, 1000, 1>}, {transform_indices = @transform_1, window_bounds = array<i64: 1, 1000, 1>}, {transform_indices = @transform_2, window_bounds = array<i64: 1000, 128>}, {transform_indices = @transform_3, window_bounds = array<i64: 2, 1000, 64>}, {transform_indices = @transform_4, window_bounds = array<i64: 1000, 1>}]} {
    %get3A = arith.constant 0 : index
    %get3A_0 = arith.constant 0 : index
    %get3A_1 = arith.constant 0 : index
    %get3A_2 = vector.load %arg1[%get3A, %get3A_0, %get3A_1] : memref<1x1000x1xf32, #tpu.memory_space<vmem>>, vector<1x1000x1xf32>
    %get3A_3 = vector.shape_cast %get3A_2 : vector<1x1000x1xf32> to vector<1000x1xf32>
    %get3A_4 = arith.constant 0 : index
    %get3A_5 = arith.constant 0 : index
    %get3A_6 = arith.constant 0 : index
    %get3A_7 = vector.load %arg2[%get3A_4, %get3A_5, %get3A_6] : memref<1x1000x1xf32, #tpu.memory_space<vmem>>, vector<1x1000x1xf32>
    %get3A_8 = vector.shape_cast %get3A_7 : vector<1x1000x1xf32> to vector<1000x1xf32>
    %add3A = arith.addf %get3A_3, %get3A_8 : vector<1000x1xf32>
    %add3A_9 = arith.constant 1.000000e+00 : f32
    %add3A_10 = vector.broadcast %add3A_9 : f32 to vector<1000x1xf32>
    %add3A_11 = arith.addf %add3A, %add3A_10 : vector<1000x1xf32>
    %rsqrt3A = math.rsqrt %add3A_11 : vector<1000x1xf32>
    %swap3A = arith.constant 0 : index
    %swap3A_12 = arith.constant 0 : index
    %swap3A_13 = vector.load %arg5[%swap3A, %swap3A_12] : memref<1000x1xf32, #tpu.memory_space<vmem>>, vector<1000x1xf32>
    tpu.vector_store %arg5[%swap3A, %swap3A_12], %rsqrt3A {strides = array<i32>} : memref<1000x1xf32, #tpu.memory_space<vmem>>, vector<1000x1xf32>,
    %get3A_14 = arith.constant 0 : index
    %get3A_15 = arith.constant 0 : index
    %get3A_16 = vector.load %arg3[%get3A_14, %get3A_15] : memref<1000x128xf32, #tpu.memory_space<vmem>>, vector<1000x128xf32>
    %mul3A = vector.broadcast %rsqrt3A : vector<1000x1xf32> to vector<1000x128xf32>
    %mul3A_17 = arith.mulf %get3A_16, %mul3A : vector<1000x128xf32>
    %slice3A = vector.extract_strided_slice %mul3A_17 {offsets = [0, 0], sizes = [1000, 64], strides = [1, 1]} : vector<1000x128xf32> to vector<1000x64xf32>
    %swap3A_18 = arith.constant 0 : index
    %swap3A_19 = arith.constant 0 : index
    %swap3A_20 = arith.constant 0 : index
    %swap3A_21 = vector.load %arg4[%swap3A_18, %swap3A_19, %swap3A_20] : memref<2x1000x64xf32, #tpu.memory_space<vmem>>, vector<1x1000x64xf32>
    %swap3A_22 = vector.shape_cast %swap3A_21 : vector<1x1000x64xf32> to vector<1000x64xf32>
    %swap3A_23 = vector.shape_cast %slice3A : vector<1000x64xf32> to vector<1x1000x64xf32>
    tpu.vector_store %arg4[%swap3A_18, %swap3A_19, %swap3A_20], %swap3A_23 {strides = array<i32>} : memref<2x1000x64xf32, #tpu.memory_space<vmem>>, vector<1x1000x64xf32>,
    %slice3A_24 = vector.extract_strided_slice %mul3A_17 {offsets = [0, 64], sizes = [1000, 64], strides = [1, 1]} : vector<1000x128xf32> to vector<1000x64xf32>
    %swap3A_25 = arith.constant 1 : index
    %swap3A_26 = arith.constant 0 : index
    %swap3A_27 = arith.constant 0 : index
    %swap3A_28 = vector.load %arg4[%swap3A_25, %swap3A_26, %swap3A_27] : memref<2x1000x64xf32, #tpu.memory_space<vmem>>, vector<1x1000x64xf32>
    %swap3A_29 = vector.shape_cast %swap3A_28 : vector<1x1000x64xf32> to vector<1000x64xf32>
    %swap3A_30 = vector.shape_cast %slice3A_24 : vector<1000x64xf32> to vector<1x1000x64xf32>
    tpu.vector_store %arg4[%swap3A_25, %swap3A_26, %swap3A_27], %swap3A_30 {strides = array<i32>} : memref<2x1000x64xf32, #tpu.memory_space<vmem>>, vector<1x1000x64xf32>,
    return
  }
  func.func @transform_0(%arg0: i32) -> (i32, i32, i32) {
    %c0_i32 = arith.constant 0 : i32
    %c0_i32_0 = arith.constant 0 : i32
    %c0_i32_1 = arith.constant 0 : i32
    return %c0_i32, %arg0, %c0_i32_0 : i32, i32, i32
  }
  func.func @transform_1(%arg0: i32) -> (i32, i32, i32) {
    %c1_i32 = arith.constant 1 : i32
    %c0_i32 = arith.constant 0 : i32
    %c0_i32_0 = arith.constant 0 : i32
    return %c1_i32, %arg0, %c0_i32 : i32, i32, i32
  }
  func.func @transform_2(%arg0: i32) -> (i32, i32) {
    %c0_i32 = arith.constant 0 : i32
    %c0_i32_0 = arith.constant 0 : i32
    return %arg0, %c0_i32 : i32, i32
  }
  func.func @transform_3(%arg0: i32) -> (i32, i32, i32) {
    %c0_i32 = arith.constant 0 : i32
    %c0_i32_0 = arith.constant 0 : i32
    %c0_i32_1 = arith.constant 0 : i32
    return %c0_i32, %arg0, %c0_i32_0 : i32, i32, i32
  }
  func.func @transform_4(%arg0: i32) -> (i32, i32) {
    %c0_i32 = arith.constant 0 : i32
    %c0_i32_0 = arith.constant 0 : i32
    return %arg0, %c0_i32 : i32, i32
  }
}

module attributes {stable_mosaic.version = 14 : i64} {
  func.func @_l1_body(%arg0: i32, %arg1: i32, %arg2: memref<1000x1xf32, #tpu.memory_space<vmem>>, %arg3: memref<1x1000x64xf32, #tpu.memory_space<vmem>>, %arg4: memref<1x1000x64xf32, #tpu.memory_space<vmem>>, %arg5: memref<1x1000x64xf32, #tpu.memory_space<vmem>>, %arg6: memref<1x1000x64xf32, #tpu.memory_space<vmem>>, %arg7: memref<128x256xf32, #tpu.memory_space<vmem>>, %arg8: memref<1x256xf32, #tpu.memory_space<vmem>>, %arg9: memref<1x256xf32, #tpu.memory_space<vmem>>, %arg10: memref<1x256xf32, #tpu.memory_space<vmem>>, %arg11: memref<1x256xf32, #tpu.memory_space<vmem>>, %arg12: memref<256x128xf32, #tpu.memory_space<vmem>>, %arg13: memref<2x1000x64xf32, #tpu.memory_space<vmem>>, %arg14: memref<10000x256xf32, #tpu.memory_space<vmem>>, %arg15: memref<1x256xf32, #tpu.memory_space<vmem>>, %arg16: memref<1x256xf32, #tpu.memory_space<vmem>>) attributes {dimension_semantics = [#tpu.dimension_semantics<arbitrary>, #tpu.dimension_semantics<arbitrary>], iteration_bounds = array<i64: 2, 10>, scalar_prefetch = 0 : i64, scratch_operands = 3 : i64, tpu.core_type = #tpu.core_type<tc>, window_params = [{transform_indices = @transform_0, window_bounds = array<i64: 1000, 1>}, {transform_indices = @transform_1, window_bounds = array<i64: 1, 1000, 64>}, {transform_indices = @transform_2, window_bounds = array<i64: 1, 1000, 64>}, {transform_indices = @transform_3, window_bounds = array<i64: 1, 1000, 64>}, {transform_indices = @transform_4, window_bounds = array<i64: 1, 1000, 64>}, {pipeline_mode = #tpu.pipeline_mode<synchronous>, transform_indices = @transform_5, window_bounds = array<i64: 128, 256>}, {pipeline_mode = #tpu.pipeline_mode<synchronous>, transform_indices = @transform_6, window_bounds = array<i64: 1, 256>}, {pipeline_mode = #tpu.pipeline_mode<synchronous>, transform_indices = @transform_7, window_bounds = array<i64: 1, 256>}, {pipeline_mode = #tpu.pipeline_mode<synchronous>, transform_indices = @transform_8, window_bounds = array<i64: 1, 256>}, {pipeline_mode = #tpu.pipeline_mode<synchronous>, transform_indices = @transform_9, window_bounds = array<i64: 1, 256>}, {pipeline_mode = #tpu.pipeline_mode<synchronous>, transform_indices = @transform_10, window_bounds = array<i64: 256, 128>}, {transform_indices = @transform_11, window_bounds = array<i64: 2, 1000, 64>}]} {
    %eq3A = arith.constant 0 : i32
    %eq3A_0 = arith.cmpi eq, %arg0, %eq3A : i32
    %convert_element_type3A = arith.extui %eq3A_0 : i1 to i32
    %cond3A = arith.constant 0 : i32
    %cond3A_1 = arith.cmpi ne, %convert_element_type3A, %cond3A : i32
    scf.if %cond3A_1 {
      %get3A = arith.constant 0 : index
      %get3A_7 = arith.constant 0 : index
      %get3A_8 = arith.constant 0 : index
      %get3A_9 = vector.load %arg3[%get3A, %get3A_7, %get3A_8] : memref<1x1000x64xf32, #tpu.memory_space<vmem>>, vector<1x1000x64xf32>
      %get3A_10 = vector.shape_cast %get3A_9 : vector<1x1000x64xf32> to vector<1000x64xf32>
      %get3A_11 = arith.constant 0 : index
      %get3A_12 = arith.constant 0 : index
      %get3A_13 = arith.constant 0 : index
      %get3A_14 = vector.load %arg5[%get3A_11, %get3A_12, %get3A_13] : memref<1x1000x64xf32, #tpu.memory_space<vmem>>, vector<1x1000x64xf32>
      %get3A_15 = vector.shape_cast %get3A_14 : vector<1x1000x64xf32> to vector<1000x64xf32>
      %add3A = arith.addf %get3A_10, %get3A_15 : vector<1000x64xf32>
      %get3A_16 = arith.constant 0 : index
      %get3A_17 = arith.constant 0 : index
      %get3A_18 = arith.constant 0 : index
      %get3A_19 = vector.load %arg4[%get3A_16, %get3A_17, %get3A_18] : memref<1x1000x64xf32, #tpu.memory_space<vmem>>, vector<1x1000x64xf32>
      %get3A_20 = vector.shape_cast %get3A_19 : vector<1x1000x64xf32> to vector<1000x64xf32>
      %get3A_21 = arith.constant 0 : index
      %get3A_22 = arith.constant 0 : index
      %get3A_23 = arith.constant 0 : index
      %get3A_24 = vector.load %arg6[%get3A_21, %get3A_22, %get3A_23] : memref<1x1000x64xf32, #tpu.memory_space<vmem>>, vector<1x1000x64xf32>
      %get3A_25 = vector.shape_cast %get3A_24 : vector<1x1000x64xf32> to vector<1000x64xf32>
      %add3A_26 = arith.addf %get3A_20, %get3A_25 : vector<1000x64xf32>
      %concatenate3A = tpu.concatenate %add3A, %add3A_26 in 1 : vector<1000x64xf32>, vector<1000x64xf32> -> vector<1000x128xf32>
      %get3A_27 = arith.constant 0 : index
      %get3A_28 = arith.constant 0 : index
      %get3A_29 = vector.load %arg2[%get3A_27, %get3A_28] : memref<1000x1xf32, #tpu.memory_space<vmem>>, vector<1000x1xf32>
      %mul3A = vector.broadcast %get3A_29 : vector<1000x1xf32> to vector<1000x128xf32>
      %mul3A_30 = arith.mulf %concatenate3A, %mul3A : vector<1000x128xf32>
      %get3A_31 = arith.constant 0 : index
      %get3A_32 = arith.constant 0 : index
      %get3A_33 = vector.load %arg7[%get3A_31, %get3A_32] : memref<128x256xf32, #tpu.memory_space<vmem>>, vector<128x256xf32>
      %dot_general3A = arith.constant dense<0.000000e+00> : vector<1000x256xf32>
      %dot_general3A_34 = tpu.matmul %mul3A_30, %get3A_33, %dot_general3A {dimension_numbers = #tpu.dot_dimension_numbers<[1], [0], [0], [1], [0, 0, 1, 1], [], []>, transpose_lhs_hint = false} : vector<1000x128xf32>, vector<128x256xf32>, vector<1000x256xf32> -> vector<1000x256xf32>
      %get3A_35 = arith.constant 0 : index
      %get3A_36 = arith.constant 0 : index
      %get3A_37 = vector.load %arg8[%get3A_35, %get3A_36] : memref<1x256xf32, #tpu.memory_space<vmem>>, vector<1x256xf32>
      %add3A_38 = vector.broadcast %get3A_37 : vector<1x256xf32> to vector<1000x256xf32>
      %add3A_39 = arith.addf %dot_general3A_34, %add3A_38 : vector<1000x256xf32>
      %mul3A_40 = arith.constant 1000 : i32
      %mul3A_41 = arith.muli %arg1, %mul3A_40 : i32
      %swap3A = arith.index_cast %mul3A_41 : i32 to index
      %swap3A_42 = arith.constant 0 : index
      %swap3A_43 = vector.load %arg14[%swap3A, %swap3A_42] : memref<10000x256xf32, #tpu.memory_space<vmem>>, vector<1000x256xf32>
      tpu.vector_store %arg14[%swap3A, %swap3A_42], %add3A_39 {strides = array<i32>} : memref<10000x256xf32, #tpu.memory_space<vmem>>, vector<1000x256xf32>,
      %eq3A_44 = arith.constant 0 : i32
      %eq3A_45 = arith.cmpi eq, %arg1, %eq3A_44 : i32
      %convert_element_type3A_46 = arith.extui %eq3A_45 : i1 to i32
      %cond3A_47 = arith.constant 0 : i32
      %cond3A_48 = arith.cmpi ne, %convert_element_type3A_46, %cond3A_47 : i32
      scf.if %cond3A_48 {
        %broadcast_in_dim3A_68 = arith.constant 0.000000e+00 : f32
        %broadcast_in_dim3A_69 = vector.broadcast %broadcast_in_dim3A_68 : f32 to vector<1x256xf32>
        %swap3A_70 = arith.constant 0 : index
        %swap3A_71 = arith.constant 0 : index
        %swap3A_72 = vector.load %arg15[%swap3A_70, %swap3A_71] : memref<1x256xf32, #tpu.memory_space<vmem>>, vector<1x256xf32>
        tpu.vector_store %arg15[%swap3A_70, %swap3A_71], %broadcast_in_dim3A_69 {strides = array<i32>} : memref<1x256xf32, #tpu.memory_space<vmem>>, vector<1x256xf32>,
        %broadcast_in_dim3A_73 = arith.constant 0.000000e+00 : f32
        %broadcast_in_dim3A_74 = vector.broadcast %broadcast_in_dim3A_73 : f32 to vector<1x256xf32>
        %swap3A_75 = arith.constant 0 : index
        %swap3A_76 = arith.constant 0 : index
        %swap3A_77 = vector.load %arg16[%swap3A_75, %swap3A_76] : memref<1x256xf32, #tpu.memory_space<vmem>>, vector<1x256xf32>
        tpu.vector_store %arg16[%swap3A_75, %swap3A_76], %broadcast_in_dim3A_74 {strides = array<i32>} : memref<1x256xf32, #tpu.memory_space<vmem>>, vector<1x256xf32>,
      } else {
      }
      %get3A_49 = arith.constant 0 : index
      %get3A_50 = arith.constant 0 : index
      %get3A_51 = vector.load %arg15[%get3A_49, %get3A_50] : memref<1x256xf32, #tpu.memory_space<vmem>>, vector<1x256xf32>
      %reduce_sum3A = arith.constant dense<0.000000e+00> : vector<256xf32>
      %reduce_sum3A_52 = vector.multi_reduction <add>, %add3A_39, %reduce_sum3A [0] : vector<1000x256xf32> to vector<256xf32>
      %broadcast_in_dim3A = vector.shape_cast %reduce_sum3A_52 : vector<256xf32> to vector<1x256xf32>
      %add3A_53 = arith.addf %get3A_51, %broadcast_in_dim3A : vector<1x256xf32>
      %swap3A_54 = arith.constant 0 : index
      %swap3A_55 = arith.constant 0 : index
      %swap3A_56 = vector.load %arg15[%swap3A_54, %swap3A_55] : memref<1x256xf32, #tpu.memory_space<vmem>>, vector<1x256xf32>
      tpu.vector_store %arg15[%swap3A_54, %swap3A_55], %add3A_53 {strides = array<i32>} : memref<1x256xf32, #tpu.memory_space<vmem>>, vector<1x256xf32>,
      %get3A_57 = arith.constant 0 : index
      %get3A_58 = arith.constant 0 : index
      %get3A_59 = vector.load %arg16[%get3A_57, %get3A_58] : memref<1x256xf32, #tpu.memory_space<vmem>>, vector<1x256xf32>
      %mul3A_60 = arith.mulf %add3A_39, %add3A_39 : vector<1000x256xf32>
      %reduce_sum3A_61 = arith.constant dense<0.000000e+00> : vector<256xf32>
      %reduce_sum3A_62 = vector.multi_reduction <add>, %mul3A_60, %reduce_sum3A_61 [0] : vector<1000x256xf32> to vector<256xf32>
      %broadcast_in_dim3A_63 = vector.shape_cast %reduce_sum3A_62 : vector<256xf32> to vector<1x256xf32>
      %add3A_64 = arith.addf %get3A_59, %broadcast_in_dim3A_63 : vector<1x256xf32>
      %swap3A_65 = arith.constant 0 : index
      %swap3A_66 = arith.constant 0 : index
      %swap3A_67 = vector.load %arg16[%swap3A_65, %swap3A_66] : memref<1x256xf32, #tpu.memory_space<vmem>>, vector<1x256xf32>
      tpu.vector_store %arg16[%swap3A_65, %swap3A_66], %add3A_64 {strides = array<i32>} : memref<1x256xf32, #tpu.memory_space<vmem>>, vector<1x256xf32>,
    } else {
    }
    %eq3A_2 = arith.constant 1 : i32
    %eq3A_3 = arith.cmpi eq, %arg0, %eq3A_2 : i32
    %convert_element_type3A_4 = arith.extui %eq3A_3 : i1 to i32
    %cond3A_5 = arith.constant 0 : i32
    %cond3A_6 = arith.cmpi ne, %convert_element_type3A_4, %cond3A_5 : i32
    scf.if %cond3A_6 {
      %get3A = arith.constant 0 : index
      %get3A_7 = arith.constant 0 : index
      %get3A_8 = vector.load %arg15[%get3A, %get3A_7] : memref<1x256xf32, #tpu.memory_space<vmem>>, vector<1x256xf32>
      %mul3A = arith.constant 9.99999974E-5 : f32
      %mul3A_9 = vector.broadcast %mul3A : f32 to vector<1x256xf32>
      %mul3A_10 = arith.mulf %get3A_8, %mul3A_9 : vector<1x256xf32>
      %get3A_11 = arith.constant 0 : index
      %get3A_12 = arith.constant 0 : index
      %get3A_13 = vector.load %arg11[%get3A_11, %get3A_12] : memref<1x256xf32, #tpu.memory_space<vmem>>, vector<1x256xf32>
      %mul3A_14 = arith.mulf %mul3A_10, %get3A_13 : vector<1x256xf32>
      %get3A_15 = arith.constant 0 : index
      %get3A_16 = arith.constant 0 : index
      %get3A_17 = vector.load %arg16[%get3A_15, %get3A_16] : memref<1x256xf32, #tpu.memory_space<vmem>>, vector<1x256xf32>
      %mul3A_18 = arith.constant 9.99999974E-5 : f32
      %mul3A_19 = vector.broadcast %mul3A_18 : f32 to vector<1x256xf32>
      %mul3A_20 = arith.mulf %get3A_17, %mul3A_19 : vector<1x256xf32>
      %mul3A_21 = arith.constant 2.000000e+00 : f32
      %mul3A_22 = vector.broadcast %mul3A_21 : f32 to vector<1x256xf32>
      %mul3A_23 = arith.mulf %mul3A_22, %mul3A_14 : vector<1x256xf32>
      %mul3A_24 = arith.mulf %mul3A_23, %mul3A_10 : vector<1x256xf32>
      %sub3A = arith.subf %mul3A_20, %mul3A_24 : vector<1x256xf32>
      %mul3A_25 = arith.mulf %mul3A_14, %mul3A_14 : vector<1x256xf32>
      %add3A = arith.addf %sub3A, %mul3A_25 : vector<1x256xf32>
      %get3A_26 = arith.constant 0 : index
      %get3A_27 = arith.constant 0 : index
      %get3A_28 = vector.load %arg9[%get3A_26, %get3A_27] : memref<1x256xf32, #tpu.memory_space<vmem>>, vector<1x256xf32>
      %add3A_29 = arith.constant 9.99999974E-6 : f32
      %add3A_30 = vector.broadcast %add3A_29 : f32 to vector<1x256xf32>
      %add3A_31 = arith.addf %add3A, %add3A_30 : vector<1x256xf32>
      %rsqrt3A = math.rsqrt %add3A_31 : vector<1x256xf32>
      %mul3A_32 = arith.mulf %get3A_28, %rsqrt3A : vector<1x256xf32>
      %mul3A_33 = arith.constant 1000 : i32
      %mul3A_34 = arith.muli %arg1, %mul3A_33 : i32
      %get3A_35 = arith.index_cast %mul3A_34 : i32 to index
      %get3A_36 = arith.constant 0 : index
      %get3A_37 = vector.load %arg14[%get3A_35, %get3A_36] : memref<10000x256xf32, #tpu.memory_space<vmem>>, vector<1000x256xf32>
      %sub3A_38 = vector.broadcast %mul3A_14 : vector<1x256xf32> to vector<1000x256xf32>
      %sub3A_39 = arith.subf %get3A_37, %sub3A_38 : vector<1000x256xf32>
      %mul3A_40 = vector.broadcast %mul3A_32 : vector<1x256xf32> to vector<1000x256xf32>
      %mul3A_41 = arith.mulf %mul3A_40, %sub3A_39 : vector<1000x256xf32>
      %get3A_42 = arith.constant 0 : index
      %get3A_43 = arith.constant 0 : index
      %get3A_44 = vector.load %arg10[%get3A_42, %get3A_43] : memref<1x256xf32, #tpu.memory_space<vmem>>, vector<1x256xf32>
      %add3A_45 = vector.broadcast %get3A_44 : vector<1x256xf32> to vector<1000x256xf32>
      %add3A_46 = arith.addf %mul3A_41, %add3A_45 : vector<1000x256xf32>
      %max3A = arith.constant 0.000000e+00 : f32
      %max3A_47 = vector.broadcast %max3A : f32 to vector<1000x256xf32>
      %max3A_48 = arith.maximumf %add3A_46, %max3A_47 : vector<1000x256xf32>
      %get3A_49 = arith.constant 0 : index
      %get3A_50 = arith.constant 0 : index
      %get3A_51 = vector.load %arg12[%get3A_49, %get3A_50] : memref<256x128xf32, #tpu.memory_space<vmem>>, vector<256x128xf32>
      %dot_general3A = arith.constant dense<0.000000e+00> : vector<1000x128xf32>
      %dot_general3A_52 = tpu.matmul %max3A_48, %get3A_51, %dot_general3A {dimension_numbers = #tpu.dot_dimension_numbers<[1], [0], [0], [1], [0, 0, 1, 1], [], []>, transpose_lhs_hint = false} : vector<1000x256xf32>, vector<256x128xf32>, vector<1000x128xf32> -> vector<1000x128xf32>
      %get3A_53 = arith.constant 0 : index
      %get3A_54 = arith.constant 0 : index
      %get3A_55 = vector.load %arg2[%get3A_53, %get3A_54] : memref<1000x1xf32, #tpu.memory_space<vmem>>, vector<1000x1xf32>
      %mul3A_56 = vector.broadcast %get3A_55 : vector<1000x1xf32> to vector<1000x128xf32>
      %mul3A_57 = arith.mulf %dot_general3A_52, %mul3A_56 : vector<1000x128xf32>
      %slice3A = vector.extract_strided_slice %mul3A_57 {offsets = [0, 0], sizes = [1000, 64], strides = [1, 1]} : vector<1000x128xf32> to vector<1000x64xf32>
      %swap3A = arith.constant 0 : index
      %swap3A_58 = arith.constant 0 : index
      %swap3A_59 = arith.constant 0 : index
      %swap3A_60 = vector.load %arg13[%swap3A, %swap3A_58, %swap3A_59] : memref<2x1000x64xf32, #tpu.memory_space<vmem>>, vector<1x1000x64xf32>
      %swap3A_61 = vector.shape_cast %swap3A_60 : vector<1x1000x64xf32> to vector<1000x64xf32>
      %swap3A_62 = vector.shape_cast %slice3A : vector<1000x64xf32> to vector<1x1000x64xf32>
      tpu.vector_store %arg13[%swap3A, %swap3A_58, %swap3A_59], %swap3A_62 {strides = array<i32>} : memref<2x1000x64xf32, #tpu.memory_space<vmem>>, vector<1x1000x64xf32>,
      %slice3A_63 = vector.extract_strided_slice %mul3A_57 {offsets = [0, 64], sizes = [1000, 64], strides = [1, 1]} : vector<1000x128xf32> to vector<1000x64xf32>
      %swap3A_64 = arith.constant 1 : index
      %swap3A_65 = arith.constant 0 : index
      %swap3A_66 = arith.constant 0 : index
      %swap3A_67 = vector.load %arg13[%swap3A_64, %swap3A_65, %swap3A_66] : memref<2x1000x64xf32, #tpu.memory_space<vmem>>, vector<1x1000x64xf32>
      %swap3A_68 = vector.shape_cast %swap3A_67 : vector<1x1000x64xf32> to vector<1000x64xf32>
      %swap3A_69 = vector.shape_cast %slice3A_63 : vector<1000x64xf32> to vector<1x1000x64xf32>
      tpu.vector_store %arg13[%swap3A_64, %swap3A_65, %swap3A_66], %swap3A_69 {strides = array<i32>} : memref<2x1000x64xf32, #tpu.memory_space<vmem>>, vector<1x1000x64xf32>,
    } else {
    }
    return
  }
  func.func @transform_0(%arg0: i32, %arg1: i32) -> (i32, i32) {
    %c0_i32 = arith.constant 0 : i32
    %c0_i32_0 = arith.constant 0 : i32
    return %arg1, %c0_i32 : i32, i32
  }
  func.func @transform_1(%arg0: i32, %arg1: i32) -> (i32, i32, i32) {
    %c0_i32 = arith.constant 0 : i32
    %c0_i32_0 = arith.constant 0 : i32
    %c0_i32_1 = arith.constant 0 : i32
    return %c0_i32, %arg1, %c0_i32_0 : i32, i32, i32
  }
  func.func @transform_2(%arg0: i32, %arg1: i32) -> (i32, i32, i32) {
    %c1_i32 = arith.constant 1 : i32
    %c0_i32 = arith.constant 0 : i32
    %c0_i32_0 = arith.constant 0 : i32
    return %c1_i32, %arg1, %c0_i32 : i32, i32, i32
  }
  func.func @transform_3(%arg0: i32, %arg1: i32) -> (i32, i32, i32) {
    %c0_i32 = arith.constant 0 : i32
    %c0_i32_0 = arith.constant 0 : i32
    %c0_i32_1 = arith.constant 0 : i32
    return %c0_i32, %arg1, %c0_i32_0 : i32, i32, i32
  }
  func.func @transform_4(%arg0: i32, %arg1: i32) -> (i32, i32, i32) {
    %c1_i32 = arith.constant 1 : i32
    %c0_i32 = arith.constant 0 : i32
    %c0_i32_0 = arith.constant 0 : i32
    return %c1_i32, %arg1, %c0_i32 : i32, i32, i32
  }
  func.func @transform_5(%arg0: i32, %arg1: i32) -> (i32, i32) {
    %c0_i32 = arith.constant 0 : i32
    %c0_i32_0 = arith.constant 0 : i32
    %c0_i32_1 = arith.constant 0 : i32
    return %c0_i32, %c0_i32_0 : i32, i32
  }
  func.func @transform_6(%arg0: i32, %arg1: i32) -> (i32, i32) {
    %c0_i32 = arith.constant 0 : i32
    %c0_i32_0 = arith.constant 0 : i32
    %c0_i32_1 = arith.constant 0 : i32
    return %c0_i32, %c0_i32_0 : i32, i32
  }
  func.func @transform_7(%arg0: i32, %arg1: i32) -> (i32, i32) {
    %c0_i32 = arith.constant 0 : i32
    %c0_i32_0 = arith.constant 0 : i32
    %c0_i32_1 = arith.constant 0 : i32
    return %c0_i32, %c0_i32_0 : i32, i32
  }
  func.func @transform_8(%arg0: i32, %arg1: i32) -> (i32, i32) {
    %c0_i32 = arith.constant 0 : i32
    %c0_i32_0 = arith.constant 0 : i32
    %c0_i32_1 = arith.constant 0 : i32
    return %c0_i32, %c0_i32_0 : i32, i32
  }
  func.func @transform_9(%arg0: i32, %arg1: i32) -> (i32, i32) {
    %c0_i32 = arith.constant 0 : i32
    %c0_i32_0 = arith.constant 0 : i32
    %c0_i32_1 = arith.constant 0 : i32
    return %c0_i32, %c0_i32_0 : i32, i32
  }
  func.func @transform_10(%arg0: i32, %arg1: i32) -> (i32, i32) {
    %c0_i32 = arith.constant 0 : i32
    %c0_i32_0 = arith.constant 0 : i32
    %c0_i32_1 = arith.constant 0 : i32
    return %c0_i32, %c0_i32_0 : i32, i32
  }
  func.func @transform_11(%arg0: i32, %arg1: i32) -> (i32, i32, i32) {
    %c0_i32 = arith.constant 0 : i32
    %c0_i32_0 = arith.constant 0 : i32
    %c0_i32_1 = arith.constant 0 : i32
    return %c0_i32, %arg1, %c0_i32_0 : i32, i32, i32
  }
}

module attributes {stable_mosaic.version = 14 : i64} {
  func.func @_fin_body(%arg0: i32, %arg1: i32, %arg2: memref<1000x1xf32, #tpu.memory_space<vmem>>, %arg3: memref<1x1000x64xf32, #tpu.memory_space<vmem>>, %arg4: memref<1x1000x64xf32, #tpu.memory_space<vmem>>, %arg5: memref<1x1000x64xf32, #tpu.memory_space<vmem>>, %arg6: memref<1x1000x64xf32, #tpu.memory_space<vmem>>, %arg7: memref<1x128xf32, #tpu.memory_space<vmem>>, %arg8: memref<1x128xf32, #tpu.memory_space<vmem>>, %arg9: memref<1x128xf32, #tpu.memory_space<vmem>>, %arg10: memref<1x128xf32, #tpu.memory_space<vmem>>, %arg11: memref<1000x128xf32, #tpu.memory_space<vmem>>, %arg12: memref<10000x128xf32, #tpu.memory_space<vmem>>, %arg13: memref<1x128xf32, #tpu.memory_space<vmem>>, %arg14: memref<1x128xf32, #tpu.memory_space<vmem>>) attributes {dimension_semantics = [#tpu.dimension_semantics<arbitrary>, #tpu.dimension_semantics<arbitrary>], iteration_bounds = array<i64: 2, 10>, scalar_prefetch = 0 : i64, scratch_operands = 3 : i64, tpu.core_type = #tpu.core_type<tc>, window_params = [{transform_indices = @transform_0, window_bounds = array<i64: 1000, 1>}, {transform_indices = @transform_1, window_bounds = array<i64: 1, 1000, 64>}, {transform_indices = @transform_2, window_bounds = array<i64: 1, 1000, 64>}, {transform_indices = @transform_3, window_bounds = array<i64: 1, 1000, 64>}, {transform_indices = @transform_4, window_bounds = array<i64: 1, 1000, 64>}, {pipeline_mode = #tpu.pipeline_mode<synchronous>, transform_indices = @transform_5, window_bounds = array<i64: 1, 128>}, {pipeline_mode = #tpu.pipeline_mode<synchronous>, transform_indices = @transform_6, window_bounds = array<i64: 1, 128>}, {pipeline_mode = #tpu.pipeline_mode<synchronous>, transform_indices = @transform_7, window_bounds = array<i64: 1, 128>}, {pipeline_mode = #tpu.pipeline_mode<synchronous>, transform_indices = @transform_8, window_bounds = array<i64: 1, 128>}, {transform_indices = @transform_9, window_bounds = array<i64: 1000, 128>}]} {
    %eq3A = arith.constant 0 : i32
    %eq3A_0 = arith.cmpi eq, %arg0, %eq3A : i32
    %convert_element_type3A = arith.extui %eq3A_0 : i1 to i32
    %cond3A = arith.constant 0 : i32
    %cond3A_1 = arith.cmpi ne, %convert_element_type3A, %cond3A : i32
    scf.if %cond3A_1 {
      %get3A = arith.constant 0 : index
      %get3A_7 = arith.constant 0 : index
      %get3A_8 = arith.constant 0 : index
      %get3A_9 = vector.load %arg3[%get3A, %get3A_7, %get3A_8] : memref<1x1000x64xf32, #tpu.memory_space<vmem>>, vector<1x1000x64xf32>
      %get3A_10 = vector.shape_cast %get3A_9 : vector<1x1000x64xf32> to vector<1000x64xf32>
      %get3A_11 = arith.constant 0 : index
      %get3A_12 = arith.constant 0 : index
      %get3A_13 = arith.constant 0 : index
      %get3A_14 = vector.load %arg5[%get3A_11, %get3A_12, %get3A_13] : memref<1x1000x64xf32, #tpu.memory_space<vmem>>, vector<1x1000x64xf32>
      %get3A_15 = vector.shape_cast %get3A_14 : vector<1x1000x64xf32> to vector<1000x64xf32>
      %add3A = arith.addf %get3A_10, %get3A_15 : vector<1000x64xf32>
      %get3A_16 = arith.constant 0 : index
      %get3A_17 = arith.constant 0 : index
      %get3A_18 = arith.constant 0 : index
      %get3A_19 = vector.load %arg4[%get3A_16, %get3A_17, %get3A_18] : memref<1x1000x64xf32, #tpu.memory_space<vmem>>, vector<1x1000x64xf32>
      %get3A_20 = vector.shape_cast %get3A_19 : vector<1x1000x64xf32> to vector<1000x64xf32>
      %get3A_21 = arith.constant 0 : index
      %get3A_22 = arith.constant 0 : index
      %get3A_23 = arith.constant 0 : index
      %get3A_24 = vector.load %arg6[%get3A_21, %get3A_22, %get3A_23] : memref<1x1000x64xf32, #tpu.memory_space<vmem>>, vector<1x1000x64xf32>
      %get3A_25 = vector.shape_cast %get3A_24 : vector<1x1000x64xf32> to vector<1000x64xf32>
      %add3A_26 = arith.addf %get3A_20, %get3A_25 : vector<1000x64xf32>
      %concatenate3A = tpu.concatenate %add3A, %add3A_26 in 1 : vector<1000x64xf32>, vector<1000x64xf32> -> vector<1000x128xf32>
      %get3A_27 = arith.constant 0 : index
      %get3A_28 = arith.constant 0 : index
      %get3A_29 = vector.load %arg2[%get3A_27, %get3A_28] : memref<1000x1xf32, #tpu.memory_space<vmem>>, vector<1000x1xf32>
      %mul3A = vector.broadcast %get3A_29 : vector<1000x1xf32> to vector<1000x128xf32>
      %mul3A_30 = arith.mulf %concatenate3A, %mul3A : vector<1000x128xf32>
      %get3A_31 = arith.constant 0 : index
      %get3A_32 = arith.constant 0 : index
      %get3A_33 = vector.load %arg7[%get3A_31, %get3A_32] : memref<1x128xf32, #tpu.memory_space<vmem>>, vector<1x128xf32>
      %add3A_34 = vector.broadcast %get3A_33 : vector<1x128xf32> to vector<1000x128xf32>
      %add3A_35 = arith.addf %mul3A_30, %add3A_34 : vector<1000x128xf32>
      %mul3A_36 = arith.constant 1000 : i32
      %mul3A_37 = arith.muli %arg1, %mul3A_36 : i32
      %swap3A = arith.index_cast %mul3A_37 : i32 to index
      %swap3A_38 = arith.constant 0 : index
      %swap3A_39 = vector.load %arg12[%swap3A, %swap3A_38] : memref<10000x128xf32, #tpu.memory_space<vmem>>, vector<1000x128xf32>
      tpu.vector_store %arg12[%swap3A, %swap3A_38], %add3A_35 {strides = array<i32>} : memref<10000x128xf32, #tpu.memory_space<vmem>>, vector<1000x128xf32>,
      %eq3A_40 = arith.constant 0 : i32
      %eq3A_41 = arith.cmpi eq, %arg1, %eq3A_40 : i32
      %convert_element_type3A_42 = arith.extui %eq3A_41 : i1 to i32
      %cond3A_43 = arith.constant 0 : i32
      %cond3A_44 = arith.cmpi ne, %convert_element_type3A_42, %cond3A_43 : i32
      scf.if %cond3A_44 {
        %broadcast_in_dim3A_64 = arith.constant 0.000000e+00 : f32
        %broadcast_in_dim3A_65 = vector.broadcast %broadcast_in_dim3A_64 : f32 to vector<1x128xf32>
        %swap3A_66 = arith.constant 0 : index
        %swap3A_67 = arith.constant 0 : index
        %swap3A_68 = vector.load %arg13[%swap3A_66, %swap3A_67] : memref<1x128xf32, #tpu.memory_space<vmem>>, vector<1x128xf32>
        tpu.vector_store %arg13[%swap3A_66, %swap3A_67], %broadcast_in_dim3A_65 {strides = array<i32>} : memref<1x128xf32, #tpu.memory_space<vmem>>, vector<1x128xf32>,
        %broadcast_in_dim3A_69 = arith.constant 0.000000e+00 : f32
        %broadcast_in_dim3A_70 = vector.broadcast %broadcast_in_dim3A_69 : f32 to vector<1x128xf32>
        %swap3A_71 = arith.constant 0 : index
        %swap3A_72 = arith.constant 0 : index
        %swap3A_73 = vector.load %arg14[%swap3A_71, %swap3A_72] : memref<1x128xf32, #tpu.memory_space<vmem>>, vector<1x128xf32>
        tpu.vector_store %arg14[%swap3A_71, %swap3A_72], %broadcast_in_dim3A_70 {strides = array<i32>} : memref<1x128xf32, #tpu.memory_space<vmem>>, vector<1x128xf32>,
      } else {
      }
      %get3A_45 = arith.constant 0 : index
      %get3A_46 = arith.constant 0 : index
      %get3A_47 = vector.load %arg13[%get3A_45, %get3A_46] : memref<1x128xf32, #tpu.memory_space<vmem>>, vector<1x128xf32>
      %reduce_sum3A = arith.constant dense<0.000000e+00> : vector<128xf32>
      %reduce_sum3A_48 = vector.multi_reduction <add>, %add3A_35, %reduce_sum3A [0] : vector<1000x128xf32> to vector<128xf32>
      %broadcast_in_dim3A = vector.shape_cast %reduce_sum3A_48 : vector<128xf32> to vector<1x128xf32>
      %add3A_49 = arith.addf %get3A_47, %broadcast_in_dim3A : vector<1x128xf32>
      %swap3A_50 = arith.constant 0 : index
      %swap3A_51 = arith.constant 0 : index
      %swap3A_52 = vector.load %arg13[%swap3A_50, %swap3A_51] : memref<1x128xf32, #tpu.memory_space<vmem>>, vector<1x128xf32>
      tpu.vector_store %arg13[%swap3A_50, %swap3A_51], %add3A_49 {strides = array<i32>} : memref<1x128xf32, #tpu.memory_space<vmem>>, vector<1x128xf32>,
      %get3A_53 = arith.constant 0 : index
      %get3A_54 = arith.constant 0 : index
      %get3A_55 = vector.load %arg14[%get3A_53, %get3A_54] : memref<1x128xf32, #tpu.memory_space<vmem>>, vector<1x128xf32>
      %mul3A_56 = arith.mulf %add3A_35, %add3A_35 : vector<1000x128xf32>
      %reduce_sum3A_57 = arith.constant dense<0.000000e+00> : vector<128xf32>
      %reduce_sum3A_58 = vector.multi_reduction <add>, %mul3A_56, %reduce_sum3A_57 [0] : vector<1000x128xf32> to vector<128xf32>
      %broadcast_in_dim3A_59 = vector.shape_cast %reduce_sum3A_58 : vector<128xf32> to vector<1x128xf32>
      %add3A_60 = arith.addf %get3A_55, %broadcast_in_dim3A_59 : vector<1x128xf32>
      %swap3A_61 = arith.constant 0 : index
      %swap3A_62 = arith.constant 0 : index
      %swap3A_63 = vector.load %arg14[%swap3A_61, %swap3A_62] : memref<1x128xf32, #tpu.memory_space<vmem>>, vector<1x128xf32>
      tpu.vector_store %arg14[%swap3A_61, %swap3A_62], %add3A_60 {strides = array<i32>} : memref<1x128xf32, #tpu.memory_space<vmem>>, vector<1x128xf32>,
    } else {
    }
    %eq3A_2 = arith.constant 1 : i32
    %eq3A_3 = arith.cmpi eq, %arg0, %eq3A_2 : i32
    %convert_element_type3A_4 = arith.extui %eq3A_3 : i1 to i32
    %cond3A_5 = arith.constant 0 : i32
    %cond3A_6 = arith.cmpi ne, %convert_element_type3A_4, %cond3A_5 : i32
    scf.if %cond3A_6 {
      %get3A = arith.constant 0 : index
      %get3A_7 = arith.constant 0 : index
      %get3A_8 = vector.load %arg13[%get3A, %get3A_7] : memref<1x128xf32, #tpu.memory_space<vmem>>, vector<1x128xf32>
      %mul3A = arith.constant 9.99999974E-5 : f32
      %mul3A_9 = vector.broadcast %mul3A : f32 to vector<1x128xf32>
      %mul3A_10 = arith.mulf %get3A_8, %mul3A_9 : vector<1x128xf32>
      %get3A_11 = arith.constant 0 : index
      %get3A_12 = arith.constant 0 : index
      %get3A_13 = vector.load %arg10[%get3A_11, %get3A_12] : memref<1x128xf32, #tpu.memory_space<vmem>>, vector<1x128xf32>
      %mul3A_14 = arith.mulf %mul3A_10, %get3A_13 : vector<1x128xf32>
      %get3A_15 = arith.constant 0 : index
      %get3A_16 = arith.constant 0 : index
      %get3A_17 = vector.load %arg14[%get3A_15, %get3A_16] : memref<1x128xf32, #tpu.memory_space<vmem>>, vector<1x128xf32>
      %mul3A_18 = arith.constant 9.99999974E-5 : f32
      %mul3A_19 = vector.broadcast %mul3A_18 : f32 to vector<1x128xf32>
      %mul3A_20 = arith.mulf %get3A_17, %mul3A_19 : vector<1x128xf32>
      %mul3A_21 = arith.constant 2.000000e+00 : f32
      %mul3A_22 = vector.broadcast %mul3A_21 : f32 to vector<1x128xf32>
      %mul3A_23 = arith.mulf %mul3A_22, %mul3A_14 : vector<1x128xf32>
      %mul3A_24 = arith.mulf %mul3A_23, %mul3A_10 : vector<1x128xf32>
      %sub3A = arith.subf %mul3A_20, %mul3A_24 : vector<1x128xf32>
      %mul3A_25 = arith.mulf %mul3A_14, %mul3A_14 : vector<1x128xf32>
      %add3A = arith.addf %sub3A, %mul3A_25 : vector<1x128xf32>
      %get3A_26 = arith.constant 0 : index
      %get3A_27 = arith.constant 0 : index
      %get3A_28 = vector.load %arg8[%get3A_26, %get3A_27] : memref<1x128xf32, #tpu.memory_space<vmem>>, vector<1x128xf32>
      %add3A_29 = arith.constant 9.99999974E-6 : f32
      %add3A_30 = vector.broadcast %add3A_29 : f32 to vector<1x128xf32>
      %add3A_31 = arith.addf %add3A, %add3A_30 : vector<1x128xf32>
      %rsqrt3A = math.rsqrt %add3A_31 : vector<1x128xf32>
      %mul3A_32 = arith.mulf %get3A_28, %rsqrt3A : vector<1x128xf32>
      %mul3A_33 = arith.constant 1000 : i32
      %mul3A_34 = arith.muli %arg1, %mul3A_33 : i32
      %get3A_35 = arith.index_cast %mul3A_34 : i32 to index
      %get3A_36 = arith.constant 0 : index
      %get3A_37 = vector.load %arg12[%get3A_35, %get3A_36] : memref<10000x128xf32, #tpu.memory_space<vmem>>, vector<1000x128xf32>
      %sub3A_38 = vector.broadcast %mul3A_14 : vector<1x128xf32> to vector<1000x128xf32>
      %sub3A_39 = arith.subf %get3A_37, %sub3A_38 : vector<1000x128xf32>
      %mul3A_40 = vector.broadcast %mul3A_32 : vector<1x128xf32> to vector<1000x128xf32>
      %mul3A_41 = arith.mulf %mul3A_40, %sub3A_39 : vector<1000x128xf32>
      %get3A_42 = arith.constant 0 : index
      %get3A_43 = arith.constant 0 : index
      %get3A_44 = vector.load %arg9[%get3A_42, %get3A_43] : memref<1x128xf32, #tpu.memory_space<vmem>>, vector<1x128xf32>
      %add3A_45 = vector.broadcast %get3A_44 : vector<1x128xf32> to vector<1000x128xf32>
      %add3A_46 = arith.addf %mul3A_41, %add3A_45 : vector<1000x128xf32>
      %max3A = arith.constant 0.000000e+00 : f32
      %max3A_47 = vector.broadcast %max3A : f32 to vector<1000x128xf32>
      %max3A_48 = arith.maximumf %add3A_46, %max3A_47 : vector<1000x128xf32>
      %swap3A = arith.constant 0 : index
      %swap3A_49 = arith.constant 0 : index
      %swap3A_50 = vector.load %arg11[%swap3A, %swap3A_49] : memref<1000x128xf32, #tpu.memory_space<vmem>>, vector<1000x128xf32>
      tpu.vector_store %arg11[%swap3A, %swap3A_49], %max3A_48 {strides = array<i32>} : memref<1000x128xf32, #tpu.memory_space<vmem>>, vector<1000x128xf32>,
    } else {
    }
    return
  }
  func.func @transform_0(%arg0: i32, %arg1: i32) -> (i32, i32) {
    %c0_i32 = arith.constant 0 : i32
    %c0_i32_0 = arith.constant 0 : i32
    return %arg1, %c0_i32 : i32, i32
  }
  func.func @transform_1(%arg0: i32, %arg1: i32) -> (i32, i32, i32) {
    %c0_i32 = arith.constant 0 : i32
    %c0_i32_0 = arith.constant 0 : i32
    %c0_i32_1 = arith.constant 0 : i32
    return %c0_i32, %arg1, %c0_i32_0 : i32, i32, i32
  }
  func.func @transform_2(%arg0: i32, %arg1: i32) -> (i32, i32, i32) {
    %c1_i32 = arith.constant 1 : i32
    %c0_i32 = arith.constant 0 : i32
    %c0_i32_0 = arith.constant 0 : i32
    return %c1_i32, %arg1, %c0_i32 : i32, i32, i32
  }
  func.func @transform_3(%arg0: i32, %arg1: i32) -> (i32, i32, i32) {
    %c0_i32 = arith.constant 0 : i32
    %c0_i32_0 = arith.constant 0 : i32
    %c0_i32_1 = arith.constant 0 : i32
    return %c0_i32, %arg1, %c0_i32_0 : i32, i32, i32
  }
  func.func @transform_4(%arg0: i32, %arg1: i32) -> (i32, i32, i32) {
    %c1_i32 = arith.constant 1 : i32
    %c0_i32 = arith.constant 0 : i32
    %c0_i32_0 = arith.constant 0 : i32
    return %c1_i32, %arg1, %c0_i32 : i32, i32, i32
  }
  func.func @transform_5(%arg0: i32, %arg1: i32) -> (i32, i32) {
    %c0_i32 = arith.constant 0 : i32
    %c0_i32_0 = arith.constant 0 : i32
    %c0_i32_1 = arith.constant 0 : i32
    return %c0_i32, %c0_i32_0 : i32, i32
  }
  func.func @transform_6(%arg0: i32, %arg1: i32) -> (i32, i32) {
    %c0_i32 = arith.constant 0 : i32
    %c0_i32_0 = arith.constant 0 : i32
    %c0_i32_1 = arith.constant 0 : i32
    return %c0_i32, %c0_i32_0 : i32, i32
  }
  func.func @transform_7(%arg0: i32, %arg1: i32) -> (i32, i32) {
    %c0_i32 = arith.constant 0 : i32
    %c0_i32_0 = arith.constant 0 : i32
    %c0_i32_1 = arith.constant 0 : i32
    return %c0_i32, %c0_i32_0 : i32, i32
  }
  func.func @transform_8(%arg0: i32, %arg1: i32) -> (i32, i32) {
    %c0_i32 = arith.constant 0 : i32
    %c0_i32_0 = arith.constant 0 : i32
    %c0_i32_1 = arith.constant 0 : i32
    return %c0_i32, %c0_i32_0 : i32, i32
  }
  func.func @transform_9(%arg0: i32, %arg1: i32) -> (i32, i32) {
    %c0_i32 = arith.constant 0 : i32
    %c0_i32_0 = arith.constant 0 : i32
    return %arg1, %c0_i32 : i32, i32
  }
}

</mosaic_0001>

<sc_bundles>
// kernel: kernel.11.cloned.1.call-start
scs
__scs_entry_jumppad:
0x0: {  	(pc) =	sbr.rel $0x88, $3  }
0x1: {  	(tag) =	ssettag $0x0;
	lr =	simm.s32 $0x1  }
0x2: {  	[smem:$0x3F95] =	sst lr;
	_ =	strace $0xD0000000  }
0x3: {  	_ = 	snop  }
0x4: {  	_ = 	snop  }
0x5: {  	_ = 	snop  }
0x6: {  	_ = 	snop  }
0x7: {  	_ = 	snop  }
__scs_overlays_trampoline_lowered:
0x8: {  	[smem:$0x3FA4] =	sst s0  }
0x9: {  	[smem:$0x3FA5] =	sst s1  }
0xa: {  	[smem:$0x3FA6] =	sst s2  }
0xb: {  	[smem:$0x3FA7] =	sst s3  }
0xc: {  	[smem:$0x3FA8] =	sst s4  }
0xd: {  	[smem:$0x3FA9] =	sst s5  }
0xe: {  	[smem:$0x3FAA] =	sst s6  }
0xf: {  	[smem:$0x3FAB] =	sst s7  }
0x10: {  	[smem:$0x3FAC] =	sst s8  }
0x11: {  	[smem:$0x3FAD] =	sst s9;
	s0 =	simm.s32 @!p0 $0x0  }
0x12: {  	s1 =	sld [smem:$0x3F93];
	s0 =	simm.s32 @p0 $0x1  }
0x13: {  	[smem:$0x3FAE] =	sst s0;
	s0 =	simm.s32 @!p1 $0x0  }
0x14: {  	s2 =	sld [smem:$0x3F92];
	s0 =	simm.s32 @p1 $0x1  }
0x15: {  	[smem:$0x3FAF] =	sst s0;
	s0 =	simm.s32 @!p2 $0x0  }
0x16: {  	s3 =	sld [smem:$0x3FDB];
	s0 =	simm.s32 @p2 $0x1  }
0x17: {  	s4 =	simm.s32 $0x1BF5;
	[smem:$0x3FB1] =	sst s0  }
0x18: {  	s0 =	sld [smem:$0x3F94];
	_ =	swait.ge [sflag:s4], $0x0  }
0x19: {  	s7 =	sld [smem:$0x3F95]  }
0x1a: {  	s8 =	sadd.s32 $0xFFFFE003, lr  }
0x1b: {  	s9 =	sadd.s32 $0xFFFFFEF7, lr;
	s5 =	simm.s32 $0xFFFFFFFF;
	p2 =	slt.u32 s8, $0xFFFFF086  }
0x1c: {  	p1 =	slt.u32 s9, $0xF7A;
	s5 =	simm.s32 @!p2 $0x0  }
0x1d: {  	s5 =	simm.s32 @p1 $0x1;
	p0 =	seq.s32 s7, s2  }
0x1e: {  	s7 =	smul.u32 @!p0 $0xF7A, s2;
	p2 =	seq.s32 @!p0 s5, $0x0  }
0x1f: {  	s9 =	smul.u32 $0xF7A, s1;
	s8 =	simm.s32 @!p0 $0x1BF5;
	p2 =	por !p2, p0  }
0x20: {  	[sflag:s8] =	ssyncset.s32 @!p0 $0xFFFFF086;
	s6 =	sadd.s32 @!p0 s3, s7;
	s7 =	simm.s32 @!p0 $0x108  }
0x21: {  	s3 =	sadd.s32 s3, s9;
	s6 =	sadd.s32 @!p0 $0x88, s6;
	s7 =	simm.s32 @p2 $0x1082  }
0x22: {  	[simem:s7], [sflag:s8] =	dma.local @!p0 [hbm:s6], $0xF7A  }
0x23: {  	s9 =	sor.u32 $0xD0000000, s2;
	s6 =	simm.s32 $0x108;
	_ =	swait.ge @!p0 [sflag:s8], $0x0  }
0x24: {  	s3 =	sadd.s32 $0x88, s3;
	s6 =	simm.s32 @!p1 $0x1082;
	[sflag:s4] =	ssyncset.s32 $0xFFFFF086  }
0x25: {  	[simem:s6], [sflag:s4] =	dma.local [hbm:s3], $0xF7A  }
0x26: {  	[smem:$0x3F95] =	sst s1;
	(tag) =	ssettag s2;
	_ =	strace s9  }
0x27: {  	s1 =	sld [smem:$0x3FA5]  }
0x28: {  	s2 =	sld [smem:$0x3FA6]  }
0x29: {  	s4 =	sld [smem:$0x3FA8]  }
0x2a: {  	p0 =	seq.s32 s5, $0x0;
	s5 =	sld [smem:$0x3FA9]  }
0x2b: {  	s6 =	sld [smem:$0x3FAA]  }
0x2c: {  	s7 =	sld [smem:$0x3FAB]  }
0x2d: {  	s3 =	simm.s32 $0x108;
	s8 =	sld [smem:$0x3FAC]  }
0x2e: {  	s3 =	simm.s32 @!p0 $0x1082;
	s9 =	sld [smem:$0x3FAD]  }
0x2f: {  	lr =	sadd.s32 s0, s3;
	s0 =	sld [smem:$0x3FA4]  }
0x30: {  	s3 =	sld [smem:$0x3FA7]  }
0x31: {  	[smem:$0x3FB0] =	sst s10  }
0x32: {  	s10 =	sld [smem:$0x3FAE];
	_ =	sdelay $0x3  }
0x33: {  	p0 =	seq.s32 s10, $0x1;
	s10 =	sld [smem:$0x3FB0];
	_ =	sdelay $0x3  }
0x34: {  	[smem:$0x3FB0] =	sst s10  }
0x35: {  	s10 =	sld [smem:$0x3FAF];
	_ =	sdelay $0x3  }
0x36: {  	p1 =	seq.s32 s10, $0x1;
	s10 =	sld [smem:$0x3FB0];
	_ =	sdelay $0x3  }
0x37: {  	[smem:$0x3FB0] =	sst s10  }
0x38: {  	s10 =	sld [smem:$0x3FB1]  }
0x39: {  	_ = 	snop;
	(pc) =	sbr.ind lr, $3  }
0x3a: {  	_ = 	snop  }
0x3b: {  	_ = 	snop  }
0x3c: {  	p2 =	seq.s32 s10, $0x1;
	s10 =	sld [smem:$0x3FB0]  }
0x3d: {  	_ =	shalt  }
0x3e: {  	_ =	shalt  }
0x3f: {  	_ =	shalt  }
0x40: {  	_ =	shalt  }
0x41: {  	_ =	shalt  }
0x42: {  	_ =	shalt  }
0x43: {  	_ =	shalt  }
0x44: {  	_ =	shalt  }
0x45: {  	_ =	shalt  }
0x46: {  	_ =	shalt  }
0x47: {  	_ =	shalt  }
0x48: {  	_ =	shalt  }
0x49: {  	_ =	shalt  }
0x4a: {  	_ =	shalt  }
0x4b: {  	_ =	shalt  }
0x4c: {  	_ =	shalt  }
0x4d: {  	_ =	shalt  }
0x4e: {  	_ =	shalt  }
0x4f: {  	_ =	shalt  }
0x50: {  	_ =	shalt  }
0x51: {  	_ =	shalt  }
0x52: {  	_ =	shalt  }
0x53: {  	_ =	shalt  }
0x54: {  	_ =	shalt  }
0x55: {  	_ =	shalt  }
0x56: {  	_ =	shalt  }
0x57: {  	_ =	shalt  }
0x58: {  	_ =	shalt  }
0x59: {  	_ =	shalt  }
0x5a: {  	_ =	shalt  }
0x5b: {  	_ =	shalt  }
0x5c: {  	_ =	shalt  }
0x5d: {  	_ =	shalt  }
0x5e: {  	_ =	shalt  }
0x5f: {  	_ =	shalt  }
0x60: {  	_ =	shalt  }
0x61: {  	_ =	shalt  }
0x62: {  	_ =	shalt  }
0x63: {  	_ =	shalt  }
0x64: {  	_ =	shalt  }
0x65: {  	_ =	shalt  }
0x66: {  	_ =	shalt  }
0x67: {  	_ =	shalt  }
0x68: {  	_ =	shalt  }
0x69: {  	_ =	shalt  }
0x6a: {  	_ =	shalt  }
0x6b: {  	_ =	shalt  }
0x6c: {  	_ =	shalt  }
0x6d: {  	_ =	shalt  }
0x6e: {  	_ =	shalt  }
0x6f: {  	_ =	shalt  }
0x70: {  	_ =	shalt  }
0x71: {  	_ =	shalt  }
0x72: {  	_ =	shalt  }
0x73: {  	_ =	shalt  }
0x74: {  	_ =	shalt  }
0x75: {  	_ =	shalt  }
0x76: {  	_ =	shalt  }
0x77: {  	_ =	shalt  }
0x78: {  	_ =	shalt  }
0x79: {  	_ =	shalt  }
0x7a: {  	_ =	shalt  }
0x7b: {  	_ =	shalt  }
0x7c: {  	_ =	shalt  }
0x7d: {  	_ =	shalt  }
0x7e: {  	_ =	shalt  }
0x7f: {  	_ =	shalt  }
0x80: {  	_ =	shalt  }
0x81: {  	_ =	shalt  }
0x82: {  	_ =	shalt  }
0x83: {  	_ =	shalt  }
0x84: {  	_ =	shalt  }
0x85: {  	_ =	shalt  }
0x86: {  	_ =	shalt  }
0x87: {  	_ =	shalt  }
.Lfunc_end0:
.L_simem_size_0:
called_computation.1_lowered:
.L_overlay_start_0:
0x88: {  	s2 =	sld [smem:$0x3FD9]  }
0x89: {  	s3 =	sld [smem:$0x3FFE];
	_ =	sdelay $0x1  }
0x8a: {  	s1 =	srdreg.scid  }
0x8b: {  	s0 =	sand.u32 $0x1, s1  }
0x8c: {  	s17 =	sshll.u32 s0, $0xA;
	s2 =	sadd.s32 s3, s2  }
0x8d: {  	s2 =	sadd.s32 s2, s17  }
0x8e: {  	[smem:$0x3FBC] =	sst s2  }
0x8f: {  	_ = 	snop  }
0x90: {  	s2 =	sld [smem:$0x3FD0];
	(tm) =	ssettm $0x1  }
0x91: {  	s18 =	sld [smem:$0x3FFB];
	_ =	sdelay $0x3  }
0x92: {  	_ =	strace s18  }
0x93: {  	s3 =	sld [smem:$0x3FFC];
	_ =	sdelay $0x3  }
0x94: {  	_ =	strace s3  }
0x95: {  	s3 =	sld [smem:$0x3FFD];
	_ =	sdelay $0x3  }
0x96: {  	_ =	strace s3  }
0x97: {  	_ =	strace $0x8FFFFFFF  }
0x98: {  	s19 =	sld [smem:$0x3FDB];
	_ =	sdelay $0x1  }
0x99: {  	s4 =	simm.s32 $_scs_section_size  }
0x9a: {  	s5 =	simm.s32 $_size__tile_overlayer_lowered;
	s6 =	simm.s32 $_tile_overlayer_lowered  }
0x9b: {  	s22 =	simm.s32 $0x1BFF;
	s21 =	sshll.u32 s6, $0x1;
	s3 =	sadd.s32 s4, s19  }
0x9c: {  	s7 =	simm.s32 $0x0;
	s20 =	sshll.u32 s5, $0x1;
	s5 =	sadd.s32 s21, s3  }
0x9d: {  	[timem:s7], [sflag:s22] =	dma.local [hbm:s5], s20  }
0x9e: {  	_ =	swait.ge [sflag:s22], s20  }
0x9f: {  	s4 =	ssub.s32 $0x0, s20;
	[sflag:s22] =	ssyncset.done $0x0  }
0xa0: {  	[sflag:s22] =	ssyncadd.s32 s4;
	_ =	sdelay $0x1  }
0xa1: {  	s23 =	simm.s32 $0x1B8B  }
0xa2: {  	_ =	swait.ge [sflag:s23], $0x1  }
0xa3: {  	[sflag:s23] =	ssyncset.done $0x0  }
0xa4: {  	s25 =	simm.s32 $0x1B8E;
	s24 =	sld [smem:$0x3FFE];
	[sflag:s23] =	ssyncadd.s32 $0xFFFFFFFF  }
0xa5: {  	s26 =	simm.s32 $execute0_lowered;
	[smem:$0x3FD2] =	sst s25  }
0xa6: {  	s5 =	sshll.u32 s26, $0x1;
	_ =	strace $0x80000049;
	[dreg:$0x1] =	wrdreg $0xFFFFFFFF  }
0xa7: {  	s28 =	simm.s32 $_size_execute0_lowered;
	s3 =	sadd.s32 s3, s5;
	[dreg:$0x0] =	wrdreg $0x0  }
0xa8: {  	s5 =	sshll.u32 s28, $0x1;
	[dreg:$0x2] =	wrdreg s3  }
0xa9: {  	[dreg:$0x3] =	wrdreg s5  }
0xaa: {  	[dreg:$0x4] =	wrdreg $0xC0  }
0xab: {  	_ =	task [dreg:s7], $0x5FFFF  }
0xac: {  	[dreg:$0x1] =	wrdreg $0xFFFFFFFF  }
0xad: {  	[dreg:$0x0] =	wrdreg $0x60  }
0xae: {  	[dreg:$0x2] =	wrdreg s24  }
0xaf: {  	[dreg:$0x3] =	wrdreg s2  }
0xb0: {  	[dreg:$0x4] =	wrdreg $0x88000  }
0xb1: {  	[dreg:$0x5] =	wrdreg $0x128000  }
0xb2: {  	[dreg:$0x6] =	wrdreg $0x9  }
0xb3: {  	_ =	task.clear_ibuf [dreg:s7], $0x7FFFF;
	_ =	strace $0x90000049  }
0xb4: {  	s29 =	simm.s32 $0x9;
	_ =	strace $0x8000004B  }
0xb5: {  	_ =	swait.ge [sflag:s29], $0x1  }
0xb6: {  	[sflag:s29] =	ssyncadd.s32 $0xFFFFFFFF  }
0xb7: {  	_ =	strace $0x9000004B  }
0xb8: {  	_ =	sfence  }
0xb9: {  	s30 =	sld [smem:$0x0];
	_ =	sdelay $0x2  }
0xba: {  	s31 =	sshll.u32 s1, $0xD;
	s1 =	sshrl.u32 s1, $0x2  }
0xbb: {  	s3 =	sand.u32 $0x4000, s31;
	s1 =	sadd.s32 s1, s30  }
0xbc: {  	s0 =	sor.u32 s3, s0;
	s1 =	sshll.u32 s1, $0x11  }
0xbd: {  	s0 =	sor.u32 s1, s0  }
0xbe: {  	s0 =	sadd.s32 $0x8F2B, s0  }
0xbf: {  	[sflag:s0] =	ssyncadd.remote.s32 $0x1  }
0xc0: {  	_ =	sfence.sel $0xFFFF  }
0xc1: {  	[dreg:$0x0] =	wrdreg $0xFFFFFFFF;
	(pc) =	sbr.abs _section_cstart, $3  }
0xc2: {  	[dreg:$0x1] =	wrdreg $0xFFFFFFFF  }
0xc3: {  	_ =	task.clear_ibuf [dreg:s7], $0x2FFFF;
	_ =	strace $0x9FFFFFFF  }
0xc4: {  	(tm) =	ssettm $0x7FFFFFFF  }
0xc5: {  	_ =	shalt  }
tec
execute0_lowered:
.L_overlay_start_1:
0x0: {  	(tag) =	ssettag $0x1  }
0x1: {  	s0 =	rddreg [dreg:$0x0]  }
0x2: {  	s1 =	rddreg [dreg:$0x1];
	s3 =	srdreg.scid  }
0x3: {  	s2 =	rddreg [dreg:$0x2];
	s11 =	stileid.u32;
	s4 =	simm.s32 $0x0  }
0x4: {  	s29 =	simm.s32 $0x800;
	s30 =	simm.s32 $0x4;
	s7 =	smul.u32 $0x1400, s11  }
0x5: {  	s5 =	sand.u32 $0x1, s3;
	s3 =	rddreg [dreg:$0x3];
	s9 =	smul.u32 $0xA000, s11  }
0x6: {  	s28 =	simm.s32 $0x600;
	[smem:$0x7FF] =	sst s4;
	s11 =	smul.u32 $0xA00, s11  }
0x7: {  	s21 =	sadd.s32 $0xD200, s0;
	s6 =	smul.u32 $0x14000, s5;
	s8 =	ssub.s32 $0x2, s5  }
0x8: {  	_ =	strace $0x8000004A;
	s5 =	smul.u32 $0xA0000, s5;
	s10 =	sshrl.u32 s8, $0x1  }
0x9: {  	s22 =	sadd.s32 $0x2000, s9;
	s12 =	sadd.s32 $0x4000, s9;
	s13 =	sadd.s32 $0x6000, s9  }
0xa: {  	s14 =	sadd.s32 $0x8000, s9;
	s15 =	sor.u32 $0x20, s11;
	s16 =	sadd.s32 s21, s11  }
0xb: {  	s17 =	sadd.s32 s1, s11;
	s23 =	sor.u32 $0x40, s11;
	s11 =	sor.u32 $0x60, s11  }
0xc: {  	s6 =	sadd.s32 s7, s6;
	s8 =	ssub.s32 s8, s10;
	s18 =	sadd.s32 s21, s15  }
0xd: {  	s15 =	sadd.s32 s1, s15;
	s24 =	sadd.s32 s21, s23;
	s7 =	sadd.s32 s21, s11  }
0xe: {  	s25 =	sadd.s32 s9, s5;
	s26 =	sadd.s32 s5, s22;
	[dreg:$0x6] =	wrdreg s17  }
0xf: {  	s19 =	sadd.s32 s5, s13;
	s13 =	sadd.s32 s13, s2;
	[dreg:$0x5] =	wrdreg s16  }
0x10: {  	s21 =	sadd.s32 s9, s3;
	s31 =	sadd.s32 $0x80, s16;
	[dreg:$0x7] =	wrdreg s18  }
0x11: {  	s10 =	simm.s32 $0x2800;
	s6 =	sadd.s32 s6, s0;
	[dreg:$0x8] =	wrdreg s15  }
0x12: {  	s0 =	sadd.s32 $0x8F200, s0;
	[dreg:$0x9] =	wrdreg s24;
	s15 =	sadd.s32 s1, s23  }
0x13: {  	[dreg:$0xb] =	wrdreg s7;
	s1 =	sadd.s32 s1, s11;
	s7 =	sshrl.u32 s25, $0x3  }
0x14: {  	s11 =	sshrl.u32 s26, $0x3;
	s18 =	sadd.s32 s5, s12;
	s5 =	sadd.s32 s5, s14  }
0x15: {  	s20 =	sshrl.u32 s19, $0x3;
	s23 =	sadd.s32 s12, s2;
	[dreg:$0xa] =	wrdreg s15  }
0x16: {  	s24 =	sadd.s32 s14, s2;
	s25 =	smax.u32 s8, $0x1;
	[dreg:$0xc] =	wrdreg s1  }
0x17: {  	s26 =	sadd.s32 $0x80, s17;
	s8 =	simm.s32 $0x3;
	[dreg:$0x13] =	wrdreg s25  }
0x18: {  	s12 =	simm.s32 $0x6800;
	s1 =	sadd.s32 s0, s7;
	[dreg:$0x15] =	wrdreg s26  }
0x19: {  	s14 =	simm.s32 $0x2;
	s15 =	sadd.s32 s0, s11;
	[dreg:$0xd] =	wrdreg s1  }
0x1a: {  	s5 =	sshrl.u32 s5, $0x3;
	s7 =	sadd.s32 s9, s2;
	[dreg:$0xe] =	wrdreg s15  }
0x1b: {  	s1 =	sshrl.u32 s18, $0x3;
	s18 =	sadd.s32 s22, s2;
	s22 =	sadd.s32 $0x67200, s6  }
0x1c: {  	s26 =	simm.s32 $0x200;
	s1 =	sadd.s32 s0, s1;
	[dreg:$0x12] =	wrdreg s22  }
0x1d: {  	s9 =	simm.s32 $0x80;
	[dreg:$0xf] =	wrdreg s1;
	s1 =	sadd.s32 s0, s20  }
0x1e: {  	s11 =	simm.s32 $0x1;
	s0 =	sadd.s32 s0, s5;
	[dreg:$0x10] =	wrdreg s1  }
0x1f: {  	s6 =	simm.s32 $0x500;
	[dreg:$0x11] =	wrdreg s0;
	s0 =	sshrl.u32 s21, $0x3  }
0x20: {  	v0 =	vimm.f32 $0.0e+00;
	s15 =	simm.s32 $0x0;
	s5 =	simm.s32 $0x4800;
	[dreg:$0x14] =	wrdreg s0  }
.LBB2_1:
0x21: {  	s16 =	simm.s32 $0x100;
	s1 =	simm.s32 $0x0  }
.LBB2_2:
0x22: {  	p0 =	sne.s32 s16, $0x7F00;
	[tilespmem:s1+$0x830] =	vst v0;
	s0 =	smov.u32 s16;
	s16 =	sadd.s32 $0x100, s16  }
.Ltmp0:
0x23: {  	[tilespmem:s1+$0x820] =	vst v0;
	(pc) =	sbr.rel @p0 .LBB2_2-.Ltmp0, $3  }
0x24: {  	[tilespmem:s1+$0x800] =	vst v0  }
0x25: {  	[tilespmem:s1+$0x810] =	vst v0;
	_ =	sdelay $0x1  }
0x26: {  	s1 =	sshra.s32 s0, $0x2  }
0x27: {  	[tilespmem:s1+$0x830] =	vst v0  }
0x28: {  	[tilespmem:s1+$0x820] =	vst v0  }
0x29: {  	[tilespmem:s1+$0x800] =	vst v0  }
0x2a: {  	[tilespmem:s1+$0x810] =	vst v0  }
0x2b: {  	[spmem:s7] =	stream.linear.scatter [tilespmem:s29], [sflag:$0x4], $0x2000, $0x38;
	[tilespmem:$0x1C800] =	vst v63  }
0x2c: {  	_ =	swait.ge [sflag:s30], $0x2000  }
0x2d: {  	[sflag:s30] =	ssyncset.done $0x0  }
0x2e: {  	[sflag:s30] =	ssyncadd.s32 $0xFFFFE000  }
0x2f: {  	[spmem:s18] =	stream.linear.scatter [tilespmem:s29], [sflag:$0x4], $0x2000, $0x38;
	[tilespmem:$0x1C800] =	vst v63  }
0x30: {  	_ =	swait.ge [sflag:s30], $0x2000  }
0x31: {  	[sflag:s30] =	ssyncset.done $0x0  }
0x32: {  	[sflag:s30] =	ssyncadd.s32 $0xFFFFE000  }
0x33: {  	[spmem:s23] =	stream.linear.scatter [tilespmem:s29], [sflag:$0x4], $0x2000, $0x38;
	[tilespmem:$0x1C800] =	vst v63  }
0x34: {  	_ =	swait.ge [sflag:s30], $0x2000  }
0x35: {  	[sflag:s30] =	ssyncset.done $0x0  }
0x36: {  	[sflag:s30] =	ssyncadd.s32 $0xFFFFE000  }
0x37: {  	[spmem:s13] =	stream.linear.scatter [tilespmem:s29], [sflag:$0x4], $0x2000, $0x38;
	[tilespmem:$0x1C800] =	vst v63  }
0x38: {  	_ =	swait.ge [sflag:s30], $0x2000  }
0x39: {  	[sflag:s30] =	ssyncset.done $0x0  }
0x3a: {  	s21 =	smov.u32 s23;
	[sflag:s30] =	ssyncadd.s32 $0xFFFFE000  }
0x3b: {  	[spmem:s24] =	stream.linear.scatter [tilespmem:s29], [sflag:$0x4], $0x2000, $0x38;
	[tilespmem:$0x1C800] =	vst v63  }
0x3c: {  	s25 =	smov.u32 s24;
	s0 =	stileid.u32;
	_ =	swait.ge [sflag:s30], $0x2000  }
0x3d: {  	s0 =	sshll.u32 s0, $0x6;
	[sflag:s30] =	ssyncset.done $0x0;
	s23 =	rddreg [dreg:$0x12]  }
0x3e: {  	s16 =	sor.u32 $0x1C04, s0;
	s24 =	rddreg [dreg:$0x14];
	[sflag:s30] =	ssyncadd.s32 $0xFFFFE000  }
0x3f: {  	[spmem:s24], [sflag:s16] =	dma.local [hbm:s23], $0x1400  }
0x40: {  	_ =	swait.ge [sflag:s30], $0x1400  }
0x41: {  	[sflag:s30] =	ssyncset.done $0x0  }
0x42: {  	[sflag:s30] =	ssyncadd.s32 $0xFFFFEC00  }
0x43: {  	[bflag:$0x0] =	sbarrier.arrive $0xFFFF  }
0x44: {  	s19 =	smov.u32 s7;
	s7 =	rddreg [dreg:$0x5]  }
0x45: {  	[tilespmem:s4], [sflag:$0x3] =	stream.linear.gather [hbm4b:s7+s4], $0x100, $0x38;
	[tilespmem:$0x1C800] =	vst v63  }
0x46: {  	s22 =	smov.u32 s13;
	s17 =	simm.s32 $0x400;
	s13 =	rddreg [dreg:$0x6]  }
0x47: {  	[tilespmem:s17], [sflag:$0x3] =	stream.linear.gather [hbm4b:s13+s4], $0x100, $0x38;
	[tilespmem:$0x1C800] =	vst v63  }
0x48: {  	s20 =	smov.u32 s18;
	s23 =	simm.s32 $0x100;
	s18 =	rddreg [dreg:$0x7]  }
0x49: {  	[tilespmem:s23], [sflag:$0x3] =	stream.linear.gather [hbm4b:s18+s4], $0x100, $0x38;
	[tilespmem:$0x1C800] =	vst v63  }
0x4a: {  	s24 =	rddreg [dreg:$0x8]  }
0x4b: {  	[tilespmem:s6], [sflag:$0x3] =	stream.linear.gather [hbm4b:s24+s4], $0x100, $0x38;
	[tilespmem:$0x1C800] =	vst v63  }
0x4c: {  	s7 =	rddreg [dreg:$0x9]  }
0x4d: {  	[tilespmem:s26], [sflag:$0x3] =	stream.linear.gather [hbm4b:s7+s4], $0x100, $0x38;
	[tilespmem:$0x1C800] =	vst v63  }
0x4e: {  	s13 =	rddreg [dreg:$0xa]  }
0x4f: {  	[tilespmem:s28], [sflag:$0x3] =	stream.linear.gather [hbm4b:s13+s4], $0x100, $0x38;
	[tilespmem:$0x1C800] =	vst v63  }
0x50: {  	_ =	swait.ge [sflag:s8], $0x100  }
0x51: {  	[sflag:s8] =	ssyncset.done $0x0  }
0x52: {  	[sflag:s8] =	ssyncadd.s32 $0xFFFFFF00  }
0x53: {  	_ =	swait.ge [sflag:s8], $0x100  }
0x54: {  	[sflag:s8] =	ssyncset.done $0x0  }
0x55: {  	[sflag:s8] =	ssyncadd.s32 $0xFFFFFF00  }
0x56: {  	[tilespmem:s29], [sflag:$0x1] =	stream.indirect.gather [spmem:s3], $0x40, s4, s9, $0xb8;
	[tilespmem:$0x1C800] =	vst v63  }
0x57: {  	_ = 	snop  }
0x58: {  	[tilespmem:s10], [sflag:$0x1] =	stream.indirect.gather [spmem:s3], $0x40, s9, s9, $0xb8;
	[tilespmem:$0x1C800] =	vst v63  }
0x59: {  	_ =	swait.ge [sflag:s8], $0x100  }
0x5a: {  	[sflag:s8] =	ssyncset.done $0x0  }
0x5b: {  	[sflag:s8] =	ssyncadd.s32 $0xFFFFFF00  }
0x5c: {  	_ =	swait.ge [sflag:s8], $0x100  }
0x5d: {  	[sflag:s8] =	ssyncset.done $0x0  }
0x5e: {  	[sflag:s8] =	ssyncadd.s32 $0xFFFFFF00  }
0x5f: {  	_ =	swait.ge [sflag:s11], $0x2000  }
0x60: {  	[sflag:s11] =	ssyncset.done $0x0  }
0x61: {  	[sflag:s11] =	ssyncadd.s32 $0xFFFFE000  }
0x62: {  	_ =	swait.ge [sflag:s11], $0x2000  }
0x63: {  	[sflag:s11] =	ssyncset.done $0x0  }
0x64: {  	[sflag:s11] =	ssyncadd.s32 $0xFFFFE000  }
0x65: {  	[tilespmem:s5], [sflag:$0x1] =	stream.indirect.gather [spmem:s3], $0x40, s23, s9, $0xb8;
	[tilespmem:$0x1C800] =	vst v63  }
0x66: {  	s18 =	simm.s32 $0x180  }
0x67: {  	[tilespmem:s12], [sflag:$0x1] =	stream.indirect.gather [spmem:s3], $0x40, s18, s9, $0xb8;
	[tilespmem:$0x1C800] =	vst v63  }
0x68: {  	_ = 	snop  }
0x69: {  	[spmem:s2] =	stream.indirect.scatter.add.f32 [tilespmem:s29], [sflag:$0x2], $0x40, s17, s9, $0xb8;
	[tilespmem:$0x1C800] =	vst v63  }
0x6a: {  	s23 =	simm.s32 $0x480  }
0x6b: {  	[spmem:s2] =	stream.indirect.scatter.add.f32 [tilespmem:s10], [sflag:$0x2], $0x40, s23, s9, $0xb8;
	[tilespmem:$0x1C800] =	vst v63  }
0x6c: {  	s26 =	simm.s32 $0x300;
	s24 =	rddreg [dreg:$0xb]  }
0x6d: {  	[tilespmem:s26], [sflag:$0x3] =	stream.linear.gather [hbm4b:s24+s4], $0x100, $0x38;
	[tilespmem:$0x1C800] =	vst v63  }
0x6e: {  	s7 =	simm.s32 $0x700;
	s6 =	rddreg [dreg:$0xc]  }
0x6f: {  	[tilespmem:s7], [sflag:$0x3] =	stream.linear.gather [hbm4b:s6+s4], $0x100, $0x38;
	[tilespmem:$0x1C800] =	vst v63  }
0x70: {  	_ =	swait.ge [sflag:s8], $0x100  }
0x71: {  	[sflag:s8] =	ssyncset.done $0x0  }
0x72: {  	[sflag:s8] =	ssyncadd.s32 $0xFFFFFF00  }
0x73: {  	_ =	swait.ge [sflag:s8], $0x100  }
0x74: {  	[sflag:s8] =	ssyncset.done $0x0  }
0x75: {  	[sflag:s8] =	ssyncadd.s32 $0xFFFFFF00  }
0x76: {  	_ =	swait.ge [sflag:s11], $0x2000  }
0x77: {  	[sflag:s11] =	ssyncset.done $0x0  }
0x78: {  	[sflag:s11] =	ssyncadd.s32 $0xFFFFE000  }
0x79: {  	_ =	swait.ge [sflag:s11], $0x2000  }
0x7a: {  	[sflag:s11] =	ssyncset.done $0x0  }
0x7b: {  	[sflag:s11] =	ssyncadd.s32 $0xFFFFE000  }
0x7c: {  	_ =	swait.ge [sflag:s14], $0x2000  }
0x7d: {  	[sflag:s14] =	ssyncset.done $0x0  }
0x7e: {  	[sflag:s14] =	ssyncadd.s32 $0xFFFFE000  }
0x7f: {  	_ =	swait.ge [sflag:s14], $0x2000  }
0x80: {  	[sflag:s14] =	ssyncset.done $0x0  }
0x81: {  	[sflag:s14] =	ssyncadd.s32 $0xFFFFE000  }
0x82: {  	s13 =	simm.s32 $0x10000;
	_ =	swait.ge [sflag:s8], $0x100  }
0x83: {  	s0 =	sand.u32 $0x10000, s13;
	[sflag:s8] =	ssyncset.done $0x0  }
0x84: {  	s0 =	sshrl.u32 s0, $0x2;
	[sflag:s8] =	ssyncadd.s32 $0xFFFFFF00  }
0x85: {  	s18 =	simm.s32 $0x100;
	s26 =	simm.s32 $0x8000;
	_ =	swait.ge [sflag:s8], $0x100  }
0x86: {  	s23 =	sand.u32 $0x4000, s26;
	s6 =	simm.s32 $0x200;
	[sflag:s8] =	ssyncset.done $0x0  }
0x87: {  	s7 =	sor.u32 $0x800, s23;
	s24 =	sand.u32 $0x300, s6;
	[sflag:s8] =	ssyncadd.s32 $0xFFFFFF00  }
0x88: {  	[tilespmem:s7], [sflag:$0x1] =	stream.indirect.gather [spmem:s3], $0x40, s24, s9, $0xb8;
	[tilespmem:$0x1C800] =	vst v63  }
0x89: {  	s1 =	sand.u32 $0x300, s18;
	s23 =	sor.u32 $0x2800, s23;
	s24 =	sor.u32 $0x80, s24  }
0x8a: {  	[tilespmem:s23], [sflag:$0x1] =	stream.indirect.gather [spmem:s3], $0x40, s24, s9, $0xb8;
	[tilespmem:$0x1C800] =	vst v63  }
0x8b: {  	s18 =	sor.u32 $0x800, s0;
	s13 =	sor.u32 $0x400, s1  }
0x8c: {  	[spmem:s2] =	stream.indirect.scatter.add.f32 [tilespmem:s18], [sflag:$0x2], $0x40, s13, s9, $0xb8;
	[tilespmem:$0x1C800] =	vst v63  }
0x8d: {  	s28 =	smov.u32 s31;
	s0 =	sor.u32 $0x2800, s0;
	s1 =	sor.u32 $0x480, s1  }
0x8e: {  	[spmem:s2] =	stream.indirect.scatter.add.f32 [tilespmem:s0], [sflag:$0x2], $0x40, s1, s9, $0xb8;
	[tilespmem:$0x1C800] =	vst v63  }
0x8f: {  	s26 =	sand.u32 $0x300, s17;
	s17 =	simm.s32 $0x20000;
	s24 =	rddreg [dreg:$0x15]  }
0x90: {  	[tilespmem:s26], [sflag:$0x3] =	stream.linear.gather [hbm4b:s31+s4], $0x100, $0x38;
	[tilespmem:$0x1C800] =	vst v63  }
0x91: {  	s23 =	simm.s32 $0x500;
	s0 =	sor.u32 $0x400, s26;
	s26 =	smov.u32 s24  }
.LBB2_4:
0x92: {  	s26 =	sadd.s32 $0x20, s26  }
0x93: {  	s28 =	sadd.s32 $0x20, s28;
	s17 =	sadd.s32 $0x10000, s17;
	s1 =	smov.u32 s23  }
0x94: {  	[tilespmem:s0], [sflag:$0x3] =	stream.linear.gather [hbm4b:s24+s4], $0x100, $0x38;
	[tilespmem:$0x1C800] =	vst v63  }
0x95: {  	p0 =	sne.s32 s23, $0x4F00;
	s23 =	sadd.s32 $0x100, s23;
	_ =	swait.ge [sflag:s11], $0x2000  }
0x96: {  	s24 =	smov.u32 s26;
	[sflag:s11] =	ssyncset.done $0x0  }
0x97: {  	[sflag:s11] =	ssyncadd.s32 $0xFFFFE000  }
0x98: {  	_ =	swait.ge [sflag:s11], $0x2000  }
0x99: {  	[sflag:s11] =	ssyncset.done $0x0  }
0x9a: {  	[sflag:s11] =	ssyncadd.s32 $0xFFFFE000  }
0x9b: {  	_ =	swait.ge [sflag:s14], $0x2000  }
0x9c: {  	[sflag:s14] =	ssyncset.done $0x0  }
0x9d: {  	[sflag:s14] =	ssyncadd.s32 $0xFFFFE000  }
0x9e: {  	_ =	swait.ge [sflag:s14], $0x2000  }
0x9f: {  	[sflag:s14] =	ssyncset.done $0x0  }
0xa0: {  	[sflag:s14] =	ssyncadd.s32 $0xFFFFE000  }
0xa1: {  	_ =	swait.ge [sflag:s8], $0x100  }
0xa2: {  	[sflag:s8] =	ssyncset.done $0x0  }
0xa3: {  	s0 =	sadd.s32 $0xFFFF0000, s17;
	s7 =	sadd.s32 $0xFFFFFD00, s1;
	[sflag:s8] =	ssyncadd.s32 $0xFFFFFF00  }
0xa4: {  	s6 =	sshrl.u32 s17, $0x2;
	s7 =	sand.u32 $0x300, s7;
	_ =	swait.ge [sflag:s8], $0x100  }
0xa5: {  	s13 =	sadd.s32 $0xFFFFFE00, s1;
	s6 =	sand.u32 $0x4000, s6;
	[sflag:s8] =	ssyncset.done $0x0  }
0xa6: {  	s13 =	sand.u32 $0x300, s13;
	s18 =	sor.u32 $0x800, s6;
	[sflag:s8] =	ssyncadd.s32 $0xFFFFFF00  }
0xa7: {  	[tilespmem:s18], [sflag:$0x1] =	stream.indirect.gather [spmem:s3], $0x40, s13, s9, $0xb8;
	[tilespmem:$0x1C800] =	vst v63  }
0xa8: {  	s0 =	sand.u32 $0x10000, s0;
	s6 =	sor.u32 $0x2800, s6;
	s13 =	sor.u32 $0x80, s13  }
0xa9: {  	[tilespmem:s6], [sflag:$0x1] =	stream.indirect.gather [spmem:s3], $0x40, s13, s9, $0xb8;
	[tilespmem:$0x1C800] =	vst v63  }
0xaa: {  	s0 =	sshrl.u32 s0, $0x2;
	s6 =	sor.u32 $0x400, s7  }
0xab: {  	s13 =	sor.u32 $0x800, s0;
	s0 =	sor.u32 $0x2800, s0;
	s7 =	sor.u32 $0x480, s7  }
0xac: {  	[spmem:s2] =	stream.indirect.scatter.add.f32 [tilespmem:s13], [sflag:$0x2], $0x40, s6, s9, $0xb8;
	[tilespmem:$0x1C800] =	vst v63  }
.Ltmp1:
0xad: {  	_ = 	snop;
	(pc) =	sbr.rel @p0 .LBB2_4-.Ltmp1, $4  }
0xae: {  	s1 =	sand.u32 $0x300, s1  }
0xaf: {  	[spmem:s2] =	stream.indirect.scatter.add.f32 [tilespmem:s0], [sflag:$0x2], $0x40, s7, s9, $0xb8;
	[tilespmem:$0x1C800] =	vst v63  }
0xb0: {  	s0 =	sor.u32 $0x400, s1  }
0xb1: {  	[tilespmem:s1], [sflag:$0x3] =	stream.linear.gather [hbm4b:s28+s4], $0x100, $0x38;
	[tilespmem:$0x1C800] =	vst v63  }
0xb2: {  	[tilespmem:s0], [sflag:$0x3] =	stream.linear.gather [hbm4b:s24+s4], $0x100, $0x38;
	[tilespmem:$0x1C800] =	vst v63  }
0xb3: {  	_ =	swait.ge [sflag:s11], $0x2000  }
0xb4: {  	[sflag:s11] =	ssyncset.done $0x0  }
0xb5: {  	[sflag:s11] =	ssyncadd.s32 $0xFFFFE000  }
0xb6: {  	_ =	swait.ge [sflag:s11], $0x2000  }
0xb7: {  	[sflag:s11] =	ssyncset.done $0x0  }
0xb8: {  	[sflag:s11] =	ssyncadd.s32 $0xFFFFE000  }
0xb9: {  	_ =	swait.ge [sflag:s14], $0x2000  }
0xba: {  	[sflag:s14] =	ssyncset.done $0x0  }
0xbb: {  	[sflag:s14] =	ssyncadd.s32 $0xFFFFE000  }
0xbc: {  	_ =	swait.ge [sflag:s14], $0x2000  }
0xbd: {  	[sflag:s14] =	ssyncset.done $0x0  }
0xbe: {  	[sflag:s14] =	ssyncadd.s32 $0xFFFFE000  }
0xbf: {  	_ =	swait.ge [sflag:s8], $0x100  }
0xc0: {  	[sflag:s8] =	ssyncset.done $0x0  }
0xc1: {  	[sflag:s8] =	ssyncadd.s32 $0xFFFFFF00  }
0xc2: {  	_ =	swait.ge [sflag:s8], $0x100  }
0xc3: {  	[sflag:s8] =	ssyncset.done $0x0  }
0xc4: {  	s26 =	simm.s32 $0x200;
	[sflag:s8] =	ssyncadd.s32 $0xFFFFFF00  }
0xc5: {  	[tilespmem:s29], [sflag:$0x1] =	stream.indirect.gather [spmem:s3], $0x40, s26, s9, $0xb8;
	[tilespmem:$0x1C800] =	vst v63  }
0xc6: {  	s23 =	simm.s32 $0x280  }
0xc7: {  	[tilespmem:s10], [sflag:$0x1] =	stream.indirect.gather [spmem:s3], $0x40, s23, s9, $0xb8;
	[tilespmem:$0x1C800] =	vst v63  }
0xc8: {  	s6 =	simm.s32 $0x500  }
0xc9: {  	[spmem:s2] =	stream.indirect.scatter.add.f32 [tilespmem:s5], [sflag:$0x2], $0x40, s6, s9, $0xb8;
	[tilespmem:$0x1C800] =	vst v63  }
0xca: {  	s24 =	simm.s32 $0x580  }
0xcb: {  	[spmem:s2] =	stream.indirect.scatter.add.f32 [tilespmem:s12], [sflag:$0x2], $0x40, s24, s9, $0xb8;
	[tilespmem:$0x1C800] =	vst v63  }
0xcc: {  	_ =	swait.ge [sflag:s11], $0x2000  }
0xcd: {  	[sflag:s11] =	ssyncset.done $0x0  }
0xce: {  	[sflag:s11] =	ssyncadd.s32 $0xFFFFE000  }
0xcf: {  	_ =	swait.ge [sflag:s11], $0x2000  }
0xd0: {  	[sflag:s11] =	ssyncset.done $0x0  }
0xd1: {  	[sflag:s11] =	ssyncadd.s32 $0xFFFFE000  }
0xd2: {  	_ =	swait.ge [sflag:s14], $0x2000  }
0xd3: {  	[sflag:s14] =	ssyncset.done $0x0  }
0xd4: {  	[sflag:s14] =	ssyncadd.s32 $0xFFFFE000  }
0xd5: {  	_ =	swait.ge [sflag:s14], $0x2000  }
0xd6: {  	[sflag:s14] =	ssyncset.done $0x0  }
0xd7: {  	s1 =	simm.s32 $0x300;
	[sflag:s14] =	ssyncadd.s32 $0xFFFFE000  }
0xd8: {  	[tilespmem:s5], [sflag:$0x1] =	stream.indirect.gather [spmem:s3], $0x40, s1, s9, $0xb8;
	[tilespmem:$0x1C800] =	vst v63  }
0xd9: {  	s7 =	simm.s32 $0x380  }
0xda: {  	[tilespmem:s12], [sflag:$0x1] =	stream.indirect.gather [spmem:s3], $0x40, s7, s9, $0xb8;
	[tilespmem:$0x1C800] =	vst v63  }
0xdb: {  	s28 =	simm.s32 $0x600  }
0xdc: {  	[spmem:s2] =	stream.indirect.scatter.add.f32 [tilespmem:s29], [sflag:$0x2], $0x40, s28, s9, $0xb8;
	[tilespmem:$0x1C800] =	vst v63  }
0xdd: {  	s13 =	simm.s32 $0x680  }
0xde: {  	[spmem:s2] =	stream.indirect.scatter.add.f32 [tilespmem:s10], [sflag:$0x2], $0x40, s13, s9, $0xb8;
	[tilespmem:$0x1C800] =	vst v63  }
0xdf: {  	_ =	swait.ge [sflag:s11], $0x2000  }
0xe0: {  	[sflag:s11] =	ssyncset.done $0x0  }
0xe1: {  	[sflag:s11] =	ssyncadd.s32 $0xFFFFE000  }
0xe2: {  	_ =	swait.ge [sflag:s11], $0x2000  }
0xe3: {  	[sflag:s11] =	ssyncset.done $0x0  }
0xe4: {  	[sflag:s11] =	ssyncadd.s32 $0xFFFFE000  }
0xe5: {  	_ =	swait.ge [sflag:s14], $0x2000  }
0xe6: {  	[sflag:s14] =	ssyncset.done $0x0  }
0xe7: {  	[sflag:s14] =	ssyncadd.s32 $0xFFFFE000  }
0xe8: {  	_ =	swait.ge [sflag:s14], $0x2000  }
0xe9: {  	[sflag:s14] =	ssyncset.done $0x0  }
0xea: {  	s17 =	simm.s32 $0x700;
	[sflag:s14] =	ssyncadd.s32 $0xFFFFE000  }
0xeb: {  	[spmem:s2] =	stream.indirect.scatter.add.f32 [tilespmem:s5], [sflag:$0x2], $0x40, s17, s9, $0xb8;
	[tilespmem:$0x1C800] =	vst v63  }
0xec: {  	s18 =	simm.s32 $0x780  }
0xed: {  	[spmem:s2] =	stream.indirect.scatter.add.f32 [tilespmem:s12], [sflag:$0x2], $0x40, s18, s9, $0xb8;
	[tilespmem:$0x1C800] =	vst v63  }
0xee: {  	_ =	swait.ge [sflag:s14], $0x2000  }
0xef: {  	[sflag:s14] =	ssyncset.done $0x0  }
0xf0: {  	[sflag:s14] =	ssyncadd.s32 $0xFFFFE000  }
0xf1: {  	_ =	swait.ge [sflag:s14], $0x2000  }
0xf2: {  	[sflag:s14] =	ssyncset.done $0x0  }
0xf3: {  	[sflag:s14] =	ssyncadd.s32 $0xFFFFE000  }
0xf4: {  	[bflag:$0x0] =	sbarrier.arrive $0xFFFF  }
0xf5: {  	s7 =	smov.u32 s19;
	s19 =	sshrl.u32 s19, $0x3;
	s1 =	rddreg [dreg:$0xd]  }
0xf6: {  	[hbm:s1], [sflag:s16] =	dma.local [spmem:s19], $0x400  }
0xf7: {  	_ =	swait.ge [sflag:s30], $0x400  }
0xf8: {  	[sflag:s30] =	ssyncset.done $0x0  }
0xf9: {  	s23 =	sshrl.u32 s20, $0x3;
	s24 =	rddreg [dreg:$0xe];
	[sflag:s30] =	ssyncadd.s32 $0xFFFFFC00  }
0xfa: {  	[hbm:s24], [sflag:s16] =	dma.local [spmem:s23], $0x400  }
0xfb: {  	_ =	swait.ge [sflag:s30], $0x400  }
0xfc: {  	[sflag:s30] =	ssyncset.done $0x0  }
0xfd: {  	s13 =	sshrl.u32 s21, $0x3;
	s17 =	rddreg [dreg:$0xf];
	[sflag:s30] =	ssyncadd.s32 $0xFFFFFC00  }
0xfe: {  	[hbm:s17], [sflag:s16] =	dma.local [spmem:s13], $0x400  }
0xff: {  	_ =	swait.ge [sflag:s30], $0x400  }
0x100: {  	s18 =	smov.u32 s20;
	[sflag:s30] =	ssyncset.done $0x0  }
0x101: {  	s19 =	sshrl.u32 s22, $0x3;
	s20 =	rddreg [dreg:$0x10];
	[sflag:s30] =	ssyncadd.s32 $0xFFFFFC00  }
0x102: {  	[hbm:s20], [sflag:s16] =	dma.local [spmem:s19], $0x400  }
0x103: {  	_ =	swait.ge [sflag:s30], $0x400  }
0x104: {  	s23 =	smov.u32 s21;
	s21 =	sshrl.u32 s25, $0x3;
	[sflag:s30] =	ssyncset.done $0x0  }
0x105: {  	s13 =	smov.u32 s22;
	s22 =	rddreg [dreg:$0x11];
	[sflag:s30] =	ssyncadd.s32 $0xFFFFFC00  }
0x106: {  	[hbm:s22], [sflag:s16] =	dma.local [spmem:s21], $0x400  }
0x107: {  	_ =	swait.ge [sflag:s30], $0x400  }
0x108: {  	s15 =	sadd.s32 $0x1, s15;
	s24 =	smov.u32 s25;
	s25 =	rddreg [dreg:$0x13]  }
0x109: {  	p0 =	sne.s32 s15, s25  }
.Ltmp2:
0x10a: {  	_ = 	snop;
	(pc) =	sbr.rel @p0 .LBB2_1-.Ltmp2, $3  }
0x10b: {  	_ =	sdelay $0x1  }
0x10c: {  	[sflag:s30] =	ssyncset.done $0x0  }
0x10d: {  	[sflag:s30] =	ssyncadd.s32 $0xFFFFFC00  }
0x10e: {  	_ =	sfence.sel $0x180000  }
0x10f: {  	[bflag:$0x0] =	sbarrier.arrive $0xFFFF  }
0x110: {  	_ =	strace $0x9000004A  }
0x111: {  	s0 =	stileid.u32;
	[bflag:$0x2] =	sbarrier.arrive $0xFFFF  }
0x112: {  	p0 =	sne.s32 s0, $0x0;
	s0 =	rddreg [dreg:$0x4]  }
0x113: {  	s0 =	sadd.s32 @!p0 $0x100000, s0  }
0x114: {  	[sflag:s0] =	ssyncadd.tile.s32 @!p0 $0x1;
	_ =	shalt  }
.Lfunc_end2:
_tile_overlayer_lowered:
.L_overlay_start_2:
0x115: {  	(tag) =	ssettag $0x2  }
0x116: {  	s0 =	rddreg [dreg:$0x0];
	s2 =	stileid.u32  }
0x117: {  	s1 =	rddreg [dreg:$0x1];
	p0 =	sne.s32 s2, $0x0  }
0x118: {  	s3 =	rddreg [dreg:$0x2];
	[bflag:$0x3] =	sbarrier.arrive $0xFFFF;
	s2 =	simm.s32 @!p0 $0x1C04  }
0x119: {  	[timem:s3], [sflag:s2] =	dma.local @!p0 [hbm:s0], s1  }
0x11a: {  	s0 =	simm.s32 @!p0 $0x4  }
0x11b: {  	_ =	swait.ge @!p0 [sflag:s0], s1  }
0x11c: {  	s1 =	ssub.s32 @!p0 $0x0, s1;
	[sflag:s0] =	ssyncset.done @!p0 $0x0  }
0x11d: {  	[sflag:s0] =	ssyncadd.s32 @!p0 s1  }
0x11e: {  	[bflag:$0x3] =	sbarrier.arrive $0xFFFF  }
0x11f: {  	_ =	shalt  }

// kernel: kernel.14.cloned.1.call-start
scs
__scs_entry_jumppad:
0x0: {  	(pc) =	sbr.rel $0x88, $3  }
0x1: {  	(tag) =	ssettag $0x0;
	lr =	simm.s32 $0x1  }
0x2: {  	[smem:$0x3F95] =	sst lr;
	_ =	strace $0xD0000000  }
0x3: {  	_ = 	snop  }
0x4: {  	_ = 	snop  }
0x5: {  	_ = 	snop  }
0x6: {  	_ = 	snop  }
0x7: {  	_ = 	snop  }
__scs_overlays_trampoline_lowered:
0x8: {  	[smem:$0x3FA4] =	sst s0  }
0x9: {  	[smem:$0x3FA5] =	sst s1  }
0xa: {  	[smem:$0x3FA6] =	sst s2  }
0xb: {  	[smem:$0x3FA7] =	sst s3  }
0xc: {  	[smem:$0x3FA8] =	sst s4  }
0xd: {  	[smem:$0x3FA9] =	sst s5  }
0xe: {  	[smem:$0x3FAA] =	sst s6  }
0xf: {  	[smem:$0x3FAB] =	sst s7  }
0x10: {  	[smem:$0x3FAC] =	sst s8  }
0x11: {  	[smem:$0x3FAD] =	sst s9;
	s0 =	simm.s32 @!p0 $0x0  }
0x12: {  	s1 =	sld [smem:$0x3F93];
	s0 =	simm.s32 @p0 $0x1  }
0x13: {  	[smem:$0x3FAE] =	sst s0;
	s0 =	simm.s32 @!p1 $0x0  }
0x14: {  	s2 =	sld [smem:$0x3F92];
	s0 =	simm.s32 @p1 $0x1  }
0x15: {  	[smem:$0x3FAF] =	sst s0;
	s0 =	simm.s32 @!p2 $0x0  }
0x16: {  	s3 =	sld [smem:$0x3FDB];
	s0 =	simm.s32 @p2 $0x1  }
0x17: {  	s4 =	simm.s32 $0x1BF5;
	[smem:$0x3FB1] =	sst s0  }
0x18: {  	s0 =	sld [smem:$0x3F94];
	_ =	swait.ge [sflag:s4], $0x0  }
0x19: {  	s7 =	sld [smem:$0x3F95]  }
0x1a: {  	s8 =	sadd.s32 $0xFFFFE003, lr  }
0x1b: {  	s9 =	sadd.s32 $0xFFFFFEF7, lr;
	s5 =	simm.s32 $0xFFFFFFFF;
	p2 =	slt.u32 s8, $0xFFFFF086  }
0x1c: {  	p1 =	slt.u32 s9, $0xF7A;
	s5 =	simm.s32 @!p2 $0x0  }
0x1d: {  	s5 =	simm.s32 @p1 $0x1;
	p0 =	seq.s32 s7, s2  }
0x1e: {  	s7 =	smul.u32 @!p0 $0xF7A, s2;
	p2 =	seq.s32 @!p0 s5, $0x0  }
0x1f: {  	s9 =	smul.u32 $0xF7A, s1;
	s8 =	simm.s32 @!p0 $0x1BF5;
	p2 =	por !p2, p0  }
0x20: {  	[sflag:s8] =	ssyncset.s32 @!p0 $0xFFFFF086;
	s6 =	sadd.s32 @!p0 s3, s7;
	s7 =	simm.s32 @!p0 $0x108  }
0x21: {  	s3 =	sadd.s32 s3, s9;
	s6 =	sadd.s32 @!p0 $0x88, s6;
	s7 =	simm.s32 @p2 $0x1082  }
0x22: {  	[simem:s7], [sflag:s8] =	dma.local @!p0 [hbm:s6], $0xF7A  }
0x23: {  	s9 =	sor.u32 $0xD0000000, s2;
	s6 =	simm.s32 $0x108;
	_ =	swait.ge @!p0 [sflag:s8], $0x0  }
0x24: {  	s3 =	sadd.s32 $0x88, s3;
	s6 =	simm.s32 @!p1 $0x1082;
	[sflag:s4] =	ssyncset.s32 $0xFFFFF086  }
0x25: {  	[simem:s6], [sflag:s4] =	dma.local [hbm:s3], $0xF7A  }
0x26: {  	[smem:$0x3F95] =	sst s1;
	(tag) =	ssettag s2;
	_ =	strace s9  }
0x27: {  	s1 =	sld [smem:$0x3FA5]  }
0x28: {  	s2 =	sld [smem:$0x3FA6]  }
0x29: {  	s4 =	sld [smem:$0x3FA8]  }
0x2a: {  	p0 =	seq.s32 s5, $0x0;
	s5 =	sld [smem:$0x3FA9]  }
0x2b: {  	s6 =	sld [smem:$0x3FAA]  }
0x2c: {  	s7 =	sld [smem:$0x3FAB]  }
0x2d: {  	s3 =	simm.s32 $0x108;
	s8 =	sld [smem:$0x3FAC]  }
0x2e: {  	s3 =	simm.s32 @!p0 $0x1082;
	s9 =	sld [smem:$0x3FAD]  }
0x2f: {  	lr =	sadd.s32 s0, s3;
	s0 =	sld [smem:$0x3FA4]  }
0x30: {  	s3 =	sld [smem:$0x3FA7]  }
0x31: {  	[smem:$0x3FB0] =	sst s10  }
0x32: {  	s10 =	sld [smem:$0x3FAE];
	_ =	sdelay $0x3  }
0x33: {  	p0 =	seq.s32 s10, $0x1;
	s10 =	sld [smem:$0x3FB0];
	_ =	sdelay $0x3  }
0x34: {  	[smem:$0x3FB0] =	sst s10  }
0x35: {  	s10 =	sld [smem:$0x3FAF];
	_ =	sdelay $0x3  }
0x36: {  	p1 =	seq.s32 s10, $0x1;
	s10 =	sld [smem:$0x3FB0];
	_ =	sdelay $0x3  }
0x37: {  	[smem:$0x3FB0] =	sst s10  }
0x38: {  	s10 =	sld [smem:$0x3FB1]  }
0x39: {  	_ = 	snop;
	(pc) =	sbr.ind lr, $3  }
0x3a: {  	_ = 	snop  }
0x3b: {  	_ = 	snop  }
0x3c: {  	p2 =	seq.s32 s10, $0x1;
	s10 =	sld [smem:$0x3FB0]  }
0x3d: {  	_ =	shalt  }
0x3e: {  	_ =	shalt  }
0x3f: {  	_ =	shalt  }
0x40: {  	_ =	shalt  }
0x41: {  	_ =	shalt  }
0x42: {  	_ =	shalt  }
0x43: {  	_ =	shalt  }
0x44: {  	_ =	shalt  }
0x45: {  	_ =	shalt  }
0x46: {  	_ =	shalt  }
0x47: {  	_ =	shalt  }
0x48: {  	_ =	shalt  }
0x49: {  	_ =	shalt  }
0x4a: {  	_ =	shalt  }
0x4b: {  	_ =	shalt  }
0x4c: {  	_ =	shalt  }
0x4d: {  	_ =	shalt  }
0x4e: {  	_ =	shalt  }
0x4f: {  	_ =	shalt  }
0x50: {  	_ =	shalt  }
0x51: {  	_ =	shalt  }
0x52: {  	_ =	shalt  }
0x53: {  	_ =	shalt  }
0x54: {  	_ =	shalt  }
0x55: {  	_ =	shalt  }
0x56: {  	_ =	shalt  }
0x57: {  	_ =	shalt  }
0x58: {  	_ =	shalt  }
0x59: {  	_ =	shalt  }
0x5a: {  	_ =	shalt  }
0x5b: {  	_ =	shalt  }
0x5c: {  	_ =	shalt  }
0x5d: {  	_ =	shalt  }
0x5e: {  	_ =	shalt  }
0x5f: {  	_ =	shalt  }
0x60: {  	_ =	shalt  }
0x61: {  	_ =	shalt  }
0x62: {  	_ =	shalt  }
0x63: {  	_ =	shalt  }
0x64: {  	_ =	shalt  }
0x65: {  	_ =	shalt  }
0x66: {  	_ =	shalt  }
0x67: {  	_ =	shalt  }
0x68: {  	_ =	shalt  }
0x69: {  	_ =	shalt  }
0x6a: {  	_ =	shalt  }
0x6b: {  	_ =	shalt  }
0x6c: {  	_ =	shalt  }
0x6d: {  	_ =	shalt  }
0x6e: {  	_ =	shalt  }
0x6f: {  	_ =	shalt  }
0x70: {  	_ =	shalt  }
0x71: {  	_ =	shalt  }
0x72: {  	_ =	shalt  }
0x73: {  	_ =	shalt  }
0x74: {  	_ =	shalt  }
0x75: {  	_ =	shalt  }
0x76: {  	_ =	shalt  }
0x77: {  	_ =	shalt  }
0x78: {  	_ =	shalt  }
0x79: {  	_ =	shalt  }
0x7a: {  	_ =	shalt  }
0x7b: {  	_ =	shalt  }
0x7c: {  	_ =	shalt  }
0x7d: {  	_ =	shalt  }
0x7e: {  	_ =	shalt  }
0x7f: {  	_ =	shalt  }
0x80: {  	_ =	shalt  }
0x81: {  	_ =	shalt  }
0x82: {  	_ =	shalt  }
0x83: {  	_ =	shalt  }
0x84: {  	_ =	shalt  }
0x85: {  	_ =	shalt  }
0x86: {  	_ =	shalt  }
0x87: {  	_ =	shalt  }
.Lfunc_end0:
.L_simem_size_0:
called_computation.2_lowered:
.L_overlay_start_0:
0x88: {  	s2 =	sld [smem:$0x3FD9]  }
0x89: {  	s3 =	sld [smem:$0x3FFE];
	_ =	sdelay $0x1  }
0x8a: {  	s1 =	srdreg.scid  }
0x8b: {  	s0 =	sand.u32 $0x1, s1  }
0x8c: {  	s17 =	sshll.u32 s0, $0xA;
	s2 =	sadd.s32 s3, s2  }
0x8d: {  	s2 =	sadd.s32 s2, s17  }
0x8e: {  	[smem:$0x3FBC] =	sst s2  }
0x8f: {  	_ = 	snop  }
0x90: {  	s2 =	sld [smem:$0x3FD0];
	(tm) =	ssettm $0x1  }
0x91: {  	s18 =	sld [smem:$0x3FFB];
	_ =	sdelay $0x3  }
0x92: {  	_ =	strace s18  }
0x93: {  	s3 =	sld [smem:$0x3FFC];
	_ =	sdelay $0x3  }
0x94: {  	_ =	strace s3  }
0x95: {  	s3 =	sld [smem:$0x3FFD];
	_ =	sdelay $0x3  }
0x96: {  	_ =	strace s3  }
0x97: {  	_ =	strace $0x8FFFFFFF  }
0x98: {  	s19 =	sld [smem:$0x3FDB];
	_ =	sdelay $0x1  }
0x99: {  	s4 =	simm.s32 $_scs_section_size  }
0x9a: {  	s5 =	simm.s32 $_size__tile_overlayer_lowered;
	s6 =	simm.s32 $_tile_overlayer_lowered  }
0x9b: {  	s22 =	simm.s32 $0x1BFF;
	s21 =	sshll.u32 s6, $0x1;
	s3 =	sadd.s32 s4, s19  }
0x9c: {  	s7 =	simm.s32 $0x0;
	s20 =	sshll.u32 s5, $0x1;
	s5 =	sadd.s32 s21, s3  }
0x9d: {  	[timem:s7], [sflag:s22] =	dma.local [hbm:s5], s20  }
0x9e: {  	_ =	swait.ge [sflag:s22], s20  }
0x9f: {  	s4 =	ssub.s32 $0x0, s20;
	[sflag:s22] =	ssyncset.done $0x0  }
0xa0: {  	[sflag:s22] =	ssyncadd.s32 s4;
	_ =	sdelay $0x1  }
0xa1: {  	s23 =	simm.s32 $0x1B8B  }
0xa2: {  	_ =	swait.ge [sflag:s23], $0x1  }
0xa3: {  	[sflag:s23] =	ssyncset.done $0x0  }
0xa4: {  	s25 =	simm.s32 $0x1B8E;
	s24 =	sld [smem:$0x3FFE];
	[sflag:s23] =	ssyncadd.s32 $0xFFFFFFFF  }
0xa5: {  	s26 =	simm.s32 $execute0_lowered;
	[smem:$0x3FD2] =	sst s25  }
0xa6: {  	s5 =	sshll.u32 s26, $0x1;
	_ =	strace $0x8000004C;
	[dreg:$0x1] =	wrdreg $0xFFFFFFFF  }
0xa7: {  	s28 =	simm.s32 $_size_execute0_lowered;
	s3 =	sadd.s32 s3, s5;
	[dreg:$0x0] =	wrdreg $0x0  }
0xa8: {  	s5 =	sshll.u32 s28, $0x1;
	[dreg:$0x2] =	wrdreg s3  }
0xa9: {  	[dreg:$0x3] =	wrdreg s5  }
0xaa: {  	[dreg:$0x4] =	wrdreg $0xC0  }
0xab: {  	_ =	task [dreg:s7], $0x5FFFF  }
0xac: {  	[dreg:$0x1] =	wrdreg $0xFFFFFFFF  }
0xad: {  	[dreg:$0x0] =	wrdreg $0x60  }
0xae: {  	[dreg:$0x2] =	wrdreg s24  }
0xaf: {  	[dreg:$0x3] =	wrdreg s2  }
0xb0: {  	[dreg:$0x4] =	wrdreg $0x88000  }
0xb1: {  	[dreg:$0x5] =	wrdreg $0x128000  }
0xb2: {  	[dreg:$0x6] =	wrdreg $0x9  }
0xb3: {  	_ =	task.clear_ibuf [dreg:s7], $0x7FFFF;
	_ =	strace $0x9000004C  }
0xb4: {  	s29 =	simm.s32 $0x9;
	_ =	strace $0x8000004E  }
0xb5: {  	_ =	swait.ge [sflag:s29], $0x1  }
0xb6: {  	[sflag:s29] =	ssyncadd.s32 $0xFFFFFFFF  }
0xb7: {  	_ =	strace $0x9000004E  }
0xb8: {  	_ =	sfence  }
0xb9: {  	s30 =	sld [smem:$0x0];
	_ =	sdelay $0x2  }
0xba: {  	s31 =	sshll.u32 s1, $0xD;
	s1 =	sshrl.u32 s1, $0x2  }
0xbb: {  	s3 =	sand.u32 $0x4000, s31;
	s1 =	sadd.s32 s1, s30  }
0xbc: {  	s0 =	sor.u32 s3, s0;
	s1 =	sshll.u32 s1, $0x11  }
0xbd: {  	s0 =	sor.u32 s1, s0  }
0xbe: {  	s0 =	sadd.s32 $0x8F2B, s0  }
0xbf: {  	[sflag:s0] =	ssyncadd.remote.s32 $0x1  }
0xc0: {  	_ =	sfence.sel $0xFFFF  }
0xc1: {  	[dreg:$0x0] =	wrdreg $0xFFFFFFFF;
	(pc) =	sbr.abs _section_cstart, $3  }
0xc2: {  	[dreg:$0x1] =	wrdreg $0xFFFFFFFF  }
0xc3: {  	_ =	task.clear_ibuf [dreg:s7], $0x2FFFF;
	_ =	strace $0x9FFFFFFF  }
0xc4: {  	(tm) =	ssettm $0x7FFFFFFF  }
0xc5: {  	_ =	shalt  }
tec
execute0_lowered:
.L_overlay_start_1:
0x0: {  	(tag) =	ssettag $0x1  }
0x1: {  	s0 =	rddreg [dreg:$0x0]  }
0x2: {  	s1 =	rddreg [dreg:$0x1];
	s3 =	srdreg.scid  }
0x3: {  	s2 =	rddreg [dreg:$0x2];
	s11 =	stileid.u32;
	s4 =	simm.s32 $0x0  }
0x4: {  	s29 =	simm.s32 $0x800;
	s30 =	simm.s32 $0x4;
	s7 =	smul.u32 $0x1400, s11  }
0x5: {  	s5 =	sand.u32 $0x1, s3;
	s3 =	rddreg [dreg:$0x3];
	s9 =	smul.u32 $0xA000, s11  }
0x6: {  	s28 =	simm.s32 $0x600;
	[smem:$0x7FF] =	sst s4;
	s11 =	smul.u32 $0xA00, s11  }
0x7: {  	s21 =	sadd.s32 $0xD200, s0;
	s6 =	smul.u32 $0x14000, s5;
	s8 =	ssub.s32 $0x2, s5  }
0x8: {  	_ =	strace $0x8000004D;
	s5 =	smul.u32 $0xA0000, s5;
	s10 =	sshrl.u32 s8, $0x1  }
0x9: {  	s22 =	sadd.s32 $0x2000, s9;
	s12 =	sadd.s32 $0x4000, s9;
	s13 =	sadd.s32 $0x6000, s9  }
0xa: {  	s14 =	sadd.s32 $0x8000, s9;
	s15 =	sor.u32 $0x20, s11;
	s16 =	sadd.s32 s21, s11  }
0xb: {  	s17 =	sadd.s32 s1, s11;
	s23 =	sor.u32 $0x40, s11;
	s11 =	sor.u32 $0x60, s11  }
0xc: {  	s6 =	sadd.s32 s7, s6;
	s8 =	ssub.s32 s8, s10;
	s18 =	sadd.s32 s21, s15  }
0xd: {  	s15 =	sadd.s32 s1, s15;
	s24 =	sadd.s32 s21, s23;
	s7 =	sadd.s32 s21, s11  }
0xe: {  	s25 =	sadd.s32 s9, s5;
	s26 =	sadd.s32 s5, s22;
	[dreg:$0x6] =	wrdreg s17  }
0xf: {  	s19 =	sadd.s32 s5, s13;
	s13 =	sadd.s32 s13, s2;
	[dreg:$0x5] =	wrdreg s16  }
0x10: {  	s21 =	sadd.s32 s9, s3;
	s31 =	sadd.s32 $0x80, s16;
	[dreg:$0x7] =	wrdreg s18  }
0x11: {  	s10 =	simm.s32 $0x2800;
	s6 =	sadd.s32 s6, s0;
	[dreg:$0x8] =	wrdreg s15  }
0x12: {  	s0 =	sadd.s32 $0x8F200, s0;
	[dreg:$0x9] =	wrdreg s24;
	s15 =	sadd.s32 s1, s23  }
0x13: {  	[dreg:$0xb] =	wrdreg s7;
	s1 =	sadd.s32 s1, s11;
	s7 =	sshrl.u32 s25, $0x3  }
0x14: {  	s11 =	sshrl.u32 s26, $0x3;
	s18 =	sadd.s32 s5, s12;
	s5 =	sadd.s32 s5, s14  }
0x15: {  	s20 =	sshrl.u32 s19, $0x3;
	s23 =	sadd.s32 s12, s2;
	[dreg:$0xa] =	wrdreg s15  }
0x16: {  	s24 =	sadd.s32 s14, s2;
	s25 =	smax.u32 s8, $0x1;
	[dreg:$0xc] =	wrdreg s1  }
0x17: {  	s26 =	sadd.s32 $0x80, s17;
	s8 =	simm.s32 $0x3;
	[dreg:$0x13] =	wrdreg s25  }
0x18: {  	s12 =	simm.s32 $0x6800;
	s1 =	sadd.s32 s0, s7;
	[dreg:$0x15] =	wrdreg s26  }
0x19: {  	s14 =	simm.s32 $0x2;
	s15 =	sadd.s32 s0, s11;
	[dreg:$0xd] =	wrdreg s1  }
0x1a: {  	s5 =	sshrl.u32 s5, $0x3;
	s7 =	sadd.s32 s9, s2;
	[dreg:$0xe] =	wrdreg s15  }
0x1b: {  	s1 =	sshrl.u32 s18, $0x3;
	s18 =	sadd.s32 s22, s2;
	s22 =	sadd.s32 $0x67200, s6  }
0x1c: {  	s26 =	simm.s32 $0x200;
	s1 =	sadd.s32 s0, s1;
	[dreg:$0x12] =	wrdreg s22  }
0x1d: {  	s9 =	simm.s32 $0x80;
	[dreg:$0xf] =	wrdreg s1;
	s1 =	sadd.s32 s0, s20  }
0x1e: {  	s11 =	simm.s32 $0x1;
	s0 =	sadd.s32 s0, s5;
	[dreg:$0x10] =	wrdreg s1  }
0x1f: {  	s6 =	simm.s32 $0x500;
	[dreg:$0x11] =	wrdreg s0;
	s0 =	sshrl.u32 s21, $0x3  }
0x20: {  	v0 =	vimm.f32 $0.0e+00;
	s15 =	simm.s32 $0x0;
	s5 =	simm.s32 $0x4800;
	[dreg:$0x14] =	wrdreg s0  }
.LBB2_1:
0x21: {  	s16 =	simm.s32 $0x100;
	s1 =	simm.s32 $0x0  }
.LBB2_2:
0x22: {  	p0 =	sne.s32 s16, $0x7F00;
	[tilespmem:s1+$0x830] =	vst v0;
	s0 =	smov.u32 s16;
	s16 =	sadd.s32 $0x100, s16  }
.Ltmp0:
0x23: {  	[tilespmem:s1+$0x820] =	vst v0;
	(pc) =	sbr.rel @p0 .LBB2_2-.Ltmp0, $3  }
0x24: {  	[tilespmem:s1+$0x800] =	vst v0  }
0x25: {  	[tilespmem:s1+$0x810] =	vst v0;
	_ =	sdelay $0x1  }
0x26: {  	s1 =	sshra.s32 s0, $0x2  }
0x27: {  	[tilespmem:s1+$0x830] =	vst v0  }
0x28: {  	[tilespmem:s1+$0x820] =	vst v0  }
0x29: {  	[tilespmem:s1+$0x800] =	vst v0  }
0x2a: {  	[tilespmem:s1+$0x810] =	vst v0  }
0x2b: {  	[spmem:s7] =	stream.linear.scatter [tilespmem:s29], [sflag:$0x4], $0x2000, $0x38;
	[tilespmem:$0x1C800] =	vst v63  }
0x2c: {  	_ =	swait.ge [sflag:s30], $0x2000  }
0x2d: {  	[sflag:s30] =	ssyncset.done $0x0  }
0x2e: {  	[sflag:s30] =	ssyncadd.s32 $0xFFFFE000  }
0x2f: {  	[spmem:s18] =	stream.linear.scatter [tilespmem:s29], [sflag:$0x4], $0x2000, $0x38;
	[tilespmem:$0x1C800] =	vst v63  }
0x30: {  	_ =	swait.ge [sflag:s30], $0x2000  }
0x31: {  	[sflag:s30] =	ssyncset.done $0x0  }
0x32: {  	[sflag:s30] =	ssyncadd.s32 $0xFFFFE000  }
0x33: {  	[spmem:s23] =	stream.linear.scatter [tilespmem:s29], [sflag:$0x4], $0x2000, $0x38;
	[tilespmem:$0x1C800] =	vst v63  }
0x34: {  	_ =	swait.ge [sflag:s30], $0x2000  }
0x35: {  	[sflag:s30] =	ssyncset.done $0x0  }
0x36: {  	[sflag:s30] =	ssyncadd.s32 $0xFFFFE000  }
0x37: {  	[spmem:s13] =	stream.linear.scatter [tilespmem:s29], [sflag:$0x4], $0x2000, $0x38;
	[tilespmem:$0x1C800] =	vst v63  }
0x38: {  	_ =	swait.ge [sflag:s30], $0x2000  }
0x39: {  	[sflag:s30] =	ssyncset.done $0x0  }
0x3a: {  	s21 =	smov.u32 s23;
	[sflag:s30] =	ssyncadd.s32 $0xFFFFE000  }
0x3b: {  	[spmem:s24] =	stream.linear.scatter [tilespmem:s29], [sflag:$0x4], $0x2000, $0x38;
	[tilespmem:$0x1C800] =	vst v63  }
0x3c: {  	s25 =	smov.u32 s24;
	s0 =	stileid.u32;
	_ =	swait.ge [sflag:s30], $0x2000  }
0x3d: {  	s0 =	sshll.u32 s0, $0x6;
	[sflag:s30] =	ssyncset.done $0x0;
	s23 =	rddreg [dreg:$0x12]  }
0x3e: {  	s16 =	sor.u32 $0x1C04, s0;
	s24 =	rddreg [dreg:$0x14];
	[sflag:s30] =	ssyncadd.s32 $0xFFFFE000  }
0x3f: {  	[spmem:s24], [sflag:s16] =	dma.local [hbm:s23], $0x1400  }
0x40: {  	_ =	swait.ge [sflag:s30], $0x1400  }
0x41: {  	[sflag:s30] =	ssyncset.done $0x0  }
0x42: {  	[sflag:s30] =	ssyncadd.s32 $0xFFFFEC00  }
0x43: {  	[bflag:$0x0] =	sbarrier.arrive $0xFFFF  }
0x44: {  	s19 =	smov.u32 s7;
	s7 =	rddreg [dreg:$0x5]  }
0x45: {  	[tilespmem:s4], [sflag:$0x3] =	stream.linear.gather [hbm4b:s7+s4], $0x100, $0x38;
	[tilespmem:$0x1C800] =	vst v63  }
0x46: {  	s22 =	smov.u32 s13;
	s17 =	simm.s32 $0x400;
	s13 =	rddreg [dreg:$0x6]  }
0x47: {  	[tilespmem:s17], [sflag:$0x3] =	stream.linear.gather [hbm4b:s13+s4], $0x100, $0x38;
	[tilespmem:$0x1C800] =	vst v63  }
0x48: {  	s20 =	smov.u32 s18;
	s23 =	simm.s32 $0x100;
	s18 =	rddreg [dreg:$0x7]  }
0x49: {  	[tilespmem:s23], [sflag:$0x3] =	stream.linear.gather [hbm4b:s18+s4], $0x100, $0x38;
	[tilespmem:$0x1C800] =	vst v63  }
0x4a: {  	s24 =	rddreg [dreg:$0x8]  }
0x4b: {  	[tilespmem:s6], [sflag:$0x3] =	stream.linear.gather [hbm4b:s24+s4], $0x100, $0x38;
	[tilespmem:$0x1C800] =	vst v63  }
0x4c: {  	s7 =	rddreg [dreg:$0x9]  }
0x4d: {  	[tilespmem:s26], [sflag:$0x3] =	stream.linear.gather [hbm4b:s7+s4], $0x100, $0x38;
	[tilespmem:$0x1C800] =	vst v63  }
0x4e: {  	s13 =	rddreg [dreg:$0xa]  }
0x4f: {  	[tilespmem:s28], [sflag:$0x3] =	stream.linear.gather [hbm4b:s13+s4], $0x100, $0x38;
	[tilespmem:$0x1C800] =	vst v63  }
0x50: {  	_ =	swait.ge [sflag:s8], $0x100  }
0x51: {  	[sflag:s8] =	ssyncset.done $0x0  }
0x52: {  	[sflag:s8] =	ssyncadd.s32 $0xFFFFFF00  }
0x53: {  	_ =	swait.ge [sflag:s8], $0x100  }
0x54: {  	[sflag:s8] =	ssyncset.done $0x0  }
0x55: {  	[sflag:s8] =	ssyncadd.s32 $0xFFFFFF00  }
0x56: {  	[tilespmem:s29], [sflag:$0x1] =	stream.indirect.gather [spmem:s3], $0x40, s4, s9, $0xb8;
	[tilespmem:$0x1C800] =	vst v63  }
0x57: {  	_ = 	snop  }
0x58: {  	[tilespmem:s10], [sflag:$0x1] =	stream.indirect.gather [spmem:s3], $0x40, s9, s9, $0xb8;
	[tilespmem:$0x1C800] =	vst v63  }
0x59: {  	_ =	swait.ge [sflag:s8], $0x100  }
0x5a: {  	[sflag:s8] =	ssyncset.done $0x0  }
0x5b: {  	[sflag:s8] =	ssyncadd.s32 $0xFFFFFF00  }
0x5c: {  	_ =	swait.ge [sflag:s8], $0x100  }
0x5d: {  	[sflag:s8] =	ssyncset.done $0x0  }
0x5e: {  	[sflag:s8] =	ssyncadd.s32 $0xFFFFFF00  }
0x5f: {  	_ =	swait.ge [sflag:s11], $0x2000  }
0x60: {  	[sflag:s11] =	ssyncset.done $0x0  }
0x61: {  	[sflag:s11] =	ssyncadd.s32 $0xFFFFE000  }
0x62: {  	_ =	swait.ge [sflag:s11], $0x2000  }
0x63: {  	[sflag:s11] =	ssyncset.done $0x0  }
0x64: {  	[sflag:s11] =	ssyncadd.s32 $0xFFFFE000  }
0x65: {  	[tilespmem:s5], [sflag:$0x1] =	stream.indirect.gather [spmem:s3], $0x40, s23, s9, $0xb8;
	[tilespmem:$0x1C800] =	vst v63  }
0x66: {  	s18 =	simm.s32 $0x180  }
0x67: {  	[tilespmem:s12], [sflag:$0x1] =	stream.indirect.gather [spmem:s3], $0x40, s18, s9, $0xb8;
	[tilespmem:$0x1C800] =	vst v63  }
0x68: {  	_ = 	snop  }
0x69: {  	[spmem:s2] =	stream.indirect.scatter.add.f32 [tilespmem:s29], [sflag:$0x2], $0x40, s17, s9, $0xb8;
	[tilespmem:$0x1C800] =	vst v63  }
0x6a: {  	s23 =	simm.s32 $0x480  }
0x6b: {  	[spmem:s2] =	stream.indirect.scatter.add.f32 [tilespmem:s10], [sflag:$0x2], $0x40, s23, s9, $0xb8;
	[tilespmem:$0x1C800] =	vst v63  }
0x6c: {  	s26 =	simm.s32 $0x300;
	s24 =	rddreg [dreg:$0xb]  }
0x6d: {  	[tilespmem:s26], [sflag:$0x3] =	stream.linear.gather [hbm4b:s24+s4], $0x100, $0x38;
	[tilespmem:$0x1C800] =	vst v63  }
0x6e: {  	s7 =	simm.s32 $0x700;
	s6 =	rddreg [dreg:$0xc]  }
0x6f: {  	[tilespmem:s7], [sflag:$0x3] =	stream.linear.gather [hbm4b:s6+s4], $0x100, $0x38;
	[tilespmem:$0x1C800] =	vst v63  }
0x70: {  	_ =	swait.ge [sflag:s8], $0x100  }
0x71: {  	[sflag:s8] =	ssyncset.done $0x0  }
0x72: {  	[sflag:s8] =	ssyncadd.s32 $0xFFFFFF00  }
0x73: {  	_ =	swait.ge [sflag:s8], $0x100  }
0x74: {  	[sflag:s8] =	ssyncset.done $0x0  }
0x75: {  	[sflag:s8] =	ssyncadd.s32 $0xFFFFFF00  }
0x76: {  	_ =	swait.ge [sflag:s11], $0x2000  }
0x77: {  	[sflag:s11] =	ssyncset.done $0x0  }
0x78: {  	[sflag:s11] =	ssyncadd.s32 $0xFFFFE000  }
0x79: {  	_ =	swait.ge [sflag:s11], $0x2000  }
0x7a: {  	[sflag:s11] =	ssyncset.done $0x0  }
0x7b: {  	[sflag:s11] =	ssyncadd.s32 $0xFFFFE000  }
0x7c: {  	_ =	swait.ge [sflag:s14], $0x2000  }
0x7d: {  	[sflag:s14] =	ssyncset.done $0x0  }
0x7e: {  	[sflag:s14] =	ssyncadd.s32 $0xFFFFE000  }
0x7f: {  	_ =	swait.ge [sflag:s14], $0x2000  }
0x80: {  	[sflag:s14] =	ssyncset.done $0x0  }
0x81: {  	[sflag:s14] =	ssyncadd.s32 $0xFFFFE000  }
0x82: {  	s13 =	simm.s32 $0x10000;
	_ =	swait.ge [sflag:s8], $0x100  }
0x83: {  	s0 =	sand.u32 $0x10000, s13;
	[sflag:s8] =	ssyncset.done $0x0  }
0x84: {  	s0 =	sshrl.u32 s0, $0x2;
	[sflag:s8] =	ssyncadd.s32 $0xFFFFFF00  }
0x85: {  	s18 =	simm.s32 $0x100;
	s26 =	simm.s32 $0x8000;
	_ =	swait.ge [sflag:s8], $0x100  }
0x86: {  	s23 =	sand.u32 $0x4000, s26;
	s6 =	simm.s32 $0x200;
	[sflag:s8] =	ssyncset.done $0x0  }
0x87: {  	s7 =	sor.u32 $0x800, s23;
	s24 =	sand.u32 $0x300, s6;
	[sflag:s8] =	ssyncadd.s32 $0xFFFFFF00  }
0x88: {  	[tilespmem:s7], [sflag:$0x1] =	stream.indirect.gather [spmem:s3], $0x40, s24, s9, $0xb8;
	[tilespmem:$0x1C800] =	vst v63  }
0x89: {  	s1 =	sand.u32 $0x300, s18;
	s23 =	sor.u32 $0x2800, s23;
	s24 =	sor.u32 $0x80, s24  }
0x8a: {  	[tilespmem:s23], [sflag:$0x1] =	stream.indirect.gather [spmem:s3], $0x40, s24, s9, $0xb8;
	[tilespmem:$0x1C800] =	vst v63  }
0x8b: {  	s18 =	sor.u32 $0x800, s0;
	s13 =	sor.u32 $0x400, s1  }
0x8c: {  	[spmem:s2] =	stream.indirect.scatter.add.f32 [tilespmem:s18], [sflag:$0x2], $0x40, s13, s9, $0xb8;
	[tilespmem:$0x1C800] =	vst v63  }
0x8d: {  	s28 =	smov.u32 s31;
	s0 =	sor.u32 $0x2800, s0;
	s1 =	sor.u32 $0x480, s1  }
0x8e: {  	[spmem:s2] =	stream.indirect.scatter.add.f32 [tilespmem:s0], [sflag:$0x2], $0x40, s1, s9, $0xb8;
	[tilespmem:$0x1C800] =	vst v63  }
0x8f: {  	s26 =	sand.u32 $0x300, s17;
	s17 =	simm.s32 $0x20000;
	s24 =	rddreg [dreg:$0x15]  }
0x90: {  	[tilespmem:s26], [sflag:$0x3] =	stream.linear.gather [hbm4b:s31+s4], $0x100, $0x38;
	[tilespmem:$0x1C800] =	vst v63  }
0x91: {  	s23 =	simm.s32 $0x500;
	s0 =	sor.u32 $0x400, s26;
	s26 =	smov.u32 s24  }
.LBB2_4:
0x92: {  	s26 =	sadd.s32 $0x20, s26  }
0x93: {  	s28 =	sadd.s32 $0x20, s28;
	s17 =	sadd.s32 $0x10000, s17;
	s1 =	smov.u32 s23  }
0x94: {  	[tilespmem:s0], [sflag:$0x3] =	stream.linear.gather [hbm4b:s24+s4], $0x100, $0x38;
	[tilespmem:$0x1C800] =	vst v63  }
0x95: {  	p0 =	sne.s32 s23, $0x4F00;
	s23 =	sadd.s32 $0x100, s23;
	_ =	swait.ge [sflag:s11], $0x2000  }
0x96: {  	s24 =	smov.u32 s26;
	[sflag:s11] =	ssyncset.done $0x0  }
0x97: {  	[sflag:s11] =	ssyncadd.s32 $0xFFFFE000  }
0x98: {  	_ =	swait.ge [sflag:s11], $0x2000  }
0x99: {  	[sflag:s11] =	ssyncset.done $0x0  }
0x9a: {  	[sflag:s11] =	ssyncadd.s32 $0xFFFFE000  }
0x9b: {  	_ =	swait.ge [sflag:s14], $0x2000  }
0x9c: {  	[sflag:s14] =	ssyncset.done $0x0  }
0x9d: {  	[sflag:s14] =	ssyncadd.s32 $0xFFFFE000  }
0x9e: {  	_ =	swait.ge [sflag:s14], $0x2000  }
0x9f: {  	[sflag:s14] =	ssyncset.done $0x0  }
0xa0: {  	[sflag:s14] =	ssyncadd.s32 $0xFFFFE000  }
0xa1: {  	_ =	swait.ge [sflag:s8], $0x100  }
0xa2: {  	[sflag:s8] =	ssyncset.done $0x0  }
0xa3: {  	s0 =	sadd.s32 $0xFFFF0000, s17;
	s7 =	sadd.s32 $0xFFFFFD00, s1;
	[sflag:s8] =	ssyncadd.s32 $0xFFFFFF00  }
0xa4: {  	s6 =	sshrl.u32 s17, $0x2;
	s7 =	sand.u32 $0x300, s7;
	_ =	swait.ge [sflag:s8], $0x100  }
0xa5: {  	s13 =	sadd.s32 $0xFFFFFE00, s1;
	s6 =	sand.u32 $0x4000, s6;
	[sflag:s8] =	ssyncset.done $0x0  }
0xa6: {  	s13 =	sand.u32 $0x300, s13;
	s18 =	sor.u32 $0x800, s6;
	[sflag:s8] =	ssyncadd.s32 $0xFFFFFF00  }
0xa7: {  	[tilespmem:s18], [sflag:$0x1] =	stream.indirect.gather [spmem:s3], $0x40, s13, s9, $0xb8;
	[tilespmem:$0x1C800] =	vst v63  }
0xa8: {  	s0 =	sand.u32 $0x10000, s0;
	s6 =	sor.u32 $0x2800, s6;
	s13 =	sor.u32 $0x80, s13  }
0xa9: {  	[tilespmem:s6], [sflag:$0x1] =	stream.indirect.gather [spmem:s3], $0x40, s13, s9, $0xb8;
	[tilespmem:$0x1C800] =	vst v63  }
0xaa: {  	s0 =	sshrl.u32 s0, $0x2;
	s6 =	sor.u32 $0x400, s7  }
0xab: {  	s13 =	sor.u32 $0x800, s0;
	s0 =	sor.u32 $0x2800, s0;
	s7 =	sor.u32 $0x480, s7  }
0xac: {  	[spmem:s2] =	stream.indirect.scatter.add.f32 [tilespmem:s13], [sflag:$0x2], $0x40, s6, s9, $0xb8;
	[tilespmem:$0x1C800] =	vst v63  }
.Ltmp1:
0xad: {  	_ = 	snop;
	(pc) =	sbr.rel @p0 .LBB2_4-.Ltmp1, $4  }
0xae: {  	s1 =	sand.u32 $0x300, s1  }
0xaf: {  	[spmem:s2] =	stream.indirect.scatter.add.f32 [tilespmem:s0], [sflag:$0x2], $0x40, s7, s9, $0xb8;
	[tilespmem:$0x1C800] =	vst v63  }
0xb0: {  	s0 =	sor.u32 $0x400, s1  }
0xb1: {  	[tilespmem:s1], [sflag:$0x3] =	stream.linear.gather [hbm4b:s28+s4], $0x100, $0x38;
	[tilespmem:$0x1C800] =	vst v63  }
0xb2: {  	[tilespmem:s0], [sflag:$0x3] =	stream.linear.gather [hbm4b:s24+s4], $0x100, $0x38;
	[tilespmem:$0x1C800] =	vst v63  }
0xb3: {  	_ =	swait.ge [sflag:s11], $0x2000  }
0xb4: {  	[sflag:s11] =	ssyncset.done $0x0  }
0xb5: {  	[sflag:s11] =	ssyncadd.s32 $0xFFFFE000  }
0xb6: {  	_ =	swait.ge [sflag:s11], $0x2000  }
0xb7: {  	[sflag:s11] =	ssyncset.done $0x0  }
0xb8: {  	[sflag:s11] =	ssyncadd.s32 $0xFFFFE000  }
0xb9: {  	_ =	swait.ge [sflag:s14], $0x2000  }
0xba: {  	[sflag:s14] =	ssyncset.done $0x0  }
0xbb: {  	[sflag:s14] =	ssyncadd.s32 $0xFFFFE000  }
0xbc: {  	_ =	swait.ge [sflag:s14], $0x2000  }
0xbd: {  	[sflag:s14] =	ssyncset.done $0x0  }
0xbe: {  	[sflag:s14] =	ssyncadd.s32 $0xFFFFE000  }
0xbf: {  	_ =	swait.ge [sflag:s8], $0x100  }
0xc0: {  	[sflag:s8] =	ssyncset.done $0x0  }
0xc1: {  	[sflag:s8] =	ssyncadd.s32 $0xFFFFFF00  }
0xc2: {  	_ =	swait.ge [sflag:s8], $0x100  }
0xc3: {  	[sflag:s8] =	ssyncset.done $0x0  }
0xc4: {  	s26 =	simm.s32 $0x200;
	[sflag:s8] =	ssyncadd.s32 $0xFFFFFF00  }
0xc5: {  	[tilespmem:s29], [sflag:$0x1] =	stream.indirect.gather [spmem:s3], $0x40, s26, s9, $0xb8;
	[tilespmem:$0x1C800] =	vst v63  }
0xc6: {  	s23 =	simm.s32 $0x280  }
0xc7: {  	[tilespmem:s10], [sflag:$0x1] =	stream.indirect.gather [spmem:s3], $0x40, s23, s9, $0xb8;
	[tilespmem:$0x1C800] =	vst v63  }
0xc8: {  	s6 =	simm.s32 $0x500  }
0xc9: {  	[spmem:s2] =	stream.indirect.scatter.add.f32 [tilespmem:s5], [sflag:$0x2], $0x40, s6, s9, $0xb8;
	[tilespmem:$0x1C800] =	vst v63  }
0xca: {  	s24 =	simm.s32 $0x580  }
0xcb: {  	[spmem:s2] =	stream.indirect.scatter.add.f32 [tilespmem:s12], [sflag:$0x2], $0x40, s24, s9, $0xb8;
	[tilespmem:$0x1C800] =	vst v63  }
0xcc: {  	_ =	swait.ge [sflag:s11], $0x2000  }
0xcd: {  	[sflag:s11] =	ssyncset.done $0x0  }
0xce: {  	[sflag:s11] =	ssyncadd.s32 $0xFFFFE000  }
0xcf: {  	_ =	swait.ge [sflag:s11], $0x2000  }
0xd0: {  	[sflag:s11] =	ssyncset.done $0x0  }
0xd1: {  	[sflag:s11] =	ssyncadd.s32 $0xFFFFE000  }
0xd2: {  	_ =	swait.ge [sflag:s14], $0x2000  }
0xd3: {  	[sflag:s14] =	ssyncset.done $0x0  }
0xd4: {  	[sflag:s14] =	ssyncadd.s32 $0xFFFFE000  }
0xd5: {  	_ =	swait.ge [sflag:s14], $0x2000  }
0xd6: {  	[sflag:s14] =	ssyncset.done $0x0  }
0xd7: {  	s1 =	simm.s32 $0x300;
	[sflag:s14] =	ssyncadd.s32 $0xFFFFE000  }
0xd8: {  	[tilespmem:s5], [sflag:$0x1] =	stream.indirect.gather [spmem:s3], $0x40, s1, s9, $0xb8;
	[tilespmem:$0x1C800] =	vst v63  }
0xd9: {  	s7 =	simm.s32 $0x380  }
0xda: {  	[tilespmem:s12], [sflag:$0x1] =	stream.indirect.gather [spmem:s3], $0x40, s7, s9, $0xb8;
	[tilespmem:$0x1C800] =	vst v63  }
0xdb: {  	s28 =	simm.s32 $0x600  }
0xdc: {  	[spmem:s2] =	stream.indirect.scatter.add.f32 [tilespmem:s29], [sflag:$0x2], $0x40, s28, s9, $0xb8;
	[tilespmem:$0x1C800] =	vst v63  }
0xdd: {  	s13 =	simm.s32 $0x680  }
0xde: {  	[spmem:s2] =	stream.indirect.scatter.add.f32 [tilespmem:s10], [sflag:$0x2], $0x40, s13, s9, $0xb8;
	[tilespmem:$0x1C800] =	vst v63  }
0xdf: {  	_ =	swait.ge [sflag:s11], $0x2000  }
0xe0: {  	[sflag:s11] =	ssyncset.done $0x0  }
0xe1: {  	[sflag:s11] =	ssyncadd.s32 $0xFFFFE000  }
0xe2: {  	_ =	swait.ge [sflag:s11], $0x2000  }
0xe3: {  	[sflag:s11] =	ssyncset.done $0x0  }
0xe4: {  	[sflag:s11] =	ssyncadd.s32 $0xFFFFE000  }
0xe5: {  	_ =	swait.ge [sflag:s14], $0x2000  }
0xe6: {  	[sflag:s14] =	ssyncset.done $0x0  }
0xe7: {  	[sflag:s14] =	ssyncadd.s32 $0xFFFFE000  }
0xe8: {  	_ =	swait.ge [sflag:s14], $0x2000  }
0xe9: {  	[sflag:s14] =	ssyncset.done $0x0  }
0xea: {  	s17 =	simm.s32 $0x700;
	[sflag:s14] =	ssyncadd.s32 $0xFFFFE000  }
0xeb: {  	[spmem:s2] =	stream.indirect.scatter.add.f32 [tilespmem:s5], [sflag:$0x2], $0x40, s17, s9, $0xb8;
	[tilespmem:$0x1C800] =	vst v63  }
0xec: {  	s18 =	simm.s32 $0x780  }
0xed: {  	[spmem:s2] =	stream.indirect.scatter.add.f32 [tilespmem:s12], [sflag:$0x2], $0x40, s18, s9, $0xb8;
	[tilespmem:$0x1C800] =	vst v63  }
0xee: {  	_ =	swait.ge [sflag:s14], $0x2000  }
0xef: {  	[sflag:s14] =	ssyncset.done $0x0  }
0xf0: {  	[sflag:s14] =	ssyncadd.s32 $0xFFFFE000  }
0xf1: {  	_ =	swait.ge [sflag:s14], $0x2000  }
0xf2: {  	[sflag:s14] =	ssyncset.done $0x0  }
0xf3: {  	[sflag:s14] =	ssyncadd.s32 $0xFFFFE000  }
0xf4: {  	[bflag:$0x0] =	sbarrier.arrive $0xFFFF  }
0xf5: {  	s7 =	smov.u32 s19;
	s19 =	sshrl.u32 s19, $0x3;
	s1 =	rddreg [dreg:$0xd]  }
0xf6: {  	[hbm:s1], [sflag:s16] =	dma.local [spmem:s19], $0x400  }
0xf7: {  	_ =	swait.ge [sflag:s30], $0x400  }
0xf8: {  	[sflag:s30] =	ssyncset.done $0x0  }
0xf9: {  	s23 =	sshrl.u32 s20, $0x3;
	s24 =	rddreg [dreg:$0xe];
	[sflag:s30] =	ssyncadd.s32 $0xFFFFFC00  }
0xfa: {  	[hbm:s24], [sflag:s16] =	dma.local [spmem:s23], $0x400  }
0xfb: {  	_ =	swait.ge [sflag:s30], $0x400  }
0xfc: {  	[sflag:s30] =	ssyncset.done $0x0  }
0xfd: {  	s13 =	sshrl.u32 s21, $0x3;
	s17 =	rddreg [dreg:$0xf];
	[sflag:s30] =	ssyncadd.s32 $0xFFFFFC00  }
0xfe: {  	[hbm:s17], [sflag:s16] =	dma.local [spmem:s13], $0x400  }
0xff: {  	_ =	swait.ge [sflag:s30], $0x400  }
0x100: {  	s18 =	smov.u32 s20;
	[sflag:s30] =	ssyncset.done $0x0  }
0x101: {  	s19 =	sshrl.u32 s22, $0x3;
	s20 =	rddreg [dreg:$0x10];
	[sflag:s30] =	ssyncadd.s32 $0xFFFFFC00  }
0x102: {  	[hbm:s20], [sflag:s16] =	dma.local [spmem:s19], $0x400  }
0x103: {  	_ =	swait.ge [sflag:s30], $0x400  }
0x104: {  	s23 =	smov.u32 s21;
	s21 =	sshrl.u32 s25, $0x3;
	[sflag:s30] =	ssyncset.done $0x0  }
0x105: {  	s13 =	smov.u32 s22;
	s22 =	rddreg [dreg:$0x11];
	[sflag:s30] =	ssyncadd.s32 $0xFFFFFC00  }
0x106: {  	[hbm:s22], [sflag:s16] =	dma.local [spmem:s21], $0x400  }
0x107: {  	_ =	swait.ge [sflag:s30], $0x400  }
0x108: {  	s15 =	sadd.s32 $0x1, s15;
	s24 =	smov.u32 s25;
	s25 =	rddreg [dreg:$0x13]  }
0x109: {  	p0 =	sne.s32 s15, s25  }
.Ltmp2:
0x10a: {  	_ = 	snop;
	(pc) =	sbr.rel @p0 .LBB2_1-.Ltmp2, $3  }
0x10b: {  	_ =	sdelay $0x1  }
0x10c: {  	[sflag:s30] =	ssyncset.done $0x0  }
0x10d: {  	[sflag:s30] =	ssyncadd.s32 $0xFFFFFC00  }
0x10e: {  	_ =	sfence.sel $0x180000  }
0x10f: {  	[bflag:$0x0] =	sbarrier.arrive $0xFFFF  }
0x110: {  	_ =	strace $0x9000004D  }
0x111: {  	s0 =	stileid.u32;
	[bflag:$0x2] =	sbarrier.arrive $0xFFFF  }
0x112: {  	p0 =	sne.s32 s0, $0x0;
	s0 =	rddreg [dreg:$0x4]  }
0x113: {  	s0 =	sadd.s32 @!p0 $0x100000, s0  }
0x114: {  	[sflag:s0] =	ssyncadd.tile.s32 @!p0 $0x1;
	_ =	shalt  }
.Lfunc_end2:
_tile_overlayer_lowered:
.L_overlay_start_2:
0x115: {  	(tag) =	ssettag $0x2  }
0x116: {  	s0 =	rddreg [dreg:$0x0];
	s2 =	stileid.u32  }
0x117: {  	s1 =	rddreg [dreg:$0x1];
	p0 =	sne.s32 s2, $0x0  }
0x118: {  	s3 =	rddreg [dreg:$0x2];
	[bflag:$0x3] =	sbarrier.arrive $0xFFFF;
	s2 =	simm.s32 @!p0 $0x1C04  }
0x119: {  	[timem:s3], [sflag:s2] =	dma.local @!p0 [hbm:s0], s1  }
0x11a: {  	s0 =	simm.s32 @!p0 $0x4  }
0x11b: {  	_ =	swait.ge @!p0 [sflag:s0], s1  }
0x11c: {  	s1 =	ssub.s32 @!p0 $0x0, s1;
	[sflag:s0] =	ssyncset.done @!p0 $0x0  }
0x11d: {  	[sflag:s0] =	ssyncadd.s32 @!p0 s1  }
0x11e: {  	[bflag:$0x3] =	sbarrier.arrive $0xFFFF  }
0x11f: {  	_ =	shalt  }

// kernel: kernel.8.cloned.1.call-start
scs
__scs_entry_jumppad:
0x0: {  	(pc) =	sbr.rel $0x88, $3  }
0x1: {  	(tag) =	ssettag $0x0;
	lr =	simm.s32 $0x1  }
0x2: {  	[smem:$0x3F95] =	sst lr;
	_ =	strace $0xD0000000  }
0x3: {  	_ = 	snop  }
0x4: {  	_ = 	snop  }
0x5: {  	_ = 	snop  }
0x6: {  	_ = 	snop  }
0x7: {  	_ = 	snop  }
__scs_overlays_trampoline_lowered:
0x8: {  	[smem:$0x3FA4] =	sst s0  }
0x9: {  	[smem:$0x3FA5] =	sst s1  }
0xa: {  	[smem:$0x3FA6] =	sst s2  }
0xb: {  	[smem:$0x3FA7] =	sst s3  }
0xc: {  	[smem:$0x3FA8] =	sst s4  }
0xd: {  	[smem:$0x3FA9] =	sst s5  }
0xe: {  	[smem:$0x3FAA] =	sst s6  }
0xf: {  	[smem:$0x3FAB] =	sst s7  }
0x10: {  	[smem:$0x3FAC] =	sst s8  }
0x11: {  	[smem:$0x3FAD] =	sst s9;
	s0 =	simm.s32 @!p0 $0x0  }
0x12: {  	s1 =	sld [smem:$0x3F93];
	s0 =	simm.s32 @p0 $0x1  }
0x13: {  	[smem:$0x3FAE] =	sst s0;
	s0 =	simm.s32 @!p1 $0x0  }
0x14: {  	s2 =	sld [smem:$0x3F92];
	s0 =	simm.s32 @p1 $0x1  }
0x15: {  	[smem:$0x3FAF] =	sst s0;
	s0 =	simm.s32 @!p2 $0x0  }
0x16: {  	s3 =	sld [smem:$0x3FDB];
	s0 =	simm.s32 @p2 $0x1  }
0x17: {  	s4 =	simm.s32 $0x1BF5;
	[smem:$0x3FB1] =	sst s0  }
0x18: {  	s0 =	sld [smem:$0x3F94];
	_ =	swait.ge [sflag:s4], $0x0  }
0x19: {  	s7 =	sld [smem:$0x3F95]  }
0x1a: {  	s8 =	sadd.s32 $0xFFFFE003, lr  }
0x1b: {  	s9 =	sadd.s32 $0xFFFFFEF7, lr;
	s5 =	simm.s32 $0xFFFFFFFF;
	p2 =	slt.u32 s8, $0xFFFFF086  }
0x1c: {  	p1 =	slt.u32 s9, $0xF7A;
	s5 =	simm.s32 @!p2 $0x0  }
0x1d: {  	s5 =	simm.s32 @p1 $0x1;
	p0 =	seq.s32 s7, s2  }
0x1e: {  	s7 =	smul.u32 @!p0 $0xF7A, s2;
	p2 =	seq.s32 @!p0 s5, $0x0  }
0x1f: {  	s9 =	smul.u32 $0xF7A, s1;
	s8 =	simm.s32 @!p0 $0x1BF5;
	p2 =	por !p2, p0  }
0x20: {  	[sflag:s8] =	ssyncset.s32 @!p0 $0xFFFFF086;
	s6 =	sadd.s32 @!p0 s3, s7;
	s7 =	simm.s32 @!p0 $0x108  }
0x21: {  	s3 =	sadd.s32 s3, s9;
	s6 =	sadd.s32 @!p0 $0x88, s6;
	s7 =	simm.s32 @p2 $0x1082  }
0x22: {  	[simem:s7], [sflag:s8] =	dma.local @!p0 [hbm:s6], $0xF7A  }
0x23: {  	s9 =	sor.u32 $0xD0000000, s2;
	s6 =	simm.s32 $0x108;
	_ =	swait.ge @!p0 [sflag:s8], $0x0  }
0x24: {  	s3 =	sadd.s32 $0x88, s3;
	s6 =	simm.s32 @!p1 $0x1082;
	[sflag:s4] =	ssyncset.s32 $0xFFFFF086  }
0x25: {  	[simem:s6], [sflag:s4] =	dma.local [hbm:s3], $0xF7A  }
0x26: {  	[smem:$0x3F95] =	sst s1;
	(tag) =	ssettag s2;
	_ =	strace s9  }
0x27: {  	s1 =	sld [smem:$0x3FA5]  }
0x28: {  	s2 =	sld [smem:$0x3FA6]  }
0x29: {  	s4 =	sld [smem:$0x3FA8]  }
0x2a: {  	p0 =	seq.s32 s5, $0x0;
	s5 =	sld [smem:$0x3FA9]  }
0x2b: {  	s6 =	sld [smem:$0x3FAA]  }
0x2c: {  	s7 =	sld [smem:$0x3FAB]  }
0x2d: {  	s3 =	simm.s32 $0x108;
	s8 =	sld [smem:$0x3FAC]  }
0x2e: {  	s3 =	simm.s32 @!p0 $0x1082;
	s9 =	sld [smem:$0x3FAD]  }
0x2f: {  	lr =	sadd.s32 s0, s3;
	s0 =	sld [smem:$0x3FA4]  }
0x30: {  	s3 =	sld [smem:$0x3FA7]  }
0x31: {  	[smem:$0x3FB0] =	sst s10  }
0x32: {  	s10 =	sld [smem:$0x3FAE];
	_ =	sdelay $0x3  }
0x33: {  	p0 =	seq.s32 s10, $0x1;
	s10 =	sld [smem:$0x3FB0];
	_ =	sdelay $0x3  }
0x34: {  	[smem:$0x3FB0] =	sst s10  }
0x35: {  	s10 =	sld [smem:$0x3FAF];
	_ =	sdelay $0x3  }
0x36: {  	p1 =	seq.s32 s10, $0x1;
	s10 =	sld [smem:$0x3FB0];
	_ =	sdelay $0x3  }
0x37: {  	[smem:$0x3FB0] =	sst s10  }
0x38: {  	s10 =	sld [smem:$0x3FB1]  }
0x39: {  	_ = 	snop;
	(pc) =	sbr.ind lr, $3  }
0x3a: {  	_ = 	snop  }
0x3b: {  	_ = 	snop  }
0x3c: {  	p2 =	seq.s32 s10, $0x1;
	s10 =	sld [smem:$0x3FB0]  }
0x3d: {  	_ =	shalt  }
0x3e: {  	_ =	shalt  }
0x3f: {  	_ =	shalt  }
0x40: {  	_ =	shalt  }
0x41: {  	_ =	shalt  }
0x42: {  	_ =	shalt  }
0x43: {  	_ =	shalt  }
0x44: {  	_ =	shalt  }
0x45: {  	_ =	shalt  }
0x46: {  	_ =	shalt  }
0x47: {  	_ =	shalt  }
0x48: {  	_ =	shalt  }
0x49: {  	_ =	shalt  }
0x4a: {  	_ =	shalt  }
0x4b: {  	_ =	shalt  }
0x4c: {  	_ =	shalt  }
0x4d: {  	_ =	shalt  }
0x4e: {  	_ =	shalt  }
0x4f: {  	_ =	shalt  }
0x50: {  	_ =	shalt  }
0x51: {  	_ =	shalt  }
0x52: {  	_ =	shalt  }
0x53: {  	_ =	shalt  }
0x54: {  	_ =	shalt  }
0x55: {  	_ =	shalt  }
0x56: {  	_ =	shalt  }
0x57: {  	_ =	shalt  }
0x58: {  	_ =	shalt  }
0x59: {  	_ =	shalt  }
0x5a: {  	_ =	shalt  }
0x5b: {  	_ =	shalt  }
0x5c: {  	_ =	shalt  }
0x5d: {  	_ =	shalt  }
0x5e: {  	_ =	shalt  }
0x5f: {  	_ =	shalt  }
0x60: {  	_ =	shalt  }
0x61: {  	_ =	shalt  }
0x62: {  	_ =	shalt  }
0x63: {  	_ =	shalt  }
0x64: {  	_ =	shalt  }
0x65: {  	_ =	shalt  }
0x66: {  	_ =	shalt  }
0x67: {  	_ =	shalt  }
0x68: {  	_ =	shalt  }
0x69: {  	_ =	shalt  }
0x6a: {  	_ =	shalt  }
0x6b: {  	_ =	shalt  }
0x6c: {  	_ =	shalt  }
0x6d: {  	_ =	shalt  }
0x6e: {  	_ =	shalt  }
0x6f: {  	_ =	shalt  }
0x70: {  	_ =	shalt  }
0x71: {  	_ =	shalt  }
0x72: {  	_ =	shalt  }
0x73: {  	_ =	shalt  }
0x74: {  	_ =	shalt  }
0x75: {  	_ =	shalt  }
0x76: {  	_ =	shalt  }
0x77: {  	_ =	shalt  }
0x78: {  	_ =	shalt  }
0x79: {  	_ =	shalt  }
0x7a: {  	_ =	shalt  }
0x7b: {  	_ =	shalt  }
0x7c: {  	_ =	shalt  }
0x7d: {  	_ =	shalt  }
0x7e: {  	_ =	shalt  }
0x7f: {  	_ =	shalt  }
0x80: {  	_ =	shalt  }
0x81: {  	_ =	shalt  }
0x82: {  	_ =	shalt  }
0x83: {  	_ =	shalt  }
0x84: {  	_ =	shalt  }
0x85: {  	_ =	shalt  }
0x86: {  	_ =	shalt  }
0x87: {  	_ =	shalt  }
.Lfunc_end0:
.L_simem_size_0:
called_computation_lowered:
.L_overlay_start_0:
0x88: {  	s2 =	sld [smem:$0x3FD9]  }
0x89: {  	s3 =	sld [smem:$0x3FFE];
	_ =	sdelay $0x1  }
0x8a: {  	s1 =	srdreg.scid  }
0x8b: {  	s0 =	sand.u32 $0x1, s1  }
0x8c: {  	s16 =	sshll.u32 s0, $0xA;
	s2 =	sadd.s32 s3, s2  }
0x8d: {  	s2 =	sadd.s32 s2, s16  }
0x8e: {  	[smem:$0x3FBC] =	sst s2  }
0x8f: {  	_ = 	snop  }
0x90: {  	(tm) =	ssettm $0x1  }
0x91: {  	s17 =	sld [smem:$0x3FFB];
	_ =	sdelay $0x3  }
0x92: {  	_ =	strace s17  }
0x93: {  	s2 =	sld [smem:$0x3FFC];
	_ =	sdelay $0x3  }
0x94: {  	_ =	strace s2  }
0x95: {  	s2 =	sld [smem:$0x3FFD];
	_ =	sdelay $0x3  }
0x96: {  	_ =	strace s2  }
0x97: {  	_ =	strace $0x8FFFFFFF  }
0x98: {  	s18 =	sld [smem:$0x3FDB];
	_ =	sdelay $0x1  }
0x99: {  	s19 =	simm.s32 $_scs_section_size  }
0x9a: {  	s4 =	simm.s32 $_size__tile_overlayer_lowered;
	s5 =	simm.s32 $_tile_overlayer_lowered  }
0x9b: {  	s22 =	simm.s32 $0x1BFF;
	s21 =	sshll.u32 s5, $0x1;
	s2 =	sadd.s32 s19, s18  }
0x9c: {  	s6 =	simm.s32 $0x0;
	s20 =	sshll.u32 s4, $0x1;
	s4 =	sadd.s32 s21, s2  }
0x9d: {  	[timem:s6], [sflag:s22] =	dma.local [hbm:s4], s20  }
0x9e: {  	_ =	swait.ge [sflag:s22], s20  }
0x9f: {  	s3 =	ssub.s32 $0x0, s20;
	[sflag:s22] =	ssyncset.done $0x0  }
0xa0: {  	[sflag:s22] =	ssyncadd.s32 s3;
	_ =	sdelay $0x1  }
0xa1: {  	s23 =	simm.s32 $0x1B8B  }
0xa2: {  	_ =	swait.ge [sflag:s23], $0x1  }
0xa3: {  	[sflag:s23] =	ssyncset.done $0x0  }
0xa4: {  	s25 =	simm.s32 $0x1B8E;
	s24 =	sld [smem:$0x3FFE];
	[sflag:s23] =	ssyncadd.s32 $0xFFFFFFFF  }
0xa5: {  	s26 =	simm.s32 $execute0_lowered;
	[smem:$0x3FD2] =	sst s25  }
0xa6: {  	s4 =	sshll.u32 s26, $0x1;
	_ =	strace $0x80000046;
	[dreg:$0x1] =	wrdreg $0xFFFFFFFF  }
0xa7: {  	s28 =	simm.s32 $_size_execute0_lowered;
	s2 =	sadd.s32 s2, s4;
	[dreg:$0x0] =	wrdreg $0x0  }
0xa8: {  	s4 =	sshll.u32 s28, $0x1;
	[dreg:$0x2] =	wrdreg s2  }
0xa9: {  	[dreg:$0x3] =	wrdreg s4  }
0xaa: {  	[dreg:$0x4] =	wrdreg $0xC0  }
0xab: {  	_ =	task [dreg:s6], $0x5FFFF  }
0xac: {  	[dreg:$0x1] =	wrdreg $0xFFFFFFFF  }
0xad: {  	[dreg:$0x0] =	wrdreg $0x60  }
0xae: {  	[dreg:$0x2] =	wrdreg s24  }
0xaf: {  	[dreg:$0x3] =	wrdreg $0x7000  }
0xb0: {  	[dreg:$0x4] =	wrdreg $0x9  }
0xb1: {  	_ =	task.clear_ibuf [dreg:s6], $0x5FFFF;
	_ =	strace $0x90000046  }
0xb2: {  	s29 =	simm.s32 $0x9;
	_ =	strace $0x80000048  }
0xb3: {  	_ =	swait.ge [sflag:s29], $0x1  }
0xb4: {  	[sflag:s29] =	ssyncadd.s32 $0xFFFFFFFF  }
0xb5: {  	_ =	strace $0x90000048  }
0xb6: {  	_ =	sfence  }
0xb7: {  	s30 =	sld [smem:$0x0];
	_ =	sdelay $0x2  }
0xb8: {  	s31 =	sshll.u32 s1, $0xD;
	s1 =	sshrl.u32 s1, $0x2  }
0xb9: {  	s3 =	sand.u32 $0x4000, s31;
	s1 =	sadd.s32 s1, s30  }
0xba: {  	s0 =	sor.u32 s3, s0;
	s1 =	sshll.u32 s1, $0x11  }
0xbb: {  	s0 =	sor.u32 s1, s0  }
0xbc: {  	s0 =	sadd.s32 $0x8F2B, s0  }
0xbd: {  	[sflag:s0] =	ssyncadd.remote.s32 $0x1  }
0xbe: {  	_ =	sfence.sel $0xFFFF  }
0xbf: {  	[dreg:$0x0] =	wrdreg $0xFFFFFFFF;
	(pc) =	sbr.abs _section_cstart, $3  }
0xc0: {  	[dreg:$0x1] =	wrdreg $0xFFFFFFFF  }
0xc1: {  	_ =	task.clear_ibuf [dreg:s6], $0x2FFFF;
	_ =	strace $0x9FFFFFFF  }
0xc2: {  	(tm) =	ssettm $0x7FFFFFFF  }
0xc3: {  	_ =	shalt  }
tec
execute0_lowered:
.L_overlay_start_1:
0x0: {  	(tag) =	ssettag $0x1  }
0x1: {  	s5 =	rddreg [dreg:$0x0]  }
0x2: {  	s1 =	rddreg [dreg:$0x1];
	s3 =	simm.s32 $0x0  }
0x3: {  	s4 =	srdreg.scid;
	s2 =	stileid.u32;
	s14 =	simm.s32 $0x2  }
0x4: {  	s15 =	simm.s32 $0x80;
	s16 =	simm.s32 $0x100;
	s17 =	simm.s32 $0x180  }
0x5: {  	s18 =	simm.s32 $0x1;
	s19 =	simm.s32 $0x400;
	s20 =	simm.s32 $0x280  }
0x6: {  	s21 =	simm.s32 $0x300;
	s22 =	simm.s32 $0x380;
	s7 =	smul.u32 $0x500, s2  }
0x7: {  	s28 =	simm.s32 $0x0;
	[smem:$0x7FF] =	sst s3;
	s26 =	smul.u32 $0xA00, s2  }
0x8: {  	s6 =	sand.u32 $0x1, s4;
	s4 =	sadd.s32 $0x2800, s5;
	s13 =	smul.u32 $0x2800, s2  }
0x9: {  	s23 =	sshll.u32 s2, $0x6;
	_ =	strace $0x80000047;
	s8 =	sshll.u32 s6, $0x7  }
0xa: {  	s9 =	sshll.u32 s6, $0x4;
	s10 =	ssub.s32 $0x2, s6;
	s12 =	smul.u32 $0x28000, s6  }
0xb: {  	s23 =	sor.u32 $0x1C03, s23;
	s7 =	sor.u32 s8, s7;
	s25 =	sor.u32 s2, s9  }
0xc: {  	s29 =	sshrl.u32 s10, $0x1;
	s30 =	sshrl.u32 s26, $0x2;
	s26 =	simm.s32 $0x10  }
0xd: {  	s7 =	sshrl.u32 s7, $0x3;
	s8 =	smul.u32 $0x500, s25;
	s31 =	ssub.s32 s10, s29  }
0xe: {  	s6 =	sadd.s32 s30, s1;
	s10 =	sadd.s32 s13, s12;
	s12 =	simm.s32 $0x3  }
0xf: {  	s13 =	simm.s32 $0x200;
	s25 =	simm.s32 $0x20;
	s11 =	sadd.s32 s7, s5  }
0x10: {  	s9 =	smax.u32 s31, $0x1;
	s24 =	sshrl.u32 s6, $0x3;
	s5 =	sadd.s32 s4, s8  }
0x11: {  	v0 =	vimm.f32 $1.000000000e+00;
	v1 =	vimm.f32 $0.0e+00;
	s8 =	sadd.s32 $0xC800, s11;
	s11 =	simm.s32 $0x480;
	s7 =	sadd.s32 $0x40, s5  }
.LBB2_1:
0x12: {  	[tilespmem:$0x400] =	vst v0  }
0x13: {  	[tilespmem:$0x410] =	vst v0  }
0x14: {  	[tilespmem:$0x420] =	vst v0  }
0x15: {  	[tilespmem:$0x430] =	vst v0  }
0x16: {  	[tilespmem:$0x440] =	vst v0  }
0x17: {  	[tilespmem:$0x450] =	vst v0  }
0x18: {  	[tilespmem:$0x460] =	vst v0  }
0x19: {  	[tilespmem:$0x470] =	vst v0  }
0x1a: {  	[tilespmem:$0x480] =	vst v1  }
0x1b: {  	[tilespmem:$0x490] =	vst v1  }
0x1c: {  	[tilespmem:$0x4A0] =	vst v1  }
0x1d: {  	[tilespmem:$0x4B0] =	vst v1  }
0x1e: {  	[tilespmem:$0x4C0] =	vst v1  }
0x1f: {  	[tilespmem:$0x4D0] =	vst v1  }
0x20: {  	[tilespmem:$0x4E0] =	vst v1  }
0x21: {  	[tilespmem:$0x4F0] =	vst v1  }
0x22: {  	[tilespmem:$0x500] =	vst v1  }
0x23: {  	[tilespmem:$0x510] =	vst v1  }
0x24: {  	[tilespmem:$0x520] =	vst v1  }
0x25: {  	[tilespmem:$0x530] =	vst v1  }
0x26: {  	[tilespmem:$0x540] =	vst v1  }
0x27: {  	[tilespmem:$0x550] =	vst v1  }
0x28: {  	[tilespmem:$0x560] =	vst v1  }
0x29: {  	[tilespmem:$0x570] =	vst v1  }
0x2a: {  	[tilespmem:$0x580] =	vst v1  }
0x2b: {  	[tilespmem:$0x590] =	vst v1  }
0x2c: {  	[tilespmem:$0x5A0] =	vst v1  }
0x2d: {  	[tilespmem:$0x5B0] =	vst v1  }
0x2e: {  	[tilespmem:$0x5C0] =	vst v1  }
0x2f: {  	[tilespmem:$0x5D0] =	vst v1  }
0x30: {  	[tilespmem:$0x5E0] =	vst v1  }
0x31: {  	[tilespmem:$0x5F0] =	vst v1  }
0x32: {  	[tilespmem:$0x600] =	vst v1  }
0x33: {  	[tilespmem:$0x610] =	vst v1  }
0x34: {  	[tilespmem:$0x620] =	vst v1  }
0x35: {  	[tilespmem:$0x630] =	vst v1  }
0x36: {  	[tilespmem:$0x640] =	vst v1  }
0x37: {  	[tilespmem:$0x650] =	vst v1  }
0x38: {  	[tilespmem:$0x660] =	vst v1  }
0x39: {  	[tilespmem:$0x670] =	vst v1  }
0x3a: {  	[tilespmem:$0x680] =	vst v1  }
0x3b: {  	[tilespmem:$0x690] =	vst v1  }
0x3c: {  	[tilespmem:$0x6A0] =	vst v1  }
0x3d: {  	[tilespmem:$0x6B0] =	vst v1  }
0x3e: {  	[tilespmem:$0x6C0] =	vst v1  }
0x3f: {  	[tilespmem:$0x6D0] =	vst v1  }
0x40: {  	[tilespmem:$0x6E0] =	vst v1  }
0x41: {  	[tilespmem:$0x6F0] =	vst v1  }
0x42: {  	[spmem:s6] =	stream.linear.scatter [tilespmem:s11], [sflag:$0x3], $0x280, $0x38;
	[tilespmem:$0x980] =	vst v63  }
0x43: {  	_ =	swait.ge [sflag:s12], $0x280  }
0x44: {  	[sflag:s12] =	ssyncset.done $0x0  }
0x45: {  	[sflag:s12] =	ssyncadd.s32 $0xFFFFFD80  }
0x46: {  	[bflag:$0x0] =	sbarrier.arrive $0xFFFF  }
0x47: {  	[tilespmem:s3], [sflag:$0x2] =	stream.linear.gather [hbm4b:s5+s3], $0x200, $0x38;
	[tilespmem:$0x980] =	vst v63  }
0x48: {  	_ = 	snop  }
0x49: {  	[tilespmem:s13], [sflag:$0x2] =	stream.linear.gather [hbm4b:s7+s3], $0x200, $0x38;
	[tilespmem:$0x980] =	vst v63  }
0x4a: {  	_ =	swait.ge [sflag:s14], $0x200  }
0x4b: {  	[sflag:s14] =	ssyncset.done $0x0  }
0x4c: {  	[sflag:s14] =	ssyncadd.s32 $0xFFFFFE00  }
0x4d: {  	[spmem:s1] =	stream.indirect.scatter.add.f32 [tilespmem:s19], [sflag:$0x1], $0x1, s3, s15, $0xb8;
	[tilespmem:$0x980] =	vst v63  }
0x4e: {  	_ = 	snop  }
0x4f: {  	[spmem:s1] =	stream.indirect.scatter.add.f32 [tilespmem:s19], [sflag:$0x1], $0x1, s15, s15, $0xb8;
	[tilespmem:$0x980] =	vst v63  }
0x50: {  	_ = 	snop  }
0x51: {  	[spmem:s1] =	stream.indirect.scatter.add.f32 [tilespmem:s19], [sflag:$0x1], $0x1, s16, s15, $0xb8;
	[tilespmem:$0x980] =	vst v63  }
0x52: {  	_ = 	snop  }
0x53: {  	[spmem:s1] =	stream.indirect.scatter.add.f32 [tilespmem:s19], [sflag:$0x1], $0x1, s17, s15, $0xb8;
	[tilespmem:$0x980] =	vst v63  }
0x54: {  	_ =	swait.ge [sflag:s18], $0x80  }
0x55: {  	[sflag:s18] =	ssyncset.done $0x0  }
0x56: {  	[sflag:s18] =	ssyncadd.s32 $0xFFFFFF80  }
0x57: {  	_ =	swait.ge [sflag:s18], $0x80  }
0x58: {  	[sflag:s18] =	ssyncset.done $0x0  }
0x59: {  	[sflag:s18] =	ssyncadd.s32 $0xFFFFFF80  }
0x5a: {  	_ =	swait.ge [sflag:s18], $0x80  }
0x5b: {  	s29 =	sadd.s32 $0x400, s10;
	[sflag:s18] =	ssyncset.done $0x0  }
0x5c: {  	s30 =	sand.u32 $0x200, s19;
	s29 =	sand.u32 $0xFFC00, s29;
	[sflag:s18] =	ssyncadd.s32 $0xFFFFFF80  }
0x5d: {  	s29 =	sor.u32 s30, s29;
	_ =	swait.ge [sflag:s18], $0x80  }
0x5e: {  	s29 =	sshrl.u32 s29, $0x3;
	[sflag:s18] =	ssyncset.done $0x0  }
0x5f: {  	s29 =	sadd.s32 s4, s29;
	[sflag:s18] =	ssyncadd.s32 $0xFFFFFF80  }
0x60: {  	[tilespmem:s30], [sflag:$0x2] =	stream.linear.gather [hbm4b:s29+s3], $0x200, $0x38;
	[tilespmem:$0x980] =	vst v63  }
0x61: {  	_ =	swait.ge [sflag:s14], $0x200  }
0x62: {  	s29 =	simm.s32 $0x200;
	[sflag:s14] =	ssyncset.done $0x0  }
0x63: {  	s30 =	sand.u32 $0x200, s29;
	[sflag:s14] =	ssyncadd.s32 $0xFFFFFE00  }
0x64: {  	[spmem:s1] =	stream.indirect.scatter.add.f32 [tilespmem:s19], [sflag:$0x1], $0x1, s30, s15, $0xb8;
	[tilespmem:$0x980] =	vst v63  }
0x65: {  	s29 =	sor.u32 $0x80, s30  }
0x66: {  	[spmem:s1] =	stream.indirect.scatter.add.f32 [tilespmem:s19], [sflag:$0x1], $0x1, s29, s15, $0xb8;
	[tilespmem:$0x980] =	vst v63  }
0x67: {  	s29 =	sor.u32 $0x100, s30  }
0x68: {  	[spmem:s1] =	stream.indirect.scatter.add.f32 [tilespmem:s19], [sflag:$0x1], $0x1, s29, s15, $0xb8;
	[tilespmem:$0x980] =	vst v63  }
0x69: {  	s30 =	sor.u32 $0x180, s30;
	s29 =	simm.s32 $0x600  }
.LBB2_2:
0x6a: {  	[spmem:s1] =	stream.indirect.scatter.add.f32 [tilespmem:s19], [sflag:$0x1], $0x1, s30, s15, $0xb8;
	[tilespmem:$0x980] =	vst v63  }
0x6b: {  	s30 =	smov.u32 s29  }
0x6c: {  	p0 =	sne.s32 s29, $0x2600;
	s29 =	sadd.s32 $0x200, s29;
	_ =	swait.ge [sflag:s18], $0x80  }
0x6d: {  	[sflag:s18] =	ssyncset.done $0x0  }
0x6e: {  	[sflag:s18] =	ssyncadd.s32 $0xFFFFFF80  }
0x6f: {  	_ =	swait.ge [sflag:s18], $0x80  }
0x70: {  	[sflag:s18] =	ssyncset.done $0x0  }
0x71: {  	[sflag:s18] =	ssyncadd.s32 $0xFFFFFF80  }
0x72: {  	_ =	swait.ge [sflag:s18], $0x80  }
0x73: {  	s31 =	sadd.s32 s30, s10;
	[sflag:s18] =	ssyncset.done $0x0  }
0x74: {  	s0 =	sand.u32 $0x200, s30;
	s31 =	sand.u32 $0xFFC00, s31;
	[sflag:s18] =	ssyncadd.s32 $0xFFFFFF80  }
0x75: {  	s31 =	sor.u32 s0, s31;
	_ =	swait.ge [sflag:s18], $0x80  }
0x76: {  	s31 =	sshrl.u32 s31, $0x3;
	[sflag:s18] =	ssyncset.done $0x0  }
0x77: {  	s31 =	sadd.s32 s4, s31;
	[sflag:s18] =	ssyncadd.s32 $0xFFFFFF80  }
0x78: {  	[tilespmem:s0], [sflag:$0x2] =	stream.linear.gather [hbm4b:s31+s3], $0x200, $0x38;
	[tilespmem:$0x980] =	vst v63  }
0x79: {  	_ =	swait.ge [sflag:s14], $0x200  }
0x7a: {  	s0 =	sadd.s32 $0xFFFFFE00, s30;
	[sflag:s14] =	ssyncset.done $0x0  }
0x7b: {  	s0 =	sand.u32 $0x200, s0;
	[sflag:s14] =	ssyncadd.s32 $0xFFFFFE00  }
0x7c: {  	[spmem:s1] =	stream.indirect.scatter.add.f32 [tilespmem:s19], [sflag:$0x1], $0x1, s0, s15, $0xb8;
	[tilespmem:$0x980] =	vst v63  }
.Ltmp0:
0x7d: {  	s30 =	sor.u32 $0x80, s0;
	(pc) =	sbr.rel @p0 .LBB2_2-.Ltmp0, $4  }
0x7e: {  	[spmem:s1] =	stream.indirect.scatter.add.f32 [tilespmem:s19], [sflag:$0x1], $0x1, s30, s15, $0xb8;
	[tilespmem:$0x980] =	vst v63  }
0x7f: {  	s30 =	sor.u32 $0x100, s0  }
0x80: {  	[spmem:s1] =	stream.indirect.scatter.add.f32 [tilespmem:s19], [sflag:$0x1], $0x1, s30, s15, $0xb8;
	[tilespmem:$0x980] =	vst v63  }
0x81: {  	s30 =	sor.u32 $0x180, s0  }
0x82: {  	[spmem:s1] =	stream.indirect.scatter.add.f32 [tilespmem:s19], [sflag:$0x1], $0x1, s30, s15, $0xb8;
	[tilespmem:$0x980] =	vst v63  }
0x83: {  	_ =	swait.ge [sflag:s18], $0x80  }
0x84: {  	[sflag:s18] =	ssyncset.done $0x0  }
0x85: {  	[sflag:s18] =	ssyncadd.s32 $0xFFFFFF80  }
0x86: {  	_ =	swait.ge [sflag:s18], $0x80  }
0x87: {  	[sflag:s18] =	ssyncset.done $0x0  }
0x88: {  	[sflag:s18] =	ssyncadd.s32 $0xFFFFFF80  }
0x89: {  	_ =	swait.ge [sflag:s18], $0x80  }
0x8a: {  	[sflag:s18] =	ssyncset.done $0x0  }
0x8b: {  	[sflag:s18] =	ssyncadd.s32 $0xFFFFFF80  }
0x8c: {  	_ =	swait.ge [sflag:s18], $0x80  }
0x8d: {  	[sflag:s18] =	ssyncset.done $0x0  }
0x8e: {  	[sflag:s18] =	ssyncadd.s32 $0xFFFFFF80  }
0x8f: {  	_ =	swait.ge [sflag:s14], $0x200  }
0x90: {  	[sflag:s14] =	ssyncset.done $0x0  }
0x91: {  	[sflag:s14] =	ssyncadd.s32 $0xFFFFFE00  }
0x92: {  	[spmem:s1] =	stream.indirect.scatter.add.f32 [tilespmem:s19], [sflag:$0x1], $0x1, s13, s15, $0xb8;
	[tilespmem:$0x980] =	vst v63  }
0x93: {  	_ = 	snop  }
0x94: {  	[spmem:s1] =	stream.indirect.scatter.add.f32 [tilespmem:s19], [sflag:$0x1], $0x1, s20, s15, $0xb8;
	[tilespmem:$0x980] =	vst v63  }
0x95: {  	_ = 	snop  }
0x96: {  	[spmem:s1] =	stream.indirect.scatter.add.f32 [tilespmem:s19], [sflag:$0x1], $0x1, s21, s15, $0xb8;
	[tilespmem:$0x980] =	vst v63  }
0x97: {  	_ = 	snop  }
0x98: {  	[spmem:s1] =	stream.indirect.scatter.add.f32 [tilespmem:s19], [sflag:$0x1], $0x1, s22, s15, $0xb8;
	[tilespmem:$0x980] =	vst v63  }
0x99: {  	_ =	swait.ge [sflag:s18], $0x80  }
0x9a: {  	[sflag:s18] =	ssyncset.done $0x0  }
0x9b: {  	[sflag:s18] =	ssyncadd.s32 $0xFFFFFF80  }
0x9c: {  	_ =	swait.ge [sflag:s18], $0x80  }
0x9d: {  	[sflag:s18] =	ssyncset.done $0x0  }
0x9e: {  	[sflag:s18] =	ssyncadd.s32 $0xFFFFFF80  }
0x9f: {  	_ =	swait.ge [sflag:s18], $0x80  }
0xa0: {  	[sflag:s18] =	ssyncset.done $0x0  }
0xa1: {  	[sflag:s18] =	ssyncadd.s32 $0xFFFFFF80  }
0xa2: {  	_ =	swait.ge [sflag:s18], $0x80  }
0xa3: {  	s28 =	sadd.s32 $0x1, s28;
	[sflag:s18] =	ssyncset.done $0x0  }
0xa4: {  	p0 =	sne.s32 s28, s9;
	[sflag:s18] =	ssyncadd.s32 $0xFFFFFF80  }
.Ltmp1:
0xa5: {  	[bflag:$0x0] =	sbarrier.arrive $0xFFFF;
	(pc) =	sbr.rel @p0 .LBB2_1-.Ltmp1, $4  }
0xa6: {  	[hbm:s8@s25], [sflag:s23] =	dma.strided [spmem:s24@s26], $0x50, s18, $0x10   }
0xa7: {  	_ =	swait.ge [sflag:s12], $0x50  }
0xa8: {  	[sflag:s12] =	ssyncset.done $0x0  }
0xa9: {  	[sflag:s12] =	ssyncadd.s32 $0xFFFFFFB0  }
0xaa: {  	_ =	sfence.sel $0x180000  }
0xab: {  	[bflag:$0x0] =	sbarrier.arrive $0xFFFF  }
0xac: {  	_ =	strace $0x90000047  }
0xad: {  	[bflag:$0x2] =	sbarrier.arrive $0xFFFF  }
0xae: {  	p0 =	sne.s32 s2, $0x0;
	s0 =	rddreg [dreg:$0x2]  }
0xaf: {  	s0 =	sadd.s32 @!p0 $0x100000, s0  }
0xb0: {  	[sflag:s0] =	ssyncadd.tile.s32 @!p0 $0x1;
	_ =	shalt  }
.Lfunc_end2:
_tile_overlayer_lowered:
.L_overlay_start_2:
0xb1: {  	(tag) =	ssettag $0x2  }
0xb2: {  	s0 =	rddreg [dreg:$0x0];
	s2 =	stileid.u32  }
0xb3: {  	s1 =	rddreg [dreg:$0x1];
	p0 =	sne.s32 s2, $0x0  }
0xb4: {  	s3 =	rddreg [dreg:$0x2];
	[bflag:$0x3] =	sbarrier.arrive $0xFFFF;
	s2 =	simm.s32 @!p0 $0x1C03  }
0xb5: {  	[timem:s3], [sflag:s2] =	dma.local @!p0 [hbm:s0], s1  }
0xb6: {  	s0 =	simm.s32 @!p0 $0x3  }
0xb7: {  	_ =	swait.ge @!p0 [sflag:s0], s1  }
0xb8: {  	s1 =	ssub.s32 @!p0 $0x0, s1;
	[sflag:s0] =	ssyncset.done @!p0 $0x0  }
0xb9: {  	[sflag:s0] =	ssyncadd.s32 @!p0 s1  }
0xba: {  	[bflag:$0x3] =	sbarrier.arrive $0xFFFF  }
0xbb: {  	_ =	shalt  }

</sc_bundles>
